<compile_context>
chip_gen: v7x
topology: tpu7x:2x2x1
jax: 0.10.2.dev20260603
libtpu: 0.0.44.dev20260713+nightly
codegen_flags: <defaults>
</compile_context>

<pallas_src>
import functools

import jax
import jax.numpy as jnp
from jax import lax
from jax.experimental import pallas as pl
from jax.experimental.pallas import tpu as pltpu
from jax.experimental.pallas import tpu_sc as plsc

N = 10000
D = 128
D_EDGE = 16
NC, NS, L = 2, 16, 16
NW = NC * NS
CH = 128
CHL = 128
NACC = 10016
DUMMY = N

E_P = 320000
E_P_PAD = 327680
EPT_P = E_P_PAD // NW
E_L = 160000
E_L_PAD = 163840
EPT_L = E_L_PAD // NW

_HI = lax.Precision.HIGHEST


def _dot(a, b):
    return lax.dot_general(a, b, (((1,), (0,)), ((), ())), precision=_HI)



_MESH = plsc.VectorSubcoreMesh(core_axis_name="c", subcore_axis_name="s")
_SC_PARAMS = pltpu.CompilerParams(needs_layout_passes=False,
                                  use_tc_tiling_on_sc=False)


NCH_P = EPT_P // CH
NCH_L = EPT_L // CHL


def _gat_sc_body(src_hbm, dst_hbm, s_hbm, d_hbm, h_hbm, zeros_hbm,
                 w_out, denom_out,
                 s_vm, d_vm, denom_vm, sidx0, didx0, sidx1, didx1, ex_vm,
                 rows0, rows1, acc_sh, gsem0, gsem1, isem0, isem1):
    c = lax.axis_index("c")
    s = lax.axis_index("s")
    wid = c * NS + s

    @pl.when(s == 0)
    def _():
        pltpu.sync_copy(zeros_hbm, acc_sh.at[pl.ds(0, N)])

    pltpu.sync_copy(s_hbm, s_vm.at[pl.ds(0, N)])
    pltpu.sync_copy(d_hbm, d_vm.at[pl.ds(0, N)])
    s_vm[pl.ds(N, L)] = jnp.zeros((L,), jnp.float32)
    d_vm[pl.ds(N, L)] = jnp.zeros((L,), jnp.float32)

    def _zero(i, carry):
        denom_vm[pl.ds(i * L, L)] = jnp.zeros((L,), jnp.float32)
        return carry

    lax.fori_loop(0, NACC // L, _zero, 0)
    plsc.subcore_barrier()

    sidxs = (sidx0, sidx1)
    didxs = (didx0, didx1)
    isems = (isem0, isem1)
    row_base = wid * NCH_P

    def _fire_idx(b, g):
        pltpu.async_copy(src_hbm.at[row_base + g], sidxs[b], isems[b])
        pltpu.async_copy(dst_hbm.at[row_base + g], didxs[b], isems[b])

    def _drain_idx(b):
        pltpu.make_async_copy(src_hbm.at[0], sidxs[b], isems[b]).wait()
        pltpu.make_async_copy(dst_hbm.at[0], didxs[b], isems[b]).wait()

    rowss = (rows0, rows1)
    gsems = (gsem0, gsem1)

    def _fire_rows(b):
        pltpu.async_copy(h_hbm.at[sidxs[b]], rowss[b], gsems[b])

    def _drain_rows(b):
        pltpu.make_async_copy(h_hbm.at[sidxs[b]], rowss[b],
                              gsems[b]).wait()

    def _scalar_phase(b):
        sidx, didx = sidxs[b], didxs[b]

        def _v16(i, carry2):
            sl = pl.ds(i * L, L)
            sv = plsc.load_gather(s_vm, [sidx[sl]])
            dv = plsc.load_gather(d_vm, [didx[sl]])
            e = sv + dv
            e = jnp.where(e >= 0.0, e, e * jnp.float32(0.2))
            ex = jnp.exp(e)
            ex_vm[sl] = ex
            plsc.addupdate_scatter(denom_vm, [didx[sl]], ex)
            return carry2

        lax.fori_loop(0, CH // L, _v16, 0)

    def _scale_scatter(b):
        rv = rowss[b]
        _drain_rows(b)

        def _scale(i, carry2):
            exb = plsc.load_gather(ex_vm, [jnp.full((L,), i, jnp.int32)])
            exb2 = plsc.pack(exb, exb,
                             format=plsc.PackFormat.INTERLEAVED)
            for j in range(D // (2 * L)):
                sl = pl.ds(j * 2 * L, 2 * L)
                rv[i, sl] = rv[i, sl] * exb2
            return carry2

        lax.fori_loop(0, CH, _scale, 0)
        pltpu.sync_copy(rv, acc_sh.at[didxs[b]], add=True)

    _fire_idx(0, 0)
    _drain_idx(0)
    _fire_rows(0)
    _fire_idx(1, 1)

    def _pair(g, carry):
        c0 = 2 * g
        _scalar_phase(0)
        _drain_idx(1)
        _fire_rows(1)
        _scale_scatter(0)
        _fire_idx(0, jnp.minimum(c0 + 2, NCH_P - 1))
        _scalar_phase(1)
        _drain_idx(0)
        _fire_rows(0)
        _scale_scatter(1)
        _fire_idx(1, jnp.minimum(c0 + 3, NCH_P - 1))
        return carry

    lax.fori_loop(0, NCH_P // 2, _pair, 0)
    _drain_idx(1)
    _drain_rows(0)

    pltpu.sync_copy(denom_vm.at[pl.ds(0, N)], denom_out.at[wid])
    plsc.subcore_barrier()

    @pl.when(s == 0)
    def _():
        pltpu.sync_copy(acc_sh.at[pl.ds(0, N)], w_out.at[c])


_gat_sc = pl.kernel(
    _gat_sc_body,
    out_type=[
        jax.ShapeDtypeStruct((NC, N, D), jnp.bfloat16),
        jax.ShapeDtypeStruct((NW, N), jnp.float32),
    ],
    mesh=_MESH,
    scratch_types=[
        pltpu.VMEM((NACC,), jnp.float32),
        pltpu.VMEM((NACC,), jnp.float32),
        pltpu.VMEM((NACC,), jnp.float32),
        pltpu.VMEM((CH,), jnp.int32),
        pltpu.VMEM((CH,), jnp.int32),
        pltpu.VMEM((CH,), jnp.int32),
        pltpu.VMEM((CH,), jnp.int32),
        pltpu.VMEM((CH,), jnp.float32),
        pltpu.VMEM((CH, D), jnp.bfloat16),
        pltpu.VMEM((CH, D), jnp.bfloat16),
        pltpu.VMEM_SHARED((NACC, D), jnp.bfloat16),
        pltpu.SemaphoreType.DMA,
        pltpu.SemaphoreType.DMA,
        pltpu.SemaphoreType.DMA,
        pltpu.SemaphoreType.DMA,
    ],
    compiler_params=_SC_PARAMS,
)


def _mpnn_sc_body(src_hbm, dst_hbm, hw_hbm, ec_hbm, zeros_hbm,
                  agg_out,
                  src_all, dst_all, rows0, rows1, ec0, ec1, acc_sh,
                  gsem0, gsem1, esem0, esem1):
    c = lax.axis_index("c")
    s = lax.axis_index("s")
    wid = c * NS + s

    @pl.when(s == 0)
    def _():
        pltpu.sync_copy(zeros_hbm, acc_sh.at[pl.ds(0, N)])

    row_base = wid * NCH_L
    pltpu.sync_copy(src_hbm.at[pl.ds(row_base, NCH_L)],
                    src_all.at[pl.ds(0, NCH_L)])
    pltpu.sync_copy(dst_hbm.at[pl.ds(row_base, NCH_L)],
                    dst_all.at[pl.ds(0, NCH_L)])
    for j in range(CHL // L):
        src_all[NCH_L, pl.ds(j * L, L)] = jnp.zeros((L,), jnp.int32)
    plsc.subcore_barrier()

    rows = (rows0, rows1)
    ecs = (ec0, ec1)
    gsems = (gsem0, gsem1)
    esems = (esem0, esem1)

    def _fire(b, g):
        pltpu.async_copy(hw_hbm.at[src_all.at[g]], rows[b], gsems[b])
        eb = pl.multiple_of(
            jnp.minimum(row_base + g, E_L_PAD // CHL - 1) * CHL, CHL)
        pltpu.async_copy(ec_hbm.at[pl.ds(eb, CHL), :], ecs[b], esems[b])

    def _drain(b):
        pltpu.make_async_copy(hw_hbm.at[src_all.at[0]], rows[b],
                              gsems[b]).wait()
        pltpu.make_async_copy(ec_hbm.at[pl.ds(0, CHL), :], ecs[b],
                              esems[b]).wait()

    def _compute(b, g):
        rv = rows[b]
        ev = ecs[b]
        _drain(b)

        zero32 = jnp.zeros((2 * L,), jnp.bfloat16)

        def _relu(i, carry2):
            for j in range(D // (2 * L)):
                sl = pl.ds(j * 2 * L, 2 * L)
                a = rv[i, sl] + ev[i, sl]
                rv[i, sl] = jnp.maximum(a, zero32)
            return carry2

        lax.fori_loop(0, CHL, _relu, 0)
        pltpu.sync_copy(rv, acc_sh.at[dst_all.at[g]], add=True)

    _fire(0, 0)

    def _pair(g, carry):
        c0 = 2 * g
        _fire(1, c0 + 1)
        _compute(0, c0)
        _fire(0, c0 + 2)
        _compute(1, c0 + 1)
        return carry

    lax.fori_loop(0, NCH_L // 2, _pair, 0)
    _drain(0)
    plsc.subcore_barrier()

    @pl.when(s == 0)
    def _():
        pltpu.sync_copy(acc_sh.at[pl.ds(0, N)], agg_out.at[c])


_mpnn_sc = pl.kernel(
    _mpnn_sc_body,
    out_type=jax.ShapeDtypeStruct((NC, N, D), jnp.bfloat16),
    mesh=_MESH,
    scratch_types=[
        pltpu.VMEM((NCH_L + 1, CHL), jnp.int32),
        pltpu.VMEM((NCH_L + 1, CHL), jnp.int32),
        pltpu.VMEM((CHL, D), jnp.bfloat16),
        pltpu.VMEM((CHL, D), jnp.bfloat16),
        pltpu.VMEM((CHL, D), jnp.bfloat16),
        pltpu.VMEM((CHL, D), jnp.bfloat16),
        pltpu.VMEM_SHARED((NACC, D), jnp.bfloat16),
        pltpu.SemaphoreType.DMA,
        pltpu.SemaphoreType.DMA,
        pltpu.SemaphoreType.DMA,
        pltpu.SemaphoreType.DMA,
    ],
    compiler_params=_SC_PARAMS,
)



_TM = 2000
_TE = 1024


def _ppre_body(x_ref, wg_ref, a8_ref, h_ref, sd_ref):
    h = _dot(x_ref[...], wg_ref[...])
    h_ref[...] = h.astype(jnp.bfloat16)
    sd_ref[...] = _dot(h, a8_ref[...])


def _protein_pre(x, w_gat, a8):
    return pl.pallas_call(
        _ppre_body,
        grid=(N // _TM,),
        in_specs=[
            pl.BlockSpec((_TM, D), lambda i: (i, 0)),
            pl.BlockSpec((D, D), lambda i: (0, 0)),
            pl.BlockSpec((D, 8), lambda i: (0, 0)),
        ],
        out_specs=[
            pl.BlockSpec((_TM, D), lambda i: (i, 0)),
            pl.BlockSpec((_TM, 8), lambda i: (i, 0)),
        ],
        out_shape=[
            jax.ShapeDtypeStruct((N, D), jnp.bfloat16),
            jax.ShapeDtypeStruct((N, 8), jnp.float32),
        ],
    )(x, w_gat, a8)


def _lpre_body(x_ref, wa_ref, ba_ref, wmt_ref, xe_ref, hw_ref):
    xe = jnp.maximum(_dot(x_ref[...], wa_ref[...]) + ba_ref[...], 0.0)
    xe_ref[...] = xe
    hw_ref[...] = _dot(xe, wmt_ref[...]).astype(jnp.bfloat16)


def _ligand_pre(x, w_atom, b_atom2, wm_top):
    return pl.pallas_call(
        _lpre_body,
        grid=(N // _TM,),
        in_specs=[
            pl.BlockSpec((_TM, D), lambda i: (i, 0)),
            pl.BlockSpec((D, D), lambda i: (0, 0)),
            pl.BlockSpec((1, D), lambda i: (0, 0)),
            pl.BlockSpec((D, D), lambda i: (0, 0)),
        ],
        out_specs=[
            pl.BlockSpec((_TM, D), lambda i: (i, 0)),
            pl.BlockSpec((_TM, D), lambda i: (i, 0)),
        ],
        out_shape=[
            jax.ShapeDtypeStruct((N, D), jnp.float32),
            jax.ShapeDtypeStruct((N, D), jnp.bfloat16),
        ],
    )(x, w_atom, b_atom2, wm_top)


def _epre_body(at_ref, wb_ref, bb_ref, wmb_ref, bm_ref, ec_ref):
    t = jnp.maximum(_dot(at_ref[...], wb_ref[...]) + bb_ref[...], 0.0)
    ec_ref[...] = (_dot(t, wmb_ref[...]) + bm_ref[...]).astype(jnp.bfloat16)


def _edge_pre(attr_pad, w_bond, b_bond2, wm_bot, b_msg2):
    return pl.pallas_call(
        _epre_body,
        grid=(E_L_PAD // _TE,),
        in_specs=[
            pl.BlockSpec((_TE, D_EDGE), lambda i: (i, 0)),
            pl.BlockSpec((D_EDGE, D), lambda i: (0, 0)),
            pl.BlockSpec((1, D), lambda i: (0, 0)),
            pl.BlockSpec((D, D), lambda i: (0, 0)),
            pl.BlockSpec((1, D), lambda i: (0, 0)),
        ],
        out_specs=pl.BlockSpec((_TE, D), lambda i: (i, 0)),
        out_shape=jax.ShapeDtypeStruct((E_L_PAD, D), jnp.bfloat16),
    )(attr_pad, w_bond, b_bond2, wm_bot, b_msg2)


def _upd_body(h_ref, a0_ref, a1_ref, wut_ref, wub_ref, b_ref, wmt_ref,
              h2_ref, hw2_ref):
    agg = (a0_ref[0].astype(jnp.float32)
           + a1_ref[0].astype(jnp.float32))
    t = _dot(h_ref[...], wut_ref[...]) + _dot(agg, wub_ref[...]) + b_ref[...]
    h2 = jnp.maximum(t, 0.0)
    h2_ref[...] = h2
    hw2_ref[...] = _dot(h2, wmt_ref[...]).astype(jnp.bfloat16)


def _step_update(h, agg, wu_top, wu_bot, b_upd2, wm_top):
    return pl.pallas_call(
        _upd_body,
        grid=(N // _TM,),
        in_specs=[
            pl.BlockSpec((_TM, D), lambda i: (i, 0)),
            pl.BlockSpec((1, _TM, D), lambda i: (0, i, 0)),
            pl.BlockSpec((1, _TM, D), lambda i: (1, i, 0)),
            pl.BlockSpec((D, D), lambda i: (0, 0)),
            pl.BlockSpec((D, D), lambda i: (0, 0)),
            pl.BlockSpec((1, D), lambda i: (0, 0)),
            pl.BlockSpec((D, D), lambda i: (0, 0)),
        ],
        out_specs=[
            pl.BlockSpec((_TM, D), lambda i: (i, 0)),
            pl.BlockSpec((_TM, D), lambda i: (i, 0)),
        ],
        out_shape=[
            jax.ShapeDtypeStruct((N, D), jnp.float32),
            jax.ShapeDtypeStruct((N, D), jnp.bfloat16),
        ],
    )(h, agg, agg, wu_top, wu_bot, b_upd2, wm_top)


def _final_body(w_ref, dp_ref, h3_ref, wi_ref, bi_ref, wk_ref,
                bk_ref, kd_ref):
    denom = jnp.sum(dp_ref[...], axis=0)[:, None]
    w = w_ref[0].astype(jnp.float32) + w_ref[1].astype(jnp.float32)
    pn = jnp.maximum(w / (denom + 1e-16), 0.0)
    p_repr = jnp.sum(pn, axis=0, keepdims=True) * (1.0 / N)
    l_repr = jnp.sum(h3_ref[...], axis=0, keepdims=True) * (1.0 / N)
    cat = jnp.concatenate([p_repr, l_repr], axis=1)
    inter = jnp.maximum(_dot(cat, wi_ref[...]) + bi_ref[...], 0.0)
    kd_ref[...] = _dot(inter, wk_ref[...]) + bk_ref[...]


def _final(w_part, denom_part, h3, w_int, b_int2, w_kd, b_kd2):
    return pl.pallas_call(
        _final_body,
        out_shape=jax.ShapeDtypeStruct((1, 1), jnp.float32),
    )(w_part, denom_part, h3, w_int, b_int2, w_kd, b_kd2)



def kernel(protein_x, protein_edge_index, ligand_x, ligand_edge_index,
           ligand_edge_attr, W_atom, b_atom, W_bond, b_bond, W_gat, a_src,
           a_dst, W_msg, b_msg, W_upd, b_upd, W_int, b_int, W_kd, b_kd):
    f32 = jnp.float32
    i32 = jnp.int32

    a8 = jnp.concatenate(
        [a_src[:, None], a_dst[:, None], jnp.zeros((D, 6), f32)], axis=1)
    wm_top, wm_bot = W_msg[:D], W_msg[D:]
    wu_top, wu_bot = W_upd[:D], W_upd[D:]

    src_p = jnp.concatenate(
        [protein_edge_index[0], jnp.zeros((E_P_PAD - E_P,), i32)]
    ).reshape(E_P_PAD // CH, CH)
    dst_p = jnp.concatenate(
        [protein_edge_index[1], jnp.full((E_P_PAD - E_P,), DUMMY, i32)]
    ).reshape(E_P_PAD // CH, CH)
    src_l = jnp.concatenate(
        [ligand_edge_index[0], jnp.zeros((E_L_PAD - E_L,), i32)]
    ).reshape(E_L_PAD // CHL, CHL)
    dst_l = jnp.concatenate(
        [ligand_edge_index[1], jnp.full((E_L_PAD - E_L,), DUMMY, i32)]
    ).reshape(E_L_PAD // CHL, CHL)
    attr_pad = jnp.concatenate(
        [ligand_edge_attr, jnp.zeros((E_L_PAD - E_L, D_EDGE), f32)])
    zeros_nd = jnp.zeros((N, D), jnp.bfloat16)

    b_atom2 = b_atom[None, :]
    b_bond2 = b_bond[None, :]
    b_msg2 = b_msg[None, :]
    b_upd2 = b_upd[None, :]
    b_int2 = b_int[None, :]
    b_kd2 = b_kd[None, :]

    h_p, sd = _protein_pre(protein_x, W_gat, a8)
    s_ = jnp.asarray(sd[:, 0])
    d_ = jnp.asarray(sd[:, 1])
    w_part, denom_part = _gat_sc(src_p, dst_p, s_, d_, h_p, zeros_nd)

    x_emb, hw = _ligand_pre(ligand_x, W_atom, b_atom2, wm_top)
    ec = _edge_pre(attr_pad, W_bond, b_bond2, wm_bot, b_msg2)

    h = x_emb
    for _ in range(3):
        agg = _mpnn_sc(src_l, dst_l, hw, ec, zeros_nd)
        h, hw = _step_update(h, agg, wu_top, wu_bot, b_upd2, wm_top)

    kd2 = _final(w_part, denom_part, h, W_int, b_int2, W_kd, b_kd2)
    return kd2[0]

# --- scband reference (transcript-rebuilt; emitter-appended) ---
"""Pipeline reference for scband-meta-score-24661702214200 (READ-ONLY COPY).

The authoritative reference and input builder live on the scoring server;
editing this copy changes nothing except your own understanding.
"""

import jax, jax.numpy as jnp
import numpy as np

N_P = 10000; E_P = 320000
N_L = 10000; E_L = 160000
D = 128; D_EDGE = 16


def setup_inputs(seed: int = 0) -> dict:
    key = jax.random.key(seed)
    ks = jax.random.split(key, 24)
    inp = {}
    inp['protein_x'] = jax.random.normal(ks[0], (N_P, D), jnp.float32)
    inp['protein_edge_index'] = jax.random.randint(ks[1], (2, E_P), 0, N_P, jnp.int32)
    inp['ligand_x'] = jax.random.normal(ks[2], (N_L, D), jnp.float32)
    inp['ligand_edge_index'] = jax.random.randint(ks[3], (2, E_L), 0, N_L, jnp.int32)
    inp['ligand_edge_attr'] = jax.random.normal(ks[4], (E_L, D_EDGE), jnp.float32)
    s = 0.05
    # MoleculeEmbedding params
    inp['W_atom'] = jax.random.normal(ks[5], (D, D), jnp.float32) * s
    inp['b_atom'] = jnp.zeros((D,), jnp.float32)
    inp['W_bond'] = jax.random.normal(ks[6], (D_EDGE, D), jnp.float32) * s
    inp['b_bond'] = jnp.zeros((D,), jnp.float32)
    # GAT (protein encoder) params
    inp['W_gat'] = jax.random.normal(ks[7], (D, D), jnp.float32) * s
    inp['a_src'] = jax.random.normal(ks[8], (D,), jnp.float32) * s
    inp['a_dst'] = jax.random.normal(ks[9], (D,), jnp.float32) * s
    # MPNN (ligand encoder) params
    inp['W_msg'] = jax.random.normal(ks[10], (2 * D, D), jnp.float32) * s
    inp['b_msg'] = jnp.zeros((D,), jnp.float32)
    inp['W_upd'] = jax.random.normal(ks[11], (2 * D, D), jnp.float32) * s
    inp['b_upd'] = jnp.zeros((D,), jnp.float32)
    # InteractionModule params
    inp['W_int'] = jax.random.normal(ks[12], (2 * D, D), jnp.float32) * s
    inp['b_int'] = jnp.zeros((D,), jnp.float32)
    # KdPredictionModule params
    inp['W_kd'] = jax.random.normal(ks[13], (D, 1), jnp.float32) * s
    inp['b_kd'] = jnp.zeros((1,), jnp.float32)
    return inp


def _gat(x, edge_index, W_gat, a_src, a_dst):
    src = edge_index[0]
    dst = edge_index[1]
    h = x @ W_gat
    s = h @ a_src
    d = h @ a_dst
    e = jax.nn.leaky_relu(s[src] + d[dst], 0.2)
    m = jax.ops.segment_max(e, dst, num_segments=x.shape[0])
    m = jnp.where(jnp.isfinite(m), m, 0.0)
    ex = jnp.exp(e - m[dst])
    denom = jax.ops.segment_sum(ex, dst, num_segments=x.shape[0])
    alpha = ex / (denom[dst] + 1e-16)
    out = jax.ops.segment_sum(alpha[:, None] * h[src], dst, num_segments=x.shape[0])
    return jax.nn.relu(out)


def _mpnn(h, edge_index, e_emb, W_msg, b_msg, W_upd, b_upd, steps=3):
    src = edge_index[0]
    dst = edge_index[1]
    for _ in range(steps):
        msg_in = jnp.concatenate([h[src], e_emb], axis=1)
        m = jax.nn.relu(msg_in @ W_msg + b_msg)
        agg = jax.ops.segment_sum(m, dst, num_segments=h.shape[0])
        h = jax.nn.relu(jnp.concatenate([h, agg], axis=1) @ W_upd + b_upd)
    return h


def reference(protein_x, protein_edge_index, ligand_x, ligand_edge_index, ligand_edge_attr,
              W_atom, b_atom, W_bond, b_bond, W_gat, a_src, a_dst,
              W_msg, b_msg, W_upd, b_upd, W_int, b_int, W_kd, b_kd):
    # Protein encoder (GAT) + global mean pool
    p_nodes = _gat(protein_x, protein_edge_index, W_gat, a_src, a_dst)
    protein_repr = jnp.mean(p_nodes, axis=0)
    # Molecule embedding
    x_emb = jax.nn.relu(ligand_x @ W_atom + b_atom)
    e_emb = jax.nn.relu(ligand_edge_attr @ W_bond + b_bond)
    # Ligand encoder (MPNN) + global mean pool
    l_nodes = _mpnn(x_emb, ligand_edge_index, e_emb, W_msg, b_msg, W_upd, b_upd)
    ligand_repr = jnp.mean(l_nodes, axis=0)
    # Interaction module
    inter = jax.nn.relu(jnp.concatenate([protein_repr, ligand_repr], axis=0) @ W_int + b_int)
    # Kd prediction
    kd = inter @ W_kd + b_kd
    return kd

if __name__ == "__main__":
    import jax
    _d = setup_inputs()
    print(jax.jit(kernel)(*tuple(_d.values())))

</pallas_src>

<mosaic_0001>
#map = affine_map<(d0, d1) -> (0, 0)>
#map1 = affine_map<(d0, d1) -> (0, 0, 0)>
module attributes {stable_mosaic.version = 14 : i64} {
  func.func @_mpnn_sc_body(%arg0: i32, %arg1: i32, %arg2: memref<1280x128xi32, #tpu.memory_space<hbm>>, %arg3: memref<1280x128xi32, #tpu.memory_space<hbm>>, %arg4: memref<10000x128xbf16, #tpu.memory_space<hbm>>, %arg5: memref<163840x128xbf16, #tpu.memory_space<hbm>>, %arg6: memref<10000x128xbf16, #tpu.memory_space<hbm>>, %arg7: memref<2x10000x128xbf16, #tpu.memory_space<hbm>>, %arg8: memref<41x128xi32, #tpu.memory_space<vmem>>, %arg9: memref<41x128xi32, #tpu.memory_space<vmem>>, %arg10: memref<128x128xbf16, #tpu.memory_space<vmem>>, %arg11: memref<128x128xbf16, #tpu.memory_space<vmem>>, %arg12: memref<128x128xbf16, #tpu.memory_space<vmem>>, %arg13: memref<128x128xbf16, #tpu.memory_space<vmem>>, %arg14: memref<10016x128xbf16, #tpu.memory_space<vmem_shared>>, %arg15: memref<!tpu.dma_semaphore, #tpu.memory_space<semaphore_mem>>, %arg16: memref<!tpu.dma_semaphore, #tpu.memory_space<semaphore_mem>>, %arg17: memref<!tpu.dma_semaphore, #tpu.memory_space<semaphore_mem>>, %arg18: memref<!tpu.dma_semaphore, #tpu.memory_space<semaphore_mem>>) attributes {dimension_semantics = [#tpu.dimension_semantics<core_parallel>, #tpu.dimension_semantics<subcore_parallel>], iteration_bounds = array<i64: 2, 16>, scalar_prefetch = 0 : i64, scratch_operands = 11 : i64, tpu.core_type = #tpu.core_type<sc_vector_subcore>, window_params = [{transform_indices = #map}, {transform_indices = #map}, {transform_indices = #map}, {transform_indices = #map}, {transform_indices = #map}, {transform_indices = #map1}]} {
    %mul3A = arith.constant 16 : i32
    %mul3A_0 = arith.muli %arg0, %mul3A : i32
    %add3A = arith.addi %mul3A_0, %arg1 : i32
    %eq3A = arith.constant 0 : i32
    %eq3A_1 = arith.cmpi eq, %arg1, %eq3A : i32
    %convert_element_type3A = arith.extui %eq3A_1 : i1 to i32
    %cond3A = arith.constant 0 : i32
    %cond3A_2 = arith.cmpi ne, %convert_element_type3A, %cond3A : i32
    scf.if %cond3A_2 {
      "tpu.region"() ({
        %run_scoped3A = tpu.sem_alloc : memref<!tpu.dma_semaphore, #tpu.memory_space<semaphore_mem>>
        %dma_start3A_89 = arith.constant 0 : i32
        %dma_start3A_90 = arith.constant 0 : i32
        %dma_start3A_91 = tpu.memref_slice %arg14[%dma_start3A_89, %dma_start3A_90] : memref<10016x128xbf16, #tpu.memory_space<vmem_shared>> -> memref<10000x128xbf16, #tpu.memory_space<vmem_shared>>
        tpu.enqueue_dma source(%arg6 : memref<10000x128xbf16, #tpu.memory_space<hbm>>) target(%dma_start3A_91 : memref<10000x128xbf16, #tpu.memory_space<vmem_shared>>) target_semaphore(%run_scoped3A : memref<!tpu.dma_semaphore, #tpu.memory_space<semaphore_mem>>)
        %dma_wait3A_92 = arith.constant 0 : i32
        %dma_wait3A_93 = arith.constant 0 : i32
        %dma_wait3A_94 = tpu.memref_slice %arg14[%dma_wait3A_92, %dma_wait3A_93] : memref<10016x128xbf16, #tpu.memory_space<vmem_shared>> -> memref<10000x128xbf16, #tpu.memory_space<vmem_shared>>
        tpu.wait_dma2 semaphore(%run_scoped3A : memref<!tpu.dma_semaphore, #tpu.memory_space<semaphore_mem>>) src(%arg6 : memref<10000x128xbf16, #tpu.memory_space<hbm>>) dst(%dma_wait3A_94 : memref<10000x128xbf16, #tpu.memory_space<vmem_shared>>)
        tpu.yield
      }) : () -> ()
    } else {
    }
    %mul3A_3 = arith.constant 40 : i32
    %mul3A_4 = arith.muli %add3A, %mul3A_3 : i32
    "tpu.region"() ({
      %run_scoped3A = tpu.sem_alloc : memref<!tpu.dma_semaphore, #tpu.memory_space<semaphore_mem>>
      %dma_start3A_89 = arith.constant 0 : i32
      %dma_start3A_90 = arith.constant 0 : i32
      %dma_start3A_91 = tpu.memref_slice %arg8[%dma_start3A_89, %dma_start3A_90] : memref<41x128xi32, #tpu.memory_space<vmem>> -> memref<40x128xi32, #tpu.memory_space<vmem>>
      %dma_start3A_92 = arith.constant 0 : i32
      %dma_start3A_93 = tpu.memref_slice %arg2[%mul3A_4, %dma_start3A_92] : memref<1280x128xi32, #tpu.memory_space<hbm>> -> memref<40x128xi32, #tpu.memory_space<hbm>>
      %dma_start3A_94 = arith.constant 0 : i32
      %dma_start3A_95 = arith.constant 0 : i32
      %dma_start3A_96 = tpu.memref_slice %arg8[%dma_start3A_94, %dma_start3A_95] : memref<41x128xi32, #tpu.memory_space<vmem>> -> memref<40x128xi32, #tpu.memory_space<vmem>>
      %dma_start3A_97 = arith.constant 0 : i32
      %dma_start3A_98 = tpu.memref_slice %arg2[%mul3A_4, %dma_start3A_97] : memref<1280x128xi32, #tpu.memory_space<hbm>> -> memref<40x128xi32, #tpu.memory_space<hbm>>
      tpu.enqueue_dma source(%dma_start3A_98 : memref<40x128xi32, #tpu.memory_space<hbm>>) target(%dma_start3A_96 : memref<40x128xi32, #tpu.memory_space<vmem>>) target_semaphore(%run_scoped3A : memref<!tpu.dma_semaphore, #tpu.memory_space<semaphore_mem>>)
      %dma_wait3A_99 = arith.constant 0 : i32
      %dma_wait3A_100 = arith.constant 0 : i32
      %dma_wait3A_101 = tpu.memref_slice %arg8[%dma_wait3A_99, %dma_wait3A_100] : memref<41x128xi32, #tpu.memory_space<vmem>> -> memref<40x128xi32, #tpu.memory_space<vmem>>
      %dma_wait3A_102 = arith.constant 0 : i32
      %dma_wait3A_103 = tpu.memref_slice %arg2[%mul3A_4, %dma_wait3A_102] : memref<1280x128xi32, #tpu.memory_space<hbm>> -> memref<40x128xi32, #tpu.memory_space<hbm>>
      %dma_wait3A_104 = arith.constant 0 : i32
      %dma_wait3A_105 = arith.constant 0 : i32
      %dma_wait3A_106 = tpu.memref_slice %arg8[%dma_wait3A_104, %dma_wait3A_105] : memref<41x128xi32, #tpu.memory_space<vmem>> -> memref<40x128xi32, #tpu.memory_space<vmem>>
      %dma_wait3A_107 = arith.constant 0 : i32
      %dma_wait3A_108 = tpu.memref_slice %arg2[%mul3A_4, %dma_wait3A_107] : memref<1280x128xi32, #tpu.memory_space<hbm>> -> memref<40x128xi32, #tpu.memory_space<hbm>>
      tpu.wait_dma2 semaphore(%run_scoped3A : memref<!tpu.dma_semaphore, #tpu.memory_space<semaphore_mem>>) src(%dma_wait3A_108 : memref<40x128xi32, #tpu.memory_space<hbm>>) dst(%dma_wait3A_106 : memref<40x128xi32, #tpu.memory_space<vmem>>)
      tpu.yield
    }) : () -> ()
    "tpu.region"() ({
      %run_scoped3A = tpu.sem_alloc : memref<!tpu.dma_semaphore, #tpu.memory_space<semaphore_mem>>
      %dma_start3A_89 = arith.constant 0 : i32
      %dma_start3A_90 = arith.constant 0 : i32
      %dma_start3A_91 = tpu.memref_slice %arg9[%dma_start3A_89, %dma_start3A_90] : memref<41x128xi32, #tpu.memory_space<vmem>> -> memref<40x128xi32, #tpu.memory_space<vmem>>
      %dma_start3A_92 = arith.constant 0 : i32
      %dma_start3A_93 = tpu.memref_slice %arg3[%mul3A_4, %dma_start3A_92] : memref<1280x128xi32, #tpu.memory_space<hbm>> -> memref<40x128xi32, #tpu.memory_space<hbm>>
      %dma_start3A_94 = arith.constant 0 : i32
      %dma_start3A_95 = arith.constant 0 : i32
      %dma_start3A_96 = tpu.memref_slice %arg9[%dma_start3A_94, %dma_start3A_95] : memref<41x128xi32, #tpu.memory_space<vmem>> -> memref<40x128xi32, #tpu.memory_space<vmem>>
      %dma_start3A_97 = arith.constant 0 : i32
      %dma_start3A_98 = tpu.memref_slice %arg3[%mul3A_4, %dma_start3A_97] : memref<1280x128xi32, #tpu.memory_space<hbm>> -> memref<40x128xi32, #tpu.memory_space<hbm>>
      tpu.enqueue_dma source(%dma_start3A_98 : memref<40x128xi32, #tpu.memory_space<hbm>>) target(%dma_start3A_96 : memref<40x128xi32, #tpu.memory_space<vmem>>) target_semaphore(%run_scoped3A : memref<!tpu.dma_semaphore, #tpu.memory_space<semaphore_mem>>)
      %dma_wait3A_99 = arith.constant 0 : i32
      %dma_wait3A_100 = arith.constant 0 : i32
      %dma_wait3A_101 = tpu.memref_slice %arg9[%dma_wait3A_99, %dma_wait3A_100] : memref<41x128xi32, #tpu.memory_space<vmem>> -> memref<40x128xi32, #tpu.memory_space<vmem>>
      %dma_wait3A_102 = arith.constant 0 : i32
      %dma_wait3A_103 = tpu.memref_slice %arg3[%mul3A_4, %dma_wait3A_102] : memref<1280x128xi32, #tpu.memory_space<hbm>> -> memref<40x128xi32, #tpu.memory_space<hbm>>
      %dma_wait3A_104 = arith.constant 0 : i32
      %dma_wait3A_105 = arith.constant 0 : i32
      %dma_wait3A_106 = tpu.memref_slice %arg9[%dma_wait3A_104, %dma_wait3A_105] : memref<41x128xi32, #tpu.memory_space<vmem>> -> memref<40x128xi32, #tpu.memory_space<vmem>>
      %dma_wait3A_107 = arith.constant 0 : i32
      %dma_wait3A_108 = tpu.memref_slice %arg3[%mul3A_4, %dma_wait3A_107] : memref<1280x128xi32, #tpu.memory_space<hbm>> -> memref<40x128xi32, #tpu.memory_space<hbm>>
      tpu.wait_dma2 semaphore(%run_scoped3A : memref<!tpu.dma_semaphore, #tpu.memory_space<semaphore_mem>>) src(%dma_wait3A_108 : memref<40x128xi32, #tpu.memory_space<hbm>>) dst(%dma_wait3A_106 : memref<40x128xi32, #tpu.memory_space<vmem>>)
      tpu.yield
    }) : () -> ()
    %broadcast_in_dim3A = arith.constant 0 : i32
    %broadcast_in_dim3A_5 = vector.broadcast %broadcast_in_dim3A : i32 to vector<16xi32>
    %swap3A = arith.constant 40 : i32
    %swap3A_6 = arith.index_cast %swap3A : i32 to index
    %swap3A_7 = arith.constant 0 : index
    %swap3A_8 = tpu.vector_load %arg8[%swap3A_6, %swap3A_7] {strides = array<i32>} : memref<41x128xi32, #tpu.memory_space<vmem>>, vector<16xi32>,
    tpu.vector_store %arg8[%swap3A_6, %swap3A_7], %broadcast_in_dim3A_5 {strides = array<i32>} : memref<41x128xi32, #tpu.memory_space<vmem>>, vector<16xi32>,
    %broadcast_in_dim3A_9 = arith.constant 0 : i32
    %broadcast_in_dim3A_10 = vector.broadcast %broadcast_in_dim3A_9 : i32 to vector<16xi32>
    %swap3A_11 = arith.constant 40 : i32
    %swap3A_12 = arith.index_cast %swap3A_11 : i32 to index
    %swap3A_13 = arith.constant 16 : index
    %swap3A_14 = tpu.vector_load %arg8[%swap3A_12, %swap3A_13] {strides = array<i32>} : memref<41x128xi32, #tpu.memory_space<vmem>>, vector<16xi32>,
    tpu.vector_store %arg8[%swap3A_12, %swap3A_13], %broadcast_in_dim3A_10 {strides = array<i32>} : memref<41x128xi32, #tpu.memory_space<vmem>>, vector<16xi32>,
    %broadcast_in_dim3A_15 = arith.constant 0 : i32
    %broadcast_in_dim3A_16 = vector.broadcast %broadcast_in_dim3A_15 : i32 to vector<16xi32>
    %swap3A_17 = arith.constant 40 : i32
    %swap3A_18 = arith.index_cast %swap3A_17 : i32 to index
    %swap3A_19 = arith.constant 32 : index
    %swap3A_20 = tpu.vector_load %arg8[%swap3A_18, %swap3A_19] {strides = array<i32>} : memref<41x128xi32, #tpu.memory_space<vmem>>, vector<16xi32>,
    tpu.vector_store %arg8[%swap3A_18, %swap3A_19], %broadcast_in_dim3A_16 {strides = array<i32>} : memref<41x128xi32, #tpu.memory_space<vmem>>, vector<16xi32>,
    %broadcast_in_dim3A_21 = arith.constant 0 : i32
    %broadcast_in_dim3A_22 = vector.broadcast %broadcast_in_dim3A_21 : i32 to vector<16xi32>
    %swap3A_23 = arith.constant 40 : i32
    %swap3A_24 = arith.index_cast %swap3A_23 : i32 to index
    %swap3A_25 = arith.constant 48 : index
    %swap3A_26 = tpu.vector_load %arg8[%swap3A_24, %swap3A_25] {strides = array<i32>} : memref<41x128xi32, #tpu.memory_space<vmem>>, vector<16xi32>,
    tpu.vector_store %arg8[%swap3A_24, %swap3A_25], %broadcast_in_dim3A_22 {strides = array<i32>} : memref<41x128xi32, #tpu.memory_space<vmem>>, vector<16xi32>,
    %broadcast_in_dim3A_27 = arith.constant 0 : i32
    %broadcast_in_dim3A_28 = vector.broadcast %broadcast_in_dim3A_27 : i32 to vector<16xi32>
    %swap3A_29 = arith.constant 40 : i32
    %swap3A_30 = arith.index_cast %swap3A_29 : i32 to index
    %swap3A_31 = arith.constant 64 : index
    %swap3A_32 = tpu.vector_load %arg8[%swap3A_30, %swap3A_31] {strides = array<i32>} : memref<41x128xi32, #tpu.memory_space<vmem>>, vector<16xi32>,
    tpu.vector_store %arg8[%swap3A_30, %swap3A_31], %broadcast_in_dim3A_28 {strides = array<i32>} : memref<41x128xi32, #tpu.memory_space<vmem>>, vector<16xi32>,
    %broadcast_in_dim3A_33 = arith.constant 0 : i32
    %broadcast_in_dim3A_34 = vector.broadcast %broadcast_in_dim3A_33 : i32 to vector<16xi32>
    %swap3A_35 = arith.constant 40 : i32
    %swap3A_36 = arith.index_cast %swap3A_35 : i32 to index
    %swap3A_37 = arith.constant 80 : index
    %swap3A_38 = tpu.vector_load %arg8[%swap3A_36, %swap3A_37] {strides = array<i32>} : memref<41x128xi32, #tpu.memory_space<vmem>>, vector<16xi32>,
    tpu.vector_store %arg8[%swap3A_36, %swap3A_37], %broadcast_in_dim3A_34 {strides = array<i32>} : memref<41x128xi32, #tpu.memory_space<vmem>>, vector<16xi32>,
    %broadcast_in_dim3A_39 = arith.constant 0 : i32
    %broadcast_in_dim3A_40 = vector.broadcast %broadcast_in_dim3A_39 : i32 to vector<16xi32>
    %swap3A_41 = arith.constant 40 : i32
    %swap3A_42 = arith.index_cast %swap3A_41 : i32 to index
    %swap3A_43 = arith.constant 96 : index
    %swap3A_44 = tpu.vector_load %arg8[%swap3A_42, %swap3A_43] {strides = array<i32>} : memref<41x128xi32, #tpu.memory_space<vmem>>, vector<16xi32>,
    tpu.vector_store %arg8[%swap3A_42, %swap3A_43], %broadcast_in_dim3A_40 {strides = array<i32>} : memref<41x128xi32, #tpu.memory_space<vmem>>, vector<16xi32>,
    %broadcast_in_dim3A_45 = arith.constant 0 : i32
    %broadcast_in_dim3A_46 = vector.broadcast %broadcast_in_dim3A_45 : i32 to vector<16xi32>
    %swap3A_47 = arith.constant 40 : i32
    %swap3A_48 = arith.index_cast %swap3A_47 : i32 to index
    %swap3A_49 = arith.constant 112 : index
    %swap3A_50 = tpu.vector_load %arg8[%swap3A_48, %swap3A_49] {strides = array<i32>} : memref<41x128xi32, #tpu.memory_space<vmem>>, vector<16xi32>,
    tpu.vector_store %arg8[%swap3A_48, %swap3A_49], %broadcast_in_dim3A_46 {strides = array<i32>} : memref<41x128xi32, #tpu.memory_space<vmem>>, vector<16xi32>,
    %barrier3A = arith.constant 0 : index
    tpu.barrier barrier_id(%barrier3A)
    %dma_start3A = arith.constant 0 : i32
    %dma_start3A_51 = arith.constant 0 : i32
    %dma_start3A_52 = tpu.memref_slice %arg8[%dma_start3A, %dma_start3A_51] : memref<41x128xi32, #tpu.memory_space<vmem>> -> memref<1x128xi32, #tpu.memory_space<vmem>>
    %dma_start3A_53 = tpu.memref_squeeze %dma_start3A_52 : memref<1x128xi32, #tpu.memory_space<vmem>> -> memref<128xi32, #tpu.memory_space<vmem>>
    %dma_start3A_54 = arith.constant 0 : i32
    %dma_start3A_55 = arith.constant 0 : i32
    %dma_start3A_56 = tpu.memref_slice %arg4[%dma_start3A_54, %dma_start3A_55] : memref<10000x128xbf16, #tpu.memory_space<hbm>> -> memref<10000x128xbf16, #tpu.memory_space<hbm>>
    tpu.enqueue_indirect_dma source(%dma_start3A_56 : memref<10000x128xbf16, #tpu.memory_space<hbm>>) target(%arg10 : memref<128x128xbf16, #tpu.memory_space<vmem>>) offsets(%dma_start3A_53 : memref<128xi32, #tpu.memory_space<vmem>>) semaphore(%arg15 : memref<!tpu.dma_semaphore, #tpu.memory_space<semaphore_mem>>)
    %add3A_57 = arith.constant 0 : i32
    %add3A_58 = arith.addi %mul3A_4, %add3A_57 : i32
    %min3A = arith.constant 1279 : i32
    %min3A_59 = arith.minsi %add3A_58, %min3A : i32
    %mul3A_60 = arith.constant 128 : i32
    %mul3A_61 = arith.muli %min3A_59, %mul3A_60 : i32
    %multiple_of3A = tpu.assume_multiple %mul3A_61, 128 : i32
    %dma_start3A_62 = arith.constant 0 : i32
    %dma_start3A_63 = tpu.memref_slice %arg5[%multiple_of3A, %dma_start3A_62] : memref<163840x128xbf16, #tpu.memory_space<hbm>> -> memref<128x128xbf16, #tpu.memory_space<hbm>>
    %dma_start3A_64 = arith.constant 0 : i32
    %dma_start3A_65 = tpu.memref_slice %arg5[%multiple_of3A, %dma_start3A_64] : memref<163840x128xbf16, #tpu.memory_space<hbm>> -> memref<128x128xbf16, #tpu.memory_space<hbm>>
    tpu.enqueue_dma source(%dma_start3A_65 : memref<128x128xbf16, #tpu.memory_space<hbm>>) target(%arg12 : memref<128x128xbf16, #tpu.memory_space<vmem>>) target_semaphore(%arg17 : memref<!tpu.dma_semaphore, #tpu.memory_space<semaphore_mem>>)
    %scan3A = arith.constant 0 : i32
    %scan3A_66 = arith.constant 0 : i32
    %scan3A_67 = arith.constant 20 : i32
    %scan3A_68 = arith.addi %scan3A_66, %scan3A_67 : i32
    %scan3A_69 = arith.constant 1 : i32
    scf.for %scan3A_89 = %scan3A_66 to %scan3A_68 step %scan3A_69  : i32 {
      %mul3A_90 = arith.constant 2 : i32
      %mul3A_91 = arith.muli %mul3A_90, %scan3A_89 : i32
      %add3A_92 = arith.constant 1 : i32
      %add3A_93 = arith.addi %mul3A_91, %add3A_92 : i32
      %dma_start3A_94 = arith.constant 0 : i32
      %dma_start3A_95 = tpu.memref_slice %arg8[%add3A_93, %dma_start3A_94] : memref<41x128xi32, #tpu.memory_space<vmem>> -> memref<1x128xi32, #tpu.memory_space<vmem>>
      %dma_start3A_96 = tpu.memref_squeeze %dma_start3A_95 : memref<1x128xi32, #tpu.memory_space<vmem>> -> memref<128xi32, #tpu.memory_space<vmem>>
      %dma_start3A_97 = arith.constant 0 : i32
      %dma_start3A_98 = arith.constant 0 : i32
      %dma_start3A_99 = tpu.memref_slice %arg4[%dma_start3A_97, %dma_start3A_98] : memref<10000x128xbf16, #tpu.memory_space<hbm>> -> memref<10000x128xbf16, #tpu.memory_space<hbm>>
      tpu.enqueue_indirect_dma source(%dma_start3A_99 : memref<10000x128xbf16, #tpu.memory_space<hbm>>) target(%arg11 : memref<128x128xbf16, #tpu.memory_space<vmem>>) offsets(%dma_start3A_96 : memref<128xi32, #tpu.memory_space<vmem>>) semaphore(%arg16 : memref<!tpu.dma_semaphore, #tpu.memory_space<semaphore_mem>>)
      %add3A_100 = arith.addi %mul3A_4, %add3A_93 : i32
      %min3A_101 = arith.constant 1279 : i32
      %min3A_102 = arith.minsi %add3A_100, %min3A_101 : i32
      %mul3A_103 = arith.constant 128 : i32
      %mul3A_104 = arith.muli %min3A_102, %mul3A_103 : i32
      %multiple_of3A_105 = tpu.assume_multiple %mul3A_104, 128 : i32
      %dma_start3A_106 = arith.constant 0 : i32
      %dma_start3A_107 = tpu.memref_slice %arg5[%multiple_of3A_105, %dma_start3A_106] : memref<163840x128xbf16, #tpu.memory_space<hbm>> -> memref<128x128xbf16, #tpu.memory_space<hbm>>
      %dma_start3A_108 = arith.constant 0 : i32
      %dma_start3A_109 = tpu.memref_slice %arg5[%multiple_of3A_105, %dma_start3A_108] : memref<163840x128xbf16, #tpu.memory_space<hbm>> -> memref<128x128xbf16, #tpu.memory_space<hbm>>
      tpu.enqueue_dma source(%dma_start3A_109 : memref<128x128xbf16, #tpu.memory_space<hbm>>) target(%arg13 : memref<128x128xbf16, #tpu.memory_space<vmem>>) target_semaphore(%arg18 : memref<!tpu.dma_semaphore, #tpu.memory_space<semaphore_mem>>)
      %dma_wait3A_110 = arith.constant 0 : i32
      %dma_wait3A_111 = arith.constant 0 : i32
      %dma_wait3A_112 = tpu.memref_slice %arg8[%dma_wait3A_110, %dma_wait3A_111] : memref<41x128xi32, #tpu.memory_space<vmem>> -> memref<1x128xi32, #tpu.memory_space<vmem>>
      %dma_wait3A_113 = tpu.memref_squeeze %dma_wait3A_112 : memref<1x128xi32, #tpu.memory_space<vmem>> -> memref<128xi32, #tpu.memory_space<vmem>>
      %dma_wait3A_114 = arith.constant 0 : i32
      %dma_wait3A_115 = arith.constant 0 : i32
      %dma_wait3A_116 = tpu.memref_slice %arg4[%dma_wait3A_114, %dma_wait3A_115] : memref<10000x128xbf16, #tpu.memory_space<hbm>> -> memref<10000x128xbf16, #tpu.memory_space<hbm>>
      tpu.wait_indirect_dma semaphore(%arg15 : memref<!tpu.dma_semaphore, #tpu.memory_space<semaphore_mem>>) src(%dma_wait3A_116 : memref<10000x128xbf16, #tpu.memory_space<hbm>>) dst(%arg10 : memref<128x128xbf16, #tpu.memory_space<vmem>>)
      %dma_wait3A_117 = arith.constant 0 : i32
      %dma_wait3A_118 = arith.constant 0 : i32
      %dma_wait3A_119 = tpu.memref_slice %arg5[%dma_wait3A_117, %dma_wait3A_118] : memref<163840x128xbf16, #tpu.memory_space<hbm>> -> memref<128x128xbf16, #tpu.memory_space<hbm>>
      %dma_wait3A_120 = arith.constant 0 : i32
      %dma_wait3A_121 = arith.constant 0 : i32
      %dma_wait3A_122 = tpu.memref_slice %arg5[%dma_wait3A_120, %dma_wait3A_121] : memref<163840x128xbf16, #tpu.memory_space<hbm>> -> memref<128x128xbf16, #tpu.memory_space<hbm>>
      tpu.wait_dma2 semaphore(%arg17 : memref<!tpu.dma_semaphore, #tpu.memory_space<semaphore_mem>>) src(%dma_wait3A_122 : memref<128x128xbf16, #tpu.memory_space<hbm>>) dst(%arg12 : memref<128x128xbf16, #tpu.memory_space<vmem>>)
      %broadcast_in_dim3A_123 = arith.constant 0.000000e+00 : bf16
      %broadcast_in_dim3A_124 = vector.broadcast %broadcast_in_dim3A_123 : bf16 to vector<32xbf16>
      %scan3A_125 = arith.constant 0 : i32
      %scan3A_126 = arith.constant 0 : i32
      %scan3A_127 = arith.constant 128 : i32
      %scan3A_128 = arith.addi %scan3A_126, %scan3A_127 : i32
      %scan3A_129 = arith.constant 1 : i32
      scf.for %scan3A_172 = %scan3A_126 to %scan3A_128 step %scan3A_129  : i32 {
        %get3A = arith.index_cast %scan3A_172 : i32 to index
        %get3A_173 = arith.constant 0 : index
        %get3A_174 = tpu.vector_load %arg10[%get3A, %get3A_173] {strides = array<i32>} : memref<128x128xbf16, #tpu.memory_space<vmem>>, vector<32xbf16>,
        %get3A_175 = arith.index_cast %scan3A_172 : i32 to index
        %get3A_176 = arith.constant 0 : index
        %get3A_177 = tpu.vector_load %arg12[%get3A_175, %get3A_176] {strides = array<i32>} : memref<128x128xbf16, #tpu.memory_space<vmem>>, vector<32xbf16>,
        %add3A_178 = arith.addf %get3A_174, %get3A_177 : vector<32xbf16>
        %max3A = arith.maximumf %add3A_178, %broadcast_in_dim3A_124 : vector<32xbf16>
        %swap3A_179 = arith.index_cast %scan3A_172 : i32 to index
        %swap3A_180 = arith.constant 0 : index
        %swap3A_181 = tpu.vector_load %arg10[%swap3A_179, %swap3A_180] {strides = array<i32>} : memref<128x128xbf16, #tpu.memory_space<vmem>>, vector<32xbf16>,
        tpu.vector_store %arg10[%swap3A_179, %swap3A_180], %max3A {strides = array<i32>} : memref<128x128xbf16, #tpu.memory_space<vmem>>, vector<32xbf16>,
        %get3A_182 = arith.index_cast %scan3A_172 : i32 to index
        %get3A_183 = arith.constant 32 : index
        %get3A_184 = tpu.vector_load %arg10[%get3A_182, %get3A_183] {strides = array<i32>} : memref<128x128xbf16, #tpu.memory_space<vmem>>, vector<32xbf16>,
        %get3A_185 = arith.index_cast %scan3A_172 : i32 to index
        %get3A_186 = arith.constant 32 : index
        %get3A_187 = tpu.vector_load %arg12[%get3A_185, %get3A_186] {strides = array<i32>} : memref<128x128xbf16, #tpu.memory_space<vmem>>, vector<32xbf16>,
        %add3A_188 = arith.addf %get3A_184, %get3A_187 : vector<32xbf16>
        %max3A_189 = arith.maximumf %add3A_188, %broadcast_in_dim3A_124 : vector<32xbf16>
        %swap3A_190 = arith.index_cast %scan3A_172 : i32 to index
        %swap3A_191 = arith.constant 32 : index
        %swap3A_192 = tpu.vector_load %arg10[%swap3A_190, %swap3A_191] {strides = array<i32>} : memref<128x128xbf16, #tpu.memory_space<vmem>>, vector<32xbf16>,
        tpu.vector_store %arg10[%swap3A_190, %swap3A_191], %max3A_189 {strides = array<i32>} : memref<128x128xbf16, #tpu.memory_space<vmem>>, vector<32xbf16>,
        %get3A_193 = arith.index_cast %scan3A_172 : i32 to index
        %get3A_194 = arith.constant 64 : index
        %get3A_195 = tpu.vector_load %arg10[%get3A_193, %get3A_194] {strides = array<i32>} : memref<128x128xbf16, #tpu.memory_space<vmem>>, vector<32xbf16>,
        %get3A_196 = arith.index_cast %scan3A_172 : i32 to index
        %get3A_197 = arith.constant 64 : index
        %get3A_198 = tpu.vector_load %arg12[%get3A_196, %get3A_197] {strides = array<i32>} : memref<128x128xbf16, #tpu.memory_space<vmem>>, vector<32xbf16>,
        %add3A_199 = arith.addf %get3A_195, %get3A_198 : vector<32xbf16>
        %max3A_200 = arith.maximumf %add3A_199, %broadcast_in_dim3A_124 : vector<32xbf16>
        %swap3A_201 = arith.index_cast %scan3A_172 : i32 to index
        %swap3A_202 = arith.constant 64 : index
        %swap3A_203 = tpu.vector_load %arg10[%swap3A_201, %swap3A_202] {strides = array<i32>} : memref<128x128xbf16, #tpu.memory_space<vmem>>, vector<32xbf16>,
        tpu.vector_store %arg10[%swap3A_201, %swap3A_202], %max3A_200 {strides = array<i32>} : memref<128x128xbf16, #tpu.memory_space<vmem>>, vector<32xbf16>,
        %get3A_204 = arith.index_cast %scan3A_172 : i32 to index
        %get3A_205 = arith.constant 96 : index
        %get3A_206 = tpu.vector_load %arg10[%get3A_204, %get3A_205] {strides = array<i32>} : memref<128x128xbf16, #tpu.memory_space<vmem>>, vector<32xbf16>,
        %get3A_207 = arith.index_cast %scan3A_172 : i32 to index
        %get3A_208 = arith.constant 96 : index
        %get3A_209 = tpu.vector_load %arg12[%get3A_207, %get3A_208] {strides = array<i32>} : memref<128x128xbf16, #tpu.memory_space<vmem>>, vector<32xbf16>,
        %add3A_210 = arith.addf %get3A_206, %get3A_209 : vector<32xbf16>
        %max3A_211 = arith.maximumf %add3A_210, %broadcast_in_dim3A_124 : vector<32xbf16>
        %swap3A_212 = arith.index_cast %scan3A_172 : i32 to index
        %swap3A_213 = arith.constant 96 : index
        %swap3A_214 = tpu.vector_load %arg10[%swap3A_212, %swap3A_213] {strides = array<i32>} : memref<128x128xbf16, #tpu.memory_space<vmem>>, vector<32xbf16>,
        tpu.vector_store %arg10[%swap3A_212, %swap3A_213], %max3A_211 {strides = array<i32>} : memref<128x128xbf16, #tpu.memory_space<vmem>>, vector<32xbf16>,
      }
      %scan3A_130 = arith.constant 128 : i32
      "tpu.region"() ({
        %run_scoped3A = tpu.sem_alloc : memref<!tpu.dma_semaphore, #tpu.memory_space<semaphore_mem>>
        %dma_start3A_172 = arith.constant 0 : i32
        %dma_start3A_173 = tpu.memref_slice %arg9[%mul3A_91, %dma_start3A_172] : memref<41x128xi32, #tpu.memory_space<vmem>> -> memref<1x128xi32, #tpu.memory_space<vmem>>
        %dma_start3A_174 = tpu.memref_squeeze %dma_start3A_173 : memref<1x128xi32, #tpu.memory_space<vmem>> -> memref<128xi32, #tpu.memory_space<vmem>>
        %dma_start3A_175 = arith.constant 0 : i32
        %dma_start3A_176 = arith.constant 0 : i32
        %dma_start3A_177 = tpu.memref_slice %arg14[%dma_start3A_175, %dma_start3A_176] : memref<10016x128xbf16, #tpu.memory_space<vmem_shared>> -> memref<10016x128xbf16, #tpu.memory_space<vmem_shared>>
        tpu.enqueue_indirect_dma source(%arg10 : memref<128x128xbf16, #tpu.memory_space<vmem>>) target(%dma_start3A_177 : memref<10016x128xbf16, #tpu.memory_space<vmem_shared>>) offsets(%dma_start3A_174 : memref<128xi32, #tpu.memory_space<vmem>>) semaphore(%run_scoped3A : memref<!tpu.dma_semaphore, #tpu.memory_space<semaphore_mem>>) {add = true}
        %dma_wait3A_178 = arith.constant 0 : i32
        %dma_wait3A_179 = tpu.memref_slice %arg9[%mul3A_91, %dma_wait3A_178] : memref<41x128xi32, #tpu.memory_space<vmem>> -> memref<1x128xi32, #tpu.memory_space<vmem>>
        %dma_wait3A_180 = tpu.memref_squeeze %dma_wait3A_179 : memref<1x128xi32, #tpu.memory_space<vmem>> -> memref<128xi32, #tpu.memory_space<vmem>>
        %dma_wait3A_181 = arith.constant 0 : i32
        %dma_wait3A_182 = arith.constant 0 : i32
        %dma_wait3A_183 = tpu.memref_slice %arg14[%dma_wait3A_181, %dma_wait3A_182] : memref<10016x128xbf16, #tpu.memory_space<vmem_shared>> -> memref<10016x128xbf16, #tpu.memory_space<vmem_shared>>
        tpu.wait_indirect_dma semaphore(%run_scoped3A : memref<!tpu.dma_semaphore, #tpu.memory_space<semaphore_mem>>) src(%arg10 : memref<128x128xbf16, #tpu.memory_space<vmem>>) dst(%dma_wait3A_183 : memref<10016x128xbf16, #tpu.memory_space<vmem_shared>>)
        tpu.yield
      }) : () -> ()
      %add3A_131 = arith.constant 2 : i32
      %add3A_132 = arith.addi %mul3A_91, %add3A_131 : i32
      %dma_start3A_133 = arith.constant 0 : i32
      %dma_start3A_134 = tpu.memref_slice %arg8[%add3A_132, %dma_start3A_133] : memref<41x128xi32, #tpu.memory_space<vmem>> -> memref<1x128xi32, #tpu.memory_space<vmem>>
      %dma_start3A_135 = tpu.memref_squeeze %dma_start3A_134 : memref<1x128xi32, #tpu.memory_space<vmem>> -> memref<128xi32, #tpu.memory_space<vmem>>
      %dma_start3A_136 = arith.constant 0 : i32
      %dma_start3A_137 = arith.constant 0 : i32
      %dma_start3A_138 = tpu.memref_slice %arg4[%dma_start3A_136, %dma_start3A_137] : memref<10000x128xbf16, #tpu.memory_space<hbm>> -> memref<10000x128xbf16, #tpu.memory_space<hbm>>
      tpu.enqueue_indirect_dma source(%dma_start3A_138 : memref<10000x128xbf16, #tpu.memory_space<hbm>>) target(%arg10 : memref<128x128xbf16, #tpu.memory_space<vmem>>) offsets(%dma_start3A_135 : memref<128xi32, #tpu.memory_space<vmem>>) semaphore(%arg15 : memref<!tpu.dma_semaphore, #tpu.memory_space<semaphore_mem>>)
      %add3A_139 = arith.addi %mul3A_4, %add3A_132 : i32
      %min3A_140 = arith.constant 1279 : i32
      %min3A_141 = arith.minsi %add3A_139, %min3A_140 : i32
      %mul3A_142 = arith.constant 128 : i32
      %mul3A_143 = arith.muli %min3A_141, %mul3A_142 : i32
      %multiple_of3A_144 = tpu.assume_multiple %mul3A_143, 128 : i32
      %dma_start3A_145 = arith.constant 0 : i32
      %dma_start3A_146 = tpu.memref_slice %arg5[%multiple_of3A_144, %dma_start3A_145] : memref<163840x128xbf16, #tpu.memory_space<hbm>> -> memref<128x128xbf16, #tpu.memory_space<hbm>>
      %dma_start3A_147 = arith.constant 0 : i32
      %dma_start3A_148 = tpu.memref_slice %arg5[%multiple_of3A_144, %dma_start3A_147] : memref<163840x128xbf16, #tpu.memory_space<hbm>> -> memref<128x128xbf16, #tpu.memory_space<hbm>>
      tpu.enqueue_dma source(%dma_start3A_148 : memref<128x128xbf16, #tpu.memory_space<hbm>>) target(%arg12 : memref<128x128xbf16, #tpu.memory_space<vmem>>) target_semaphore(%arg17 : memref<!tpu.dma_semaphore, #tpu.memory_space<semaphore_mem>>)
      %add3A_149 = arith.constant 1 : i32
      %add3A_150 = arith.addi %mul3A_91, %add3A_149 : i32
      %dma_wait3A_151 = arith.constant 0 : i32
      %dma_wait3A_152 = arith.constant 0 : i32
      %dma_wait3A_153 = tpu.memref_slice %arg8[%dma_wait3A_151, %dma_wait3A_152] : memref<41x128xi32, #tpu.memory_space<vmem>> -> memref<1x128xi32, #tpu.memory_space<vmem>>
      %dma_wait3A_154 = tpu.memref_squeeze %dma_wait3A_153 : memref<1x128xi32, #tpu.memory_space<vmem>> -> memref<128xi32, #tpu.memory_space<vmem>>
      %dma_wait3A_155 = arith.constant 0 : i32
      %dma_wait3A_156 = arith.constant 0 : i32
      %dma_wait3A_157 = tpu.memref_slice %arg4[%dma_wait3A_155, %dma_wait3A_156] : memref<10000x128xbf16, #tpu.memory_space<hbm>> -> memref<10000x128xbf16, #tpu.memory_space<hbm>>
      tpu.wait_indirect_dma semaphore(%arg16 : memref<!tpu.dma_semaphore, #tpu.memory_space<semaphore_mem>>) src(%dma_wait3A_157 : memref<10000x128xbf16, #tpu.memory_space<hbm>>) dst(%arg11 : memref<128x128xbf16, #tpu.memory_space<vmem>>)
      %dma_wait3A_158 = arith.constant 0 : i32
      %dma_wait3A_159 = arith.constant 0 : i32
      %dma_wait3A_160 = tpu.memref_slice %arg5[%dma_wait3A_158, %dma_wait3A_159] : memref<163840x128xbf16, #tpu.memory_space<hbm>> -> memref<128x128xbf16, #tpu.memory_space<hbm>>
      %dma_wait3A_161 = arith.constant 0 : i32
      %dma_wait3A_162 = arith.constant 0 : i32
      %dma_wait3A_163 = tpu.memref_slice %arg5[%dma_wait3A_161, %dma_wait3A_162] : memref<163840x128xbf16, #tpu.memory_space<hbm>> -> memref<128x128xbf16, #tpu.memory_space<hbm>>
      tpu.wait_dma2 semaphore(%arg18 : memref<!tpu.dma_semaphore, #tpu.memory_space<semaphore_mem>>) src(%dma_wait3A_163 : memref<128x128xbf16, #tpu.memory_space<hbm>>) dst(%arg13 : memref<128x128xbf16, #tpu.memory_space<vmem>>)
      %broadcast_in_dim3A_164 = arith.constant 0.000000e+00 : bf16
      %broadcast_in_dim3A_165 = vector.broadcast %broadcast_in_dim3A_164 : bf16 to vector<32xbf16>
      %scan3A_166 = arith.constant 0 : i32
      %scan3A_167 = arith.constant 0 : i32
      %scan3A_168 = arith.constant 128 : i32
      %scan3A_169 = arith.addi %scan3A_167, %scan3A_168 : i32
      %scan3A_170 = arith.constant 1 : i32
      scf.for %scan3A_172 = %scan3A_167 to %scan3A_169 step %scan3A_170  : i32 {
        %get3A = arith.index_cast %scan3A_172 : i32 to index
        %get3A_173 = arith.constant 0 : index
        %get3A_174 = tpu.vector_load %arg11[%get3A, %get3A_173] {strides = array<i32>} : memref<128x128xbf16, #tpu.memory_space<vmem>>, vector<32xbf16>,
        %get3A_175 = arith.index_cast %scan3A_172 : i32 to index
        %get3A_176 = arith.constant 0 : index
        %get3A_177 = tpu.vector_load %arg13[%get3A_175, %get3A_176] {strides = array<i32>} : memref<128x128xbf16, #tpu.memory_space<vmem>>, vector<32xbf16>,
        %add3A_178 = arith.addf %get3A_174, %get3A_177 : vector<32xbf16>
        %max3A = arith.maximumf %add3A_178, %broadcast_in_dim3A_165 : vector<32xbf16>
        %swap3A_179 = arith.index_cast %scan3A_172 : i32 to index
        %swap3A_180 = arith.constant 0 : index
        %swap3A_181 = tpu.vector_load %arg11[%swap3A_179, %swap3A_180] {strides = array<i32>} : memref<128x128xbf16, #tpu.memory_space<vmem>>, vector<32xbf16>,
        tpu.vector_store %arg11[%swap3A_179, %swap3A_180], %max3A {strides = array<i32>} : memref<128x128xbf16, #tpu.memory_space<vmem>>, vector<32xbf16>,
        %get3A_182 = arith.index_cast %scan3A_172 : i32 to index
        %get3A_183 = arith.constant 32 : index
        %get3A_184 = tpu.vector_load %arg11[%get3A_182, %get3A_183] {strides = array<i32>} : memref<128x128xbf16, #tpu.memory_space<vmem>>, vector<32xbf16>,
        %get3A_185 = arith.index_cast %scan3A_172 : i32 to index
        %get3A_186 = arith.constant 32 : index
        %get3A_187 = tpu.vector_load %arg13[%get3A_185, %get3A_186] {strides = array<i32>} : memref<128x128xbf16, #tpu.memory_space<vmem>>, vector<32xbf16>,
        %add3A_188 = arith.addf %get3A_184, %get3A_187 : vector<32xbf16>
        %max3A_189 = arith.maximumf %add3A_188, %broadcast_in_dim3A_165 : vector<32xbf16>
        %swap3A_190 = arith.index_cast %scan3A_172 : i32 to index
        %swap3A_191 = arith.constant 32 : index
        %swap3A_192 = tpu.vector_load %arg11[%swap3A_190, %swap3A_191] {strides = array<i32>} : memref<128x128xbf16, #tpu.memory_space<vmem>>, vector<32xbf16>,
        tpu.vector_store %arg11[%swap3A_190, %swap3A_191], %max3A_189 {strides = array<i32>} : memref<128x128xbf16, #tpu.memory_space<vmem>>, vector<32xbf16>,
        %get3A_193 = arith.index_cast %scan3A_172 : i32 to index
        %get3A_194 = arith.constant 64 : index
        %get3A_195 = tpu.vector_load %arg11[%get3A_193, %get3A_194] {strides = array<i32>} : memref<128x128xbf16, #tpu.memory_space<vmem>>, vector<32xbf16>,
        %get3A_196 = arith.index_cast %scan3A_172 : i32 to index
        %get3A_197 = arith.constant 64 : index
        %get3A_198 = tpu.vector_load %arg13[%get3A_196, %get3A_197] {strides = array<i32>} : memref<128x128xbf16, #tpu.memory_space<vmem>>, vector<32xbf16>,
        %add3A_199 = arith.addf %get3A_195, %get3A_198 : vector<32xbf16>
        %max3A_200 = arith.maximumf %add3A_199, %broadcast_in_dim3A_165 : vector<32xbf16>
        %swap3A_201 = arith.index_cast %scan3A_172 : i32 to index
        %swap3A_202 = arith.constant 64 : index
        %swap3A_203 = tpu.vector_load %arg11[%swap3A_201, %swap3A_202] {strides = array<i32>} : memref<128x128xbf16, #tpu.memory_space<vmem>>, vector<32xbf16>,
        tpu.vector_store %arg11[%swap3A_201, %swap3A_202], %max3A_200 {strides = array<i32>} : memref<128x128xbf16, #tpu.memory_space<vmem>>, vector<32xbf16>,
        %get3A_204 = arith.index_cast %scan3A_172 : i32 to index
        %get3A_205 = arith.constant 96 : index
        %get3A_206 = tpu.vector_load %arg11[%get3A_204, %get3A_205] {strides = array<i32>} : memref<128x128xbf16, #tpu.memory_space<vmem>>, vector<32xbf16>,
        %get3A_207 = arith.index_cast %scan3A_172 : i32 to index
        %get3A_208 = arith.constant 96 : index
        %get3A_209 = tpu.vector_load %arg13[%get3A_207, %get3A_208] {strides = array<i32>} : memref<128x128xbf16, #tpu.memory_space<vmem>>, vector<32xbf16>,
        %add3A_210 = arith.addf %get3A_206, %get3A_209 : vector<32xbf16>
        %max3A_211 = arith.maximumf %add3A_210, %broadcast_in_dim3A_165 : vector<32xbf16>
        %swap3A_212 = arith.index_cast %scan3A_172 : i32 to index
        %swap3A_213 = arith.constant 96 : index
        %swap3A_214 = tpu.vector_load %arg11[%swap3A_212, %swap3A_213] {strides = array<i32>} : memref<128x128xbf16, #tpu.memory_space<vmem>>, vector<32xbf16>,
        tpu.vector_store %arg11[%swap3A_212, %swap3A_213], %max3A_211 {strides = array<i32>} : memref<128x128xbf16, #tpu.memory_space<vmem>>, vector<32xbf16>,
      }
      %scan3A_171 = arith.constant 128 : i32
      "tpu.region"() ({
        %run_scoped3A = tpu.sem_alloc : memref<!tpu.dma_semaphore, #tpu.memory_space<semaphore_mem>>
        %dma_start3A_172 = arith.constant 0 : i32
        %dma_start3A_173 = tpu.memref_slice %arg9[%add3A_150, %dma_start3A_172] : memref<41x128xi32, #tpu.memory_space<vmem>> -> memref<1x128xi32, #tpu.memory_space<vmem>>
        %dma_start3A_174 = tpu.memref_squeeze %dma_start3A_173 : memref<1x128xi32, #tpu.memory_space<vmem>> -> memref<128xi32, #tpu.memory_space<vmem>>
        %dma_start3A_175 = arith.constant 0 : i32
        %dma_start3A_176 = arith.constant 0 : i32
        %dma_start3A_177 = tpu.memref_slice %arg14[%dma_start3A_175, %dma_start3A_176] : memref<10016x128xbf16, #tpu.memory_space<vmem_shared>> -> memref<10016x128xbf16, #tpu.memory_space<vmem_shared>>
        tpu.enqueue_indirect_dma source(%arg11 : memref<128x128xbf16, #tpu.memory_space<vmem>>) target(%dma_start3A_177 : memref<10016x128xbf16, #tpu.memory_space<vmem_shared>>) offsets(%dma_start3A_174 : memref<128xi32, #tpu.memory_space<vmem>>) semaphore(%run_scoped3A : memref<!tpu.dma_semaphore, #tpu.memory_space<semaphore_mem>>) {add = true}
        %dma_wait3A_178 = arith.constant 0 : i32
        %dma_wait3A_179 = tpu.memref_slice %arg9[%add3A_150, %dma_wait3A_178] : memref<41x128xi32, #tpu.memory_space<vmem>> -> memref<1x128xi32, #tpu.memory_space<vmem>>
        %dma_wait3A_180 = tpu.memref_squeeze %dma_wait3A_179 : memref<1x128xi32, #tpu.memory_space<vmem>> -> memref<128xi32, #tpu.memory_space<vmem>>
        %dma_wait3A_181 = arith.constant 0 : i32
        %dma_wait3A_182 = arith.constant 0 : i32
        %dma_wait3A_183 = tpu.memref_slice %arg14[%dma_wait3A_181, %dma_wait3A_182] : memref<10016x128xbf16, #tpu.memory_space<vmem_shared>> -> memref<10016x128xbf16, #tpu.memory_space<vmem_shared>>
        tpu.wait_indirect_dma semaphore(%run_scoped3A : memref<!tpu.dma_semaphore, #tpu.memory_space<semaphore_mem>>) src(%arg11 : memref<128x128xbf16, #tpu.memory_space<vmem>>) dst(%dma_wait3A_183 : memref<10016x128xbf16, #tpu.memory_space<vmem_shared>>)
        tpu.yield
      }) : () -> ()
    }
    %scan3A_70 = arith.constant 20 : i32
    %dma_wait3A = arith.constant 0 : i32
    %dma_wait3A_71 = arith.constant 0 : i32
    %dma_wait3A_72 = tpu.memref_slice %arg8[%dma_wait3A, %dma_wait3A_71] : memref<41x128xi32, #tpu.memory_space<vmem>> -> memref<1x128xi32, #tpu.memory_space<vmem>>
    %dma_wait3A_73 = tpu.memref_squeeze %dma_wait3A_72 : memref<1x128xi32, #tpu.memory_space<vmem>> -> memref<128xi32, #tpu.memory_space<vmem>>
    %dma_wait3A_74 = arith.constant 0 : i32
    %dma_wait3A_75 = arith.constant 0 : i32
    %dma_wait3A_76 = tpu.memref_slice %arg4[%dma_wait3A_74, %dma_wait3A_75] : memref<10000x128xbf16, #tpu.memory_space<hbm>> -> memref<10000x128xbf16, #tpu.memory_space<hbm>>
    tpu.wait_indirect_dma semaphore(%arg15 : memref<!tpu.dma_semaphore, #tpu.memory_space<semaphore_mem>>) src(%dma_wait3A_76 : memref<10000x128xbf16, #tpu.memory_space<hbm>>) dst(%arg10 : memref<128x128xbf16, #tpu.memory_space<vmem>>)
    %dma_wait3A_77 = arith.constant 0 : i32
    %dma_wait3A_78 = arith.constant 0 : i32
    %dma_wait3A_79 = tpu.memref_slice %arg5[%dma_wait3A_77, %dma_wait3A_78] : memref<163840x128xbf16, #tpu.memory_space<hbm>> -> memref<128x128xbf16, #tpu.memory_space<hbm>>
    %dma_wait3A_80 = arith.constant 0 : i32
    %dma_wait3A_81 = arith.constant 0 : i32
    %dma_wait3A_82 = tpu.memref_slice %arg5[%dma_wait3A_80, %dma_wait3A_81] : memref<163840x128xbf16, #tpu.memory_space<hbm>> -> memref<128x128xbf16, #tpu.memory_space<hbm>>
    tpu.wait_dma2 semaphore(%arg17 : memref<!tpu.dma_semaphore, #tpu.memory_space<semaphore_mem>>) src(%dma_wait3A_82 : memref<128x128xbf16, #tpu.memory_space<hbm>>) dst(%arg12 : memref<128x128xbf16, #tpu.memory_space<vmem>>)
    %barrier3A_83 = arith.constant 0 : index
    tpu.barrier barrier_id(%barrier3A_83)
    %eq3A_84 = arith.constant 0 : i32
    %eq3A_85 = arith.cmpi eq, %arg1, %eq3A_84 : i32
    %convert_element_type3A_86 = arith.extui %eq3A_85 : i1 to i32
    %cond3A_87 = arith.constant 0 : i32
    %cond3A_88 = arith.cmpi ne, %convert_element_type3A_86, %cond3A_87 : i32
    scf.if %cond3A_88 {
      "tpu.region"() ({
        %run_scoped3A = tpu.sem_alloc : memref<!tpu.dma_semaphore, #tpu.memory_space<semaphore_mem>>
        %dma_start3A_89 = arith.constant 0 : i32
        %dma_start3A_90 = arith.constant 0 : i32
        %dma_start3A_91 = tpu.memref_slice %arg7[%arg0, %dma_start3A_89, %dma_start3A_90] : memref<2x10000x128xbf16, #tpu.memory_space<hbm>> -> memref<1x10000x128xbf16, #tpu.memory_space<hbm>>
        %dma_start3A_92 = tpu.memref_squeeze %dma_start3A_91 : memref<1x10000x128xbf16, #tpu.memory_space<hbm>> -> memref<10000x128xbf16, #tpu.memory_space<hbm>>
        %dma_start3A_93 = arith.constant 0 : i32
        %dma_start3A_94 = arith.constant 0 : i32
        %dma_start3A_95 = tpu.memref_slice %arg14[%dma_start3A_93, %dma_start3A_94] : memref<10016x128xbf16, #tpu.memory_space<vmem_shared>> -> memref<10000x128xbf16, #tpu.memory_space<vmem_shared>>
        tpu.enqueue_dma source(%dma_start3A_95 : memref<10000x128xbf16, #tpu.memory_space<vmem_shared>>) target(%dma_start3A_92 : memref<10000x128xbf16, #tpu.memory_space<hbm>>) target_semaphore(%run_scoped3A : memref<!tpu.dma_semaphore, #tpu.memory_space<semaphore_mem>>)
        %dma_wait3A_96 = arith.constant 0 : i32
        %dma_wait3A_97 = arith.constant 0 : i32
        %dma_wait3A_98 = tpu.memref_slice %arg7[%arg0, %dma_wait3A_96, %dma_wait3A_97] : memref<2x10000x128xbf16, #tpu.memory_space<hbm>> -> memref<1x10000x128xbf16, #tpu.memory_space<hbm>>
        %dma_wait3A_99 = tpu.memref_squeeze %dma_wait3A_98 : memref<1x10000x128xbf16, #tpu.memory_space<hbm>> -> memref<10000x128xbf16, #tpu.memory_space<hbm>>
        %dma_wait3A_100 = arith.constant 0 : i32
        %dma_wait3A_101 = arith.constant 0 : i32
        %dma_wait3A_102 = tpu.memref_slice %arg14[%dma_wait3A_100, %dma_wait3A_101] : memref<10016x128xbf16, #tpu.memory_space<vmem_shared>> -> memref<10000x128xbf16, #tpu.memory_space<vmem_shared>>
        tpu.wait_dma2 semaphore(%run_scoped3A : memref<!tpu.dma_semaphore, #tpu.memory_space<semaphore_mem>>) src(%dma_wait3A_102 : memref<10000x128xbf16, #tpu.memory_space<vmem_shared>>) dst(%dma_wait3A_99 : memref<10000x128xbf16, #tpu.memory_space<hbm>>)
        tpu.yield
      }) : () -> ()
    } else {
    }
    return
  }
}

#map = affine_map<(d0, d1) -> (0, 0)>
#map1 = affine_map<(d0, d1) -> (0, 0, 0)>
module attributes {stable_mosaic.version = 14 : i64} {
  func.func @_mpnn_sc_body(%arg0: i32, %arg1: i32, %arg2: memref<1280x128xi32, #tpu.memory_space<hbm>>, %arg3: memref<1280x128xi32, #tpu.memory_space<hbm>>, %arg4: memref<10000x128xbf16, #tpu.memory_space<hbm>>, %arg5: memref<163840x128xbf16, #tpu.memory_space<hbm>>, %arg6: memref<10000x128xbf16, #tpu.memory_space<hbm>>, %arg7: memref<2x10000x128xbf16, #tpu.memory_space<hbm>>, %arg8: memref<41x128xi32, #tpu.memory_space<vmem>>, %arg9: memref<41x128xi32, #tpu.memory_space<vmem>>, %arg10: memref<128x128xbf16, #tpu.memory_space<vmem>>, %arg11: memref<128x128xbf16, #tpu.memory_space<vmem>>, %arg12: memref<128x128xbf16, #tpu.memory_space<vmem>>, %arg13: memref<128x128xbf16, #tpu.memory_space<vmem>>, %arg14: memref<10016x128xbf16, #tpu.memory_space<vmem_shared>>, %arg15: memref<!tpu.dma_semaphore, #tpu.memory_space<semaphore_mem>>, %arg16: memref<!tpu.dma_semaphore, #tpu.memory_space<semaphore_mem>>, %arg17: memref<!tpu.dma_semaphore, #tpu.memory_space<semaphore_mem>>, %arg18: memref<!tpu.dma_semaphore, #tpu.memory_space<semaphore_mem>>) attributes {dimension_semantics = [#tpu.dimension_semantics<core_parallel>, #tpu.dimension_semantics<subcore_parallel>], iteration_bounds = array<i64: 2, 16>, scalar_prefetch = 0 : i64, scratch_operands = 11 : i64, tpu.core_type = #tpu.core_type<sc_vector_subcore>, window_params = [{transform_indices = #map}, {transform_indices = #map}, {transform_indices = #map}, {transform_indices = #map}, {transform_indices = #map}, {transform_indices = #map1}]} {
    %mul3A = arith.constant 16 : i32
    %mul3A_0 = arith.muli %arg0, %mul3A : i32
    %add3A = arith.addi %mul3A_0, %arg1 : i32
    %eq3A = arith.constant 0 : i32
    %eq3A_1 = arith.cmpi eq, %arg1, %eq3A : i32
    %convert_element_type3A = arith.extui %eq3A_1 : i1 to i32
    %cond3A = arith.constant 0 : i32
    %cond3A_2 = arith.cmpi ne, %convert_element_type3A, %cond3A : i32
    scf.if %cond3A_2 {
      "tpu.region"() ({
        %run_scoped3A = tpu.sem_alloc : memref<!tpu.dma_semaphore, #tpu.memory_space<semaphore_mem>>
        %dma_start3A_89 = arith.constant 0 : i32
        %dma_start3A_90 = arith.constant 0 : i32
        %dma_start3A_91 = tpu.memref_slice %arg14[%dma_start3A_89, %dma_start3A_90] : memref<10016x128xbf16, #tpu.memory_space<vmem_shared>> -> memref<10000x128xbf16, #tpu.memory_space<vmem_shared>>
        tpu.enqueue_dma source(%arg6 : memref<10000x128xbf16, #tpu.memory_space<hbm>>) target(%dma_start3A_91 : memref<10000x128xbf16, #tpu.memory_space<vmem_shared>>) target_semaphore(%run_scoped3A : memref<!tpu.dma_semaphore, #tpu.memory_space<semaphore_mem>>)
        %dma_wait3A_92 = arith.constant 0 : i32
        %dma_wait3A_93 = arith.constant 0 : i32
        %dma_wait3A_94 = tpu.memref_slice %arg14[%dma_wait3A_92, %dma_wait3A_93] : memref<10016x128xbf16, #tpu.memory_space<vmem_shared>> -> memref<10000x128xbf16, #tpu.memory_space<vmem_shared>>
        tpu.wait_dma2 semaphore(%run_scoped3A : memref<!tpu.dma_semaphore, #tpu.memory_space<semaphore_mem>>) src(%arg6 : memref<10000x128xbf16, #tpu.memory_space<hbm>>) dst(%dma_wait3A_94 : memref<10000x128xbf16, #tpu.memory_space<vmem_shared>>)
        tpu.yield
      }) : () -> ()
    } else {
    }
    %mul3A_3 = arith.constant 40 : i32
    %mul3A_4 = arith.muli %add3A, %mul3A_3 : i32
    "tpu.region"() ({
      %run_scoped3A = tpu.sem_alloc : memref<!tpu.dma_semaphore, #tpu.memory_space<semaphore_mem>>
      %dma_start3A_89 = arith.constant 0 : i32
      %dma_start3A_90 = arith.constant 0 : i32
      %dma_start3A_91 = tpu.memref_slice %arg8[%dma_start3A_89, %dma_start3A_90] : memref<41x128xi32, #tpu.memory_space<vmem>> -> memref<40x128xi32, #tpu.memory_space<vmem>>
      %dma_start3A_92 = arith.constant 0 : i32
      %dma_start3A_93 = tpu.memref_slice %arg2[%mul3A_4, %dma_start3A_92] : memref<1280x128xi32, #tpu.memory_space<hbm>> -> memref<40x128xi32, #tpu.memory_space<hbm>>
      %dma_start3A_94 = arith.constant 0 : i32
      %dma_start3A_95 = arith.constant 0 : i32
      %dma_start3A_96 = tpu.memref_slice %arg8[%dma_start3A_94, %dma_start3A_95] : memref<41x128xi32, #tpu.memory_space<vmem>> -> memref<40x128xi32, #tpu.memory_space<vmem>>
      %dma_start3A_97 = arith.constant 0 : i32
      %dma_start3A_98 = tpu.memref_slice %arg2[%mul3A_4, %dma_start3A_97] : memref<1280x128xi32, #tpu.memory_space<hbm>> -> memref<40x128xi32, #tpu.memory_space<hbm>>
      tpu.enqueue_dma source(%dma_start3A_98 : memref<40x128xi32, #tpu.memory_space<hbm>>) target(%dma_start3A_96 : memref<40x128xi32, #tpu.memory_space<vmem>>) target_semaphore(%run_scoped3A : memref<!tpu.dma_semaphore, #tpu.memory_space<semaphore_mem>>)
      %dma_wait3A_99 = arith.constant 0 : i32
      %dma_wait3A_100 = arith.constant 0 : i32
      %dma_wait3A_101 = tpu.memref_slice %arg8[%dma_wait3A_99, %dma_wait3A_100] : memref<41x128xi32, #tpu.memory_space<vmem>> -> memref<40x128xi32, #tpu.memory_space<vmem>>
      %dma_wait3A_102 = arith.constant 0 : i32
      %dma_wait3A_103 = tpu.memref_slice %arg2[%mul3A_4, %dma_wait3A_102] : memref<1280x128xi32, #tpu.memory_space<hbm>> -> memref<40x128xi32, #tpu.memory_space<hbm>>
      %dma_wait3A_104 = arith.constant 0 : i32
      %dma_wait3A_105 = arith.constant 0 : i32
      %dma_wait3A_106 = tpu.memref_slice %arg8[%dma_wait3A_104, %dma_wait3A_105] : memref<41x128xi32, #tpu.memory_space<vmem>> -> memref<40x128xi32, #tpu.memory_space<vmem>>
      %dma_wait3A_107 = arith.constant 0 : i32
      %dma_wait3A_108 = tpu.memref_slice %arg2[%mul3A_4, %dma_wait3A_107] : memref<1280x128xi32, #tpu.memory_space<hbm>> -> memref<40x128xi32, #tpu.memory_space<hbm>>
      tpu.wait_dma2 semaphore(%run_scoped3A : memref<!tpu.dma_semaphore, #tpu.memory_space<semaphore_mem>>) src(%dma_wait3A_108 : memref<40x128xi32, #tpu.memory_space<hbm>>) dst(%dma_wait3A_106 : memref<40x128xi32, #tpu.memory_space<vmem>>)
      tpu.yield
    }) : () -> ()
    "tpu.region"() ({
      %run_scoped3A = tpu.sem_alloc : memref<!tpu.dma_semaphore, #tpu.memory_space<semaphore_mem>>
      %dma_start3A_89 = arith.constant 0 : i32
      %dma_start3A_90 = arith.constant 0 : i32
      %dma_start3A_91 = tpu.memref_slice %arg9[%dma_start3A_89, %dma_start3A_90] : memref<41x128xi32, #tpu.memory_space<vmem>> -> memref<40x128xi32, #tpu.memory_space<vmem>>
      %dma_start3A_92 = arith.constant 0 : i32
      %dma_start3A_93 = tpu.memref_slice %arg3[%mul3A_4, %dma_start3A_92] : memref<1280x128xi32, #tpu.memory_space<hbm>> -> memref<40x128xi32, #tpu.memory_space<hbm>>
      %dma_start3A_94 = arith.constant 0 : i32
      %dma_start3A_95 = arith.constant 0 : i32
      %dma_start3A_96 = tpu.memref_slice %arg9[%dma_start3A_94, %dma_start3A_95] : memref<41x128xi32, #tpu.memory_space<vmem>> -> memref<40x128xi32, #tpu.memory_space<vmem>>
      %dma_start3A_97 = arith.constant 0 : i32
      %dma_start3A_98 = tpu.memref_slice %arg3[%mul3A_4, %dma_start3A_97] : memref<1280x128xi32, #tpu.memory_space<hbm>> -> memref<40x128xi32, #tpu.memory_space<hbm>>
      tpu.enqueue_dma source(%dma_start3A_98 : memref<40x128xi32, #tpu.memory_space<hbm>>) target(%dma_start3A_96 : memref<40x128xi32, #tpu.memory_space<vmem>>) target_semaphore(%run_scoped3A : memref<!tpu.dma_semaphore, #tpu.memory_space<semaphore_mem>>)
      %dma_wait3A_99 = arith.constant 0 : i32
      %dma_wait3A_100 = arith.constant 0 : i32
      %dma_wait3A_101 = tpu.memref_slice %arg9[%dma_wait3A_99, %dma_wait3A_100] : memref<41x128xi32, #tpu.memory_space<vmem>> -> memref<40x128xi32, #tpu.memory_space<vmem>>
      %dma_wait3A_102 = arith.constant 0 : i32
      %dma_wait3A_103 = tpu.memref_slice %arg3[%mul3A_4, %dma_wait3A_102] : memref<1280x128xi32, #tpu.memory_space<hbm>> -> memref<40x128xi32, #tpu.memory_space<hbm>>
      %dma_wait3A_104 = arith.constant 0 : i32
      %dma_wait3A_105 = arith.constant 0 : i32
      %dma_wait3A_106 = tpu.memref_slice %arg9[%dma_wait3A_104, %dma_wait3A_105] : memref<41x128xi32, #tpu.memory_space<vmem>> -> memref<40x128xi32, #tpu.memory_space<vmem>>
      %dma_wait3A_107 = arith.constant 0 : i32
      %dma_wait3A_108 = tpu.memref_slice %arg3[%mul3A_4, %dma_wait3A_107] : memref<1280x128xi32, #tpu.memory_space<hbm>> -> memref<40x128xi32, #tpu.memory_space<hbm>>
      tpu.wait_dma2 semaphore(%run_scoped3A : memref<!tpu.dma_semaphore, #tpu.memory_space<semaphore_mem>>) src(%dma_wait3A_108 : memref<40x128xi32, #tpu.memory_space<hbm>>) dst(%dma_wait3A_106 : memref<40x128xi32, #tpu.memory_space<vmem>>)
      tpu.yield
    }) : () -> ()
    %broadcast_in_dim3A = arith.constant 0 : i32
    %broadcast_in_dim3A_5 = vector.broadcast %broadcast_in_dim3A : i32 to vector<16xi32>
    %swap3A = arith.constant 40 : i32
    %swap3A_6 = arith.index_cast %swap3A : i32 to index
    %swap3A_7 = arith.constant 0 : index
    %swap3A_8 = tpu.vector_load %arg8[%swap3A_6, %swap3A_7] {strides = array<i32>} : memref<41x128xi32, #tpu.memory_space<vmem>>, vector<16xi32>,
    tpu.vector_store %arg8[%swap3A_6, %swap3A_7], %broadcast_in_dim3A_5 {strides = array<i32>} : memref<41x128xi32, #tpu.memory_space<vmem>>, vector<16xi32>,
    %broadcast_in_dim3A_9 = arith.constant 0 : i32
    %broadcast_in_dim3A_10 = vector.broadcast %broadcast_in_dim3A_9 : i32 to vector<16xi32>
    %swap3A_11 = arith.constant 40 : i32
    %swap3A_12 = arith.index_cast %swap3A_11 : i32 to index
    %swap3A_13 = arith.constant 16 : index
    %swap3A_14 = tpu.vector_load %arg8[%swap3A_12, %swap3A_13] {strides = array<i32>} : memref<41x128xi32, #tpu.memory_space<vmem>>, vector<16xi32>,
    tpu.vector_store %arg8[%swap3A_12, %swap3A_13], %broadcast_in_dim3A_10 {strides = array<i32>} : memref<41x128xi32, #tpu.memory_space<vmem>>, vector<16xi32>,
    %broadcast_in_dim3A_15 = arith.constant 0 : i32
    %broadcast_in_dim3A_16 = vector.broadcast %broadcast_in_dim3A_15 : i32 to vector<16xi32>
    %swap3A_17 = arith.constant 40 : i32
    %swap3A_18 = arith.index_cast %swap3A_17 : i32 to index
    %swap3A_19 = arith.constant 32 : index
    %swap3A_20 = tpu.vector_load %arg8[%swap3A_18, %swap3A_19] {strides = array<i32>} : memref<41x128xi32, #tpu.memory_space<vmem>>, vector<16xi32>,
    tpu.vector_store %arg8[%swap3A_18, %swap3A_19], %broadcast_in_dim3A_16 {strides = array<i32>} : memref<41x128xi32, #tpu.memory_space<vmem>>, vector<16xi32>,
    %broadcast_in_dim3A_21 = arith.constant 0 : i32
    %broadcast_in_dim3A_22 = vector.broadcast %broadcast_in_dim3A_21 : i32 to vector<16xi32>
    %swap3A_23 = arith.constant 40 : i32
    %swap3A_24 = arith.index_cast %swap3A_23 : i32 to index
    %swap3A_25 = arith.constant 48 : index
    %swap3A_26 = tpu.vector_load %arg8[%swap3A_24, %swap3A_25] {strides = array<i32>} : memref<41x128xi32, #tpu.memory_space<vmem>>, vector<16xi32>,
    tpu.vector_store %arg8[%swap3A_24, %swap3A_25], %broadcast_in_dim3A_22 {strides = array<i32>} : memref<41x128xi32, #tpu.memory_space<vmem>>, vector<16xi32>,
    %broadcast_in_dim3A_27 = arith.constant 0 : i32
    %broadcast_in_dim3A_28 = vector.broadcast %broadcast_in_dim3A_27 : i32 to vector<16xi32>
    %swap3A_29 = arith.constant 40 : i32
    %swap3A_30 = arith.index_cast %swap3A_29 : i32 to index
    %swap3A_31 = arith.constant 64 : index
    %swap3A_32 = tpu.vector_load %arg8[%swap3A_30, %swap3A_31] {strides = array<i32>} : memref<41x128xi32, #tpu.memory_space<vmem>>, vector<16xi32>,
    tpu.vector_store %arg8[%swap3A_30, %swap3A_31], %broadcast_in_dim3A_28 {strides = array<i32>} : memref<41x128xi32, #tpu.memory_space<vmem>>, vector<16xi32>,
    %broadcast_in_dim3A_33 = arith.constant 0 : i32
    %broadcast_in_dim3A_34 = vector.broadcast %broadcast_in_dim3A_33 : i32 to vector<16xi32>
    %swap3A_35 = arith.constant 40 : i32
    %swap3A_36 = arith.index_cast %swap3A_35 : i32 to index
    %swap3A_37 = arith.constant 80 : index
    %swap3A_38 = tpu.vector_load %arg8[%swap3A_36, %swap3A_37] {strides = array<i32>} : memref<41x128xi32, #tpu.memory_space<vmem>>, vector<16xi32>,
    tpu.vector_store %arg8[%swap3A_36, %swap3A_37], %broadcast_in_dim3A_34 {strides = array<i32>} : memref<41x128xi32, #tpu.memory_space<vmem>>, vector<16xi32>,
    %broadcast_in_dim3A_39 = arith.constant 0 : i32
    %broadcast_in_dim3A_40 = vector.broadcast %broadcast_in_dim3A_39 : i32 to vector<16xi32>
    %swap3A_41 = arith.constant 40 : i32
    %swap3A_42 = arith.index_cast %swap3A_41 : i32 to index
    %swap3A_43 = arith.constant 96 : index
    %swap3A_44 = tpu.vector_load %arg8[%swap3A_42, %swap3A_43] {strides = array<i32>} : memref<41x128xi32, #tpu.memory_space<vmem>>, vector<16xi32>,
    tpu.vector_store %arg8[%swap3A_42, %swap3A_43], %broadcast_in_dim3A_40 {strides = array<i32>} : memref<41x128xi32, #tpu.memory_space<vmem>>, vector<16xi32>,
    %broadcast_in_dim3A_45 = arith.constant 0 : i32
    %broadcast_in_dim3A_46 = vector.broadcast %broadcast_in_dim3A_45 : i32 to vector<16xi32>
    %swap3A_47 = arith.constant 40 : i32
    %swap3A_48 = arith.index_cast %swap3A_47 : i32 to index
    %swap3A_49 = arith.constant 112 : index
    %swap3A_50 = tpu.vector_load %arg8[%swap3A_48, %swap3A_49] {strides = array<i32>} : memref<41x128xi32, #tpu.memory_space<vmem>>, vector<16xi32>,
    tpu.vector_store %arg8[%swap3A_48, %swap3A_49], %broadcast_in_dim3A_46 {strides = array<i32>} : memref<41x128xi32, #tpu.memory_space<vmem>>, vector<16xi32>,
    %barrier3A = arith.constant 0 : index
    tpu.barrier barrier_id(%barrier3A)
    %dma_start3A = arith.constant 0 : i32
    %dma_start3A_51 = arith.constant 0 : i32
    %dma_start3A_52 = tpu.memref_slice %arg8[%dma_start3A, %dma_start3A_51] : memref<41x128xi32, #tpu.memory_space<vmem>> -> memref<1x128xi32, #tpu.memory_space<vmem>>
    %dma_start3A_53 = tpu.memref_squeeze %dma_start3A_52 : memref<1x128xi32, #tpu.memory_space<vmem>> -> memref<128xi32, #tpu.memory_space<vmem>>
    %dma_start3A_54 = arith.constant 0 : i32
    %dma_start3A_55 = arith.constant 0 : i32
    %dma_start3A_56 = tpu.memref_slice %arg4[%dma_start3A_54, %dma_start3A_55] : memref<10000x128xbf16, #tpu.memory_space<hbm>> -> memref<10000x128xbf16, #tpu.memory_space<hbm>>
    tpu.enqueue_indirect_dma source(%dma_start3A_56 : memref<10000x128xbf16, #tpu.memory_space<hbm>>) target(%arg10 : memref<128x128xbf16, #tpu.memory_space<vmem>>) offsets(%dma_start3A_53 : memref<128xi32, #tpu.memory_space<vmem>>) semaphore(%arg15 : memref<!tpu.dma_semaphore, #tpu.memory_space<semaphore_mem>>)
    %add3A_57 = arith.constant 0 : i32
    %add3A_58 = arith.addi %mul3A_4, %add3A_57 : i32
    %min3A = arith.constant 1279 : i32
    %min3A_59 = arith.minsi %add3A_58, %min3A : i32
    %mul3A_60 = arith.constant 128 : i32
    %mul3A_61 = arith.muli %min3A_59, %mul3A_60 : i32
    %multiple_of3A = tpu.assume_multiple %mul3A_61, 128 : i32
    %dma_start3A_62 = arith.constant 0 : i32
    %dma_start3A_63 = tpu.memref_slice %arg5[%multiple_of3A, %dma_start3A_62] : memref<163840x128xbf16, #tpu.memory_space<hbm>> -> memref<128x128xbf16, #tpu.memory_space<hbm>>
    %dma_start3A_64 = arith.constant 0 : i32
    %dma_start3A_65 = tpu.memref_slice %arg5[%multiple_of3A, %dma_start3A_64] : memref<163840x128xbf16, #tpu.memory_space<hbm>> -> memref<128x128xbf16, #tpu.memory_space<hbm>>
    tpu.enqueue_dma source(%dma_start3A_65 : memref<128x128xbf16, #tpu.memory_space<hbm>>) target(%arg12 : memref<128x128xbf16, #tpu.memory_space<vmem>>) target_semaphore(%arg17 : memref<!tpu.dma_semaphore, #tpu.memory_space<semaphore_mem>>)
    %scan3A = arith.constant 0 : i32
    %scan3A_66 = arith.constant 0 : i32
    %scan3A_67 = arith.constant 20 : i32
    %scan3A_68 = arith.addi %scan3A_66, %scan3A_67 : i32
    %scan3A_69 = arith.constant 1 : i32
    scf.for %scan3A_89 = %scan3A_66 to %scan3A_68 step %scan3A_69  : i32 {
      %mul3A_90 = arith.constant 2 : i32
      %mul3A_91 = arith.muli %mul3A_90, %scan3A_89 : i32
      %add3A_92 = arith.constant 1 : i32
      %add3A_93 = arith.addi %mul3A_91, %add3A_92 : i32
      %dma_start3A_94 = arith.constant 0 : i32
      %dma_start3A_95 = tpu.memref_slice %arg8[%add3A_93, %dma_start3A_94] : memref<41x128xi32, #tpu.memory_space<vmem>> -> memref<1x128xi32, #tpu.memory_space<vmem>>
      %dma_start3A_96 = tpu.memref_squeeze %dma_start3A_95 : memref<1x128xi32, #tpu.memory_space<vmem>> -> memref<128xi32, #tpu.memory_space<vmem>>
      %dma_start3A_97 = arith.constant 0 : i32
      %dma_start3A_98 = arith.constant 0 : i32
      %dma_start3A_99 = tpu.memref_slice %arg4[%dma_start3A_97, %dma_start3A_98] : memref<10000x128xbf16, #tpu.memory_space<hbm>> -> memref<10000x128xbf16, #tpu.memory_space<hbm>>
      tpu.enqueue_indirect_dma source(%dma_start3A_99 : memref<10000x128xbf16, #tpu.memory_space<hbm>>) target(%arg11 : memref<128x128xbf16, #tpu.memory_space<vmem>>) offsets(%dma_start3A_96 : memref<128xi32, #tpu.memory_space<vmem>>) semaphore(%arg16 : memref<!tpu.dma_semaphore, #tpu.memory_space<semaphore_mem>>)
      %add3A_100 = arith.addi %mul3A_4, %add3A_93 : i32
      %min3A_101 = arith.constant 1279 : i32
      %min3A_102 = arith.minsi %add3A_100, %min3A_101 : i32
      %mul3A_103 = arith.constant 128 : i32
      %mul3A_104 = arith.muli %min3A_102, %mul3A_103 : i32
      %multiple_of3A_105 = tpu.assume_multiple %mul3A_104, 128 : i32
      %dma_start3A_106 = arith.constant 0 : i32
      %dma_start3A_107 = tpu.memref_slice %arg5[%multiple_of3A_105, %dma_start3A_106] : memref<163840x128xbf16, #tpu.memory_space<hbm>> -> memref<128x128xbf16, #tpu.memory_space<hbm>>
      %dma_start3A_108 = arith.constant 0 : i32
      %dma_start3A_109 = tpu.memref_slice %arg5[%multiple_of3A_105, %dma_start3A_108] : memref<163840x128xbf16, #tpu.memory_space<hbm>> -> memref<128x128xbf16, #tpu.memory_space<hbm>>
      tpu.enqueue_dma source(%dma_start3A_109 : memref<128x128xbf16, #tpu.memory_space<hbm>>) target(%arg13 : memref<128x128xbf16, #tpu.memory_space<vmem>>) target_semaphore(%arg18 : memref<!tpu.dma_semaphore, #tpu.memory_space<semaphore_mem>>)
      %dma_wait3A_110 = arith.constant 0 : i32
      %dma_wait3A_111 = arith.constant 0 : i32
      %dma_wait3A_112 = tpu.memref_slice %arg8[%dma_wait3A_110, %dma_wait3A_111] : memref<41x128xi32, #tpu.memory_space<vmem>> -> memref<1x128xi32, #tpu.memory_space<vmem>>
      %dma_wait3A_113 = tpu.memref_squeeze %dma_wait3A_112 : memref<1x128xi32, #tpu.memory_space<vmem>> -> memref<128xi32, #tpu.memory_space<vmem>>
      %dma_wait3A_114 = arith.constant 0 : i32
      %dma_wait3A_115 = arith.constant 0 : i32
      %dma_wait3A_116 = tpu.memref_slice %arg4[%dma_wait3A_114, %dma_wait3A_115] : memref<10000x128xbf16, #tpu.memory_space<hbm>> -> memref<10000x128xbf16, #tpu.memory_space<hbm>>
      tpu.wait_indirect_dma semaphore(%arg15 : memref<!tpu.dma_semaphore, #tpu.memory_space<semaphore_mem>>) src(%dma_wait3A_116 : memref<10000x128xbf16, #tpu.memory_space<hbm>>) dst(%arg10 : memref<128x128xbf16, #tpu.memory_space<vmem>>)
      %dma_wait3A_117 = arith.constant 0 : i32
      %dma_wait3A_118 = arith.constant 0 : i32
      %dma_wait3A_119 = tpu.memref_slice %arg5[%dma_wait3A_117, %dma_wait3A_118] : memref<163840x128xbf16, #tpu.memory_space<hbm>> -> memref<128x128xbf16, #tpu.memory_space<hbm>>
      %dma_wait3A_120 = arith.constant 0 : i32
      %dma_wait3A_121 = arith.constant 0 : i32
      %dma_wait3A_122 = tpu.memref_slice %arg5[%dma_wait3A_120, %dma_wait3A_121] : memref<163840x128xbf16, #tpu.memory_space<hbm>> -> memref<128x128xbf16, #tpu.memory_space<hbm>>
      tpu.wait_dma2 semaphore(%arg17 : memref<!tpu.dma_semaphore, #tpu.memory_space<semaphore_mem>>) src(%dma_wait3A_122 : memref<128x128xbf16, #tpu.memory_space<hbm>>) dst(%arg12 : memref<128x128xbf16, #tpu.memory_space<vmem>>)
      %broadcast_in_dim3A_123 = arith.constant 0.000000e+00 : bf16
      %broadcast_in_dim3A_124 = vector.broadcast %broadcast_in_dim3A_123 : bf16 to vector<32xbf16>
      %scan3A_125 = arith.constant 0 : i32
      %scan3A_126 = arith.constant 0 : i32
      %scan3A_127 = arith.constant 128 : i32
      %scan3A_128 = arith.addi %scan3A_126, %scan3A_127 : i32
      %scan3A_129 = arith.constant 1 : i32
      scf.for %scan3A_172 = %scan3A_126 to %scan3A_128 step %scan3A_129  : i32 {
        %get3A = arith.index_cast %scan3A_172 : i32 to index
        %get3A_173 = arith.constant 0 : index
        %get3A_174 = tpu.vector_load %arg10[%get3A, %get3A_173] {strides = array<i32>} : memref<128x128xbf16, #tpu.memory_space<vmem>>, vector<32xbf16>,
        %get3A_175 = arith.index_cast %scan3A_172 : i32 to index
        %get3A_176 = arith.constant 0 : index
        %get3A_177 = tpu.vector_load %arg12[%get3A_175, %get3A_176] {strides = array<i32>} : memref<128x128xbf16, #tpu.memory_space<vmem>>, vector<32xbf16>,
        %add3A_178 = arith.addf %get3A_174, %get3A_177 : vector<32xbf16>
        %max3A = arith.maximumf %add3A_178, %broadcast_in_dim3A_124 : vector<32xbf16>
        %swap3A_179 = arith.index_cast %scan3A_172 : i32 to index
        %swap3A_180 = arith.constant 0 : index
        %swap3A_181 = tpu.vector_load %arg10[%swap3A_179, %swap3A_180] {strides = array<i32>} : memref<128x128xbf16, #tpu.memory_space<vmem>>, vector<32xbf16>,
        tpu.vector_store %arg10[%swap3A_179, %swap3A_180], %max3A {strides = array<i32>} : memref<128x128xbf16, #tpu.memory_space<vmem>>, vector<32xbf16>,
        %get3A_182 = arith.index_cast %scan3A_172 : i32 to index
        %get3A_183 = arith.constant 32 : index
        %get3A_184 = tpu.vector_load %arg10[%get3A_182, %get3A_183] {strides = array<i32>} : memref<128x128xbf16, #tpu.memory_space<vmem>>, vector<32xbf16>,
        %get3A_185 = arith.index_cast %scan3A_172 : i32 to index
        %get3A_186 = arith.constant 32 : index
        %get3A_187 = tpu.vector_load %arg12[%get3A_185, %get3A_186] {strides = array<i32>} : memref<128x128xbf16, #tpu.memory_space<vmem>>, vector<32xbf16>,
        %add3A_188 = arith.addf %get3A_184, %get3A_187 : vector<32xbf16>
        %max3A_189 = arith.maximumf %add3A_188, %broadcast_in_dim3A_124 : vector<32xbf16>
        %swap3A_190 = arith.index_cast %scan3A_172 : i32 to index
        %swap3A_191 = arith.constant 32 : index
        %swap3A_192 = tpu.vector_load %arg10[%swap3A_190, %swap3A_191] {strides = array<i32>} : memref<128x128xbf16, #tpu.memory_space<vmem>>, vector<32xbf16>,
        tpu.vector_store %arg10[%swap3A_190, %swap3A_191], %max3A_189 {strides = array<i32>} : memref<128x128xbf16, #tpu.memory_space<vmem>>, vector<32xbf16>,
        %get3A_193 = arith.index_cast %scan3A_172 : i32 to index
        %get3A_194 = arith.constant 64 : index
        %get3A_195 = tpu.vector_load %arg10[%get3A_193, %get3A_194] {strides = array<i32>} : memref<128x128xbf16, #tpu.memory_space<vmem>>, vector<32xbf16>,
        %get3A_196 = arith.index_cast %scan3A_172 : i32 to index
        %get3A_197 = arith.constant 64 : index
        %get3A_198 = tpu.vector_load %arg12[%get3A_196, %get3A_197] {strides = array<i32>} : memref<128x128xbf16, #tpu.memory_space<vmem>>, vector<32xbf16>,
        %add3A_199 = arith.addf %get3A_195, %get3A_198 : vector<32xbf16>
        %max3A_200 = arith.maximumf %add3A_199, %broadcast_in_dim3A_124 : vector<32xbf16>
        %swap3A_201 = arith.index_cast %scan3A_172 : i32 to index
        %swap3A_202 = arith.constant 64 : index
        %swap3A_203 = tpu.vector_load %arg10[%swap3A_201, %swap3A_202] {strides = array<i32>} : memref<128x128xbf16, #tpu.memory_space<vmem>>, vector<32xbf16>,
        tpu.vector_store %arg10[%swap3A_201, %swap3A_202], %max3A_200 {strides = array<i32>} : memref<128x128xbf16, #tpu.memory_space<vmem>>, vector<32xbf16>,
        %get3A_204 = arith.index_cast %scan3A_172 : i32 to index
        %get3A_205 = arith.constant 96 : index
        %get3A_206 = tpu.vector_load %arg10[%get3A_204, %get3A_205] {strides = array<i32>} : memref<128x128xbf16, #tpu.memory_space<vmem>>, vector<32xbf16>,
        %get3A_207 = arith.index_cast %scan3A_172 : i32 to index
        %get3A_208 = arith.constant 96 : index
        %get3A_209 = tpu.vector_load %arg12[%get3A_207, %get3A_208] {strides = array<i32>} : memref<128x128xbf16, #tpu.memory_space<vmem>>, vector<32xbf16>,
        %add3A_210 = arith.addf %get3A_206, %get3A_209 : vector<32xbf16>
        %max3A_211 = arith.maximumf %add3A_210, %broadcast_in_dim3A_124 : vector<32xbf16>
        %swap3A_212 = arith.index_cast %scan3A_172 : i32 to index
        %swap3A_213 = arith.constant 96 : index
        %swap3A_214 = tpu.vector_load %arg10[%swap3A_212, %swap3A_213] {strides = array<i32>} : memref<128x128xbf16, #tpu.memory_space<vmem>>, vector<32xbf16>,
        tpu.vector_store %arg10[%swap3A_212, %swap3A_213], %max3A_211 {strides = array<i32>} : memref<128x128xbf16, #tpu.memory_space<vmem>>, vector<32xbf16>,
      }
      %scan3A_130 = arith.constant 128 : i32
      "tpu.region"() ({
        %run_scoped3A = tpu.sem_alloc : memref<!tpu.dma_semaphore, #tpu.memory_space<semaphore_mem>>
        %dma_start3A_172 = arith.constant 0 : i32
        %dma_start3A_173 = tpu.memref_slice %arg9[%mul3A_91, %dma_start3A_172] : memref<41x128xi32, #tpu.memory_space<vmem>> -> memref<1x128xi32, #tpu.memory_space<vmem>>
        %dma_start3A_174 = tpu.memref_squeeze %dma_start3A_173 : memref<1x128xi32, #tpu.memory_space<vmem>> -> memref<128xi32, #tpu.memory_space<vmem>>
        %dma_start3A_175 = arith.constant 0 : i32
        %dma_start3A_176 = arith.constant 0 : i32
        %dma_start3A_177 = tpu.memref_slice %arg14[%dma_start3A_175, %dma_start3A_176] : memref<10016x128xbf16, #tpu.memory_space<vmem_shared>> -> memref<10016x128xbf16, #tpu.memory_space<vmem_shared>>
        tpu.enqueue_indirect_dma source(%arg10 : memref<128x128xbf16, #tpu.memory_space<vmem>>) target(%dma_start3A_177 : memref<10016x128xbf16, #tpu.memory_space<vmem_shared>>) offsets(%dma_start3A_174 : memref<128xi32, #tpu.memory_space<vmem>>) semaphore(%run_scoped3A : memref<!tpu.dma_semaphore, #tpu.memory_space<semaphore_mem>>) {add = true}
        %dma_wait3A_178 = arith.constant 0 : i32
        %dma_wait3A_179 = tpu.memref_slice %arg9[%mul3A_91, %dma_wait3A_178] : memref<41x128xi32, #tpu.memory_space<vmem>> -> memref<1x128xi32, #tpu.memory_space<vmem>>
        %dma_wait3A_180 = tpu.memref_squeeze %dma_wait3A_179 : memref<1x128xi32, #tpu.memory_space<vmem>> -> memref<128xi32, #tpu.memory_space<vmem>>
        %dma_wait3A_181 = arith.constant 0 : i32
        %dma_wait3A_182 = arith.constant 0 : i32
        %dma_wait3A_183 = tpu.memref_slice %arg14[%dma_wait3A_181, %dma_wait3A_182] : memref<10016x128xbf16, #tpu.memory_space<vmem_shared>> -> memref<10016x128xbf16, #tpu.memory_space<vmem_shared>>
        tpu.wait_indirect_dma semaphore(%run_scoped3A : memref<!tpu.dma_semaphore, #tpu.memory_space<semaphore_mem>>) src(%arg10 : memref<128x128xbf16, #tpu.memory_space<vmem>>) dst(%dma_wait3A_183 : memref<10016x128xbf16, #tpu.memory_space<vmem_shared>>)
        tpu.yield
      }) : () -> ()
      %add3A_131 = arith.constant 2 : i32
      %add3A_132 = arith.addi %mul3A_91, %add3A_131 : i32
      %dma_start3A_133 = arith.constant 0 : i32
      %dma_start3A_134 = tpu.memref_slice %arg8[%add3A_132, %dma_start3A_133] : memref<41x128xi32, #tpu.memory_space<vmem>> -> memref<1x128xi32, #tpu.memory_space<vmem>>
      %dma_start3A_135 = tpu.memref_squeeze %dma_start3A_134 : memref<1x128xi32, #tpu.memory_space<vmem>> -> memref<128xi32, #tpu.memory_space<vmem>>
      %dma_start3A_136 = arith.constant 0 : i32
      %dma_start3A_137 = arith.constant 0 : i32
      %dma_start3A_138 = tpu.memref_slice %arg4[%dma_start3A_136, %dma_start3A_137] : memref<10000x128xbf16, #tpu.memory_space<hbm>> -> memref<10000x128xbf16, #tpu.memory_space<hbm>>
      tpu.enqueue_indirect_dma source(%dma_start3A_138 : memref<10000x128xbf16, #tpu.memory_space<hbm>>) target(%arg10 : memref<128x128xbf16, #tpu.memory_space<vmem>>) offsets(%dma_start3A_135 : memref<128xi32, #tpu.memory_space<vmem>>) semaphore(%arg15 : memref<!tpu.dma_semaphore, #tpu.memory_space<semaphore_mem>>)
      %add3A_139 = arith.addi %mul3A_4, %add3A_132 : i32
      %min3A_140 = arith.constant 1279 : i32
      %min3A_141 = arith.minsi %add3A_139, %min3A_140 : i32
      %mul3A_142 = arith.constant 128 : i32
      %mul3A_143 = arith.muli %min3A_141, %mul3A_142 : i32
      %multiple_of3A_144 = tpu.assume_multiple %mul3A_143, 128 : i32
      %dma_start3A_145 = arith.constant 0 : i32
      %dma_start3A_146 = tpu.memref_slice %arg5[%multiple_of3A_144, %dma_start3A_145] : memref<163840x128xbf16, #tpu.memory_space<hbm>> -> memref<128x128xbf16, #tpu.memory_space<hbm>>
      %dma_start3A_147 = arith.constant 0 : i32
      %dma_start3A_148 = tpu.memref_slice %arg5[%multiple_of3A_144, %dma_start3A_147] : memref<163840x128xbf16, #tpu.memory_space<hbm>> -> memref<128x128xbf16, #tpu.memory_space<hbm>>
      tpu.enqueue_dma source(%dma_start3A_148 : memref<128x128xbf16, #tpu.memory_space<hbm>>) target(%arg12 : memref<128x128xbf16, #tpu.memory_space<vmem>>) target_semaphore(%arg17 : memref<!tpu.dma_semaphore, #tpu.memory_space<semaphore_mem>>)
      %add3A_149 = arith.constant 1 : i32
      %add3A_150 = arith.addi %mul3A_91, %add3A_149 : i32
      %dma_wait3A_151 = arith.constant 0 : i32
      %dma_wait3A_152 = arith.constant 0 : i32
      %dma_wait3A_153 = tpu.memref_slice %arg8[%dma_wait3A_151, %dma_wait3A_152] : memref<41x128xi32, #tpu.memory_space<vmem>> -> memref<1x128xi32, #tpu.memory_space<vmem>>
      %dma_wait3A_154 = tpu.memref_squeeze %dma_wait3A_153 : memref<1x128xi32, #tpu.memory_space<vmem>> -> memref<128xi32, #tpu.memory_space<vmem>>
      %dma_wait3A_155 = arith.constant 0 : i32
      %dma_wait3A_156 = arith.constant 0 : i32
      %dma_wait3A_157 = tpu.memref_slice %arg4[%dma_wait3A_155, %dma_wait3A_156] : memref<10000x128xbf16, #tpu.memory_space<hbm>> -> memref<10000x128xbf16, #tpu.memory_space<hbm>>
      tpu.wait_indirect_dma semaphore(%arg16 : memref<!tpu.dma_semaphore, #tpu.memory_space<semaphore_mem>>) src(%dma_wait3A_157 : memref<10000x128xbf16, #tpu.memory_space<hbm>>) dst(%arg11 : memref<128x128xbf16, #tpu.memory_space<vmem>>)
      %dma_wait3A_158 = arith.constant 0 : i32
      %dma_wait3A_159 = arith.constant 0 : i32
      %dma_wait3A_160 = tpu.memref_slice %arg5[%dma_wait3A_158, %dma_wait3A_159] : memref<163840x128xbf16, #tpu.memory_space<hbm>> -> memref<128x128xbf16, #tpu.memory_space<hbm>>
      %dma_wait3A_161 = arith.constant 0 : i32
      %dma_wait3A_162 = arith.constant 0 : i32
      %dma_wait3A_163 = tpu.memref_slice %arg5[%dma_wait3A_161, %dma_wait3A_162] : memref<163840x128xbf16, #tpu.memory_space<hbm>> -> memref<128x128xbf16, #tpu.memory_space<hbm>>
      tpu.wait_dma2 semaphore(%arg18 : memref<!tpu.dma_semaphore, #tpu.memory_space<semaphore_mem>>) src(%dma_wait3A_163 : memref<128x128xbf16, #tpu.memory_space<hbm>>) dst(%arg13 : memref<128x128xbf16, #tpu.memory_space<vmem>>)
      %broadcast_in_dim3A_164 = arith.constant 0.000000e+00 : bf16
      %broadcast_in_dim3A_165 = vector.broadcast %broadcast_in_dim3A_164 : bf16 to vector<32xbf16>
      %scan3A_166 = arith.constant 0 : i32
      %scan3A_167 = arith.constant 0 : i32
      %scan3A_168 = arith.constant 128 : i32
      %scan3A_169 = arith.addi %scan3A_167, %scan3A_168 : i32
      %scan3A_170 = arith.constant 1 : i32
      scf.for %scan3A_172 = %scan3A_167 to %scan3A_169 step %scan3A_170  : i32 {
        %get3A = arith.index_cast %scan3A_172 : i32 to index
        %get3A_173 = arith.constant 0 : index
        %get3A_174 = tpu.vector_load %arg11[%get3A, %get3A_173] {strides = array<i32>} : memref<128x128xbf16, #tpu.memory_space<vmem>>, vector<32xbf16>,
        %get3A_175 = arith.index_cast %scan3A_172 : i32 to index
        %get3A_176 = arith.constant 0 : index
        %get3A_177 = tpu.vector_load %arg13[%get3A_175, %get3A_176] {strides = array<i32>} : memref<128x128xbf16, #tpu.memory_space<vmem>>, vector<32xbf16>,
        %add3A_178 = arith.addf %get3A_174, %get3A_177 : vector<32xbf16>
        %max3A = arith.maximumf %add3A_178, %broadcast_in_dim3A_165 : vector<32xbf16>
        %swap3A_179 = arith.index_cast %scan3A_172 : i32 to index
        %swap3A_180 = arith.constant 0 : index
        %swap3A_181 = tpu.vector_load %arg11[%swap3A_179, %swap3A_180] {strides = array<i32>} : memref<128x128xbf16, #tpu.memory_space<vmem>>, vector<32xbf16>,
        tpu.vector_store %arg11[%swap3A_179, %swap3A_180], %max3A {strides = array<i32>} : memref<128x128xbf16, #tpu.memory_space<vmem>>, vector<32xbf16>,
        %get3A_182 = arith.index_cast %scan3A_172 : i32 to index
        %get3A_183 = arith.constant 32 : index
        %get3A_184 = tpu.vector_load %arg11[%get3A_182, %get3A_183] {strides = array<i32>} : memref<128x128xbf16, #tpu.memory_space<vmem>>, vector<32xbf16>,
        %get3A_185 = arith.index_cast %scan3A_172 : i32 to index
        %get3A_186 = arith.constant 32 : index
        %get3A_187 = tpu.vector_load %arg13[%get3A_185, %get3A_186] {strides = array<i32>} : memref<128x128xbf16, #tpu.memory_space<vmem>>, vector<32xbf16>,
        %add3A_188 = arith.addf %get3A_184, %get3A_187 : vector<32xbf16>
        %max3A_189 = arith.maximumf %add3A_188, %broadcast_in_dim3A_165 : vector<32xbf16>
        %swap3A_190 = arith.index_cast %scan3A_172 : i32 to index
        %swap3A_191 = arith.constant 32 : index
        %swap3A_192 = tpu.vector_load %arg11[%swap3A_190, %swap3A_191] {strides = array<i32>} : memref<128x128xbf16, #tpu.memory_space<vmem>>, vector<32xbf16>,
        tpu.vector_store %arg11[%swap3A_190, %swap3A_191], %max3A_189 {strides = array<i32>} : memref<128x128xbf16, #tpu.memory_space<vmem>>, vector<32xbf16>,
        %get3A_193 = arith.index_cast %scan3A_172 : i32 to index
        %get3A_194 = arith.constant 64 : index
        %get3A_195 = tpu.vector_load %arg11[%get3A_193, %get3A_194] {strides = array<i32>} : memref<128x128xbf16, #tpu.memory_space<vmem>>, vector<32xbf16>,
        %get3A_196 = arith.index_cast %scan3A_172 : i32 to index
        %get3A_197 = arith.constant 64 : index
        %get3A_198 = tpu.vector_load %arg13[%get3A_196, %get3A_197] {strides = array<i32>} : memref<128x128xbf16, #tpu.memory_space<vmem>>, vector<32xbf16>,
        %add3A_199 = arith.addf %get3A_195, %get3A_198 : vector<32xbf16>
        %max3A_200 = arith.maximumf %add3A_199, %broadcast_in_dim3A_165 : vector<32xbf16>
        %swap3A_201 = arith.index_cast %scan3A_172 : i32 to index
        %swap3A_202 = arith.constant 64 : index
        %swap3A_203 = tpu.vector_load %arg11[%swap3A_201, %swap3A_202] {strides = array<i32>} : memref<128x128xbf16, #tpu.memory_space<vmem>>, vector<32xbf16>,
        tpu.vector_store %arg11[%swap3A_201, %swap3A_202], %max3A_200 {strides = array<i32>} : memref<128x128xbf16, #tpu.memory_space<vmem>>, vector<32xbf16>,
        %get3A_204 = arith.index_cast %scan3A_172 : i32 to index
        %get3A_205 = arith.constant 96 : index
        %get3A_206 = tpu.vector_load %arg11[%get3A_204, %get3A_205] {strides = array<i32>} : memref<128x128xbf16, #tpu.memory_space<vmem>>, vector<32xbf16>,
        %get3A_207 = arith.index_cast %scan3A_172 : i32 to index
        %get3A_208 = arith.constant 96 : index
        %get3A_209 = tpu.vector_load %arg13[%get3A_207, %get3A_208] {strides = array<i32>} : memref<128x128xbf16, #tpu.memory_space<vmem>>, vector<32xbf16>,
        %add3A_210 = arith.addf %get3A_206, %get3A_209 : vector<32xbf16>
        %max3A_211 = arith.maximumf %add3A_210, %broadcast_in_dim3A_165 : vector<32xbf16>
        %swap3A_212 = arith.index_cast %scan3A_172 : i32 to index
        %swap3A_213 = arith.constant 96 : index
        %swap3A_214 = tpu.vector_load %arg11[%swap3A_212, %swap3A_213] {strides = array<i32>} : memref<128x128xbf16, #tpu.memory_space<vmem>>, vector<32xbf16>,
        tpu.vector_store %arg11[%swap3A_212, %swap3A_213], %max3A_211 {strides = array<i32>} : memref<128x128xbf16, #tpu.memory_space<vmem>>, vector<32xbf16>,
      }
      %scan3A_171 = arith.constant 128 : i32
      "tpu.region"() ({
        %run_scoped3A = tpu.sem_alloc : memref<!tpu.dma_semaphore, #tpu.memory_space<semaphore_mem>>
        %dma_start3A_172 = arith.constant 0 : i32
        %dma_start3A_173 = tpu.memref_slice %arg9[%add3A_150, %dma_start3A_172] : memref<41x128xi32, #tpu.memory_space<vmem>> -> memref<1x128xi32, #tpu.memory_space<vmem>>
        %dma_start3A_174 = tpu.memref_squeeze %dma_start3A_173 : memref<1x128xi32, #tpu.memory_space<vmem>> -> memref<128xi32, #tpu.memory_space<vmem>>
        %dma_start3A_175 = arith.constant 0 : i32
        %dma_start3A_176 = arith.constant 0 : i32
        %dma_start3A_177 = tpu.memref_slice %arg14[%dma_start3A_175, %dma_start3A_176] : memref<10016x128xbf16, #tpu.memory_space<vmem_shared>> -> memref<10016x128xbf16, #tpu.memory_space<vmem_shared>>
        tpu.enqueue_indirect_dma source(%arg11 : memref<128x128xbf16, #tpu.memory_space<vmem>>) target(%dma_start3A_177 : memref<10016x128xbf16, #tpu.memory_space<vmem_shared>>) offsets(%dma_start3A_174 : memref<128xi32, #tpu.memory_space<vmem>>) semaphore(%run_scoped3A : memref<!tpu.dma_semaphore, #tpu.memory_space<semaphore_mem>>) {add = true}
        %dma_wait3A_178 = arith.constant 0 : i32
        %dma_wait3A_179 = tpu.memref_slice %arg9[%add3A_150, %dma_wait3A_178] : memref<41x128xi32, #tpu.memory_space<vmem>> -> memref<1x128xi32, #tpu.memory_space<vmem>>
        %dma_wait3A_180 = tpu.memref_squeeze %dma_wait3A_179 : memref<1x128xi32, #tpu.memory_space<vmem>> -> memref<128xi32, #tpu.memory_space<vmem>>
        %dma_wait3A_181 = arith.constant 0 : i32
        %dma_wait3A_182 = arith.constant 0 : i32
        %dma_wait3A_183 = tpu.memref_slice %arg14[%dma_wait3A_181, %dma_wait3A_182] : memref<10016x128xbf16, #tpu.memory_space<vmem_shared>> -> memref<10016x128xbf16, #tpu.memory_space<vmem_shared>>
        tpu.wait_indirect_dma semaphore(%run_scoped3A : memref<!tpu.dma_semaphore, #tpu.memory_space<semaphore_mem>>) src(%arg11 : memref<128x128xbf16, #tpu.memory_space<vmem>>) dst(%dma_wait3A_183 : memref<10016x128xbf16, #tpu.memory_space<vmem_shared>>)
        tpu.yield
      }) : () -> ()
    }
    %scan3A_70 = arith.constant 20 : i32
    %dma_wait3A = arith.constant 0 : i32
    %dma_wait3A_71 = arith.constant 0 : i32
    %dma_wait3A_72 = tpu.memref_slice %arg8[%dma_wait3A, %dma_wait3A_71] : memref<41x128xi32, #tpu.memory_space<vmem>> -> memref<1x128xi32, #tpu.memory_space<vmem>>
    %dma_wait3A_73 = tpu.memref_squeeze %dma_wait3A_72 : memref<1x128xi32, #tpu.memory_space<vmem>> -> memref<128xi32, #tpu.memory_space<vmem>>
    %dma_wait3A_74 = arith.constant 0 : i32
    %dma_wait3A_75 = arith.constant 0 : i32
    %dma_wait3A_76 = tpu.memref_slice %arg4[%dma_wait3A_74, %dma_wait3A_75] : memref<10000x128xbf16, #tpu.memory_space<hbm>> -> memref<10000x128xbf16, #tpu.memory_space<hbm>>
    tpu.wait_indirect_dma semaphore(%arg15 : memref<!tpu.dma_semaphore, #tpu.memory_space<semaphore_mem>>) src(%dma_wait3A_76 : memref<10000x128xbf16, #tpu.memory_space<hbm>>) dst(%arg10 : memref<128x128xbf16, #tpu.memory_space<vmem>>)
    %dma_wait3A_77 = arith.constant 0 : i32
    %dma_wait3A_78 = arith.constant 0 : i32
    %dma_wait3A_79 = tpu.memref_slice %arg5[%dma_wait3A_77, %dma_wait3A_78] : memref<163840x128xbf16, #tpu.memory_space<hbm>> -> memref<128x128xbf16, #tpu.memory_space<hbm>>
    %dma_wait3A_80 = arith.constant 0 : i32
    %dma_wait3A_81 = arith.constant 0 : i32
    %dma_wait3A_82 = tpu.memref_slice %arg5[%dma_wait3A_80, %dma_wait3A_81] : memref<163840x128xbf16, #tpu.memory_space<hbm>> -> memref<128x128xbf16, #tpu.memory_space<hbm>>
    tpu.wait_dma2 semaphore(%arg17 : memref<!tpu.dma_semaphore, #tpu.memory_space<semaphore_mem>>) src(%dma_wait3A_82 : memref<128x128xbf16, #tpu.memory_space<hbm>>) dst(%arg12 : memref<128x128xbf16, #tpu.memory_space<vmem>>)
    %barrier3A_83 = arith.constant 0 : index
    tpu.barrier barrier_id(%barrier3A_83)
    %eq3A_84 = arith.constant 0 : i32
    %eq3A_85 = arith.cmpi eq, %arg1, %eq3A_84 : i32
    %convert_element_type3A_86 = arith.extui %eq3A_85 : i1 to i32
    %cond3A_87 = arith.constant 0 : i32
    %cond3A_88 = arith.cmpi ne, %convert_element_type3A_86, %cond3A_87 : i32
    scf.if %cond3A_88 {
      "tpu.region"() ({
        %run_scoped3A = tpu.sem_alloc : memref<!tpu.dma_semaphore, #tpu.memory_space<semaphore_mem>>
        %dma_start3A_89 = arith.constant 0 : i32
        %dma_start3A_90 = arith.constant 0 : i32
        %dma_start3A_91 = tpu.memref_slice %arg7[%arg0, %dma_start3A_89, %dma_start3A_90] : memref<2x10000x128xbf16, #tpu.memory_space<hbm>> -> memref<1x10000x128xbf16, #tpu.memory_space<hbm>>
        %dma_start3A_92 = tpu.memref_squeeze %dma_start3A_91 : memref<1x10000x128xbf16, #tpu.memory_space<hbm>> -> memref<10000x128xbf16, #tpu.memory_space<hbm>>
        %dma_start3A_93 = arith.constant 0 : i32
        %dma_start3A_94 = arith.constant 0 : i32
        %dma_start3A_95 = tpu.memref_slice %arg14[%dma_start3A_93, %dma_start3A_94] : memref<10016x128xbf16, #tpu.memory_space<vmem_shared>> -> memref<10000x128xbf16, #tpu.memory_space<vmem_shared>>
        tpu.enqueue_dma source(%dma_start3A_95 : memref<10000x128xbf16, #tpu.memory_space<vmem_shared>>) target(%dma_start3A_92 : memref<10000x128xbf16, #tpu.memory_space<hbm>>) target_semaphore(%run_scoped3A : memref<!tpu.dma_semaphore, #tpu.memory_space<semaphore_mem>>)
        %dma_wait3A_96 = arith.constant 0 : i32
        %dma_wait3A_97 = arith.constant 0 : i32
        %dma_wait3A_98 = tpu.memref_slice %arg7[%arg0, %dma_wait3A_96, %dma_wait3A_97] : memref<2x10000x128xbf16, #tpu.memory_space<hbm>> -> memref<1x10000x128xbf16, #tpu.memory_space<hbm>>
        %dma_wait3A_99 = tpu.memref_squeeze %dma_wait3A_98 : memref<1x10000x128xbf16, #tpu.memory_space<hbm>> -> memref<10000x128xbf16, #tpu.memory_space<hbm>>
        %dma_wait3A_100 = arith.constant 0 : i32
        %dma_wait3A_101 = arith.constant 0 : i32
        %dma_wait3A_102 = tpu.memref_slice %arg14[%dma_wait3A_100, %dma_wait3A_101] : memref<10016x128xbf16, #tpu.memory_space<vmem_shared>> -> memref<10000x128xbf16, #tpu.memory_space<vmem_shared>>
        tpu.wait_dma2 semaphore(%run_scoped3A : memref<!tpu.dma_semaphore, #tpu.memory_space<semaphore_mem>>) src(%dma_wait3A_102 : memref<10000x128xbf16, #tpu.memory_space<vmem_shared>>) dst(%dma_wait3A_99 : memref<10000x128xbf16, #tpu.memory_space<hbm>>)
        tpu.yield
      }) : () -> ()
    } else {
    }
    return
  }
}

#map = affine_map<(d0, d1) -> (0, 0)>
#map1 = affine_map<(d0, d1) -> (0)>
#map2 = affine_map<(d0, d1) -> (0, 0, 0)>
module attributes {stable_mosaic.version = 14 : i64} {
  func.func @_gat_sc_body(%arg0: i32, %arg1: i32, %arg2: memref<2560x128xi32, #tpu.memory_space<hbm>>, %arg3: memref<2560x128xi32, #tpu.memory_space<hbm>>, %arg4: memref<10000xf32, #tpu.memory_space<hbm>>, %arg5: memref<10000xf32, #tpu.memory_space<hbm>>, %arg6: memref<10000x128xbf16, #tpu.memory_space<hbm>>, %arg7: memref<10000x128xbf16, #tpu.memory_space<hbm>>, %arg8: memref<2x10000x128xbf16, #tpu.memory_space<hbm>>, %arg9: memref<32x10000xf32, #tpu.memory_space<hbm>>, %arg10: memref<10016xf32, #tpu.memory_space<vmem>>, %arg11: memref<10016xf32, #tpu.memory_space<vmem>>, %arg12: memref<10016xf32, #tpu.memory_space<vmem>>, %arg13: memref<128xi32, #tpu.memory_space<vmem>>, %arg14: memref<128xi32, #tpu.memory_space<vmem>>, %arg15: memref<128xi32, #tpu.memory_space<vmem>>, %arg16: memref<128xi32, #tpu.memory_space<vmem>>, %arg17: memref<128xf32, #tpu.memory_space<vmem>>, %arg18: memref<128x128xbf16, #tpu.memory_space<vmem>>, %arg19: memref<128x128xbf16, #tpu.memory_space<vmem>>, %arg20: memref<10016x128xbf16, #tpu.memory_space<vmem_shared>>, %arg21: memref<!tpu.dma_semaphore, #tpu.memory_space<semaphore_mem>>, %arg22: memref<!tpu.dma_semaphore, #tpu.memory_space<semaphore_mem>>, %arg23: memref<!tpu.dma_semaphore, #tpu.memory_space<semaphore_mem>>, %arg24: memref<!tpu.dma_semaphore, #tpu.memory_space<semaphore_mem>>) attributes {dimension_semantics = [#tpu.dimension_semantics<core_parallel>, #tpu.dimension_semantics<subcore_parallel>], iteration_bounds = array<i64: 2, 16>, scalar_prefetch = 0 : i64, scratch_operands = 15 : i64, tpu.core_type = #tpu.core_type<sc_vector_subcore>, window_params = [{transform_indices = #map}, {transform_indices = #map}, {transform_indices = #map1}, {transform_indices = #map1}, {transform_indices = #map}, {transform_indices = #map}, {transform_indices = #map2}, {transform_indices = #map}]} {
    %mul3A = arith.constant 16 : i32
    %mul3A_0 = arith.muli %arg0, %mul3A : i32
    %add3A = arith.addi %mul3A_0, %arg1 : i32
    %eq3A = arith.constant 0 : i32
    %eq3A_1 = arith.cmpi eq, %arg1, %eq3A : i32
    %convert_element_type3A = arith.extui %eq3A_1 : i1 to i32
    %cond3A = arith.constant 0 : i32
    %cond3A_2 = arith.cmpi ne, %convert_element_type3A, %cond3A : i32
    scf.if %cond3A_2 {
      "tpu.region"() ({
        %run_scoped3A = tpu.sem_alloc : memref<!tpu.dma_semaphore, #tpu.memory_space<semaphore_mem>>
        %dma_start3A_92 = arith.constant 0 : i32
        %dma_start3A_93 = arith.constant 0 : i32
        %dma_start3A_94 = tpu.memref_slice %arg20[%dma_start3A_92, %dma_start3A_93] : memref<10016x128xbf16, #tpu.memory_space<vmem_shared>> -> memref<10000x128xbf16, #tpu.memory_space<vmem_shared>>
        tpu.enqueue_dma source(%arg7 : memref<10000x128xbf16, #tpu.memory_space<hbm>>) target(%dma_start3A_94 : memref<10000x128xbf16, #tpu.memory_space<vmem_shared>>) target_semaphore(%run_scoped3A : memref<!tpu.dma_semaphore, #tpu.memory_space<semaphore_mem>>)
        %dma_wait3A_95 = arith.constant 0 : i32
        %dma_wait3A_96 = arith.constant 0 : i32
        %dma_wait3A_97 = tpu.memref_slice %arg20[%dma_wait3A_95, %dma_wait3A_96] : memref<10016x128xbf16, #tpu.memory_space<vmem_shared>> -> memref<10000x128xbf16, #tpu.memory_space<vmem_shared>>
        tpu.wait_dma2 semaphore(%run_scoped3A : memref<!tpu.dma_semaphore, #tpu.memory_space<semaphore_mem>>) src(%arg7 : memref<10000x128xbf16, #tpu.memory_space<hbm>>) dst(%dma_wait3A_97 : memref<10000x128xbf16, #tpu.memory_space<vmem_shared>>)
        tpu.yield
      }) : () -> ()
    } else {
    }
    "tpu.region"() ({
      %run_scoped3A = tpu.sem_alloc : memref<!tpu.dma_semaphore, #tpu.memory_space<semaphore_mem>>
      %dma_start3A_92 = arith.constant 0 : i32
      %dma_start3A_93 = tpu.memref_slice %arg10[%dma_start3A_92] : memref<10016xf32, #tpu.memory_space<vmem>> -> memref<10000xf32, #tpu.memory_space<vmem>>
      %dma_start3A_94 = arith.constant 0 : i32
      %dma_start3A_95 = tpu.memref_slice %arg10[%dma_start3A_94] : memref<10016xf32, #tpu.memory_space<vmem>> -> memref<10000xf32, #tpu.memory_space<vmem>>
      tpu.enqueue_dma source(%arg4 : memref<10000xf32, #tpu.memory_space<hbm>>) target(%dma_start3A_95 : memref<10000xf32, #tpu.memory_space<vmem>>) target_semaphore(%run_scoped3A : memref<!tpu.dma_semaphore, #tpu.memory_space<semaphore_mem>>)
      %dma_wait3A_96 = arith.constant 0 : i32
      %dma_wait3A_97 = tpu.memref_slice %arg10[%dma_wait3A_96] : memref<10016xf32, #tpu.memory_space<vmem>> -> memref<10000xf32, #tpu.memory_space<vmem>>
      %dma_wait3A_98 = arith.constant 0 : i32
      %dma_wait3A_99 = tpu.memref_slice %arg10[%dma_wait3A_98] : memref<10016xf32, #tpu.memory_space<vmem>> -> memref<10000xf32, #tpu.memory_space<vmem>>
      tpu.wait_dma2 semaphore(%run_scoped3A : memref<!tpu.dma_semaphore, #tpu.memory_space<semaphore_mem>>) src(%arg4 : memref<10000xf32, #tpu.memory_space<hbm>>) dst(%dma_wait3A_99 : memref<10000xf32, #tpu.memory_space<vmem>>)
      tpu.yield
    }) : () -> ()
    "tpu.region"() ({
      %run_scoped3A = tpu.sem_alloc : memref<!tpu.dma_semaphore, #tpu.memory_space<semaphore_mem>>
      %dma_start3A_92 = arith.constant 0 : i32
      %dma_start3A_93 = tpu.memref_slice %arg11[%dma_start3A_92] : memref<10016xf32, #tpu.memory_space<vmem>> -> memref<10000xf32, #tpu.memory_space<vmem>>
      %dma_start3A_94 = arith.constant 0 : i32
      %dma_start3A_95 = tpu.memref_slice %arg11[%dma_start3A_94] : memref<10016xf32, #tpu.memory_space<vmem>> -> memref<10000xf32, #tpu.memory_space<vmem>>
      tpu.enqueue_dma source(%arg5 : memref<10000xf32, #tpu.memory_space<hbm>>) target(%dma_start3A_95 : memref<10000xf32, #tpu.memory_space<vmem>>) target_semaphore(%run_scoped3A : memref<!tpu.dma_semaphore, #tpu.memory_space<semaphore_mem>>)
      %dma_wait3A_96 = arith.constant 0 : i32
      %dma_wait3A_97 = tpu.memref_slice %arg11[%dma_wait3A_96] : memref<10016xf32, #tpu.memory_space<vmem>> -> memref<10000xf32, #tpu.memory_space<vmem>>
      %dma_wait3A_98 = arith.constant 0 : i32
      %dma_wait3A_99 = tpu.memref_slice %arg11[%dma_wait3A_98] : memref<10016xf32, #tpu.memory_space<vmem>> -> memref<10000xf32, #tpu.memory_space<vmem>>
      tpu.wait_dma2 semaphore(%run_scoped3A : memref<!tpu.dma_semaphore, #tpu.memory_space<semaphore_mem>>) src(%arg5 : memref<10000xf32, #tpu.memory_space<hbm>>) dst(%dma_wait3A_99 : memref<10000xf32, #tpu.memory_space<vmem>>)
      tpu.yield
    }) : () -> ()
    %broadcast_in_dim3A = arith.constant 0.000000e+00 : f32
    %broadcast_in_dim3A_3 = vector.broadcast %broadcast_in_dim3A : f32 to vector<16xf32>
    %swap3A = arith.constant 10000 : index
    %swap3A_4 = tpu.vector_load %arg10[%swap3A] {strides = array<i32>} : memref<10016xf32, #tpu.memory_space<vmem>>, vector<16xf32>,
    tpu.vector_store %arg10[%swap3A], %broadcast_in_dim3A_3 {strides = array<i32>} : memref<10016xf32, #tpu.memory_space<vmem>>, vector<16xf32>,
    %broadcast_in_dim3A_5 = arith.constant 0.000000e+00 : f32
    %broadcast_in_dim3A_6 = vector.broadcast %broadcast_in_dim3A_5 : f32 to vector<16xf32>
    %swap3A_7 = arith.constant 10000 : index
    %swap3A_8 = tpu.vector_load %arg11[%swap3A_7] {strides = array<i32>} : memref<10016xf32, #tpu.memory_space<vmem>>, vector<16xf32>,
    tpu.vector_store %arg11[%swap3A_7], %broadcast_in_dim3A_6 {strides = array<i32>} : memref<10016xf32, #tpu.memory_space<vmem>>, vector<16xf32>,
    %scan3A = arith.constant 0 : i32
    %scan3A_9 = arith.constant 0 : i32
    %scan3A_10 = arith.constant 626 : i32
    %scan3A_11 = arith.addi %scan3A_9, %scan3A_10 : i32
    %scan3A_12 = arith.constant 1 : i32
    scf.for %scan3A_92 = %scan3A_9 to %scan3A_11 step %scan3A_12  : i32 {
      %broadcast_in_dim3A_93 = arith.constant 0.000000e+00 : f32
      %broadcast_in_dim3A_94 = vector.broadcast %broadcast_in_dim3A_93 : f32 to vector<16xf32>
      %mul3A_95 = arith.constant 16 : i32
      %mul3A_96 = arith.muli %scan3A_92, %mul3A_95 : i32
      %swap3A_97 = arith.index_cast %mul3A_96 : i32 to index
      %swap3A_98 = tpu.vector_load %arg12[%swap3A_97] {strides = array<i32>} : memref<10016xf32, #tpu.memory_space<vmem>>, vector<16xf32>,
      tpu.vector_store %arg12[%swap3A_97], %broadcast_in_dim3A_94 {strides = array<i32>} : memref<10016xf32, #tpu.memory_space<vmem>>, vector<16xf32>,
    }
    %scan3A_13 = arith.constant 626 : i32
    %barrier3A = arith.constant 0 : index
    tpu.barrier barrier_id(%barrier3A)
    %mul3A_14 = arith.constant 80 : i32
    %mul3A_15 = arith.muli %add3A, %mul3A_14 : i32
    %add3A_16 = arith.constant 0 : i32
    %add3A_17 = arith.addi %mul3A_15, %add3A_16 : i32
    %dma_start3A = arith.constant 0 : i32
    %dma_start3A_18 = tpu.memref_slice %arg2[%add3A_17, %dma_start3A] : memref<2560x128xi32, #tpu.memory_space<hbm>> -> memref<1x128xi32, #tpu.memory_space<hbm>>
    %dma_start3A_19 = tpu.memref_squeeze %dma_start3A_18 : memref<1x128xi32, #tpu.memory_space<hbm>> -> memref<128xi32, #tpu.memory_space<hbm>>
    %dma_start3A_20 = arith.constant 0 : i32
    %dma_start3A_21 = tpu.memref_slice %arg2[%add3A_17, %dma_start3A_20] : memref<2560x128xi32, #tpu.memory_space<hbm>> -> memref<1x128xi32, #tpu.memory_space<hbm>>
    %dma_start3A_22 = tpu.memref_squeeze %dma_start3A_21 : memref<1x128xi32, #tpu.memory_space<hbm>> -> memref<128xi32, #tpu.memory_space<hbm>>
    tpu.enqueue_dma source(%dma_start3A_22 : memref<128xi32, #tpu.memory_space<hbm>>) target(%arg13 : memref<128xi32, #tpu.memory_space<vmem>>) target_semaphore(%arg23 : memref<!tpu.dma_semaphore, #tpu.memory_space<semaphore_mem>>)
    %add3A_23 = arith.constant 0 : i32
    %add3A_24 = arith.addi %mul3A_15, %add3A_23 : i32
    %dma_start3A_25 = arith.constant 0 : i32
    %dma_start3A_26 = tpu.memref_slice %arg3[%add3A_24, %dma_start3A_25] : memref<2560x128xi32, #tpu.memory_space<hbm>> -> memref<1x128xi32, #tpu.memory_space<hbm>>
    %dma_start3A_27 = tpu.memref_squeeze %dma_start3A_26 : memref<1x128xi32, #tpu.memory_space<hbm>> -> memref<128xi32, #tpu.memory_space<hbm>>
    %dma_start3A_28 = arith.constant 0 : i32
    %dma_start3A_29 = tpu.memref_slice %arg3[%add3A_24, %dma_start3A_28] : memref<2560x128xi32, #tpu.memory_space<hbm>> -> memref<1x128xi32, #tpu.memory_space<hbm>>
    %dma_start3A_30 = tpu.memref_squeeze %dma_start3A_29 : memref<1x128xi32, #tpu.memory_space<hbm>> -> memref<128xi32, #tpu.memory_space<hbm>>
    tpu.enqueue_dma source(%dma_start3A_30 : memref<128xi32, #tpu.memory_space<hbm>>) target(%arg14 : memref<128xi32, #tpu.memory_space<vmem>>) target_semaphore(%arg23 : memref<!tpu.dma_semaphore, #tpu.memory_space<semaphore_mem>>)
    %dma_wait3A = arith.constant 0 : i32
    %dma_wait3A_31 = arith.constant 0 : i32
    %dma_wait3A_32 = tpu.memref_slice %arg2[%dma_wait3A, %dma_wait3A_31] : memref<2560x128xi32, #tpu.memory_space<hbm>> -> memref<1x128xi32, #tpu.memory_space<hbm>>
    %dma_wait3A_33 = tpu.memref_squeeze %dma_wait3A_32 : memref<1x128xi32, #tpu.memory_space<hbm>> -> memref<128xi32, #tpu.memory_space<hbm>>
    %dma_wait3A_34 = arith.constant 0 : i32
    %dma_wait3A_35 = tpu.memref_slice %arg2[%dma_wait3A, %dma_wait3A_34] : memref<2560x128xi32, #tpu.memory_space<hbm>> -> memref<1x128xi32, #tpu.memory_space<hbm>>
    %dma_wait3A_36 = tpu.memref_squeeze %dma_wait3A_35 : memref<1x128xi32, #tpu.memory_space<hbm>> -> memref<128xi32, #tpu.memory_space<hbm>>
    tpu.wait_dma2 semaphore(%arg23 : memref<!tpu.dma_semaphore, #tpu.memory_space<semaphore_mem>>) src(%dma_wait3A_36 : memref<128xi32, #tpu.memory_space<hbm>>) dst(%arg13 : memref<128xi32, #tpu.memory_space<vmem>>)
    %dma_wait3A_37 = arith.constant 0 : i32
    %dma_wait3A_38 = arith.constant 0 : i32
    %dma_wait3A_39 = tpu.memref_slice %arg3[%dma_wait3A_37, %dma_wait3A_38] : memref<2560x128xi32, #tpu.memory_space<hbm>> -> memref<1x128xi32, #tpu.memory_space<hbm>>
    %dma_wait3A_40 = tpu.memref_squeeze %dma_wait3A_39 : memref<1x128xi32, #tpu.memory_space<hbm>> -> memref<128xi32, #tpu.memory_space<hbm>>
    %dma_wait3A_41 = arith.constant 0 : i32
    %dma_wait3A_42 = tpu.memref_slice %arg3[%dma_wait3A_37, %dma_wait3A_41] : memref<2560x128xi32, #tpu.memory_space<hbm>> -> memref<1x128xi32, #tpu.memory_space<hbm>>
    %dma_wait3A_43 = tpu.memref_squeeze %dma_wait3A_42 : memref<1x128xi32, #tpu.memory_space<hbm>> -> memref<128xi32, #tpu.memory_space<hbm>>
    tpu.wait_dma2 semaphore(%arg23 : memref<!tpu.dma_semaphore, #tpu.memory_space<semaphore_mem>>) src(%dma_wait3A_43 : memref<128xi32, #tpu.memory_space<hbm>>) dst(%arg14 : memref<128xi32, #tpu.memory_space<vmem>>)
    %dma_start3A_44 = arith.constant 0 : i32
    %dma_start3A_45 = arith.constant 0 : i32
    %dma_start3A_46 = tpu.memref_slice %arg6[%dma_start3A_44, %dma_start3A_45] : memref<10000x128xbf16, #tpu.memory_space<hbm>> -> memref<10000x128xbf16, #tpu.memory_space<hbm>>
    tpu.enqueue_indirect_dma source(%dma_start3A_46 : memref<10000x128xbf16, #tpu.memory_space<hbm>>) target(%arg18 : memref<128x128xbf16, #tpu.memory_space<vmem>>) offsets(%arg13 : memref<128xi32, #tpu.memory_space<vmem>>) semaphore(%arg21 : memref<!tpu.dma_semaphore, #tpu.memory_space<semaphore_mem>>)
    %add3A_47 = arith.constant 1 : i32
    %add3A_48 = arith.addi %mul3A_15, %add3A_47 : i32
    %dma_start3A_49 = arith.constant 0 : i32
    %dma_start3A_50 = tpu.memref_slice %arg2[%add3A_48, %dma_start3A_49] : memref<2560x128xi32, #tpu.memory_space<hbm>> -> memref<1x128xi32, #tpu.memory_space<hbm>>
    %dma_start3A_51 = tpu.memref_squeeze %dma_start3A_50 : memref<1x128xi32, #tpu.memory_space<hbm>> -> memref<128xi32, #tpu.memory_space<hbm>>
    %dma_start3A_52 = arith.constant 0 : i32
    %dma_start3A_53 = tpu.memref_slice %arg2[%add3A_48, %dma_start3A_52] : memref<2560x128xi32, #tpu.memory_space<hbm>> -> memref<1x128xi32, #tpu.memory_space<hbm>>
    %dma_start3A_54 = tpu.memref_squeeze %dma_start3A_53 : memref<1x128xi32, #tpu.memory_space<hbm>> -> memref<128xi32, #tpu.memory_space<hbm>>
    tpu.enqueue_dma source(%dma_start3A_54 : memref<128xi32, #tpu.memory_space<hbm>>) target(%arg15 : memref<128xi32, #tpu.memory_space<vmem>>) target_semaphore(%arg24 : memref<!tpu.dma_semaphore, #tpu.memory_space<semaphore_mem>>)
    %add3A_55 = arith.constant 1 : i32
    %add3A_56 = arith.addi %mul3A_15, %add3A_55 : i32
    %dma_start3A_57 = arith.constant 0 : i32
    %dma_start3A_58 = tpu.memref_slice %arg3[%add3A_56, %dma_start3A_57] : memref<2560x128xi32, #tpu.memory_space<hbm>> -> memref<1x128xi32, #tpu.memory_space<hbm>>
    %dma_start3A_59 = tpu.memref_squeeze %dma_start3A_58 : memref<1x128xi32, #tpu.memory_space<hbm>> -> memref<128xi32, #tpu.memory_space<hbm>>
    %dma_start3A_60 = arith.constant 0 : i32
    %dma_start3A_61 = tpu.memref_slice %arg3[%add3A_56, %dma_start3A_60] : memref<2560x128xi32, #tpu.memory_space<hbm>> -> memref<1x128xi32, #tpu.memory_space<hbm>>
    %dma_start3A_62 = tpu.memref_squeeze %dma_start3A_61 : memref<1x128xi32, #tpu.memory_space<hbm>> -> memref<128xi32, #tpu.memory_space<hbm>>
    tpu.enqueue_dma source(%dma_start3A_62 : memref<128xi32, #tpu.memory_space<hbm>>) target(%arg16 : memref<128xi32, #tpu.memory_space<vmem>>) target_semaphore(%arg24 : memref<!tpu.dma_semaphore, #tpu.memory_space<semaphore_mem>>)
    %scan3A_63 = arith.constant 0 : i32
    %scan3A_64 = arith.constant 0 : i32
    %scan3A_65 = arith.constant 40 : i32
    %scan3A_66 = arith.addi %scan3A_64, %scan3A_65 : i32
    %scan3A_67 = arith.constant 1 : i32
    scf.for %scan3A_92 = %scan3A_64 to %scan3A_66 step %scan3A_67  : i32 {
      %mul3A_93 = arith.constant 2 : i32
      %mul3A_94 = arith.muli %mul3A_93, %scan3A_92 : i32
      %scan3A_95 = arith.constant 0 : i32
      %scan3A_96 = arith.constant 0 : i32
      %scan3A_97 = arith.constant 8 : i32
      %scan3A_98 = arith.addi %scan3A_96, %scan3A_97 : i32
      %scan3A_99 = arith.constant 1 : i32
      scf.for %scan3A_194 = %scan3A_96 to %scan3A_98 step %scan3A_99  : i32 {
        %mul3A_195 = arith.constant 16 : i32
        %mul3A_196 = arith.muli %scan3A_194, %mul3A_195 : i32
        %get3A = arith.index_cast %mul3A_196 : i32 to index
        %get3A_197 = tpu.vector_load %arg13[%get3A] {strides = array<i32>} : memref<128xi32, #tpu.memory_space<vmem>>, vector<16xi32>,
        %gather3A = tpu.vector_load_idx %arg10[%get3A_197] : memref<10016xf32, #tpu.memory_space<vmem>>[vector<16xi32>], vector<16xf32>,
        %get3A_198 = arith.index_cast %mul3A_196 : i32 to index
        %get3A_199 = tpu.vector_load %arg14[%get3A_198] {strides = array<i32>} : memref<128xi32, #tpu.memory_space<vmem>>, vector<16xi32>,
        %gather3A_200 = tpu.vector_load_idx %arg11[%get3A_199] : memref<10016xf32, #tpu.memory_space<vmem>>[vector<16xi32>], vector<16xf32>,
        %add3A_201 = arith.addf %gather3A, %gather3A_200 : vector<16xf32>
        %ge3A = arith.constant 0.000000e+00 : f32
        %ge3A_202 = vector.broadcast %ge3A : f32 to vector<16xf32>
        %ge3A_203 = arith.cmpf oge, %add3A_201, %ge3A_202 : vector<16xf32>
        %mul3A_204 = arith.constant 2.000000e-01 : f32
        %mul3A_205 = vector.broadcast %mul3A_204 : f32 to vector<16xf32>
        %mul3A_206 = arith.mulf %add3A_201, %mul3A_205 : vector<16xf32>
        %select_n3A = arith.select %ge3A_203, %add3A_201, %mul3A_206 : vector<16xi1>, vector<16xf32>
        %exp3A = math.exp %select_n3A : vector<16xf32>
        %swap3A_207 = arith.index_cast %mul3A_196 : i32 to index
        %swap3A_208 = tpu.vector_load %arg17[%swap3A_207] {strides = array<i32>} : memref<128xf32, #tpu.memory_space<vmem>>, vector<16xf32>,
        tpu.vector_store %arg17[%swap3A_207], %exp3A {strides = array<i32>} : memref<128xf32, #tpu.memory_space<vmem>>, vector<16xf32>,
        %get3A_209 = arith.index_cast %mul3A_196 : i32 to index
        %get3A_210 = tpu.vector_load %arg14[%get3A_209] {strides = array<i32>} : memref<128xi32, #tpu.memory_space<vmem>>, vector<16xi32>,
        tpu.vector_store_idx %arg12[%get3A_210], %exp3A {add = true} : memref<10016xf32, #tpu.memory_space<vmem>>[vector<16xi32>], vector<16xf32>,
      }
      %scan3A_100 = arith.constant 8 : i32
      %dma_wait3A_101 = arith.constant 0 : i32
      %dma_wait3A_102 = arith.constant 0 : i32
      %dma_wait3A_103 = tpu.memref_slice %arg2[%dma_wait3A_101, %dma_wait3A_102] : memref<2560x128xi32, #tpu.memory_space<hbm>> -> memref<1x128xi32, #tpu.memory_space<hbm>>
      %dma_wait3A_104 = tpu.memref_squeeze %dma_wait3A_103 : memref<1x128xi32, #tpu.memory_space<hbm>> -> memref<128xi32, #tpu.memory_space<hbm>>
      %dma_wait3A_105 = arith.constant 0 : i32
      %dma_wait3A_106 = tpu.memref_slice %arg2[%dma_wait3A_101, %dma_wait3A_105] : memref<2560x128xi32, #tpu.memory_space<hbm>> -> memref<1x128xi32, #tpu.memory_space<hbm>>
      %dma_wait3A_107 = tpu.memref_squeeze %dma_wait3A_106 : memref<1x128xi32, #tpu.memory_space<hbm>> -> memref<128xi32, #tpu.memory_space<hbm>>
      tpu.wait_dma2 semaphore(%arg24 : memref<!tpu.dma_semaphore, #tpu.memory_space<semaphore_mem>>) src(%dma_wait3A_107 : memref<128xi32, #tpu.memory_space<hbm>>) dst(%arg15 : memref<128xi32, #tpu.memory_space<vmem>>)
      %dma_wait3A_108 = arith.constant 0 : i32
      %dma_wait3A_109 = arith.constant 0 : i32
      %dma_wait3A_110 = tpu.memref_slice %arg3[%dma_wait3A_108, %dma_wait3A_109] : memref<2560x128xi32, #tpu.memory_space<hbm>> -> memref<1x128xi32, #tpu.memory_space<hbm>>
      %dma_wait3A_111 = tpu.memref_squeeze %dma_wait3A_110 : memref<1x128xi32, #tpu.memory_space<hbm>> -> memref<128xi32, #tpu.memory_space<hbm>>
      %dma_wait3A_112 = arith.constant 0 : i32
      %dma_wait3A_113 = tpu.memref_slice %arg3[%dma_wait3A_108, %dma_wait3A_112] : memref<2560x128xi32, #tpu.memory_space<hbm>> -> memref<1x128xi32, #tpu.memory_space<hbm>>
      %dma_wait3A_114 = tpu.memref_squeeze %dma_wait3A_113 : memref<1x128xi32, #tpu.memory_space<hbm>> -> memref<128xi32, #tpu.memory_space<hbm>>
      tpu.wait_dma2 semaphore(%arg24 : memref<!tpu.dma_semaphore, #tpu.memory_space<semaphore_mem>>) src(%dma_wait3A_114 : memref<128xi32, #tpu.memory_space<hbm>>) dst(%arg16 : memref<128xi32, #tpu.memory_space<vmem>>)
      %dma_start3A_115 = arith.constant 0 : i32
      %dma_start3A_116 = arith.constant 0 : i32
      %dma_start3A_117 = tpu.memref_slice %arg6[%dma_start3A_115, %dma_start3A_116] : memref<10000x128xbf16, #tpu.memory_space<hbm>> -> memref<10000x128xbf16, #tpu.memory_space<hbm>>
      tpu.enqueue_indirect_dma source(%dma_start3A_117 : memref<10000x128xbf16, #tpu.memory_space<hbm>>) target(%arg19 : memref<128x128xbf16, #tpu.memory_space<vmem>>) offsets(%arg15 : memref<128xi32, #tpu.memory_space<vmem>>) semaphore(%arg22 : memref<!tpu.dma_semaphore, #tpu.memory_space<semaphore_mem>>)
      %dma_wait3A_118 = arith.constant 0 : i32
      %dma_wait3A_119 = arith.constant 0 : i32
      %dma_wait3A_120 = tpu.memref_slice %arg6[%dma_wait3A_118, %dma_wait3A_119] : memref<10000x128xbf16, #tpu.memory_space<hbm>> -> memref<10000x128xbf16, #tpu.memory_space<hbm>>
      tpu.wait_indirect_dma semaphore(%arg21 : memref<!tpu.dma_semaphore, #tpu.memory_space<semaphore_mem>>) src(%dma_wait3A_120 : memref<10000x128xbf16, #tpu.memory_space<hbm>>) dst(%arg18 : memref<128x128xbf16, #tpu.memory_space<vmem>>)
      %scan3A_121 = arith.constant 0 : i32
      %scan3A_122 = arith.constant 0 : i32
      %scan3A_123 = arith.constant 128 : i32
      %scan3A_124 = arith.addi %scan3A_122, %scan3A_123 : i32
      %scan3A_125 = arith.constant 1 : i32
      scf.for %scan3A_194 = %scan3A_122 to %scan3A_124 step %scan3A_125  : i32 {
        %broadcast_in_dim3A_195 = vector.broadcast %scan3A_194 : i32 to vector<16xi32>
        %gather3A = tpu.vector_load_idx %arg17[%broadcast_in_dim3A_195] : memref<128xf32, #tpu.memory_space<vmem>>[vector<16xi32>], vector<16xf32>,
        %pack3A = tpu.pack_subelements %gather3A, %gather3A {pack_format = #tpu.pack_format<interleaved>, positions = array<i32: 0, 1>} : vector<16xf32>, vector<16xf32> -> vector<32xbf16>
        %get3A = arith.index_cast %scan3A_194 : i32 to index
        %get3A_196 = arith.constant 0 : index
        %get3A_197 = tpu.vector_load %arg18[%get3A, %get3A_196] {strides = array<i32>} : memref<128x128xbf16, #tpu.memory_space<vmem>>, vector<32xbf16>,
        %mul3A_198 = arith.mulf %get3A_197, %pack3A : vector<32xbf16>
        %swap3A_199 = arith.index_cast %scan3A_194 : i32 to index
        %swap3A_200 = arith.constant 0 : index
        %swap3A_201 = tpu.vector_load %arg18[%swap3A_199, %swap3A_200] {strides = array<i32>} : memref<128x128xbf16, #tpu.memory_space<vmem>>, vector<32xbf16>,
        tpu.vector_store %arg18[%swap3A_199, %swap3A_200], %mul3A_198 {strides = array<i32>} : memref<128x128xbf16, #tpu.memory_space<vmem>>, vector<32xbf16>,
        %get3A_202 = arith.index_cast %scan3A_194 : i32 to index
        %get3A_203 = arith.constant 32 : index
        %get3A_204 = tpu.vector_load %arg18[%get3A_202, %get3A_203] {strides = array<i32>} : memref<128x128xbf16, #tpu.memory_space<vmem>>, vector<32xbf16>,
        %mul3A_205 = arith.mulf %get3A_204, %pack3A : vector<32xbf16>
        %swap3A_206 = arith.index_cast %scan3A_194 : i32 to index
        %swap3A_207 = arith.constant 32 : index
        %swap3A_208 = tpu.vector_load %arg18[%swap3A_206, %swap3A_207] {strides = array<i32>} : memref<128x128xbf16, #tpu.memory_space<vmem>>, vector<32xbf16>,
        tpu.vector_store %arg18[%swap3A_206, %swap3A_207], %mul3A_205 {strides = array<i32>} : memref<128x128xbf16, #tpu.memory_space<vmem>>, vector<32xbf16>,
        %get3A_209 = arith.index_cast %scan3A_194 : i32 to index
        %get3A_210 = arith.constant 64 : index
        %get3A_211 = tpu.vector_load %arg18[%get3A_209, %get3A_210] {strides = array<i32>} : memref<128x128xbf16, #tpu.memory_space<vmem>>, vector<32xbf16>,
        %mul3A_212 = arith.mulf %get3A_211, %pack3A : vector<32xbf16>
        %swap3A_213 = arith.index_cast %scan3A_194 : i32 to index
        %swap3A_214 = arith.constant 64 : index
        %swap3A_215 = tpu.vector_load %arg18[%swap3A_213, %swap3A_214] {strides = array<i32>} : memref<128x128xbf16, #tpu.memory_space<vmem>>, vector<32xbf16>,
        tpu.vector_store %arg18[%swap3A_213, %swap3A_214], %mul3A_212 {strides = array<i32>} : memref<128x128xbf16, #tpu.memory_space<vmem>>, vector<32xbf16>,
        %get3A_216 = arith.index_cast %scan3A_194 : i32 to index
        %get3A_217 = arith.constant 96 : index
        %get3A_218 = tpu.vector_load %arg18[%get3A_216, %get3A_217] {strides = array<i32>} : memref<128x128xbf16, #tpu.memory_space<vmem>>, vector<32xbf16>,
        %mul3A_219 = arith.mulf %get3A_218, %pack3A : vector<32xbf16>
        %swap3A_220 = arith.index_cast %scan3A_194 : i32 to index
        %swap3A_221 = arith.constant 96 : index
        %swap3A_222 = tpu.vector_load %arg18[%swap3A_220, %swap3A_221] {strides = array<i32>} : memref<128x128xbf16, #tpu.memory_space<vmem>>, vector<32xbf16>,
        tpu.vector_store %arg18[%swap3A_220, %swap3A_221], %mul3A_219 {strides = array<i32>} : memref<128x128xbf16, #tpu.memory_space<vmem>>, vector<32xbf16>,
      }
      %scan3A_126 = arith.constant 128 : i32
      "tpu.region"() ({
        %run_scoped3A = tpu.sem_alloc : memref<!tpu.dma_semaphore, #tpu.memory_space<semaphore_mem>>
        %dma_start3A_194 = arith.constant 0 : i32
        %dma_start3A_195 = arith.constant 0 : i32
        %dma_start3A_196 = tpu.memref_slice %arg20[%dma_start3A_194, %dma_start3A_195] : memref<10016x128xbf16, #tpu.memory_space<vmem_shared>> -> memref<10016x128xbf16, #tpu.memory_space<vmem_shared>>
        tpu.enqueue_indirect_dma source(%arg18 : memref<128x128xbf16, #tpu.memory_space<vmem>>) target(%dma_start3A_196 : memref<10016x128xbf16, #tpu.memory_space<vmem_shared>>) offsets(%arg14 : memref<128xi32, #tpu.memory_space<vmem>>) semaphore(%run_scoped3A : memref<!tpu.dma_semaphore, #tpu.memory_space<semaphore_mem>>) {add = true}
        %dma_wait3A_197 = arith.constant 0 : i32
        %dma_wait3A_198 = arith.constant 0 : i32
        %dma_wait3A_199 = tpu.memref_slice %arg20[%dma_wait3A_197, %dma_wait3A_198] : memref<10016x128xbf16, #tpu.memory_space<vmem_shared>> -> memref<10016x128xbf16, #tpu.memory_space<vmem_shared>>
        tpu.wait_indirect_dma semaphore(%run_scoped3A : memref<!tpu.dma_semaphore, #tpu.memory_space<semaphore_mem>>) src(%arg18 : memref<128x128xbf16, #tpu.memory_space<vmem>>) dst(%dma_wait3A_199 : memref<10016x128xbf16, #tpu.memory_space<vmem_shared>>)
        tpu.yield
      }) : () -> ()
      %add3A_127 = arith.constant 2 : i32
      %add3A_128 = arith.addi %mul3A_94, %add3A_127 : i32
      %min3A = arith.constant 79 : i32
      %min3A_129 = arith.minsi %add3A_128, %min3A : i32
      %add3A_130 = arith.addi %mul3A_15, %min3A_129 : i32
      %dma_start3A_131 = arith.constant 0 : i32
      %dma_start3A_132 = tpu.memref_slice %arg2[%add3A_130, %dma_start3A_131] : memref<2560x128xi32, #tpu.memory_space<hbm>> -> memref<1x128xi32, #tpu.memory_space<hbm>>
      %dma_start3A_133 = tpu.memref_squeeze %dma_start3A_132 : memref<1x128xi32, #tpu.memory_space<hbm>> -> memref<128xi32, #tpu.memory_space<hbm>>
      %dma_start3A_134 = arith.constant 0 : i32
      %dma_start3A_135 = tpu.memref_slice %arg2[%add3A_130, %dma_start3A_134] : memref<2560x128xi32, #tpu.memory_space<hbm>> -> memref<1x128xi32, #tpu.memory_space<hbm>>
      %dma_start3A_136 = tpu.memref_squeeze %dma_start3A_135 : memref<1x128xi32, #tpu.memory_space<hbm>> -> memref<128xi32, #tpu.memory_space<hbm>>
      tpu.enqueue_dma source(%dma_start3A_136 : memref<128xi32, #tpu.memory_space<hbm>>) target(%arg13 : memref<128xi32, #tpu.memory_space<vmem>>) target_semaphore(%arg23 : memref<!tpu.dma_semaphore, #tpu.memory_space<semaphore_mem>>)
      %add3A_137 = arith.addi %mul3A_15, %min3A_129 : i32
      %dma_start3A_138 = arith.constant 0 : i32
      %dma_start3A_139 = tpu.memref_slice %arg3[%add3A_137, %dma_start3A_138] : memref<2560x128xi32, #tpu.memory_space<hbm>> -> memref<1x128xi32, #tpu.memory_space<hbm>>
      %dma_start3A_140 = tpu.memref_squeeze %dma_start3A_139 : memref<1x128xi32, #tpu.memory_space<hbm>> -> memref<128xi32, #tpu.memory_space<hbm>>
      %dma_start3A_141 = arith.constant 0 : i32
      %dma_start3A_142 = tpu.memref_slice %arg3[%add3A_137, %dma_start3A_141] : memref<2560x128xi32, #tpu.memory_space<hbm>> -> memref<1x128xi32, #tpu.memory_space<hbm>>
      %dma_start3A_143 = tpu.memref_squeeze %dma_start3A_142 : memref<1x128xi32, #tpu.memory_space<hbm>> -> memref<128xi32, #tpu.memory_space<hbm>>
      tpu.enqueue_dma source(%dma_start3A_143 : memref<128xi32, #tpu.memory_space<hbm>>) target(%arg14 : memref<128xi32, #tpu.memory_space<vmem>>) target_semaphore(%arg23 : memref<!tpu.dma_semaphore, #tpu.memory_space<semaphore_mem>>)
      %scan3A_144 = arith.constant 0 : i32
      %scan3A_145 = arith.constant 0 : i32
      %scan3A_146 = arith.constant 8 : i32
      %scan3A_147 = arith.addi %scan3A_145, %scan3A_146 : i32
      %scan3A_148 = arith.constant 1 : i32
      scf.for %scan3A_194 = %scan3A_145 to %scan3A_147 step %scan3A_148  : i32 {
        %mul3A_195 = arith.constant 16 : i32
        %mul3A_196 = arith.muli %scan3A_194, %mul3A_195 : i32
        %get3A = arith.index_cast %mul3A_196 : i32 to index
        %get3A_197 = tpu.vector_load %arg15[%get3A] {strides = array<i32>} : memref<128xi32, #tpu.memory_space<vmem>>, vector<16xi32>,
        %gather3A = tpu.vector_load_idx %arg10[%get3A_197] : memref<10016xf32, #tpu.memory_space<vmem>>[vector<16xi32>], vector<16xf32>,
        %get3A_198 = arith.index_cast %mul3A_196 : i32 to index
        %get3A_199 = tpu.vector_load %arg16[%get3A_198] {strides = array<i32>} : memref<128xi32, #tpu.memory_space<vmem>>, vector<16xi32>,
        %gather3A_200 = tpu.vector_load_idx %arg11[%get3A_199] : memref<10016xf32, #tpu.memory_space<vmem>>[vector<16xi32>], vector<16xf32>,
        %add3A_201 = arith.addf %gather3A, %gather3A_200 : vector<16xf32>
        %ge3A = arith.constant 0.000000e+00 : f32
        %ge3A_202 = vector.broadcast %ge3A : f32 to vector<16xf32>
        %ge3A_203 = arith.cmpf oge, %add3A_201, %ge3A_202 : vector<16xf32>
        %mul3A_204 = arith.constant 2.000000e-01 : f32
        %mul3A_205 = vector.broadcast %mul3A_204 : f32 to vector<16xf32>
        %mul3A_206 = arith.mulf %add3A_201, %mul3A_205 : vector<16xf32>
        %select_n3A = arith.select %ge3A_203, %add3A_201, %mul3A_206 : vector<16xi1>, vector<16xf32>
        %exp3A = math.exp %select_n3A : vector<16xf32>
        %swap3A_207 = arith.index_cast %mul3A_196 : i32 to index
        %swap3A_208 = tpu.vector_load %arg17[%swap3A_207] {strides = array<i32>} : memref<128xf32, #tpu.memory_space<vmem>>, vector<16xf32>,
        tpu.vector_store %arg17[%swap3A_207], %exp3A {strides = array<i32>} : memref<128xf32, #tpu.memory_space<vmem>>, vector<16xf32>,
        %get3A_209 = arith.index_cast %mul3A_196 : i32 to index
        %get3A_210 = tpu.vector_load %arg16[%get3A_209] {strides = array<i32>} : memref<128xi32, #tpu.memory_space<vmem>>, vector<16xi32>,
        tpu.vector_store_idx %arg12[%get3A_210], %exp3A {add = true} : memref<10016xf32, #tpu.memory_space<vmem>>[vector<16xi32>], vector<16xf32>,
      }
      %scan3A_149 = arith.constant 8 : i32
      %dma_wait3A_150 = arith.constant 0 : i32
      %dma_wait3A_151 = arith.constant 0 : i32
      %dma_wait3A_152 = tpu.memref_slice %arg2[%dma_wait3A_150, %dma_wait3A_151] : memref<2560x128xi32, #tpu.memory_space<hbm>> -> memref<1x128xi32, #tpu.memory_space<hbm>>
      %dma_wait3A_153 = tpu.memref_squeeze %dma_wait3A_152 : memref<1x128xi32, #tpu.memory_space<hbm>> -> memref<128xi32, #tpu.memory_space<hbm>>
      %dma_wait3A_154 = arith.constant 0 : i32
      %dma_wait3A_155 = tpu.memref_slice %arg2[%dma_wait3A_150, %dma_wait3A_154] : memref<2560x128xi32, #tpu.memory_space<hbm>> -> memref<1x128xi32, #tpu.memory_space<hbm>>
      %dma_wait3A_156 = tpu.memref_squeeze %dma_wait3A_155 : memref<1x128xi32, #tpu.memory_space<hbm>> -> memref<128xi32, #tpu.memory_space<hbm>>
      tpu.wait_dma2 semaphore(%arg23 : memref<!tpu.dma_semaphore, #tpu.memory_space<semaphore_mem>>) src(%dma_wait3A_156 : memref<128xi32, #tpu.memory_space<hbm>>) dst(%arg13 : memref<128xi32, #tpu.memory_space<vmem>>)
      %dma_wait3A_157 = arith.constant 0 : i32
      %dma_wait3A_158 = arith.constant 0 : i32
      %dma_wait3A_159 = tpu.memref_slice %arg3[%dma_wait3A_157, %dma_wait3A_158] : memref<2560x128xi32, #tpu.memory_space<hbm>> -> memref<1x128xi32, #tpu.memory_space<hbm>>
      %dma_wait3A_160 = tpu.memref_squeeze %dma_wait3A_159 : memref<1x128xi32, #tpu.memory_space<hbm>> -> memref<128xi32, #tpu.memory_space<hbm>>
      %dma_wait3A_161 = arith.constant 0 : i32
      %dma_wait3A_162 = tpu.memref_slice %arg3[%dma_wait3A_157, %dma_wait3A_161] : memref<2560x128xi32, #tpu.memory_space<hbm>> -> memref<1x128xi32, #tpu.memory_space<hbm>>
      %dma_wait3A_163 = tpu.memref_squeeze %dma_wait3A_162 : memref<1x128xi32, #tpu.memory_space<hbm>> -> memref<128xi32, #tpu.memory_space<hbm>>
      tpu.wait_dma2 semaphore(%arg23 : memref<!tpu.dma_semaphore, #tpu.memory_space<semaphore_mem>>) src(%dma_wait3A_163 : memref<128xi32, #tpu.memory_space<hbm>>) dst(%arg14 : memref<128xi32, #tpu.memory_space<vmem>>)
      %dma_start3A_164 = arith.constant 0 : i32
      %dma_start3A_165 = arith.constant 0 : i32
      %dma_start3A_166 = tpu.memref_slice %arg6[%dma_start3A_164, %dma_start3A_165] : memref<10000x128xbf16, #tpu.memory_space<hbm>> -> memref<10000x128xbf16, #tpu.memory_space<hbm>>
      tpu.enqueue_indirect_dma source(%dma_start3A_166 : memref<10000x128xbf16, #tpu.memory_space<hbm>>) target(%arg18 : memref<128x128xbf16, #tpu.memory_space<vmem>>) offsets(%arg13 : memref<128xi32, #tpu.memory_space<vmem>>) semaphore(%arg21 : memref<!tpu.dma_semaphore, #tpu.memory_space<semaphore_mem>>)
      %dma_wait3A_167 = arith.constant 0 : i32
      %dma_wait3A_168 = arith.constant 0 : i32
      %dma_wait3A_169 = tpu.memref_slice %arg6[%dma_wait3A_167, %dma_wait3A_168] : memref<10000x128xbf16, #tpu.memory_space<hbm>> -> memref<10000x128xbf16, #tpu.memory_space<hbm>>
      tpu.wait_indirect_dma semaphore(%arg22 : memref<!tpu.dma_semaphore, #tpu.memory_space<semaphore_mem>>) src(%dma_wait3A_169 : memref<10000x128xbf16, #tpu.memory_space<hbm>>) dst(%arg19 : memref<128x128xbf16, #tpu.memory_space<vmem>>)
      %scan3A_170 = arith.constant 0 : i32
      %scan3A_171 = arith.constant 0 : i32
      %scan3A_172 = arith.constant 128 : i32
      %scan3A_173 = arith.addi %scan3A_171, %scan3A_172 : i32
      %scan3A_174 = arith.constant 1 : i32
      scf.for %scan3A_194 = %scan3A_171 to %scan3A_173 step %scan3A_174  : i32 {
        %broadcast_in_dim3A_195 = vector.broadcast %scan3A_194 : i32 to vector<16xi32>
        %gather3A = tpu.vector_load_idx %arg17[%broadcast_in_dim3A_195] : memref<128xf32, #tpu.memory_space<vmem>>[vector<16xi32>], vector<16xf32>,
        %pack3A = tpu.pack_subelements %gather3A, %gather3A {pack_format = #tpu.pack_format<interleaved>, positions = array<i32: 0, 1>} : vector<16xf32>, vector<16xf32> -> vector<32xbf16>
        %get3A = arith.index_cast %scan3A_194 : i32 to index
        %get3A_196 = arith.constant 0 : index
        %get3A_197 = tpu.vector_load %arg19[%get3A, %get3A_196] {strides = array<i32>} : memref<128x128xbf16, #tpu.memory_space<vmem>>, vector<32xbf16>,
        %mul3A_198 = arith.mulf %get3A_197, %pack3A : vector<32xbf16>
        %swap3A_199 = arith.index_cast %scan3A_194 : i32 to index
        %swap3A_200 = arith.constant 0 : index
        %swap3A_201 = tpu.vector_load %arg19[%swap3A_199, %swap3A_200] {strides = array<i32>} : memref<128x128xbf16, #tpu.memory_space<vmem>>, vector<32xbf16>,
        tpu.vector_store %arg19[%swap3A_199, %swap3A_200], %mul3A_198 {strides = array<i32>} : memref<128x128xbf16, #tpu.memory_space<vmem>>, vector<32xbf16>,
        %get3A_202 = arith.index_cast %scan3A_194 : i32 to index
        %get3A_203 = arith.constant 32 : index
        %get3A_204 = tpu.vector_load %arg19[%get3A_202, %get3A_203] {strides = array<i32>} : memref<128x128xbf16, #tpu.memory_space<vmem>>, vector<32xbf16>,
        %mul3A_205 = arith.mulf %get3A_204, %pack3A : vector<32xbf16>
        %swap3A_206 = arith.index_cast %scan3A_194 : i32 to index
        %swap3A_207 = arith.constant 32 : index
        %swap3A_208 = tpu.vector_load %arg19[%swap3A_206, %swap3A_207] {strides = array<i32>} : memref<128x128xbf16, #tpu.memory_space<vmem>>, vector<32xbf16>,
        tpu.vector_store %arg19[%swap3A_206, %swap3A_207], %mul3A_205 {strides = array<i32>} : memref<128x128xbf16, #tpu.memory_space<vmem>>, vector<32xbf16>,
        %get3A_209 = arith.index_cast %scan3A_194 : i32 to index
        %get3A_210 = arith.constant 64 : index
        %get3A_211 = tpu.vector_load %arg19[%get3A_209, %get3A_210] {strides = array<i32>} : memref<128x128xbf16, #tpu.memory_space<vmem>>, vector<32xbf16>,
        %mul3A_212 = arith.mulf %get3A_211, %pack3A : vector<32xbf16>
        %swap3A_213 = arith.index_cast %scan3A_194 : i32 to index
        %swap3A_214 = arith.constant 64 : index
        %swap3A_215 = tpu.vector_load %arg19[%swap3A_213, %swap3A_214] {strides = array<i32>} : memref<128x128xbf16, #tpu.memory_space<vmem>>, vector<32xbf16>,
        tpu.vector_store %arg19[%swap3A_213, %swap3A_214], %mul3A_212 {strides = array<i32>} : memref<128x128xbf16, #tpu.memory_space<vmem>>, vector<32xbf16>,
        %get3A_216 = arith.index_cast %scan3A_194 : i32 to index
        %get3A_217 = arith.constant 96 : index
        %get3A_218 = tpu.vector_load %arg19[%get3A_216, %get3A_217] {strides = array<i32>} : memref<128x128xbf16, #tpu.memory_space<vmem>>, vector<32xbf16>,
        %mul3A_219 = arith.mulf %get3A_218, %pack3A : vector<32xbf16>
        %swap3A_220 = arith.index_cast %scan3A_194 : i32 to index
        %swap3A_221 = arith.constant 96 : index
        %swap3A_222 = tpu.vector_load %arg19[%swap3A_220, %swap3A_221] {strides = array<i32>} : memref<128x128xbf16, #tpu.memory_space<vmem>>, vector<32xbf16>,
        tpu.vector_store %arg19[%swap3A_220, %swap3A_221], %mul3A_219 {strides = array<i32>} : memref<128x128xbf16, #tpu.memory_space<vmem>>, vector<32xbf16>,
      }
      %scan3A_175 = arith.constant 128 : i32
      "tpu.region"() ({
        %run_scoped3A = tpu.sem_alloc : memref<!tpu.dma_semaphore, #tpu.memory_space<semaphore_mem>>
        %dma_start3A_194 = arith.constant 0 : i32
        %dma_start3A_195 = arith.constant 0 : i32
        %dma_start3A_196 = tpu.memref_slice %arg20[%dma_start3A_194, %dma_start3A_195] : memref<10016x128xbf16, #tpu.memory_space<vmem_shared>> -> memref<10016x128xbf16, #tpu.memory_space<vmem_shared>>
        tpu.enqueue_indirect_dma source(%arg19 : memref<128x128xbf16, #tpu.memory_space<vmem>>) target(%dma_start3A_196 : memref<10016x128xbf16, #tpu.memory_space<vmem_shared>>) offsets(%arg16 : memref<128xi32, #tpu.memory_space<vmem>>) semaphore(%run_scoped3A : memref<!tpu.dma_semaphore, #tpu.memory_space<semaphore_mem>>) {add = true}
        %dma_wait3A_197 = arith.constant 0 : i32
        %dma_wait3A_198 = arith.constant 0 : i32
        %dma_wait3A_199 = tpu.memref_slice %arg20[%dma_wait3A_197, %dma_wait3A_198] : memref<10016x128xbf16, #tpu.memory_space<vmem_shared>> -> memref<10016x128xbf16, #tpu.memory_space<vmem_shared>>
        tpu.wait_indirect_dma semaphore(%run_scoped3A : memref<!tpu.dma_semaphore, #tpu.memory_space<semaphore_mem>>) src(%arg19 : memref<128x128xbf16, #tpu.memory_space<vmem>>) dst(%dma_wait3A_199 : memref<10016x128xbf16, #tpu.memory_space<vmem_shared>>)
        tpu.yield
      }) : () -> ()
      %add3A_176 = arith.constant 3 : i32
      %add3A_177 = arith.addi %mul3A_94, %add3A_176 : i32
      %min3A_178 = arith.constant 79 : i32
      %min3A_179 = arith.minsi %add3A_177, %min3A_178 : i32
      %add3A_180 = arith.addi %mul3A_15, %min3A_179 : i32
      %dma_start3A_181 = arith.constant 0 : i32
      %dma_start3A_182 = tpu.memref_slice %arg2[%add3A_180, %dma_start3A_181] : memref<2560x128xi32, #tpu.memory_space<hbm>> -> memref<1x128xi32, #tpu.memory_space<hbm>>
      %dma_start3A_183 = tpu.memref_squeeze %dma_start3A_182 : memref<1x128xi32, #tpu.memory_space<hbm>> -> memref<128xi32, #tpu.memory_space<hbm>>
      %dma_start3A_184 = arith.constant 0 : i32
      %dma_start3A_185 = tpu.memref_slice %arg2[%add3A_180, %dma_start3A_184] : memref<2560x128xi32, #tpu.memory_space<hbm>> -> memref<1x128xi32, #tpu.memory_space<hbm>>
      %dma_start3A_186 = tpu.memref_squeeze %dma_start3A_185 : memref<1x128xi32, #tpu.memory_space<hbm>> -> memref<128xi32, #tpu.memory_space<hbm>>
      tpu.enqueue_dma source(%dma_start3A_186 : memref<128xi32, #tpu.memory_space<hbm>>) target(%arg15 : memref<128xi32, #tpu.memory_space<vmem>>) target_semaphore(%arg24 : memref<!tpu.dma_semaphore, #tpu.memory_space<semaphore_mem>>)
      %add3A_187 = arith.addi %mul3A_15, %min3A_179 : i32
      %dma_start3A_188 = arith.constant 0 : i32
      %dma_start3A_189 = tpu.memref_slice %arg3[%add3A_187, %dma_start3A_188] : memref<2560x128xi32, #tpu.memory_space<hbm>> -> memref<1x128xi32, #tpu.memory_space<hbm>>
      %dma_start3A_190 = tpu.memref_squeeze %dma_start3A_189 : memref<1x128xi32, #tpu.memory_space<hbm>> -> memref<128xi32, #tpu.memory_space<hbm>>
      %dma_start3A_191 = arith.constant 0 : i32
      %dma_start3A_192 = tpu.memref_slice %arg3[%add3A_187, %dma_start3A_191] : memref<2560x128xi32, #tpu.memory_space<hbm>> -> memref<1x128xi32, #tpu.memory_space<hbm>>
      %dma_start3A_193 = tpu.memref_squeeze %dma_start3A_192 : memref<1x128xi32, #tpu.memory_space<hbm>> -> memref<128xi32, #tpu.memory_space<hbm>>
      tpu.enqueue_dma source(%dma_start3A_193 : memref<128xi32, #tpu.memory_space<hbm>>) target(%arg16 : memref<128xi32, #tpu.memory_space<vmem>>) target_semaphore(%arg24 : memref<!tpu.dma_semaphore, #tpu.memory_space<semaphore_mem>>)
    }
    %scan3A_68 = arith.constant 40 : i32
    %dma_wait3A_69 = arith.constant 0 : i32
    %dma_wait3A_70 = arith.constant 0 : i32
    %dma_wait3A_71 = tpu.memref_slice %arg2[%dma_wait3A_69, %dma_wait3A_70] : memref<2560x128xi32, #tpu.memory_space<hbm>> -> memref<1x128xi32, #tpu.memory_space<hbm>>
    %dma_wait3A_72 = tpu.memref_squeeze %dma_wait3A_71 : memref<1x128xi32, #tpu.memory_space<hbm>> -> memref<128xi32, #tpu.memory_space<hbm>>
    %dma_wait3A_73 = arith.constant 0 : i32
    %dma_wait3A_74 = tpu.memref_slice %arg2[%dma_wait3A_69, %dma_wait3A_73] : memref<2560x128xi32, #tpu.memory_space<hbm>> -> memref<1x128xi32, #tpu.memory_space<hbm>>
    %dma_wait3A_75 = tpu.memref_squeeze %dma_wait3A_74 : memref<1x128xi32, #tpu.memory_space<hbm>> -> memref<128xi32, #tpu.memory_space<hbm>>
    tpu.wait_dma2 semaphore(%arg24 : memref<!tpu.dma_semaphore, #tpu.memory_space<semaphore_mem>>) src(%dma_wait3A_75 : memref<128xi32, #tpu.memory_space<hbm>>) dst(%arg15 : memref<128xi32, #tpu.memory_space<vmem>>)
    %dma_wait3A_76 = arith.constant 0 : i32
    %dma_wait3A_77 = arith.constant 0 : i32
    %dma_wait3A_78 = tpu.memref_slice %arg3[%dma_wait3A_76, %dma_wait3A_77] : memref<2560x128xi32, #tpu.memory_space<hbm>> -> memref<1x128xi32, #tpu.memory_space<hbm>>
    %dma_wait3A_79 = tpu.memref_squeeze %dma_wait3A_78 : memref<1x128xi32, #tpu.memory_space<hbm>> -> memref<128xi32, #tpu.memory_space<hbm>>
    %dma_wait3A_80 = arith.constant 0 : i32
    %dma_wait3A_81 = tpu.memref_slice %arg3[%dma_wait3A_76, %dma_wait3A_80] : memref<2560x128xi32, #tpu.memory_space<hbm>> -> memref<1x128xi32, #tpu.memory_space<hbm>>
    %dma_wait3A_82 = tpu.memref_squeeze %dma_wait3A_81 : memref<1x128xi32, #tpu.memory_space<hbm>> -> memref<128xi32, #tpu.memory_space<hbm>>
    tpu.wait_dma2 semaphore(%arg24 : memref<!tpu.dma_semaphore, #tpu.memory_space<semaphore_mem>>) src(%dma_wait3A_82 : memref<128xi32, #tpu.memory_space<hbm>>) dst(%arg16 : memref<128xi32, #tpu.memory_space<vmem>>)
    %dma_wait3A_83 = arith.constant 0 : i32
    %dma_wait3A_84 = arith.constant 0 : i32
    %dma_wait3A_85 = tpu.memref_slice %arg6[%dma_wait3A_83, %dma_wait3A_84] : memref<10000x128xbf16, #tpu.memory_space<hbm>> -> memref<10000x128xbf16, #tpu.memory_space<hbm>>
    tpu.wait_indirect_dma semaphore(%arg21 : memref<!tpu.dma_semaphore, #tpu.memory_space<semaphore_mem>>) src(%dma_wait3A_85 : memref<10000x128xbf16, #tpu.memory_space<hbm>>) dst(%arg18 : memref<128x128xbf16, #tpu.memory_space<vmem>>)
    "tpu.region"() ({
      %run_scoped3A = tpu.sem_alloc : memref<!tpu.dma_semaphore, #tpu.memory_space<semaphore_mem>>
      %dma_start3A_92 = arith.constant 0 : i32
      %dma_start3A_93 = tpu.memref_slice %arg12[%dma_start3A_92] : memref<10016xf32, #tpu.memory_space<vmem>> -> memref<10000xf32, #tpu.memory_space<vmem>>
      %dma_start3A_94 = arith.constant 0 : i32
      %dma_start3A_95 = tpu.memref_slice %arg9[%add3A, %dma_start3A_94] : memref<32x10000xf32, #tpu.memory_space<hbm>> -> memref<1x10000xf32, #tpu.memory_space<hbm>>
      %dma_start3A_96 = tpu.memref_squeeze %dma_start3A_95 : memref<1x10000xf32, #tpu.memory_space<hbm>> -> memref<10000xf32, #tpu.memory_space<hbm>>
      %dma_start3A_97 = arith.constant 0 : i32
      %dma_start3A_98 = tpu.memref_slice %arg9[%add3A, %dma_start3A_97] : memref<32x10000xf32, #tpu.memory_space<hbm>> -> memref<1x10000xf32, #tpu.memory_space<hbm>>
      %dma_start3A_99 = tpu.memref_squeeze %dma_start3A_98 : memref<1x10000xf32, #tpu.memory_space<hbm>> -> memref<10000xf32, #tpu.memory_space<hbm>>
      %dma_start3A_100 = arith.constant 0 : i32
      %dma_start3A_101 = tpu.memref_slice %arg12[%dma_start3A_100] : memref<10016xf32, #tpu.memory_space<vmem>> -> memref<10000xf32, #tpu.memory_space<vmem>>
      tpu.enqueue_dma source(%dma_start3A_101 : memref<10000xf32, #tpu.memory_space<vmem>>) target(%dma_start3A_99 : memref<10000xf32, #tpu.memory_space<hbm>>) target_semaphore(%run_scoped3A : memref<!tpu.dma_semaphore, #tpu.memory_space<semaphore_mem>>)
      %dma_wait3A_102 = arith.constant 0 : i32
      %dma_wait3A_103 = tpu.memref_slice %arg12[%dma_wait3A_102] : memref<10016xf32, #tpu.memory_space<vmem>> -> memref<10000xf32, #tpu.memory_space<vmem>>
      %dma_wait3A_104 = arith.constant 0 : i32
      %dma_wait3A_105 = tpu.memref_slice %arg9[%add3A, %dma_wait3A_104] : memref<32x10000xf32, #tpu.memory_space<hbm>> -> memref<1x10000xf32, #tpu.memory_space<hbm>>
      %dma_wait3A_106 = tpu.memref_squeeze %dma_wait3A_105 : memref<1x10000xf32, #tpu.memory_space<hbm>> -> memref<10000xf32, #tpu.memory_space<hbm>>
      %dma_wait3A_107 = arith.constant 0 : i32
      %dma_wait3A_108 = tpu.memref_slice %arg9[%add3A, %dma_wait3A_107] : memref<32x10000xf32, #tpu.memory_space<hbm>> -> memref<1x10000xf32, #tpu.memory_space<hbm>>
      %dma_wait3A_109 = tpu.memref_squeeze %dma_wait3A_108 : memref<1x10000xf32, #tpu.memory_space<hbm>> -> memref<10000xf32, #tpu.memory_space<hbm>>
      %dma_wait3A_110 = arith.constant 0 : i32
      %dma_wait3A_111 = tpu.memref_slice %arg12[%dma_wait3A_110] : memref<10016xf32, #tpu.memory_space<vmem>> -> memref<10000xf32, #tpu.memory_space<vmem>>
      tpu.wait_dma2 semaphore(%run_scoped3A : memref<!tpu.dma_semaphore, #tpu.memory_space<semaphore_mem>>) src(%dma_wait3A_111 : memref<10000xf32, #tpu.memory_space<vmem>>) dst(%dma_wait3A_109 : memref<10000xf32, #tpu.memory_space<hbm>>)
      tpu.yield
    }) : () -> ()
    %barrier3A_86 = arith.constant 0 : index
    tpu.barrier barrier_id(%barrier3A_86)
    %eq3A_87 = arith.constant 0 : i32
    %eq3A_88 = arith.cmpi eq, %arg1, %eq3A_87 : i32
    %convert_element_type3A_89 = arith.extui %eq3A_88 : i1 to i32
    %cond3A_90 = arith.constant 0 : i32
    %cond3A_91 = arith.cmpi ne, %convert_element_type3A_89, %cond3A_90 : i32
    scf.if %cond3A_91 {
      "tpu.region"() ({
        %run_scoped3A = tpu.sem_alloc : memref<!tpu.dma_semaphore, #tpu.memory_space<semaphore_mem>>
        %dma_start3A_92 = arith.constant 0 : i32
        %dma_start3A_93 = arith.constant 0 : i32
        %dma_start3A_94 = tpu.memref_slice %arg8[%arg0, %dma_start3A_92, %dma_start3A_93] : memref<2x10000x128xbf16, #tpu.memory_space<hbm>> -> memref<1x10000x128xbf16, #tpu.memory_space<hbm>>
        %dma_start3A_95 = tpu.memref_squeeze %dma_start3A_94 : memref<1x10000x128xbf16, #tpu.memory_space<hbm>> -> memref<10000x128xbf16, #tpu.memory_space<hbm>>
        %dma_start3A_96 = arith.constant 0 : i32
        %dma_start3A_97 = arith.constant 0 : i32
        %dma_start3A_98 = tpu.memref_slice %arg20[%dma_start3A_96, %dma_start3A_97] : memref<10016x128xbf16, #tpu.memory_space<vmem_shared>> -> memref<10000x128xbf16, #tpu.memory_space<vmem_shared>>
        tpu.enqueue_dma source(%dma_start3A_98 : memref<10000x128xbf16, #tpu.memory_space<vmem_shared>>) target(%dma_start3A_95 : memref<10000x128xbf16, #tpu.memory_space<hbm>>) target_semaphore(%run_scoped3A : memref<!tpu.dma_semaphore, #tpu.memory_space<semaphore_mem>>)
        %dma_wait3A_99 = arith.constant 0 : i32
        %dma_wait3A_100 = arith.constant 0 : i32
        %dma_wait3A_101 = tpu.memref_slice %arg8[%arg0, %dma_wait3A_99, %dma_wait3A_100] : memref<2x10000x128xbf16, #tpu.memory_space<hbm>> -> memref<1x10000x128xbf16, #tpu.memory_space<hbm>>
        %dma_wait3A_102 = tpu.memref_squeeze %dma_wait3A_101 : memref<1x10000x128xbf16, #tpu.memory_space<hbm>> -> memref<10000x128xbf16, #tpu.memory_space<hbm>>
        %dma_wait3A_103 = arith.constant 0 : i32
        %dma_wait3A_104 = arith.constant 0 : i32
        %dma_wait3A_105 = tpu.memref_slice %arg20[%dma_wait3A_103, %dma_wait3A_104] : memref<10016x128xbf16, #tpu.memory_space<vmem_shared>> -> memref<10000x128xbf16, #tpu.memory_space<vmem_shared>>
        tpu.wait_dma2 semaphore(%run_scoped3A : memref<!tpu.dma_semaphore, #tpu.memory_space<semaphore_mem>>) src(%dma_wait3A_105 : memref<10000x128xbf16, #tpu.memory_space<vmem_shared>>) dst(%dma_wait3A_102 : memref<10000x128xbf16, #tpu.memory_space<hbm>>)
        tpu.yield
      }) : () -> ()
    } else {
    }
    return
  }
}

#map = affine_map<(d0, d1) -> (0, 0)>
#map1 = affine_map<(d0, d1) -> (0, 0, 0)>
module attributes {stable_mosaic.version = 14 : i64} {
  func.func @_mpnn_sc_body(%arg0: i32, %arg1: i32, %arg2: memref<1280x128xi32, #tpu.memory_space<hbm>>, %arg3: memref<1280x128xi32, #tpu.memory_space<hbm>>, %arg4: memref<10000x128xbf16, #tpu.memory_space<hbm>>, %arg5: memref<163840x128xbf16, #tpu.memory_space<hbm>>, %arg6: memref<10000x128xbf16, #tpu.memory_space<hbm>>, %arg7: memref<2x10000x128xbf16, #tpu.memory_space<hbm>>, %arg8: memref<41x128xi32, #tpu.memory_space<vmem>>, %arg9: memref<41x128xi32, #tpu.memory_space<vmem>>, %arg10: memref<128x128xbf16, #tpu.memory_space<vmem>>, %arg11: memref<128x128xbf16, #tpu.memory_space<vmem>>, %arg12: memref<128x128xbf16, #tpu.memory_space<vmem>>, %arg13: memref<128x128xbf16, #tpu.memory_space<vmem>>, %arg14: memref<10016x128xbf16, #tpu.memory_space<vmem_shared>>, %arg15: memref<!tpu.dma_semaphore, #tpu.memory_space<semaphore_mem>>, %arg16: memref<!tpu.dma_semaphore, #tpu.memory_space<semaphore_mem>>, %arg17: memref<!tpu.dma_semaphore, #tpu.memory_space<semaphore_mem>>, %arg18: memref<!tpu.dma_semaphore, #tpu.memory_space<semaphore_mem>>) attributes {dimension_semantics = [#tpu.dimension_semantics<core_parallel>, #tpu.dimension_semantics<subcore_parallel>], iteration_bounds = array<i64: 2, 16>, scalar_prefetch = 0 : i64, scratch_operands = 11 : i64, tpu.core_type = #tpu.core_type<sc_vector_subcore>, window_params = [{transform_indices = #map}, {transform_indices = #map}, {transform_indices = #map}, {transform_indices = #map}, {transform_indices = #map}, {transform_indices = #map1}]} {
    %mul3A = arith.constant 16 : i32
    %mul3A_0 = arith.muli %arg0, %mul3A : i32
    %add3A = arith.addi %mul3A_0, %arg1 : i32
    %eq3A = arith.constant 0 : i32
    %eq3A_1 = arith.cmpi eq, %arg1, %eq3A : i32
    %convert_element_type3A = arith.extui %eq3A_1 : i1 to i32
    %cond3A = arith.constant 0 : i32
    %cond3A_2 = arith.cmpi ne, %convert_element_type3A, %cond3A : i32
    scf.if %cond3A_2 {
      "tpu.region"() ({
        %run_scoped3A = tpu.sem_alloc : memref<!tpu.dma_semaphore, #tpu.memory_space<semaphore_mem>>
        %dma_start3A_89 = arith.constant 0 : i32
        %dma_start3A_90 = arith.constant 0 : i32
        %dma_start3A_91 = tpu.memref_slice %arg14[%dma_start3A_89, %dma_start3A_90] : memref<10016x128xbf16, #tpu.memory_space<vmem_shared>> -> memref<10000x128xbf16, #tpu.memory_space<vmem_shared>>
        tpu.enqueue_dma source(%arg6 : memref<10000x128xbf16, #tpu.memory_space<hbm>>) target(%dma_start3A_91 : memref<10000x128xbf16, #tpu.memory_space<vmem_shared>>) target_semaphore(%run_scoped3A : memref<!tpu.dma_semaphore, #tpu.memory_space<semaphore_mem>>)
        %dma_wait3A_92 = arith.constant 0 : i32
        %dma_wait3A_93 = arith.constant 0 : i32
        %dma_wait3A_94 = tpu.memref_slice %arg14[%dma_wait3A_92, %dma_wait3A_93] : memref<10016x128xbf16, #tpu.memory_space<vmem_shared>> -> memref<10000x128xbf16, #tpu.memory_space<vmem_shared>>
        tpu.wait_dma2 semaphore(%run_scoped3A : memref<!tpu.dma_semaphore, #tpu.memory_space<semaphore_mem>>) src(%arg6 : memref<10000x128xbf16, #tpu.memory_space<hbm>>) dst(%dma_wait3A_94 : memref<10000x128xbf16, #tpu.memory_space<vmem_shared>>)
        tpu.yield
      }) : () -> ()
    } else {
    }
    %mul3A_3 = arith.constant 40 : i32
    %mul3A_4 = arith.muli %add3A, %mul3A_3 : i32
    "tpu.region"() ({
      %run_scoped3A = tpu.sem_alloc : memref<!tpu.dma_semaphore, #tpu.memory_space<semaphore_mem>>
      %dma_start3A_89 = arith.constant 0 : i32
      %dma_start3A_90 = arith.constant 0 : i32
      %dma_start3A_91 = tpu.memref_slice %arg8[%dma_start3A_89, %dma_start3A_90] : memref<41x128xi32, #tpu.memory_space<vmem>> -> memref<40x128xi32, #tpu.memory_space<vmem>>
      %dma_start3A_92 = arith.constant 0 : i32
      %dma_start3A_93 = tpu.memref_slice %arg2[%mul3A_4, %dma_start3A_92] : memref<1280x128xi32, #tpu.memory_space<hbm>> -> memref<40x128xi32, #tpu.memory_space<hbm>>
      %dma_start3A_94 = arith.constant 0 : i32
      %dma_start3A_95 = arith.constant 0 : i32
      %dma_start3A_96 = tpu.memref_slice %arg8[%dma_start3A_94, %dma_start3A_95] : memref<41x128xi32, #tpu.memory_space<vmem>> -> memref<40x128xi32, #tpu.memory_space<vmem>>
      %dma_start3A_97 = arith.constant 0 : i32
      %dma_start3A_98 = tpu.memref_slice %arg2[%mul3A_4, %dma_start3A_97] : memref<1280x128xi32, #tpu.memory_space<hbm>> -> memref<40x128xi32, #tpu.memory_space<hbm>>
      tpu.enqueue_dma source(%dma_start3A_98 : memref<40x128xi32, #tpu.memory_space<hbm>>) target(%dma_start3A_96 : memref<40x128xi32, #tpu.memory_space<vmem>>) target_semaphore(%run_scoped3A : memref<!tpu.dma_semaphore, #tpu.memory_space<semaphore_mem>>)
      %dma_wait3A_99 = arith.constant 0 : i32
      %dma_wait3A_100 = arith.constant 0 : i32
      %dma_wait3A_101 = tpu.memref_slice %arg8[%dma_wait3A_99, %dma_wait3A_100] : memref<41x128xi32, #tpu.memory_space<vmem>> -> memref<40x128xi32, #tpu.memory_space<vmem>>
      %dma_wait3A_102 = arith.constant 0 : i32
      %dma_wait3A_103 = tpu.memref_slice %arg2[%mul3A_4, %dma_wait3A_102] : memref<1280x128xi32, #tpu.memory_space<hbm>> -> memref<40x128xi32, #tpu.memory_space<hbm>>
      %dma_wait3A_104 = arith.constant 0 : i32
      %dma_wait3A_105 = arith.constant 0 : i32
      %dma_wait3A_106 = tpu.memref_slice %arg8[%dma_wait3A_104, %dma_wait3A_105] : memref<41x128xi32, #tpu.memory_space<vmem>> -> memref<40x128xi32, #tpu.memory_space<vmem>>
      %dma_wait3A_107 = arith.constant 0 : i32
      %dma_wait3A_108 = tpu.memref_slice %arg2[%mul3A_4, %dma_wait3A_107] : memref<1280x128xi32, #tpu.memory_space<hbm>> -> memref<40x128xi32, #tpu.memory_space<hbm>>
      tpu.wait_dma2 semaphore(%run_scoped3A : memref<!tpu.dma_semaphore, #tpu.memory_space<semaphore_mem>>) src(%dma_wait3A_108 : memref<40x128xi32, #tpu.memory_space<hbm>>) dst(%dma_wait3A_106 : memref<40x128xi32, #tpu.memory_space<vmem>>)
      tpu.yield
    }) : () -> ()
    "tpu.region"() ({
      %run_scoped3A = tpu.sem_alloc : memref<!tpu.dma_semaphore, #tpu.memory_space<semaphore_mem>>
      %dma_start3A_89 = arith.constant 0 : i32
      %dma_start3A_90 = arith.constant 0 : i32
      %dma_start3A_91 = tpu.memref_slice %arg9[%dma_start3A_89, %dma_start3A_90] : memref<41x128xi32, #tpu.memory_space<vmem>> -> memref<40x128xi32, #tpu.memory_space<vmem>>
      %dma_start3A_92 = arith.constant 0 : i32
      %dma_start3A_93 = tpu.memref_slice %arg3[%mul3A_4, %dma_start3A_92] : memref<1280x128xi32, #tpu.memory_space<hbm>> -> memref<40x128xi32, #tpu.memory_space<hbm>>
      %dma_start3A_94 = arith.constant 0 : i32
      %dma_start3A_95 = arith.constant 0 : i32
      %dma_start3A_96 = tpu.memref_slice %arg9[%dma_start3A_94, %dma_start3A_95] : memref<41x128xi32, #tpu.memory_space<vmem>> -> memref<40x128xi32, #tpu.memory_space<vmem>>
      %dma_start3A_97 = arith.constant 0 : i32
      %dma_start3A_98 = tpu.memref_slice %arg3[%mul3A_4, %dma_start3A_97] : memref<1280x128xi32, #tpu.memory_space<hbm>> -> memref<40x128xi32, #tpu.memory_space<hbm>>
      tpu.enqueue_dma source(%dma_start3A_98 : memref<40x128xi32, #tpu.memory_space<hbm>>) target(%dma_start3A_96 : memref<40x128xi32, #tpu.memory_space<vmem>>) target_semaphore(%run_scoped3A : memref<!tpu.dma_semaphore, #tpu.memory_space<semaphore_mem>>)
      %dma_wait3A_99 = arith.constant 0 : i32
      %dma_wait3A_100 = arith.constant 0 : i32
      %dma_wait3A_101 = tpu.memref_slice %arg9[%dma_wait3A_99, %dma_wait3A_100] : memref<41x128xi32, #tpu.memory_space<vmem>> -> memref<40x128xi32, #tpu.memory_space<vmem>>
      %dma_wait3A_102 = arith.constant 0 : i32
      %dma_wait3A_103 = tpu.memref_slice %arg3[%mul3A_4, %dma_wait3A_102] : memref<1280x128xi32, #tpu.memory_space<hbm>> -> memref<40x128xi32, #tpu.memory_space<hbm>>
      %dma_wait3A_104 = arith.constant 0 : i32
      %dma_wait3A_105 = arith.constant 0 : i32
      %dma_wait3A_106 = tpu.memref_slice %arg9[%dma_wait3A_104, %dma_wait3A_105] : memref<41x128xi32, #tpu.memory_space<vmem>> -> memref<40x128xi32, #tpu.memory_space<vmem>>
      %dma_wait3A_107 = arith.constant 0 : i32
      %dma_wait3A_108 = tpu.memref_slice %arg3[%mul3A_4, %dma_wait3A_107] : memref<1280x128xi32, #tpu.memory_space<hbm>> -> memref<40x128xi32, #tpu.memory_space<hbm>>
      tpu.wait_dma2 semaphore(%run_scoped3A : memref<!tpu.dma_semaphore, #tpu.memory_space<semaphore_mem>>) src(%dma_wait3A_108 : memref<40x128xi32, #tpu.memory_space<hbm>>) dst(%dma_wait3A_106 : memref<40x128xi32, #tpu.memory_space<vmem>>)
      tpu.yield
    }) : () -> ()
    %broadcast_in_dim3A = arith.constant 0 : i32
    %broadcast_in_dim3A_5 = vector.broadcast %broadcast_in_dim3A : i32 to vector<16xi32>
    %swap3A = arith.constant 40 : i32
    %swap3A_6 = arith.index_cast %swap3A : i32 to index
    %swap3A_7 = arith.constant 0 : index
    %swap3A_8 = tpu.vector_load %arg8[%swap3A_6, %swap3A_7] {strides = array<i32>} : memref<41x128xi32, #tpu.memory_space<vmem>>, vector<16xi32>,
    tpu.vector_store %arg8[%swap3A_6, %swap3A_7], %broadcast_in_dim3A_5 {strides = array<i32>} : memref<41x128xi32, #tpu.memory_space<vmem>>, vector<16xi32>,
    %broadcast_in_dim3A_9 = arith.constant 0 : i32
    %broadcast_in_dim3A_10 = vector.broadcast %broadcast_in_dim3A_9 : i32 to vector<16xi32>
    %swap3A_11 = arith.constant 40 : i32
    %swap3A_12 = arith.index_cast %swap3A_11 : i32 to index
    %swap3A_13 = arith.constant 16 : index
    %swap3A_14 = tpu.vector_load %arg8[%swap3A_12, %swap3A_13] {strides = array<i32>} : memref<41x128xi32, #tpu.memory_space<vmem>>, vector<16xi32>,
    tpu.vector_store %arg8[%swap3A_12, %swap3A_13], %broadcast_in_dim3A_10 {strides = array<i32>} : memref<41x128xi32, #tpu.memory_space<vmem>>, vector<16xi32>,
    %broadcast_in_dim3A_15 = arith.constant 0 : i32
    %broadcast_in_dim3A_16 = vector.broadcast %broadcast_in_dim3A_15 : i32 to vector<16xi32>
    %swap3A_17 = arith.constant 40 : i32
    %swap3A_18 = arith.index_cast %swap3A_17 : i32 to index
    %swap3A_19 = arith.constant 32 : index
    %swap3A_20 = tpu.vector_load %arg8[%swap3A_18, %swap3A_19] {strides = array<i32>} : memref<41x128xi32, #tpu.memory_space<vmem>>, vector<16xi32>,
    tpu.vector_store %arg8[%swap3A_18, %swap3A_19], %broadcast_in_dim3A_16 {strides = array<i32>} : memref<41x128xi32, #tpu.memory_space<vmem>>, vector<16xi32>,
    %broadcast_in_dim3A_21 = arith.constant 0 : i32
    %broadcast_in_dim3A_22 = vector.broadcast %broadcast_in_dim3A_21 : i32 to vector<16xi32>
    %swap3A_23 = arith.constant 40 : i32
    %swap3A_24 = arith.index_cast %swap3A_23 : i32 to index
    %swap3A_25 = arith.constant 48 : index
    %swap3A_26 = tpu.vector_load %arg8[%swap3A_24, %swap3A_25] {strides = array<i32>} : memref<41x128xi32, #tpu.memory_space<vmem>>, vector<16xi32>,
    tpu.vector_store %arg8[%swap3A_24, %swap3A_25], %broadcast_in_dim3A_22 {strides = array<i32>} : memref<41x128xi32, #tpu.memory_space<vmem>>, vector<16xi32>,
    %broadcast_in_dim3A_27 = arith.constant 0 : i32
    %broadcast_in_dim3A_28 = vector.broadcast %broadcast_in_dim3A_27 : i32 to vector<16xi32>
    %swap3A_29 = arith.constant 40 : i32
    %swap3A_30 = arith.index_cast %swap3A_29 : i32 to index
    %swap3A_31 = arith.constant 64 : index
    %swap3A_32 = tpu.vector_load %arg8[%swap3A_30, %swap3A_31] {strides = array<i32>} : memref<41x128xi32, #tpu.memory_space<vmem>>, vector<16xi32>,
    tpu.vector_store %arg8[%swap3A_30, %swap3A_31], %broadcast_in_dim3A_28 {strides = array<i32>} : memref<41x128xi32, #tpu.memory_space<vmem>>, vector<16xi32>,
    %broadcast_in_dim3A_33 = arith.constant 0 : i32
    %broadcast_in_dim3A_34 = vector.broadcast %broadcast_in_dim3A_33 : i32 to vector<16xi32>
    %swap3A_35 = arith.constant 40 : i32
    %swap3A_36 = arith.index_cast %swap3A_35 : i32 to index
    %swap3A_37 = arith.constant 80 : index
    %swap3A_38 = tpu.vector_load %arg8[%swap3A_36, %swap3A_37] {strides = array<i32>} : memref<41x128xi32, #tpu.memory_space<vmem>>, vector<16xi32>,
    tpu.vector_store %arg8[%swap3A_36, %swap3A_37], %broadcast_in_dim3A_34 {strides = array<i32>} : memref<41x128xi32, #tpu.memory_space<vmem>>, vector<16xi32>,
    %broadcast_in_dim3A_39 = arith.constant 0 : i32
    %broadcast_in_dim3A_40 = vector.broadcast %broadcast_in_dim3A_39 : i32 to vector<16xi32>
    %swap3A_41 = arith.constant 40 : i32
    %swap3A_42 = arith.index_cast %swap3A_41 : i32 to index
    %swap3A_43 = arith.constant 96 : index
    %swap3A_44 = tpu.vector_load %arg8[%swap3A_42, %swap3A_43] {strides = array<i32>} : memref<41x128xi32, #tpu.memory_space<vmem>>, vector<16xi32>,
    tpu.vector_store %arg8[%swap3A_42, %swap3A_43], %broadcast_in_dim3A_40 {strides = array<i32>} : memref<41x128xi32, #tpu.memory_space<vmem>>, vector<16xi32>,
    %broadcast_in_dim3A_45 = arith.constant 0 : i32
    %broadcast_in_dim3A_46 = vector.broadcast %broadcast_in_dim3A_45 : i32 to vector<16xi32>
    %swap3A_47 = arith.constant 40 : i32
    %swap3A_48 = arith.index_cast %swap3A_47 : i32 to index
    %swap3A_49 = arith.constant 112 : index
    %swap3A_50 = tpu.vector_load %arg8[%swap3A_48, %swap3A_49] {strides = array<i32>} : memref<41x128xi32, #tpu.memory_space<vmem>>, vector<16xi32>,
    tpu.vector_store %arg8[%swap3A_48, %swap3A_49], %broadcast_in_dim3A_46 {strides = array<i32>} : memref<41x128xi32, #tpu.memory_space<vmem>>, vector<16xi32>,
    %barrier3A = arith.constant 0 : index
    tpu.barrier barrier_id(%barrier3A)
    %dma_start3A = arith.constant 0 : i32
    %dma_start3A_51 = arith.constant 0 : i32
    %dma_start3A_52 = tpu.memref_slice %arg8[%dma_start3A, %dma_start3A_51] : memref<41x128xi32, #tpu.memory_space<vmem>> -> memref<1x128xi32, #tpu.memory_space<vmem>>
    %dma_start3A_53 = tpu.memref_squeeze %dma_start3A_52 : memref<1x128xi32, #tpu.memory_space<vmem>> -> memref<128xi32, #tpu.memory_space<vmem>>
    %dma_start3A_54 = arith.constant 0 : i32
    %dma_start3A_55 = arith.constant 0 : i32
    %dma_start3A_56 = tpu.memref_slice %arg4[%dma_start3A_54, %dma_start3A_55] : memref<10000x128xbf16, #tpu.memory_space<hbm>> -> memref<10000x128xbf16, #tpu.memory_space<hbm>>
    tpu.enqueue_indirect_dma source(%dma_start3A_56 : memref<10000x128xbf16, #tpu.memory_space<hbm>>) target(%arg10 : memref<128x128xbf16, #tpu.memory_space<vmem>>) offsets(%dma_start3A_53 : memref<128xi32, #tpu.memory_space<vmem>>) semaphore(%arg15 : memref<!tpu.dma_semaphore, #tpu.memory_space<semaphore_mem>>)
    %add3A_57 = arith.constant 0 : i32
    %add3A_58 = arith.addi %mul3A_4, %add3A_57 : i32
    %min3A = arith.constant 1279 : i32
    %min3A_59 = arith.minsi %add3A_58, %min3A : i32
    %mul3A_60 = arith.constant 128 : i32
    %mul3A_61 = arith.muli %min3A_59, %mul3A_60 : i32
    %multiple_of3A = tpu.assume_multiple %mul3A_61, 128 : i32
    %dma_start3A_62 = arith.constant 0 : i32
    %dma_start3A_63 = tpu.memref_slice %arg5[%multiple_of3A, %dma_start3A_62] : memref<163840x128xbf16, #tpu.memory_space<hbm>> -> memref<128x128xbf16, #tpu.memory_space<hbm>>
    %dma_start3A_64 = arith.constant 0 : i32
    %dma_start3A_65 = tpu.memref_slice %arg5[%multiple_of3A, %dma_start3A_64] : memref<163840x128xbf16, #tpu.memory_space<hbm>> -> memref<128x128xbf16, #tpu.memory_space<hbm>>
    tpu.enqueue_dma source(%dma_start3A_65 : memref<128x128xbf16, #tpu.memory_space<hbm>>) target(%arg12 : memref<128x128xbf16, #tpu.memory_space<vmem>>) target_semaphore(%arg17 : memref<!tpu.dma_semaphore, #tpu.memory_space<semaphore_mem>>)
    %scan3A = arith.constant 0 : i32
    %scan3A_66 = arith.constant 0 : i32
    %scan3A_67 = arith.constant 20 : i32
    %scan3A_68 = arith.addi %scan3A_66, %scan3A_67 : i32
    %scan3A_69 = arith.constant 1 : i32
    scf.for %scan3A_89 = %scan3A_66 to %scan3A_68 step %scan3A_69  : i32 {
      %mul3A_90 = arith.constant 2 : i32
      %mul3A_91 = arith.muli %mul3A_90, %scan3A_89 : i32
      %add3A_92 = arith.constant 1 : i32
      %add3A_93 = arith.addi %mul3A_91, %add3A_92 : i32
      %dma_start3A_94 = arith.constant 0 : i32
      %dma_start3A_95 = tpu.memref_slice %arg8[%add3A_93, %dma_start3A_94] : memref<41x128xi32, #tpu.memory_space<vmem>> -> memref<1x128xi32, #tpu.memory_space<vmem>>
      %dma_start3A_96 = tpu.memref_squeeze %dma_start3A_95 : memref<1x128xi32, #tpu.memory_space<vmem>> -> memref<128xi32, #tpu.memory_space<vmem>>
      %dma_start3A_97 = arith.constant 0 : i32
      %dma_start3A_98 = arith.constant 0 : i32
      %dma_start3A_99 = tpu.memref_slice %arg4[%dma_start3A_97, %dma_start3A_98] : memref<10000x128xbf16, #tpu.memory_space<hbm>> -> memref<10000x128xbf16, #tpu.memory_space<hbm>>
      tpu.enqueue_indirect_dma source(%dma_start3A_99 : memref<10000x128xbf16, #tpu.memory_space<hbm>>) target(%arg11 : memref<128x128xbf16, #tpu.memory_space<vmem>>) offsets(%dma_start3A_96 : memref<128xi32, #tpu.memory_space<vmem>>) semaphore(%arg16 : memref<!tpu.dma_semaphore, #tpu.memory_space<semaphore_mem>>)
      %add3A_100 = arith.addi %mul3A_4, %add3A_93 : i32
      %min3A_101 = arith.constant 1279 : i32
      %min3A_102 = arith.minsi %add3A_100, %min3A_101 : i32
      %mul3A_103 = arith.constant 128 : i32
      %mul3A_104 = arith.muli %min3A_102, %mul3A_103 : i32
      %multiple_of3A_105 = tpu.assume_multiple %mul3A_104, 128 : i32
      %dma_start3A_106 = arith.constant 0 : i32
      %dma_start3A_107 = tpu.memref_slice %arg5[%multiple_of3A_105, %dma_start3A_106] : memref<163840x128xbf16, #tpu.memory_space<hbm>> -> memref<128x128xbf16, #tpu.memory_space<hbm>>
      %dma_start3A_108 = arith.constant 0 : i32
      %dma_start3A_109 = tpu.memref_slice %arg5[%multiple_of3A_105, %dma_start3A_108] : memref<163840x128xbf16, #tpu.memory_space<hbm>> -> memref<128x128xbf16, #tpu.memory_space<hbm>>
      tpu.enqueue_dma source(%dma_start3A_109 : memref<128x128xbf16, #tpu.memory_space<hbm>>) target(%arg13 : memref<128x128xbf16, #tpu.memory_space<vmem>>) target_semaphore(%arg18 : memref<!tpu.dma_semaphore, #tpu.memory_space<semaphore_mem>>)
      %dma_wait3A_110 = arith.constant 0 : i32
      %dma_wait3A_111 = arith.constant 0 : i32
      %dma_wait3A_112 = tpu.memref_slice %arg8[%dma_wait3A_110, %dma_wait3A_111] : memref<41x128xi32, #tpu.memory_space<vmem>> -> memref<1x128xi32, #tpu.memory_space<vmem>>
      %dma_wait3A_113 = tpu.memref_squeeze %dma_wait3A_112 : memref<1x128xi32, #tpu.memory_space<vmem>> -> memref<128xi32, #tpu.memory_space<vmem>>
      %dma_wait3A_114 = arith.constant 0 : i32
      %dma_wait3A_115 = arith.constant 0 : i32
      %dma_wait3A_116 = tpu.memref_slice %arg4[%dma_wait3A_114, %dma_wait3A_115] : memref<10000x128xbf16, #tpu.memory_space<hbm>> -> memref<10000x128xbf16, #tpu.memory_space<hbm>>
      tpu.wait_indirect_dma semaphore(%arg15 : memref<!tpu.dma_semaphore, #tpu.memory_space<semaphore_mem>>) src(%dma_wait3A_116 : memref<10000x128xbf16, #tpu.memory_space<hbm>>) dst(%arg10 : memref<128x128xbf16, #tpu.memory_space<vmem>>)
      %dma_wait3A_117 = arith.constant 0 : i32
      %dma_wait3A_118 = arith.constant 0 : i32
      %dma_wait3A_119 = tpu.memref_slice %arg5[%dma_wait3A_117, %dma_wait3A_118] : memref<163840x128xbf16, #tpu.memory_space<hbm>> -> memref<128x128xbf16, #tpu.memory_space<hbm>>
      %dma_wait3A_120 = arith.constant 0 : i32
      %dma_wait3A_121 = arith.constant 0 : i32
      %dma_wait3A_122 = tpu.memref_slice %arg5[%dma_wait3A_120, %dma_wait3A_121] : memref<163840x128xbf16, #tpu.memory_space<hbm>> -> memref<128x128xbf16, #tpu.memory_space<hbm>>
      tpu.wait_dma2 semaphore(%arg17 : memref<!tpu.dma_semaphore, #tpu.memory_space<semaphore_mem>>) src(%dma_wait3A_122 : memref<128x128xbf16, #tpu.memory_space<hbm>>) dst(%arg12 : memref<128x128xbf16, #tpu.memory_space<vmem>>)
      %broadcast_in_dim3A_123 = arith.constant 0.000000e+00 : bf16
      %broadcast_in_dim3A_124 = vector.broadcast %broadcast_in_dim3A_123 : bf16 to vector<32xbf16>
      %scan3A_125 = arith.constant 0 : i32
      %scan3A_126 = arith.constant 0 : i32
      %scan3A_127 = arith.constant 128 : i32
      %scan3A_128 = arith.addi %scan3A_126, %scan3A_127 : i32
      %scan3A_129 = arith.constant 1 : i32
      scf.for %scan3A_172 = %scan3A_126 to %scan3A_128 step %scan3A_129  : i32 {
        %get3A = arith.index_cast %scan3A_172 : i32 to index
        %get3A_173 = arith.constant 0 : index
        %get3A_174 = tpu.vector_load %arg10[%get3A, %get3A_173] {strides = array<i32>} : memref<128x128xbf16, #tpu.memory_space<vmem>>, vector<32xbf16>,
        %get3A_175 = arith.index_cast %scan3A_172 : i32 to index
        %get3A_176 = arith.constant 0 : index
        %get3A_177 = tpu.vector_load %arg12[%get3A_175, %get3A_176] {strides = array<i32>} : memref<128x128xbf16, #tpu.memory_space<vmem>>, vector<32xbf16>,
        %add3A_178 = arith.addf %get3A_174, %get3A_177 : vector<32xbf16>
        %max3A = arith.maximumf %add3A_178, %broadcast_in_dim3A_124 : vector<32xbf16>
        %swap3A_179 = arith.index_cast %scan3A_172 : i32 to index
        %swap3A_180 = arith.constant 0 : index
        %swap3A_181 = tpu.vector_load %arg10[%swap3A_179, %swap3A_180] {strides = array<i32>} : memref<128x128xbf16, #tpu.memory_space<vmem>>, vector<32xbf16>,
        tpu.vector_store %arg10[%swap3A_179, %swap3A_180], %max3A {strides = array<i32>} : memref<128x128xbf16, #tpu.memory_space<vmem>>, vector<32xbf16>,
        %get3A_182 = arith.index_cast %scan3A_172 : i32 to index
        %get3A_183 = arith.constant 32 : index
        %get3A_184 = tpu.vector_load %arg10[%get3A_182, %get3A_183] {strides = array<i32>} : memref<128x128xbf16, #tpu.memory_space<vmem>>, vector<32xbf16>,
        %get3A_185 = arith.index_cast %scan3A_172 : i32 to index
        %get3A_186 = arith.constant 32 : index
        %get3A_187 = tpu.vector_load %arg12[%get3A_185, %get3A_186] {strides = array<i32>} : memref<128x128xbf16, #tpu.memory_space<vmem>>, vector<32xbf16>,
        %add3A_188 = arith.addf %get3A_184, %get3A_187 : vector<32xbf16>
        %max3A_189 = arith.maximumf %add3A_188, %broadcast_in_dim3A_124 : vector<32xbf16>
        %swap3A_190 = arith.index_cast %scan3A_172 : i32 to index
        %swap3A_191 = arith.constant 32 : index
        %swap3A_192 = tpu.vector_load %arg10[%swap3A_190, %swap3A_191] {strides = array<i32>} : memref<128x128xbf16, #tpu.memory_space<vmem>>, vector<32xbf16>,
        tpu.vector_store %arg10[%swap3A_190, %swap3A_191], %max3A_189 {strides = array<i32>} : memref<128x128xbf16, #tpu.memory_space<vmem>>, vector<32xbf16>,
        %get3A_193 = arith.index_cast %scan3A_172 : i32 to index
        %get3A_194 = arith.constant 64 : index
        %get3A_195 = tpu.vector_load %arg10[%get3A_193, %get3A_194] {strides = array<i32>} : memref<128x128xbf16, #tpu.memory_space<vmem>>, vector<32xbf16>,
        %get3A_196 = arith.index_cast %scan3A_172 : i32 to index
        %get3A_197 = arith.constant 64 : index
        %get3A_198 = tpu.vector_load %arg12[%get3A_196, %get3A_197] {strides = array<i32>} : memref<128x128xbf16, #tpu.memory_space<vmem>>, vector<32xbf16>,
        %add3A_199 = arith.addf %get3A_195, %get3A_198 : vector<32xbf16>
        %max3A_200 = arith.maximumf %add3A_199, %broadcast_in_dim3A_124 : vector<32xbf16>
        %swap3A_201 = arith.index_cast %scan3A_172 : i32 to index
        %swap3A_202 = arith.constant 64 : index
        %swap3A_203 = tpu.vector_load %arg10[%swap3A_201, %swap3A_202] {strides = array<i32>} : memref<128x128xbf16, #tpu.memory_space<vmem>>, vector<32xbf16>,
        tpu.vector_store %arg10[%swap3A_201, %swap3A_202], %max3A_200 {strides = array<i32>} : memref<128x128xbf16, #tpu.memory_space<vmem>>, vector<32xbf16>,
        %get3A_204 = arith.index_cast %scan3A_172 : i32 to index
        %get3A_205 = arith.constant 96 : index
        %get3A_206 = tpu.vector_load %arg10[%get3A_204, %get3A_205] {strides = array<i32>} : memref<128x128xbf16, #tpu.memory_space<vmem>>, vector<32xbf16>,
        %get3A_207 = arith.index_cast %scan3A_172 : i32 to index
        %get3A_208 = arith.constant 96 : index
        %get3A_209 = tpu.vector_load %arg12[%get3A_207, %get3A_208] {strides = array<i32>} : memref<128x128xbf16, #tpu.memory_space<vmem>>, vector<32xbf16>,
        %add3A_210 = arith.addf %get3A_206, %get3A_209 : vector<32xbf16>
        %max3A_211 = arith.maximumf %add3A_210, %broadcast_in_dim3A_124 : vector<32xbf16>
        %swap3A_212 = arith.index_cast %scan3A_172 : i32 to index
        %swap3A_213 = arith.constant 96 : index
        %swap3A_214 = tpu.vector_load %arg10[%swap3A_212, %swap3A_213] {strides = array<i32>} : memref<128x128xbf16, #tpu.memory_space<vmem>>, vector<32xbf16>,
        tpu.vector_store %arg10[%swap3A_212, %swap3A_213], %max3A_211 {strides = array<i32>} : memref<128x128xbf16, #tpu.memory_space<vmem>>, vector<32xbf16>,
      }
      %scan3A_130 = arith.constant 128 : i32
      "tpu.region"() ({
        %run_scoped3A = tpu.sem_alloc : memref<!tpu.dma_semaphore, #tpu.memory_space<semaphore_mem>>
        %dma_start3A_172 = arith.constant 0 : i32
        %dma_start3A_173 = tpu.memref_slice %arg9[%mul3A_91, %dma_start3A_172] : memref<41x128xi32, #tpu.memory_space<vmem>> -> memref<1x128xi32, #tpu.memory_space<vmem>>
        %dma_start3A_174 = tpu.memref_squeeze %dma_start3A_173 : memref<1x128xi32, #tpu.memory_space<vmem>> -> memref<128xi32, #tpu.memory_space<vmem>>
        %dma_start3A_175 = arith.constant 0 : i32
        %dma_start3A_176 = arith.constant 0 : i32
        %dma_start3A_177 = tpu.memref_slice %arg14[%dma_start3A_175, %dma_start3A_176] : memref<10016x128xbf16, #tpu.memory_space<vmem_shared>> -> memref<10016x128xbf16, #tpu.memory_space<vmem_shared>>
        tpu.enqueue_indirect_dma source(%arg10 : memref<128x128xbf16, #tpu.memory_space<vmem>>) target(%dma_start3A_177 : memref<10016x128xbf16, #tpu.memory_space<vmem_shared>>) offsets(%dma_start3A_174 : memref<128xi32, #tpu.memory_space<vmem>>) semaphore(%run_scoped3A : memref<!tpu.dma_semaphore, #tpu.memory_space<semaphore_mem>>) {add = true}
        %dma_wait3A_178 = arith.constant 0 : i32
        %dma_wait3A_179 = tpu.memref_slice %arg9[%mul3A_91, %dma_wait3A_178] : memref<41x128xi32, #tpu.memory_space<vmem>> -> memref<1x128xi32, #tpu.memory_space<vmem>>
        %dma_wait3A_180 = tpu.memref_squeeze %dma_wait3A_179 : memref<1x128xi32, #tpu.memory_space<vmem>> -> memref<128xi32, #tpu.memory_space<vmem>>
        %dma_wait3A_181 = arith.constant 0 : i32
        %dma_wait3A_182 = arith.constant 0 : i32
        %dma_wait3A_183 = tpu.memref_slice %arg14[%dma_wait3A_181, %dma_wait3A_182] : memref<10016x128xbf16, #tpu.memory_space<vmem_shared>> -> memref<10016x128xbf16, #tpu.memory_space<vmem_shared>>
        tpu.wait_indirect_dma semaphore(%run_scoped3A : memref<!tpu.dma_semaphore, #tpu.memory_space<semaphore_mem>>) src(%arg10 : memref<128x128xbf16, #tpu.memory_space<vmem>>) dst(%dma_wait3A_183 : memref<10016x128xbf16, #tpu.memory_space<vmem_shared>>)
        tpu.yield
      }) : () -> ()
      %add3A_131 = arith.constant 2 : i32
      %add3A_132 = arith.addi %mul3A_91, %add3A_131 : i32
      %dma_start3A_133 = arith.constant 0 : i32
      %dma_start3A_134 = tpu.memref_slice %arg8[%add3A_132, %dma_start3A_133] : memref<41x128xi32, #tpu.memory_space<vmem>> -> memref<1x128xi32, #tpu.memory_space<vmem>>
      %dma_start3A_135 = tpu.memref_squeeze %dma_start3A_134 : memref<1x128xi32, #tpu.memory_space<vmem>> -> memref<128xi32, #tpu.memory_space<vmem>>
      %dma_start3A_136 = arith.constant 0 : i32
      %dma_start3A_137 = arith.constant 0 : i32
      %dma_start3A_138 = tpu.memref_slice %arg4[%dma_start3A_136, %dma_start3A_137] : memref<10000x128xbf16, #tpu.memory_space<hbm>> -> memref<10000x128xbf16, #tpu.memory_space<hbm>>
      tpu.enqueue_indirect_dma source(%dma_start3A_138 : memref<10000x128xbf16, #tpu.memory_space<hbm>>) target(%arg10 : memref<128x128xbf16, #tpu.memory_space<vmem>>) offsets(%dma_start3A_135 : memref<128xi32, #tpu.memory_space<vmem>>) semaphore(%arg15 : memref<!tpu.dma_semaphore, #tpu.memory_space<semaphore_mem>>)
      %add3A_139 = arith.addi %mul3A_4, %add3A_132 : i32
      %min3A_140 = arith.constant 1279 : i32
      %min3A_141 = arith.minsi %add3A_139, %min3A_140 : i32
      %mul3A_142 = arith.constant 128 : i32
      %mul3A_143 = arith.muli %min3A_141, %mul3A_142 : i32
      %multiple_of3A_144 = tpu.assume_multiple %mul3A_143, 128 : i32
      %dma_start3A_145 = arith.constant 0 : i32
      %dma_start3A_146 = tpu.memref_slice %arg5[%multiple_of3A_144, %dma_start3A_145] : memref<163840x128xbf16, #tpu.memory_space<hbm>> -> memref<128x128xbf16, #tpu.memory_space<hbm>>
      %dma_start3A_147 = arith.constant 0 : i32
      %dma_start3A_148 = tpu.memref_slice %arg5[%multiple_of3A_144, %dma_start3A_147] : memref<163840x128xbf16, #tpu.memory_space<hbm>> -> memref<128x128xbf16, #tpu.memory_space<hbm>>
      tpu.enqueue_dma source(%dma_start3A_148 : memref<128x128xbf16, #tpu.memory_space<hbm>>) target(%arg12 : memref<128x128xbf16, #tpu.memory_space<vmem>>) target_semaphore(%arg17 : memref<!tpu.dma_semaphore, #tpu.memory_space<semaphore_mem>>)
      %add3A_149 = arith.constant 1 : i32
      %add3A_150 = arith.addi %mul3A_91, %add3A_149 : i32
      %dma_wait3A_151 = arith.constant 0 : i32
      %dma_wait3A_152 = arith.constant 0 : i32
      %dma_wait3A_153 = tpu.memref_slice %arg8[%dma_wait3A_151, %dma_wait3A_152] : memref<41x128xi32, #tpu.memory_space<vmem>> -> memref<1x128xi32, #tpu.memory_space<vmem>>
      %dma_wait3A_154 = tpu.memref_squeeze %dma_wait3A_153 : memref<1x128xi32, #tpu.memory_space<vmem>> -> memref<128xi32, #tpu.memory_space<vmem>>
      %dma_wait3A_155 = arith.constant 0 : i32
      %dma_wait3A_156 = arith.constant 0 : i32
      %dma_wait3A_157 = tpu.memref_slice %arg4[%dma_wait3A_155, %dma_wait3A_156] : memref<10000x128xbf16, #tpu.memory_space<hbm>> -> memref<10000x128xbf16, #tpu.memory_space<hbm>>
      tpu.wait_indirect_dma semaphore(%arg16 : memref<!tpu.dma_semaphore, #tpu.memory_space<semaphore_mem>>) src(%dma_wait3A_157 : memref<10000x128xbf16, #tpu.memory_space<hbm>>) dst(%arg11 : memref<128x128xbf16, #tpu.memory_space<vmem>>)
      %dma_wait3A_158 = arith.constant 0 : i32
      %dma_wait3A_159 = arith.constant 0 : i32
      %dma_wait3A_160 = tpu.memref_slice %arg5[%dma_wait3A_158, %dma_wait3A_159] : memref<163840x128xbf16, #tpu.memory_space<hbm>> -> memref<128x128xbf16, #tpu.memory_space<hbm>>
      %dma_wait3A_161 = arith.constant 0 : i32
      %dma_wait3A_162 = arith.constant 0 : i32
      %dma_wait3A_163 = tpu.memref_slice %arg5[%dma_wait3A_161, %dma_wait3A_162] : memref<163840x128xbf16, #tpu.memory_space<hbm>> -> memref<128x128xbf16, #tpu.memory_space<hbm>>
      tpu.wait_dma2 semaphore(%arg18 : memref<!tpu.dma_semaphore, #tpu.memory_space<semaphore_mem>>) src(%dma_wait3A_163 : memref<128x128xbf16, #tpu.memory_space<hbm>>) dst(%arg13 : memref<128x128xbf16, #tpu.memory_space<vmem>>)
      %broadcast_in_dim3A_164 = arith.constant 0.000000e+00 : bf16
      %broadcast_in_dim3A_165 = vector.broadcast %broadcast_in_dim3A_164 : bf16 to vector<32xbf16>
      %scan3A_166 = arith.constant 0 : i32
      %scan3A_167 = arith.constant 0 : i32
      %scan3A_168 = arith.constant 128 : i32
      %scan3A_169 = arith.addi %scan3A_167, %scan3A_168 : i32
      %scan3A_170 = arith.constant 1 : i32
      scf.for %scan3A_172 = %scan3A_167 to %scan3A_169 step %scan3A_170  : i32 {
        %get3A = arith.index_cast %scan3A_172 : i32 to index
        %get3A_173 = arith.constant 0 : index
        %get3A_174 = tpu.vector_load %arg11[%get3A, %get3A_173] {strides = array<i32>} : memref<128x128xbf16, #tpu.memory_space<vmem>>, vector<32xbf16>,
        %get3A_175 = arith.index_cast %scan3A_172 : i32 to index
        %get3A_176 = arith.constant 0 : index
        %get3A_177 = tpu.vector_load %arg13[%get3A_175, %get3A_176] {strides = array<i32>} : memref<128x128xbf16, #tpu.memory_space<vmem>>, vector<32xbf16>,
        %add3A_178 = arith.addf %get3A_174, %get3A_177 : vector<32xbf16>
        %max3A = arith.maximumf %add3A_178, %broadcast_in_dim3A_165 : vector<32xbf16>
        %swap3A_179 = arith.index_cast %scan3A_172 : i32 to index
        %swap3A_180 = arith.constant 0 : index
        %swap3A_181 = tpu.vector_load %arg11[%swap3A_179, %swap3A_180] {strides = array<i32>} : memref<128x128xbf16, #tpu.memory_space<vmem>>, vector<32xbf16>,
        tpu.vector_store %arg11[%swap3A_179, %swap3A_180], %max3A {strides = array<i32>} : memref<128x128xbf16, #tpu.memory_space<vmem>>, vector<32xbf16>,
        %get3A_182 = arith.index_cast %scan3A_172 : i32 to index
        %get3A_183 = arith.constant 32 : index
        %get3A_184 = tpu.vector_load %arg11[%get3A_182, %get3A_183] {strides = array<i32>} : memref<128x128xbf16, #tpu.memory_space<vmem>>, vector<32xbf16>,
        %get3A_185 = arith.index_cast %scan3A_172 : i32 to index
        %get3A_186 = arith.constant 32 : index
        %get3A_187 = tpu.vector_load %arg13[%get3A_185, %get3A_186] {strides = array<i32>} : memref<128x128xbf16, #tpu.memory_space<vmem>>, vector<32xbf16>,
        %add3A_188 = arith.addf %get3A_184, %get3A_187 : vector<32xbf16>
        %max3A_189 = arith.maximumf %add3A_188, %broadcast_in_dim3A_165 : vector<32xbf16>
        %swap3A_190 = arith.index_cast %scan3A_172 : i32 to index
        %swap3A_191 = arith.constant 32 : index
        %swap3A_192 = tpu.vector_load %arg11[%swap3A_190, %swap3A_191] {strides = array<i32>} : memref<128x128xbf16, #tpu.memory_space<vmem>>, vector<32xbf16>,
        tpu.vector_store %arg11[%swap3A_190, %swap3A_191], %max3A_189 {strides = array<i32>} : memref<128x128xbf16, #tpu.memory_space<vmem>>, vector<32xbf16>,
        %get3A_193 = arith.index_cast %scan3A_172 : i32 to index
        %get3A_194 = arith.constant 64 : index
        %get3A_195 = tpu.vector_load %arg11[%get3A_193, %get3A_194] {strides = array<i32>} : memref<128x128xbf16, #tpu.memory_space<vmem>>, vector<32xbf16>,
        %get3A_196 = arith.index_cast %scan3A_172 : i32 to index
        %get3A_197 = arith.constant 64 : index
        %get3A_198 = tpu.vector_load %arg13[%get3A_196, %get3A_197] {strides = array<i32>} : memref<128x128xbf16, #tpu.memory_space<vmem>>, vector<32xbf16>,
        %add3A_199 = arith.addf %get3A_195, %get3A_198 : vector<32xbf16>
        %max3A_200 = arith.maximumf %add3A_199, %broadcast_in_dim3A_165 : vector<32xbf16>
        %swap3A_201 = arith.index_cast %scan3A_172 : i32 to index
        %swap3A_202 = arith.constant 64 : index
        %swap3A_203 = tpu.vector_load %arg11[%swap3A_201, %swap3A_202] {strides = array<i32>} : memref<128x128xbf16, #tpu.memory_space<vmem>>, vector<32xbf16>,
        tpu.vector_store %arg11[%swap3A_201, %swap3A_202], %max3A_200 {strides = array<i32>} : memref<128x128xbf16, #tpu.memory_space<vmem>>, vector<32xbf16>,
        %get3A_204 = arith.index_cast %scan3A_172 : i32 to index
        %get3A_205 = arith.constant 96 : index
        %get3A_206 = tpu.vector_load %arg11[%get3A_204, %get3A_205] {strides = array<i32>} : memref<128x128xbf16, #tpu.memory_space<vmem>>, vector<32xbf16>,
        %get3A_207 = arith.index_cast %scan3A_172 : i32 to index
        %get3A_208 = arith.constant 96 : index
        %get3A_209 = tpu.vector_load %arg13[%get3A_207, %get3A_208] {strides = array<i32>} : memref<128x128xbf16, #tpu.memory_space<vmem>>, vector<32xbf16>,
        %add3A_210 = arith.addf %get3A_206, %get3A_209 : vector<32xbf16>
        %max3A_211 = arith.maximumf %add3A_210, %broadcast_in_dim3A_165 : vector<32xbf16>
        %swap3A_212 = arith.index_cast %scan3A_172 : i32 to index
        %swap3A_213 = arith.constant 96 : index
        %swap3A_214 = tpu.vector_load %arg11[%swap3A_212, %swap3A_213] {strides = array<i32>} : memref<128x128xbf16, #tpu.memory_space<vmem>>, vector<32xbf16>,
        tpu.vector_store %arg11[%swap3A_212, %swap3A_213], %max3A_211 {strides = array<i32>} : memref<128x128xbf16, #tpu.memory_space<vmem>>, vector<32xbf16>,
      }
      %scan3A_171 = arith.constant 128 : i32
      "tpu.region"() ({
        %run_scoped3A = tpu.sem_alloc : memref<!tpu.dma_semaphore, #tpu.memory_space<semaphore_mem>>
        %dma_start3A_172 = arith.constant 0 : i32
        %dma_start3A_173 = tpu.memref_slice %arg9[%add3A_150, %dma_start3A_172] : memref<41x128xi32, #tpu.memory_space<vmem>> -> memref<1x128xi32, #tpu.memory_space<vmem>>
        %dma_start3A_174 = tpu.memref_squeeze %dma_start3A_173 : memref<1x128xi32, #tpu.memory_space<vmem>> -> memref<128xi32, #tpu.memory_space<vmem>>
        %dma_start3A_175 = arith.constant 0 : i32
        %dma_start3A_176 = arith.constant 0 : i32
        %dma_start3A_177 = tpu.memref_slice %arg14[%dma_start3A_175, %dma_start3A_176] : memref<10016x128xbf16, #tpu.memory_space<vmem_shared>> -> memref<10016x128xbf16, #tpu.memory_space<vmem_shared>>
        tpu.enqueue_indirect_dma source(%arg11 : memref<128x128xbf16, #tpu.memory_space<vmem>>) target(%dma_start3A_177 : memref<10016x128xbf16, #tpu.memory_space<vmem_shared>>) offsets(%dma_start3A_174 : memref<128xi32, #tpu.memory_space<vmem>>) semaphore(%run_scoped3A : memref<!tpu.dma_semaphore, #tpu.memory_space<semaphore_mem>>) {add = true}
        %dma_wait3A_178 = arith.constant 0 : i32
        %dma_wait3A_179 = tpu.memref_slice %arg9[%add3A_150, %dma_wait3A_178] : memref<41x128xi32, #tpu.memory_space<vmem>> -> memref<1x128xi32, #tpu.memory_space<vmem>>
        %dma_wait3A_180 = tpu.memref_squeeze %dma_wait3A_179 : memref<1x128xi32, #tpu.memory_space<vmem>> -> memref<128xi32, #tpu.memory_space<vmem>>
        %dma_wait3A_181 = arith.constant 0 : i32
        %dma_wait3A_182 = arith.constant 0 : i32
        %dma_wait3A_183 = tpu.memref_slice %arg14[%dma_wait3A_181, %dma_wait3A_182] : memref<10016x128xbf16, #tpu.memory_space<vmem_shared>> -> memref<10016x128xbf16, #tpu.memory_space<vmem_shared>>
        tpu.wait_indirect_dma semaphore(%run_scoped3A : memref<!tpu.dma_semaphore, #tpu.memory_space<semaphore_mem>>) src(%arg11 : memref<128x128xbf16, #tpu.memory_space<vmem>>) dst(%dma_wait3A_183 : memref<10016x128xbf16, #tpu.memory_space<vmem_shared>>)
        tpu.yield
      }) : () -> ()
    }
    %scan3A_70 = arith.constant 20 : i32
    %dma_wait3A = arith.constant 0 : i32
    %dma_wait3A_71 = arith.constant 0 : i32
    %dma_wait3A_72 = tpu.memref_slice %arg8[%dma_wait3A, %dma_wait3A_71] : memref<41x128xi32, #tpu.memory_space<vmem>> -> memref<1x128xi32, #tpu.memory_space<vmem>>
    %dma_wait3A_73 = tpu.memref_squeeze %dma_wait3A_72 : memref<1x128xi32, #tpu.memory_space<vmem>> -> memref<128xi32, #tpu.memory_space<vmem>>
    %dma_wait3A_74 = arith.constant 0 : i32
    %dma_wait3A_75 = arith.constant 0 : i32
    %dma_wait3A_76 = tpu.memref_slice %arg4[%dma_wait3A_74, %dma_wait3A_75] : memref<10000x128xbf16, #tpu.memory_space<hbm>> -> memref<10000x128xbf16, #tpu.memory_space<hbm>>
    tpu.wait_indirect_dma semaphore(%arg15 : memref<!tpu.dma_semaphore, #tpu.memory_space<semaphore_mem>>) src(%dma_wait3A_76 : memref<10000x128xbf16, #tpu.memory_space<hbm>>) dst(%arg10 : memref<128x128xbf16, #tpu.memory_space<vmem>>)
    %dma_wait3A_77 = arith.constant 0 : i32
    %dma_wait3A_78 = arith.constant 0 : i32
    %dma_wait3A_79 = tpu.memref_slice %arg5[%dma_wait3A_77, %dma_wait3A_78] : memref<163840x128xbf16, #tpu.memory_space<hbm>> -> memref<128x128xbf16, #tpu.memory_space<hbm>>
    %dma_wait3A_80 = arith.constant 0 : i32
    %dma_wait3A_81 = arith.constant 0 : i32
    %dma_wait3A_82 = tpu.memref_slice %arg5[%dma_wait3A_80, %dma_wait3A_81] : memref<163840x128xbf16, #tpu.memory_space<hbm>> -> memref<128x128xbf16, #tpu.memory_space<hbm>>
    tpu.wait_dma2 semaphore(%arg17 : memref<!tpu.dma_semaphore, #tpu.memory_space<semaphore_mem>>) src(%dma_wait3A_82 : memref<128x128xbf16, #tpu.memory_space<hbm>>) dst(%arg12 : memref<128x128xbf16, #tpu.memory_space<vmem>>)
    %barrier3A_83 = arith.constant 0 : index
    tpu.barrier barrier_id(%barrier3A_83)
    %eq3A_84 = arith.constant 0 : i32
    %eq3A_85 = arith.cmpi eq, %arg1, %eq3A_84 : i32
    %convert_element_type3A_86 = arith.extui %eq3A_85 : i1 to i32
    %cond3A_87 = arith.constant 0 : i32
    %cond3A_88 = arith.cmpi ne, %convert_element_type3A_86, %cond3A_87 : i32
    scf.if %cond3A_88 {
      "tpu.region"() ({
        %run_scoped3A = tpu.sem_alloc : memref<!tpu.dma_semaphore, #tpu.memory_space<semaphore_mem>>
        %dma_start3A_89 = arith.constant 0 : i32
        %dma_start3A_90 = arith.constant 0 : i32
        %dma_start3A_91 = tpu.memref_slice %arg7[%arg0, %dma_start3A_89, %dma_start3A_90] : memref<2x10000x128xbf16, #tpu.memory_space<hbm>> -> memref<1x10000x128xbf16, #tpu.memory_space<hbm>>
        %dma_start3A_92 = tpu.memref_squeeze %dma_start3A_91 : memref<1x10000x128xbf16, #tpu.memory_space<hbm>> -> memref<10000x128xbf16, #tpu.memory_space<hbm>>
        %dma_start3A_93 = arith.constant 0 : i32
        %dma_start3A_94 = arith.constant 0 : i32
        %dma_start3A_95 = tpu.memref_slice %arg14[%dma_start3A_93, %dma_start3A_94] : memref<10016x128xbf16, #tpu.memory_space<vmem_shared>> -> memref<10000x128xbf16, #tpu.memory_space<vmem_shared>>
        tpu.enqueue_dma source(%dma_start3A_95 : memref<10000x128xbf16, #tpu.memory_space<vmem_shared>>) target(%dma_start3A_92 : memref<10000x128xbf16, #tpu.memory_space<hbm>>) target_semaphore(%run_scoped3A : memref<!tpu.dma_semaphore, #tpu.memory_space<semaphore_mem>>)
        %dma_wait3A_96 = arith.constant 0 : i32
        %dma_wait3A_97 = arith.constant 0 : i32
        %dma_wait3A_98 = tpu.memref_slice %arg7[%arg0, %dma_wait3A_96, %dma_wait3A_97] : memref<2x10000x128xbf16, #tpu.memory_space<hbm>> -> memref<1x10000x128xbf16, #tpu.memory_space<hbm>>
        %dma_wait3A_99 = tpu.memref_squeeze %dma_wait3A_98 : memref<1x10000x128xbf16, #tpu.memory_space<hbm>> -> memref<10000x128xbf16, #tpu.memory_space<hbm>>
        %dma_wait3A_100 = arith.constant 0 : i32
        %dma_wait3A_101 = arith.constant 0 : i32
        %dma_wait3A_102 = tpu.memref_slice %arg14[%dma_wait3A_100, %dma_wait3A_101] : memref<10016x128xbf16, #tpu.memory_space<vmem_shared>> -> memref<10000x128xbf16, #tpu.memory_space<vmem_shared>>
        tpu.wait_dma2 semaphore(%run_scoped3A : memref<!tpu.dma_semaphore, #tpu.memory_space<semaphore_mem>>) src(%dma_wait3A_102 : memref<10000x128xbf16, #tpu.memory_space<vmem_shared>>) dst(%dma_wait3A_99 : memref<10000x128xbf16, #tpu.memory_space<hbm>>)
        tpu.yield
      }) : () -> ()
    } else {
    }
    return
  }
}

module attributes {stable_mosaic.version = 14 : i64} {
  func.func @_epre_body(%arg0: i32, %arg1: memref<1024x16xf32, #tpu.memory_space<vmem>>, %arg2: memref<16x128xf32, #tpu.memory_space<vmem>>, %arg3: memref<1x128xf32, #tpu.memory_space<vmem>>, %arg4: memref<128x128xf32, #tpu.memory_space<vmem>>, %arg5: memref<1x128xf32, #tpu.memory_space<vmem>>, %arg6: memref<1024x128xbf16, #tpu.memory_space<vmem>>) attributes {dimension_semantics = [#tpu.dimension_semantics<arbitrary>], iteration_bounds = array<i64: 160>, scalar_prefetch = 0 : i64, scratch_operands = 0 : i64, tpu.core_type = #tpu.core_type<tc>, window_params = [{transform_indices = @transform_0, window_bounds = array<i64: 1024, 16>}, {pipeline_mode = #tpu.pipeline_mode<synchronous>, transform_indices = @transform_1, window_bounds = array<i64: 16, 128>}, {pipeline_mode = #tpu.pipeline_mode<synchronous>, transform_indices = @transform_2, window_bounds = array<i64: 1, 128>}, {pipeline_mode = #tpu.pipeline_mode<synchronous>, transform_indices = @transform_3, window_bounds = array<i64: 128, 128>}, {pipeline_mode = #tpu.pipeline_mode<synchronous>, transform_indices = @transform_4, window_bounds = array<i64: 1, 128>}, {transform_indices = @transform_5, window_bounds = array<i64: 1024, 128>}]} {
    %get3A = arith.constant 0 : index
    %get3A_0 = arith.constant 0 : index
    %get3A_1 = vector.load %arg1[%get3A, %get3A_0] : memref<1024x16xf32, #tpu.memory_space<vmem>>, vector<1024x16xf32>
    %get3A_2 = arith.constant 0 : index
    %get3A_3 = arith.constant 0 : index
    %get3A_4 = vector.load %arg2[%get3A_2, %get3A_3] : memref<16x128xf32, #tpu.memory_space<vmem>>, vector<16x128xf32>
    %dot_general3A = arith.constant dense<0.000000e+00> : vector<1024x128xf32>
    %dot_general3A_5 = tpu.matmul %get3A_1, %get3A_4, %dot_general3A {dimension_numbers = #tpu.dot_dimension_numbers<[1], [0], [0], [1], [0, 0, 1, 1], [], []>, precision = #tpu.contract_precision<fp32>, transpose_lhs_hint = false} : vector<1024x16xf32>, vector<16x128xf32>, vector<1024x128xf32> -> vector<1024x128xf32>
    %get3A_6 = arith.constant 0 : index
    %get3A_7 = arith.constant 0 : index
    %get3A_8 = vector.load %arg3[%get3A_6, %get3A_7] : memref<1x128xf32, #tpu.memory_space<vmem>>, vector<1x128xf32>
    %add3A = vector.broadcast %get3A_8 : vector<1x128xf32> to vector<1024x128xf32>
    %add3A_9 = arith.addf %dot_general3A_5, %add3A : vector<1024x128xf32>
    %max3A = arith.constant 0.000000e+00 : f32
    %max3A_10 = vector.broadcast %max3A : f32 to vector<1024x128xf32>
    %max3A_11 = arith.maximumf %add3A_9, %max3A_10 : vector<1024x128xf32>
    %get3A_12 = arith.constant 0 : index
    %get3A_13 = arith.constant 0 : index
    %get3A_14 = vector.load %arg4[%get3A_12, %get3A_13] : memref<128x128xf32, #tpu.memory_space<vmem>>, vector<128x128xf32>
    %dot_general3A_15 = arith.constant dense<0.000000e+00> : vector<1024x128xf32>
    %dot_general3A_16 = tpu.matmul %max3A_11, %get3A_14, %dot_general3A_15 {dimension_numbers = #tpu.dot_dimension_numbers<[1], [0], [0], [1], [0, 0, 1, 1], [], []>, precision = #tpu.contract_precision<fp32>, transpose_lhs_hint = false} : vector<1024x128xf32>, vector<128x128xf32>, vector<1024x128xf32> -> vector<1024x128xf32>
    %get3A_17 = arith.constant 0 : index
    %get3A_18 = arith.constant 0 : index
    %get3A_19 = vector.load %arg5[%get3A_17, %get3A_18] : memref<1x128xf32, #tpu.memory_space<vmem>>, vector<1x128xf32>
    %add3A_20 = vector.broadcast %get3A_19 : vector<1x128xf32> to vector<1024x128xf32>
    %add3A_21 = arith.addf %dot_general3A_16, %add3A_20 : vector<1024x128xf32>
    %convert_element_type3A = arith.truncf %add3A_21 : vector<1024x128xf32> to vector<1024x128xbf16>
    %swap3A = arith.constant 0 : index
    %swap3A_22 = arith.constant 0 : index
    %swap3A_23 = vector.load %arg6[%swap3A, %swap3A_22] : memref<1024x128xbf16, #tpu.memory_space<vmem>>, vector<1024x128xbf16>
    tpu.vector_store %arg6[%swap3A, %swap3A_22], %convert_element_type3A {strides = array<i32>} : memref<1024x128xbf16, #tpu.memory_space<vmem>>, vector<1024x128xbf16>,
    return
  }
  func.func @transform_0(%arg0: i32) -> (i32, i32) {
    %c0_i32 = arith.constant 0 : i32
    %c0_i32_0 = arith.constant 0 : i32
    return %arg0, %c0_i32 : i32, i32
  }
  func.func @transform_1(%arg0: i32) -> (i32, i32) {
    %c0_i32 = arith.constant 0 : i32
    %c0_i32_0 = arith.constant 0 : i32
    %c0_i32_1 = arith.constant 0 : i32
    return %c0_i32, %c0_i32_0 : i32, i32
  }
  func.func @transform_2(%arg0: i32) -> (i32, i32) {
    %c0_i32 = arith.constant 0 : i32
    %c0_i32_0 = arith.constant 0 : i32
    %c0_i32_1 = arith.constant 0 : i32
    return %c0_i32, %c0_i32_0 : i32, i32
  }
  func.func @transform_3(%arg0: i32) -> (i32, i32) {
    %c0_i32 = arith.constant 0 : i32
    %c0_i32_0 = arith.constant 0 : i32
    %c0_i32_1 = arith.constant 0 : i32
    return %c0_i32, %c0_i32_0 : i32, i32
  }
  func.func @transform_4(%arg0: i32) -> (i32, i32) {
    %c0_i32 = arith.constant 0 : i32
    %c0_i32_0 = arith.constant 0 : i32
    %c0_i32_1 = arith.constant 0 : i32
    return %c0_i32, %c0_i32_0 : i32, i32
  }
  func.func @transform_5(%arg0: i32) -> (i32, i32) {
    %c0_i32 = arith.constant 0 : i32
    %c0_i32_0 = arith.constant 0 : i32
    return %arg0, %c0_i32 : i32, i32
  }
}

module attributes {stable_mosaic.version = 14 : i64} {
  func.func @_lpre_body(%arg0: i32, %arg1: memref<2000x128xf32, #tpu.memory_space<vmem>>, %arg2: memref<128x128xf32, #tpu.memory_space<vmem>>, %arg3: memref<1x128xf32, #tpu.memory_space<vmem>>, %arg4: memref<128x128xf32, #tpu.memory_space<vmem>>, %arg5: memref<2000x128xf32, #tpu.memory_space<vmem>>, %arg6: memref<2000x128xbf16, #tpu.memory_space<vmem>>) attributes {dimension_semantics = [#tpu.dimension_semantics<arbitrary>], iteration_bounds = array<i64: 5>, scalar_prefetch = 0 : i64, scratch_operands = 0 : i64, tpu.core_type = #tpu.core_type<tc>, window_params = [{transform_indices = @transform_0, window_bounds = array<i64: 2000, 128>}, {pipeline_mode = #tpu.pipeline_mode<synchronous>, transform_indices = @transform_1, window_bounds = array<i64: 128, 128>}, {pipeline_mode = #tpu.pipeline_mode<synchronous>, transform_indices = @transform_2, window_bounds = array<i64: 1, 128>}, {pipeline_mode = #tpu.pipeline_mode<synchronous>, transform_indices = @transform_3, window_bounds = array<i64: 128, 128>}, {transform_indices = @transform_4, window_bounds = array<i64: 2000, 128>}, {transform_indices = @transform_5, window_bounds = array<i64: 2000, 128>}]} {
    %get3A = arith.constant 0 : index
    %get3A_0 = arith.constant 0 : index
    %get3A_1 = vector.load %arg1[%get3A, %get3A_0] : memref<2000x128xf32, #tpu.memory_space<vmem>>, vector<2000x128xf32>
    %get3A_2 = arith.constant 0 : index
    %get3A_3 = arith.constant 0 : index
    %get3A_4 = vector.load %arg2[%get3A_2, %get3A_3] : memref<128x128xf32, #tpu.memory_space<vmem>>, vector<128x128xf32>
    %dot_general3A = arith.constant dense<0.000000e+00> : vector<2000x128xf32>
    %dot_general3A_5 = tpu.matmul %get3A_1, %get3A_4, %dot_general3A {dimension_numbers = #tpu.dot_dimension_numbers<[1], [0], [0], [1], [0, 0, 1, 1], [], []>, precision = #tpu.contract_precision<fp32>, transpose_lhs_hint = false} : vector<2000x128xf32>, vector<128x128xf32>, vector<2000x128xf32> -> vector<2000x128xf32>
    %get3A_6 = arith.constant 0 : index
    %get3A_7 = arith.constant 0 : index
    %get3A_8 = vector.load %arg3[%get3A_6, %get3A_7] : memref<1x128xf32, #tpu.memory_space<vmem>>, vector<1x128xf32>
    %add3A = vector.broadcast %get3A_8 : vector<1x128xf32> to vector<2000x128xf32>
    %add3A_9 = arith.addf %dot_general3A_5, %add3A : vector<2000x128xf32>
    %max3A = arith.constant 0.000000e+00 : f32
    %max3A_10 = vector.broadcast %max3A : f32 to vector<2000x128xf32>
    %max3A_11 = arith.maximumf %add3A_9, %max3A_10 : vector<2000x128xf32>
    %swap3A = arith.constant 0 : index
    %swap3A_12 = arith.constant 0 : index
    %swap3A_13 = vector.load %arg5[%swap3A, %swap3A_12] : memref<2000x128xf32, #tpu.memory_space<vmem>>, vector<2000x128xf32>
    tpu.vector_store %arg5[%swap3A, %swap3A_12], %max3A_11 {strides = array<i32>} : memref<2000x128xf32, #tpu.memory_space<vmem>>, vector<2000x128xf32>,
    %get3A_14 = arith.constant 0 : index
    %get3A_15 = arith.constant 0 : index
    %get3A_16 = vector.load %arg4[%get3A_14, %get3A_15] : memref<128x128xf32, #tpu.memory_space<vmem>>, vector<128x128xf32>
    %dot_general3A_17 = arith.constant dense<0.000000e+00> : vector<2000x128xf32>
    %dot_general3A_18 = tpu.matmul %max3A_11, %get3A_16, %dot_general3A_17 {dimension_numbers = #tpu.dot_dimension_numbers<[1], [0], [0], [1], [0, 0, 1, 1], [], []>, precision = #tpu.contract_precision<fp32>, transpose_lhs_hint = false} : vector<2000x128xf32>, vector<128x128xf32>, vector<2000x128xf32> -> vector<2000x128xf32>
    %convert_element_type3A = arith.truncf %dot_general3A_18 : vector<2000x128xf32> to vector<2000x128xbf16>
    %swap3A_19 = arith.constant 0 : index
    %swap3A_20 = arith.constant 0 : index
    %swap3A_21 = vector.load %arg6[%swap3A_19, %swap3A_20] : memref<2000x128xbf16, #tpu.memory_space<vmem>>, vector<2000x128xbf16>
    tpu.vector_store %arg6[%swap3A_19, %swap3A_20], %convert_element_type3A {strides = array<i32>} : memref<2000x128xbf16, #tpu.memory_space<vmem>>, vector<2000x128xbf16>,
    return
  }
  func.func @transform_0(%arg0: i32) -> (i32, i32) {
    %c0_i32 = arith.constant 0 : i32
    %c0_i32_0 = arith.constant 0 : i32
    return %arg0, %c0_i32 : i32, i32
  }
  func.func @transform_1(%arg0: i32) -> (i32, i32) {
    %c0_i32 = arith.constant 0 : i32
    %c0_i32_0 = arith.constant 0 : i32
    %c0_i32_1 = arith.constant 0 : i32
    return %c0_i32, %c0_i32_0 : i32, i32
  }
  func.func @transform_2(%arg0: i32) -> (i32, i32) {
    %c0_i32 = arith.constant 0 : i32
    %c0_i32_0 = arith.constant 0 : i32
    %c0_i32_1 = arith.constant 0 : i32
    return %c0_i32, %c0_i32_0 : i32, i32
  }
  func.func @transform_3(%arg0: i32) -> (i32, i32) {
    %c0_i32 = arith.constant 0 : i32
    %c0_i32_0 = arith.constant 0 : i32
    %c0_i32_1 = arith.constant 0 : i32
    return %c0_i32, %c0_i32_0 : i32, i32
  }
  func.func @transform_4(%arg0: i32) -> (i32, i32) {
    %c0_i32 = arith.constant 0 : i32
    %c0_i32_0 = arith.constant 0 : i32
    return %arg0, %c0_i32 : i32, i32
  }
  func.func @transform_5(%arg0: i32) -> (i32, i32) {
    %c0_i32 = arith.constant 0 : i32
    %c0_i32_0 = arith.constant 0 : i32
    return %arg0, %c0_i32 : i32, i32
  }
}

module attributes {stable_mosaic.version = 14 : i64} {
  func.func @_upd_body(%arg0: i32, %arg1: memref<2000x128xf32, #tpu.memory_space<vmem>>, %arg2: memref<1x2000x128xbf16, #tpu.memory_space<vmem>>, %arg3: memref<1x2000x128xbf16, #tpu.memory_space<vmem>>, %arg4: memref<128x128xf32, #tpu.memory_space<vmem>>, %arg5: memref<128x128xf32, #tpu.memory_space<vmem>>, %arg6: memref<1x128xf32, #tpu.memory_space<vmem>>, %arg7: memref<128x128xf32, #tpu.memory_space<vmem>>, %arg8: memref<2000x128xf32, #tpu.memory_space<vmem>>, %arg9: memref<2000x128xbf16, #tpu.memory_space<vmem>>) attributes {dimension_semantics = [#tpu.dimension_semantics<arbitrary>], iteration_bounds = array<i64: 5>, scalar_prefetch = 0 : i64, scratch_operands = 0 : i64, tpu.core_type = #tpu.core_type<tc>, window_params = [{transform_indices = @transform_0, window_bounds = array<i64: 2000, 128>}, {transform_indices = @transform_1, window_bounds = array<i64: 1, 2000, 128>}, {transform_indices = @transform_2, window_bounds = array<i64: 1, 2000, 128>}, {pipeline_mode = #tpu.pipeline_mode<synchronous>, transform_indices = @transform_3, window_bounds = array<i64: 128, 128>}, {pipeline_mode = #tpu.pipeline_mode<synchronous>, transform_indices = @transform_4, window_bounds = array<i64: 128, 128>}, {pipeline_mode = #tpu.pipeline_mode<synchronous>, transform_indices = @transform_5, window_bounds = array<i64: 1, 128>}, {pipeline_mode = #tpu.pipeline_mode<synchronous>, transform_indices = @transform_6, window_bounds = array<i64: 128, 128>}, {transform_indices = @transform_7, window_bounds = array<i64: 2000, 128>}, {transform_indices = @transform_8, window_bounds = array<i64: 2000, 128>}]} {
    %get3A = arith.constant 0 : index
    %get3A_0 = arith.constant 0 : index
    %get3A_1 = arith.constant 0 : index
    %get3A_2 = vector.load %arg2[%get3A, %get3A_0, %get3A_1] : memref<1x2000x128xbf16, #tpu.memory_space<vmem>>, vector<1x2000x128xbf16>
    %get3A_3 = vector.shape_cast %get3A_2 : vector<1x2000x128xbf16> to vector<2000x128xbf16>
    %convert_element_type3A = arith.extf %get3A_3 : vector<2000x128xbf16> to vector<2000x128xf32>
    %get3A_4 = arith.constant 0 : index
    %get3A_5 = arith.constant 0 : index
    %get3A_6 = arith.constant 0 : index
    %get3A_7 = vector.load %arg3[%get3A_4, %get3A_5, %get3A_6] : memref<1x2000x128xbf16, #tpu.memory_space<vmem>>, vector<1x2000x128xbf16>
    %get3A_8 = vector.shape_cast %get3A_7 : vector<1x2000x128xbf16> to vector<2000x128xbf16>
    %convert_element_type3A_9 = arith.extf %get3A_8 : vector<2000x128xbf16> to vector<2000x128xf32>
    %add3A = arith.addf %convert_element_type3A, %convert_element_type3A_9 : vector<2000x128xf32>
    %get3A_10 = arith.constant 0 : index
    %get3A_11 = arith.constant 0 : index
    %get3A_12 = vector.load %arg1[%get3A_10, %get3A_11] : memref<2000x128xf32, #tpu.memory_space<vmem>>, vector<2000x128xf32>
    %get3A_13 = arith.constant 0 : index
    %get3A_14 = arith.constant 0 : index
    %get3A_15 = vector.load %arg4[%get3A_13, %get3A_14] : memref<128x128xf32, #tpu.memory_space<vmem>>, vector<128x128xf32>
    %dot_general3A = arith.constant dense<0.000000e+00> : vector<2000x128xf32>
    %dot_general3A_16 = tpu.matmul %get3A_12, %get3A_15, %dot_general3A {dimension_numbers = #tpu.dot_dimension_numbers<[1], [0], [0], [1], [0, 0, 1, 1], [], []>, precision = #tpu.contract_precision<fp32>, transpose_lhs_hint = false} : vector<2000x128xf32>, vector<128x128xf32>, vector<2000x128xf32> -> vector<2000x128xf32>
    %get3A_17 = arith.constant 0 : index
    %get3A_18 = arith.constant 0 : index
    %get3A_19 = vector.load %arg5[%get3A_17, %get3A_18] : memref<128x128xf32, #tpu.memory_space<vmem>>, vector<128x128xf32>
    %dot_general3A_20 = arith.constant dense<0.000000e+00> : vector<2000x128xf32>
    %dot_general3A_21 = tpu.matmul %add3A, %get3A_19, %dot_general3A_20 {dimension_numbers = #tpu.dot_dimension_numbers<[1], [0], [0], [1], [0, 0, 1, 1], [], []>, precision = #tpu.contract_precision<fp32>, transpose_lhs_hint = false} : vector<2000x128xf32>, vector<128x128xf32>, vector<2000x128xf32> -> vector<2000x128xf32>
    %add3A_22 = arith.addf %dot_general3A_16, %dot_general3A_21 : vector<2000x128xf32>
    %get3A_23 = arith.constant 0 : index
    %get3A_24 = arith.constant 0 : index
    %get3A_25 = vector.load %arg6[%get3A_23, %get3A_24] : memref<1x128xf32, #tpu.memory_space<vmem>>, vector<1x128xf32>
    %add3A_26 = vector.broadcast %get3A_25 : vector<1x128xf32> to vector<2000x128xf32>
    %add3A_27 = arith.addf %add3A_22, %add3A_26 : vector<2000x128xf32>
    %max3A = arith.constant 0.000000e+00 : f32
    %max3A_28 = vector.broadcast %max3A : f32 to vector<2000x128xf32>
    %max3A_29 = arith.maximumf %add3A_27, %max3A_28 : vector<2000x128xf32>
    %swap3A = arith.constant 0 : index
    %swap3A_30 = arith.constant 0 : index
    %swap3A_31 = vector.load %arg8[%swap3A, %swap3A_30] : memref<2000x128xf32, #tpu.memory_space<vmem>>, vector<2000x128xf32>
    tpu.vector_store %arg8[%swap3A, %swap3A_30], %max3A_29 {strides = array<i32>} : memref<2000x128xf32, #tpu.memory_space<vmem>>, vector<2000x128xf32>,
    %get3A_32 = arith.constant 0 : index
    %get3A_33 = arith.constant 0 : index
    %get3A_34 = vector.load %arg7[%get3A_32, %get3A_33] : memref<128x128xf32, #tpu.memory_space<vmem>>, vector<128x128xf32>
    %dot_general3A_35 = arith.constant dense<0.000000e+00> : vector<2000x128xf32>
    %dot_general3A_36 = tpu.matmul %max3A_29, %get3A_34, %dot_general3A_35 {dimension_numbers = #tpu.dot_dimension_numbers<[1], [0], [0], [1], [0, 0, 1, 1], [], []>, precision = #tpu.contract_precision<fp32>, transpose_lhs_hint = false} : vector<2000x128xf32>, vector<128x128xf32>, vector<2000x128xf32> -> vector<2000x128xf32>
    %convert_element_type3A_37 = arith.truncf %dot_general3A_36 : vector<2000x128xf32> to vector<2000x128xbf16>
    %swap3A_38 = arith.constant 0 : index
    %swap3A_39 = arith.constant 0 : index
    %swap3A_40 = vector.load %arg9[%swap3A_38, %swap3A_39] : memref<2000x128xbf16, #tpu.memory_space<vmem>>, vector<2000x128xbf16>
    tpu.vector_store %arg9[%swap3A_38, %swap3A_39], %convert_element_type3A_37 {strides = array<i32>} : memref<2000x128xbf16, #tpu.memory_space<vmem>>, vector<2000x128xbf16>,
    return
  }
  func.func @transform_0(%arg0: i32) -> (i32, i32) {
    %c0_i32 = arith.constant 0 : i32
    %c0_i32_0 = arith.constant 0 : i32
    return %arg0, %c0_i32 : i32, i32
  }
  func.func @transform_1(%arg0: i32) -> (i32, i32, i32) {
    %c0_i32 = arith.constant 0 : i32
    %c0_i32_0 = arith.constant 0 : i32
    %c0_i32_1 = arith.constant 0 : i32
    return %c0_i32, %arg0, %c0_i32_0 : i32, i32, i32
  }
  func.func @transform_2(%arg0: i32) -> (i32, i32, i32) {
    %c1_i32 = arith.constant 1 : i32
    %c0_i32 = arith.constant 0 : i32
    %c0_i32_0 = arith.constant 0 : i32
    return %c1_i32, %arg0, %c0_i32 : i32, i32, i32
  }
  func.func @transform_3(%arg0: i32) -> (i32, i32) {
    %c0_i32 = arith.constant 0 : i32
    %c0_i32_0 = arith.constant 0 : i32
    %c0_i32_1 = arith.constant 0 : i32
    return %c0_i32, %c0_i32_0 : i32, i32
  }
  func.func @transform_4(%arg0: i32) -> (i32, i32) {
    %c0_i32 = arith.constant 0 : i32
    %c0_i32_0 = arith.constant 0 : i32
    %c0_i32_1 = arith.constant 0 : i32
    return %c0_i32, %c0_i32_0 : i32, i32
  }
  func.func @transform_5(%arg0: i32) -> (i32, i32) {
    %c0_i32 = arith.constant 0 : i32
    %c0_i32_0 = arith.constant 0 : i32
    %c0_i32_1 = arith.constant 0 : i32
    return %c0_i32, %c0_i32_0 : i32, i32
  }
  func.func @transform_6(%arg0: i32) -> (i32, i32) {
    %c0_i32 = arith.constant 0 : i32
    %c0_i32_0 = arith.constant 0 : i32
    %c0_i32_1 = arith.constant 0 : i32
    return %c0_i32, %c0_i32_0 : i32, i32
  }
  func.func @transform_7(%arg0: i32) -> (i32, i32) {
    %c0_i32 = arith.constant 0 : i32
    %c0_i32_0 = arith.constant 0 : i32
    return %arg0, %c0_i32 : i32, i32
  }
  func.func @transform_8(%arg0: i32) -> (i32, i32) {
    %c0_i32 = arith.constant 0 : i32
    %c0_i32_0 = arith.constant 0 : i32
    return %arg0, %c0_i32 : i32, i32
  }
}

module attributes {stable_mosaic.version = 14 : i64} {
  func.func @_ppre_body(%arg0: i32, %arg1: memref<2000x128xf32, #tpu.memory_space<vmem>>, %arg2: memref<128x128xf32, #tpu.memory_space<vmem>>, %arg3: memref<128x8xf32, #tpu.memory_space<vmem>>, %arg4: memref<2000x128xbf16, #tpu.memory_space<vmem>>, %arg5: memref<2000x8xf32, #tpu.memory_space<vmem>>) attributes {dimension_semantics = [#tpu.dimension_semantics<arbitrary>], iteration_bounds = array<i64: 5>, scalar_prefetch = 0 : i64, scratch_operands = 0 : i64, tpu.core_type = #tpu.core_type<tc>, window_params = [{transform_indices = @transform_0, window_bounds = array<i64: 2000, 128>}, {pipeline_mode = #tpu.pipeline_mode<synchronous>, transform_indices = @transform_1, window_bounds = array<i64: 128, 128>}, {pipeline_mode = #tpu.pipeline_mode<synchronous>, transform_indices = @transform_2, window_bounds = array<i64: 128, 8>}, {transform_indices = @transform_3, window_bounds = array<i64: 2000, 128>}, {transform_indices = @transform_4, window_bounds = array<i64: 2000, 8>}]} {
    %get3A = arith.constant 0 : index
    %get3A_0 = arith.constant 0 : index
    %get3A_1 = vector.load %arg1[%get3A, %get3A_0] : memref<2000x128xf32, #tpu.memory_space<vmem>>, vector<2000x128xf32>
    %get3A_2 = arith.constant 0 : index
    %get3A_3 = arith.constant 0 : index
    %get3A_4 = vector.load %arg2[%get3A_2, %get3A_3] : memref<128x128xf32, #tpu.memory_space<vmem>>, vector<128x128xf32>
    %dot_general3A = arith.constant dense<0.000000e+00> : vector<2000x128xf32>
    %dot_general3A_5 = tpu.matmul %get3A_1, %get3A_4, %dot_general3A {dimension_numbers = #tpu.dot_dimension_numbers<[1], [0], [0], [1], [0, 0, 1, 1], [], []>, precision = #tpu.contract_precision<fp32>, transpose_lhs_hint = false} : vector<2000x128xf32>, vector<128x128xf32>, vector<2000x128xf32> -> vector<2000x128xf32>
    %convert_element_type3A = arith.truncf %dot_general3A_5 : vector<2000x128xf32> to vector<2000x128xbf16>
    %swap3A = arith.constant 0 : index
    %swap3A_6 = arith.constant 0 : index
    %swap3A_7 = vector.load %arg4[%swap3A, %swap3A_6] : memref<2000x128xbf16, #tpu.memory_space<vmem>>, vector<2000x128xbf16>
    tpu.vector_store %arg4[%swap3A, %swap3A_6], %convert_element_type3A {strides = array<i32>} : memref<2000x128xbf16, #tpu.memory_space<vmem>>, vector<2000x128xbf16>,
    %get3A_8 = arith.constant 0 : index
    %get3A_9 = arith.constant 0 : index
    %get3A_10 = vector.load %arg3[%get3A_8, %get3A_9] : memref<128x8xf32, #tpu.memory_space<vmem>>, vector<128x8xf32>
    %dot_general3A_11 = arith.constant dense<0.000000e+00> : vector<2000x8xf32>
    %dot_general3A_12 = tpu.matmul %dot_general3A_5, %get3A_10, %dot_general3A_11 {dimension_numbers = #tpu.dot_dimension_numbers<[1], [0], [0], [1], [0, 0, 1, 1], [], []>, precision = #tpu.contract_precision<fp32>, transpose_lhs_hint = false} : vector<2000x128xf32>, vector<128x8xf32>, vector<2000x8xf32> -> vector<2000x8xf32>
    %swap3A_13 = arith.constant 0 : index
    %swap3A_14 = arith.constant 0 : index
    %swap3A_15 = vector.load %arg5[%swap3A_13, %swap3A_14] : memref<2000x8xf32, #tpu.memory_space<vmem>>, vector<2000x8xf32>
    tpu.vector_store %arg5[%swap3A_13, %swap3A_14], %dot_general3A_12 {strides = array<i32>} : memref<2000x8xf32, #tpu.memory_space<vmem>>, vector<2000x8xf32>,
    return
  }
  func.func @transform_0(%arg0: i32) -> (i32, i32) {
    %c0_i32 = arith.constant 0 : i32
    %c0_i32_0 = arith.constant 0 : i32
    return %arg0, %c0_i32 : i32, i32
  }
  func.func @transform_1(%arg0: i32) -> (i32, i32) {
    %c0_i32 = arith.constant 0 : i32
    %c0_i32_0 = arith.constant 0 : i32
    %c0_i32_1 = arith.constant 0 : i32
    return %c0_i32, %c0_i32_0 : i32, i32
  }
  func.func @transform_2(%arg0: i32) -> (i32, i32) {
    %c0_i32 = arith.constant 0 : i32
    %c0_i32_0 = arith.constant 0 : i32
    %c0_i32_1 = arith.constant 0 : i32
    return %c0_i32, %c0_i32_0 : i32, i32
  }
  func.func @transform_3(%arg0: i32) -> (i32, i32) {
    %c0_i32 = arith.constant 0 : i32
    %c0_i32_0 = arith.constant 0 : i32
    return %arg0, %c0_i32 : i32, i32
  }
  func.func @transform_4(%arg0: i32) -> (i32, i32) {
    %c0_i32 = arith.constant 0 : i32
    %c0_i32_0 = arith.constant 0 : i32
    return %arg0, %c0_i32 : i32, i32
  }
}

module attributes {stable_mosaic.version = 14 : i64} {
  func.func @_upd_body(%arg0: i32, %arg1: memref<2000x128xf32, #tpu.memory_space<vmem>>, %arg2: memref<1x2000x128xbf16, #tpu.memory_space<vmem>>, %arg3: memref<1x2000x128xbf16, #tpu.memory_space<vmem>>, %arg4: memref<128x128xf32, #tpu.memory_space<vmem>>, %arg5: memref<128x128xf32, #tpu.memory_space<vmem>>, %arg6: memref<1x128xf32, #tpu.memory_space<vmem>>, %arg7: memref<128x128xf32, #tpu.memory_space<vmem>>, %arg8: memref<2000x128xf32, #tpu.memory_space<vmem>>, %arg9: memref<2000x128xbf16, #tpu.memory_space<vmem>>) attributes {dimension_semantics = [#tpu.dimension_semantics<arbitrary>], iteration_bounds = array<i64: 5>, scalar_prefetch = 0 : i64, scratch_operands = 0 : i64, tpu.core_type = #tpu.core_type<tc>, window_params = [{transform_indices = @transform_0, window_bounds = array<i64: 2000, 128>}, {transform_indices = @transform_1, window_bounds = array<i64: 1, 2000, 128>}, {transform_indices = @transform_2, window_bounds = array<i64: 1, 2000, 128>}, {pipeline_mode = #tpu.pipeline_mode<synchronous>, transform_indices = @transform_3, window_bounds = array<i64: 128, 128>}, {pipeline_mode = #tpu.pipeline_mode<synchronous>, transform_indices = @transform_4, window_bounds = array<i64: 128, 128>}, {pipeline_mode = #tpu.pipeline_mode<synchronous>, transform_indices = @transform_5, window_bounds = array<i64: 1, 128>}, {pipeline_mode = #tpu.pipeline_mode<synchronous>, transform_indices = @transform_6, window_bounds = array<i64: 128, 128>}, {transform_indices = @transform_7, window_bounds = array<i64: 2000, 128>}, {transform_indices = @transform_8, window_bounds = array<i64: 2000, 128>}]} {
    %get3A = arith.constant 0 : index
    %get3A_0 = arith.constant 0 : index
    %get3A_1 = arith.constant 0 : index
    %get3A_2 = vector.load %arg2[%get3A, %get3A_0, %get3A_1] : memref<1x2000x128xbf16, #tpu.memory_space<vmem>>, vector<1x2000x128xbf16>
    %get3A_3 = vector.shape_cast %get3A_2 : vector<1x2000x128xbf16> to vector<2000x128xbf16>
    %convert_element_type3A = arith.extf %get3A_3 : vector<2000x128xbf16> to vector<2000x128xf32>
    %get3A_4 = arith.constant 0 : index
    %get3A_5 = arith.constant 0 : index
    %get3A_6 = arith.constant 0 : index
    %get3A_7 = vector.load %arg3[%get3A_4, %get3A_5, %get3A_6] : memref<1x2000x128xbf16, #tpu.memory_space<vmem>>, vector<1x2000x128xbf16>
    %get3A_8 = vector.shape_cast %get3A_7 : vector<1x2000x128xbf16> to vector<2000x128xbf16>
    %convert_element_type3A_9 = arith.extf %get3A_8 : vector<2000x128xbf16> to vector<2000x128xf32>
    %add3A = arith.addf %convert_element_type3A, %convert_element_type3A_9 : vector<2000x128xf32>
    %get3A_10 = arith.constant 0 : index
    %get3A_11 = arith.constant 0 : index
    %get3A_12 = vector.load %arg1[%get3A_10, %get3A_11] : memref<2000x128xf32, #tpu.memory_space<vmem>>, vector<2000x128xf32>
    %get3A_13 = arith.constant 0 : index
    %get3A_14 = arith.constant 0 : index
    %get3A_15 = vector.load %arg4[%get3A_13, %get3A_14] : memref<128x128xf32, #tpu.memory_space<vmem>>, vector<128x128xf32>
    %dot_general3A = arith.constant dense<0.000000e+00> : vector<2000x128xf32>
    %dot_general3A_16 = tpu.matmul %get3A_12, %get3A_15, %dot_general3A {dimension_numbers = #tpu.dot_dimension_numbers<[1], [0], [0], [1], [0, 0, 1, 1], [], []>, precision = #tpu.contract_precision<fp32>, transpose_lhs_hint = false} : vector<2000x128xf32>, vector<128x128xf32>, vector<2000x128xf32> -> vector<2000x128xf32>
    %get3A_17 = arith.constant 0 : index
    %get3A_18 = arith.constant 0 : index
    %get3A_19 = vector.load %arg5[%get3A_17, %get3A_18] : memref<128x128xf32, #tpu.memory_space<vmem>>, vector<128x128xf32>
    %dot_general3A_20 = arith.constant dense<0.000000e+00> : vector<2000x128xf32>
    %dot_general3A_21 = tpu.matmul %add3A, %get3A_19, %dot_general3A_20 {dimension_numbers = #tpu.dot_dimension_numbers<[1], [0], [0], [1], [0, 0, 1, 1], [], []>, precision = #tpu.contract_precision<fp32>, transpose_lhs_hint = false} : vector<2000x128xf32>, vector<128x128xf32>, vector<2000x128xf32> -> vector<2000x128xf32>
    %add3A_22 = arith.addf %dot_general3A_16, %dot_general3A_21 : vector<2000x128xf32>
    %get3A_23 = arith.constant 0 : index
    %get3A_24 = arith.constant 0 : index
    %get3A_25 = vector.load %arg6[%get3A_23, %get3A_24] : memref<1x128xf32, #tpu.memory_space<vmem>>, vector<1x128xf32>
    %add3A_26 = vector.broadcast %get3A_25 : vector<1x128xf32> to vector<2000x128xf32>
    %add3A_27 = arith.addf %add3A_22, %add3A_26 : vector<2000x128xf32>
    %max3A = arith.constant 0.000000e+00 : f32
    %max3A_28 = vector.broadcast %max3A : f32 to vector<2000x128xf32>
    %max3A_29 = arith.maximumf %add3A_27, %max3A_28 : vector<2000x128xf32>
    %swap3A = arith.constant 0 : index
    %swap3A_30 = arith.constant 0 : index
    %swap3A_31 = vector.load %arg8[%swap3A, %swap3A_30] : memref<2000x128xf32, #tpu.memory_space<vmem>>, vector<2000x128xf32>
    tpu.vector_store %arg8[%swap3A, %swap3A_30], %max3A_29 {strides = array<i32>} : memref<2000x128xf32, #tpu.memory_space<vmem>>, vector<2000x128xf32>,
    %get3A_32 = arith.constant 0 : index
    %get3A_33 = arith.constant 0 : index
    %get3A_34 = vector.load %arg7[%get3A_32, %get3A_33] : memref<128x128xf32, #tpu.memory_space<vmem>>, vector<128x128xf32>
    %dot_general3A_35 = arith.constant dense<0.000000e+00> : vector<2000x128xf32>
    %dot_general3A_36 = tpu.matmul %max3A_29, %get3A_34, %dot_general3A_35 {dimension_numbers = #tpu.dot_dimension_numbers<[1], [0], [0], [1], [0, 0, 1, 1], [], []>, precision = #tpu.contract_precision<fp32>, transpose_lhs_hint = false} : vector<2000x128xf32>, vector<128x128xf32>, vector<2000x128xf32> -> vector<2000x128xf32>
    %convert_element_type3A_37 = arith.truncf %dot_general3A_36 : vector<2000x128xf32> to vector<2000x128xbf16>
    %swap3A_38 = arith.constant 0 : index
    %swap3A_39 = arith.constant 0 : index
    %swap3A_40 = vector.load %arg9[%swap3A_38, %swap3A_39] : memref<2000x128xbf16, #tpu.memory_space<vmem>>, vector<2000x128xbf16>
    tpu.vector_store %arg9[%swap3A_38, %swap3A_39], %convert_element_type3A_37 {strides = array<i32>} : memref<2000x128xbf16, #tpu.memory_space<vmem>>, vector<2000x128xbf16>,
    return
  }
  func.func @transform_0(%arg0: i32) -> (i32, i32) {
    %c0_i32 = arith.constant 0 : i32
    %c0_i32_0 = arith.constant 0 : i32
    return %arg0, %c0_i32 : i32, i32
  }
  func.func @transform_1(%arg0: i32) -> (i32, i32, i32) {
    %c0_i32 = arith.constant 0 : i32
    %c0_i32_0 = arith.constant 0 : i32
    %c0_i32_1 = arith.constant 0 : i32
    return %c0_i32, %arg0, %c0_i32_0 : i32, i32, i32
  }
  func.func @transform_2(%arg0: i32) -> (i32, i32, i32) {
    %c1_i32 = arith.constant 1 : i32
    %c0_i32 = arith.constant 0 : i32
    %c0_i32_0 = arith.constant 0 : i32
    return %c1_i32, %arg0, %c0_i32 : i32, i32, i32
  }
  func.func @transform_3(%arg0: i32) -> (i32, i32) {
    %c0_i32 = arith.constant 0 : i32
    %c0_i32_0 = arith.constant 0 : i32
    %c0_i32_1 = arith.constant 0 : i32
    return %c0_i32, %c0_i32_0 : i32, i32
  }
  func.func @transform_4(%arg0: i32) -> (i32, i32) {
    %c0_i32 = arith.constant 0 : i32
    %c0_i32_0 = arith.constant 0 : i32
    %c0_i32_1 = arith.constant 0 : i32
    return %c0_i32, %c0_i32_0 : i32, i32
  }
  func.func @transform_5(%arg0: i32) -> (i32, i32) {
    %c0_i32 = arith.constant 0 : i32
    %c0_i32_0 = arith.constant 0 : i32
    %c0_i32_1 = arith.constant 0 : i32
    return %c0_i32, %c0_i32_0 : i32, i32
  }
  func.func @transform_6(%arg0: i32) -> (i32, i32) {
    %c0_i32 = arith.constant 0 : i32
    %c0_i32_0 = arith.constant 0 : i32
    %c0_i32_1 = arith.constant 0 : i32
    return %c0_i32, %c0_i32_0 : i32, i32
  }
  func.func @transform_7(%arg0: i32) -> (i32, i32) {
    %c0_i32 = arith.constant 0 : i32
    %c0_i32_0 = arith.constant 0 : i32
    return %arg0, %c0_i32 : i32, i32
  }
  func.func @transform_8(%arg0: i32) -> (i32, i32) {
    %c0_i32 = arith.constant 0 : i32
    %c0_i32_0 = arith.constant 0 : i32
    return %arg0, %c0_i32 : i32, i32
  }
}

module attributes {stable_mosaic.version = 14 : i64} {
  func.func @_final_body(%arg0: memref<2x10000x128xbf16, #tpu.memory_space<vmem>>, %arg1: memref<32x10000xf32, #tpu.memory_space<vmem>>, %arg2: memref<10000x128xf32, #tpu.memory_space<vmem>>, %arg3: memref<256x128xf32, #tpu.memory_space<vmem>>, %arg4: memref<1x128xf32, #tpu.memory_space<vmem>>, %arg5: memref<128x1xf32, #tpu.memory_space<vmem>>, %arg6: memref<1x1xf32, #tpu.memory_space<vmem>>, %arg7: memref<1x1xf32, #tpu.memory_space<vmem>>) attributes {dimension_semantics = [], scalar_prefetch = 0 : i64, scratch_operands = 0 : i64, tpu.core_type = #tpu.core_type<tc>} {
    %get3A = arith.constant 0 : index
    %get3A_0 = arith.constant 0 : index
    %get3A_1 = vector.load %arg1[%get3A, %get3A_0] : memref<32x10000xf32, #tpu.memory_space<vmem>>, vector<32x10000xf32>
    %reduce_sum3A = arith.constant dense<0.000000e+00> : vector<10000xf32>
    %reduce_sum3A_2 = vector.multi_reduction <add>, %get3A_1, %reduce_sum3A [0] : vector<32x10000xf32> to vector<10000xf32>
    %broadcast_in_dim3A = vector.shape_cast %reduce_sum3A_2 : vector<10000xf32> to vector<10000x1xf32>
    %get3A_3 = arith.constant 0 : index
    %get3A_4 = arith.constant 0 : index
    %get3A_5 = arith.constant 0 : index
    %get3A_6 = vector.load %arg0[%get3A_3, %get3A_4, %get3A_5] : memref<2x10000x128xbf16, #tpu.memory_space<vmem>>, vector<1x10000x128xbf16>
    %get3A_7 = vector.shape_cast %get3A_6 : vector<1x10000x128xbf16> to vector<10000x128xbf16>
    %convert_element_type3A = arith.extf %get3A_7 : vector<10000x128xbf16> to vector<10000x128xf32>
    %get3A_8 = arith.constant 1 : index
    %get3A_9 = arith.constant 0 : index
    %get3A_10 = arith.constant 0 : index
    %get3A_11 = vector.load %arg0[%get3A_8, %get3A_9, %get3A_10] : memref<2x10000x128xbf16, #tpu.memory_space<vmem>>, vector<1x10000x128xbf16>
    %get3A_12 = vector.shape_cast %get3A_11 : vector<1x10000x128xbf16> to vector<10000x128xbf16>
    %convert_element_type3A_13 = arith.extf %get3A_12 : vector<10000x128xbf16> to vector<10000x128xf32>
    %add3A = arith.addf %convert_element_type3A, %convert_element_type3A_13 : vector<10000x128xf32>
    %add3A_14 = arith.constant 1.000000e-16 : f32
    %add3A_15 = vector.broadcast %add3A_14 : f32 to vector<10000x1xf32>
    %add3A_16 = arith.addf %broadcast_in_dim3A, %add3A_15 : vector<10000x1xf32>
    %div3A = vector.broadcast %add3A_16 : vector<10000x1xf32> to vector<10000x128xf32>
    %div3A_17 = arith.divf %add3A, %div3A : vector<10000x128xf32>
    %max3A = arith.constant 0.000000e+00 : f32
    %max3A_18 = vector.broadcast %max3A : f32 to vector<10000x128xf32>
    %max3A_19 = arith.maximumf %div3A_17, %max3A_18 : vector<10000x128xf32>
    %reduce_sum3A_20 = arith.constant dense<0.000000e+00> : vector<128xf32>
    %reduce_sum3A_21 = vector.multi_reduction <add>, %max3A_19, %reduce_sum3A_20 [0] : vector<10000x128xf32> to vector<128xf32>
    %broadcast_in_dim3A_22 = vector.shape_cast %reduce_sum3A_21 : vector<128xf32> to vector<1x128xf32>
    %mul3A = arith.constant 9.99999974E-5 : f32
    %mul3A_23 = vector.broadcast %mul3A : f32 to vector<1x128xf32>
    %mul3A_24 = arith.mulf %broadcast_in_dim3A_22, %mul3A_23 : vector<1x128xf32>
    %get3A_25 = arith.constant 0 : index
    %get3A_26 = arith.constant 0 : index
    %get3A_27 = vector.load %arg2[%get3A_25, %get3A_26] : memref<10000x128xf32, #tpu.memory_space<vmem>>, vector<10000x128xf32>
    %reduce_sum3A_28 = arith.constant dense<0.000000e+00> : vector<128xf32>
    %reduce_sum3A_29 = vector.multi_reduction <add>, %get3A_27, %reduce_sum3A_28 [0] : vector<10000x128xf32> to vector<128xf32>
    %broadcast_in_dim3A_30 = vector.shape_cast %reduce_sum3A_29 : vector<128xf32> to vector<1x128xf32>
    %mul3A_31 = arith.constant 9.99999974E-5 : f32
    %mul3A_32 = vector.broadcast %mul3A_31 : f32 to vector<1x128xf32>
    %mul3A_33 = arith.mulf %broadcast_in_dim3A_30, %mul3A_32 : vector<1x128xf32>
    %concatenate3A = tpu.concatenate %mul3A_24, %mul3A_33 in 1 : vector<1x128xf32>, vector<1x128xf32> -> vector<1x256xf32>
    %get3A_34 = arith.constant 0 : index
    %get3A_35 = arith.constant 0 : index
    %get3A_36 = vector.load %arg3[%get3A_34, %get3A_35] : memref<256x128xf32, #tpu.memory_space<vmem>>, vector<256x128xf32>
    %dot_general3A = arith.constant dense<0.000000e+00> : vector<1x128xf32>
    %dot_general3A_37 = tpu.matmul %concatenate3A, %get3A_36, %dot_general3A {dimension_numbers = #tpu.dot_dimension_numbers<[1], [0], [0], [1], [0, 0, 1, 1], [], []>, precision = #tpu.contract_precision<fp32>, transpose_lhs_hint = false} : vector<1x256xf32>, vector<256x128xf32>, vector<1x128xf32> -> vector<1x128xf32>
    %get3A_38 = arith.constant 0 : index
    %get3A_39 = arith.constant 0 : index
    %get3A_40 = vector.load %arg4[%get3A_38, %get3A_39] : memref<1x128xf32, #tpu.memory_space<vmem>>, vector<1x128xf32>
    %add3A_41 = arith.addf %dot_general3A_37, %get3A_40 : vector<1x128xf32>
    %max3A_42 = arith.constant 0.000000e+00 : f32
    %max3A_43 = vector.broadcast %max3A_42 : f32 to vector<1x128xf32>
    %max3A_44 = arith.maximumf %add3A_41, %max3A_43 : vector<1x128xf32>
    %get3A_45 = arith.constant 0 : index
    %get3A_46 = arith.constant 0 : index
    %get3A_47 = vector.load %arg5[%get3A_45, %get3A_46] : memref<128x1xf32, #tpu.memory_space<vmem>>, vector<128x1xf32>
    %dot_general3A_48 = arith.constant dense<0.000000e+00> : vector<1x1xf32>
    %dot_general3A_49 = tpu.matmul %max3A_44, %get3A_47, %dot_general3A_48 {dimension_numbers = #tpu.dot_dimension_numbers<[1], [0], [0], [1], [0, 0, 1, 1], [], []>, precision = #tpu.contract_precision<fp32>, transpose_lhs_hint = false} : vector<1x128xf32>, vector<128x1xf32>, vector<1x1xf32> -> vector<1x1xf32>
    %get3A_50 = arith.constant 0 : index
    %get3A_51 = arith.constant 0 : index
    %get3A_52 = vector.load %arg6[%get3A_50, %get3A_51] : memref<1x1xf32, #tpu.memory_space<vmem>>, vector<1x1xf32>
    %add3A_53 = arith.addf %dot_general3A_49, %get3A_52 : vector<1x1xf32>
    %swap3A = arith.constant 0 : index
    %swap3A_54 = arith.constant 0 : index
    %swap3A_55 = vector.load %arg7[%swap3A, %swap3A_54] : memref<1x1xf32, #tpu.memory_space<vmem>>, vector<1x1xf32>
    tpu.vector_store %arg7[%swap3A, %swap3A_54], %add3A_53 {strides = array<i32>} : memref<1x1xf32, #tpu.memory_space<vmem>>, vector<1x1xf32>,
    return
  }
}

</mosaic_0001>

<sc_bundles>
// kernel: kernel.13.cloned.1.call-start
scs
__scs_entry_jumppad:
0x0: {  	(pc) =	sbr.rel $0x88, $3  }
0x1: {  	(tag) =	ssettag $0x0;
	lr =	simm.s32 $0x1  }
0x2: {  	[smem:$0x3F8D] =	sst lr;
	_ =	strace $0xD0000000  }
0x3: {  	_ = 	snop  }
0x4: {  	_ = 	snop  }
0x5: {  	_ = 	snop  }
0x6: {  	_ = 	snop  }
0x7: {  	_ = 	snop  }
__scs_overlays_trampoline_lowered:
0x8: {  	[smem:$0x3F9C] =	sst s0  }
0x9: {  	[smem:$0x3F9D] =	sst s1  }
0xa: {  	[smem:$0x3F9E] =	sst s2  }
0xb: {  	[smem:$0x3F9F] =	sst s3  }
0xc: {  	[smem:$0x3FA0] =	sst s4  }
0xd: {  	[smem:$0x3FA1] =	sst s5  }
0xe: {  	[smem:$0x3FA2] =	sst s6  }
0xf: {  	[smem:$0x3FA3] =	sst s7  }
0x10: {  	[smem:$0x3FA4] =	sst s8  }
0x11: {  	[smem:$0x3FA5] =	sst s9;
	s0 =	simm.s32 @!p0 $0x0  }
0x12: {  	s1 =	sld [smem:$0x3F8B];
	s0 =	simm.s32 @p0 $0x1  }
0x13: {  	[smem:$0x3FA6] =	sst s0;
	s0 =	simm.s32 @!p1 $0x0  }
0x14: {  	s2 =	sld [smem:$0x3F8A];
	s0 =	simm.s32 @p1 $0x1  }
0x15: {  	[smem:$0x3FA7] =	sst s0;
	s0 =	simm.s32 @!p2 $0x0  }
0x16: {  	s3 =	sld [smem:$0x3FDB];
	s0 =	simm.s32 @p2 $0x1  }
0x17: {  	s4 =	simm.s32 $0x1BF5;
	[smem:$0x3FA9] =	sst s0  }
0x18: {  	s0 =	sld [smem:$0x3F8C];
	_ =	swait.ge [sflag:s4], $0x0  }
0x19: {  	s7 =	sld [smem:$0x3F8D]  }
0x1a: {  	s8 =	sadd.s32 $0xFFFFE003, lr  }
0x1b: {  	s9 =	sadd.s32 $0xFFFFFEF7, lr;
	s5 =	simm.s32 $0xFFFFFFFF;
	p2 =	slt.u32 s8, $0xFFFFF086  }
0x1c: {  	p1 =	slt.u32 s9, $0xF7A;
	s5 =	simm.s32 @!p2 $0x0  }
0x1d: {  	s5 =	simm.s32 @p1 $0x1;
	p0 =	seq.s32 s7, s2  }
0x1e: {  	s7 =	smul.u32 @!p0 $0xF7A, s2;
	p2 =	seq.s32 @!p0 s5, $0x0  }
0x1f: {  	s9 =	smul.u32 $0xF7A, s1;
	s8 =	simm.s32 @!p0 $0x1BF5;
	p2 =	por !p2, p0  }
0x20: {  	[sflag:s8] =	ssyncset.s32 @!p0 $0xFFFFF086;
	s6 =	sadd.s32 @!p0 s3, s7;
	s7 =	simm.s32 @!p0 $0x108  }
0x21: {  	s3 =	sadd.s32 s3, s9;
	s6 =	sadd.s32 @!p0 $0x88, s6;
	s7 =	simm.s32 @p2 $0x1082  }
0x22: {  	[simem:s7], [sflag:s8] =	dma.local @!p0 [hbm:s6], $0xF7A  }
0x23: {  	s9 =	sor.u32 $0xD0000000, s2;
	s6 =	simm.s32 $0x108;
	_ =	swait.ge @!p0 [sflag:s8], $0x0  }
0x24: {  	s3 =	sadd.s32 $0x88, s3;
	s6 =	simm.s32 @!p1 $0x1082;
	[sflag:s4] =	ssyncset.s32 $0xFFFFF086  }
0x25: {  	[simem:s6], [sflag:s4] =	dma.local [hbm:s3], $0xF7A  }
0x26: {  	[smem:$0x3F8D] =	sst s1;
	(tag) =	ssettag s2;
	_ =	strace s9  }
0x27: {  	s1 =	sld [smem:$0x3F9D]  }
0x28: {  	s2 =	sld [smem:$0x3F9E]  }
0x29: {  	s4 =	sld [smem:$0x3FA0]  }
0x2a: {  	p0 =	seq.s32 s5, $0x0;
	s5 =	sld [smem:$0x3FA1]  }
0x2b: {  	s6 =	sld [smem:$0x3FA2]  }
0x2c: {  	s7 =	sld [smem:$0x3FA3]  }
0x2d: {  	s3 =	simm.s32 $0x108;
	s8 =	sld [smem:$0x3FA4]  }
0x2e: {  	s3 =	simm.s32 @!p0 $0x1082;
	s9 =	sld [smem:$0x3FA5]  }
0x2f: {  	lr =	sadd.s32 s0, s3;
	s0 =	sld [smem:$0x3F9C]  }
0x30: {  	s3 =	sld [smem:$0x3F9F]  }
0x31: {  	[smem:$0x3FA8] =	sst s10  }
0x32: {  	s10 =	sld [smem:$0x3FA6];
	_ =	sdelay $0x3  }
0x33: {  	p0 =	seq.s32 s10, $0x1;
	s10 =	sld [smem:$0x3FA8];
	_ =	sdelay $0x3  }
0x34: {  	[smem:$0x3FA8] =	sst s10  }
0x35: {  	s10 =	sld [smem:$0x3FA7];
	_ =	sdelay $0x3  }
0x36: {  	p1 =	seq.s32 s10, $0x1;
	s10 =	sld [smem:$0x3FA8];
	_ =	sdelay $0x3  }
0x37: {  	[smem:$0x3FA8] =	sst s10  }
0x38: {  	s10 =	sld [smem:$0x3FA9]  }
0x39: {  	_ = 	snop;
	(pc) =	sbr.ind lr, $3  }
0x3a: {  	_ = 	snop  }
0x3b: {  	_ = 	snop  }
0x3c: {  	p2 =	seq.s32 s10, $0x1;
	s10 =	sld [smem:$0x3FA8]  }
0x3d: {  	_ =	shalt  }
0x3e: {  	_ =	shalt  }
0x3f: {  	_ =	shalt  }
0x40: {  	_ =	shalt  }
0x41: {  	_ =	shalt  }
0x42: {  	_ =	shalt  }
0x43: {  	_ =	shalt  }
0x44: {  	_ =	shalt  }
0x45: {  	_ =	shalt  }
0x46: {  	_ =	shalt  }
0x47: {  	_ =	shalt  }
0x48: {  	_ =	shalt  }
0x49: {  	_ =	shalt  }
0x4a: {  	_ =	shalt  }
0x4b: {  	_ =	shalt  }
0x4c: {  	_ =	shalt  }
0x4d: {  	_ =	shalt  }
0x4e: {  	_ =	shalt  }
0x4f: {  	_ =	shalt  }
0x50: {  	_ =	shalt  }
0x51: {  	_ =	shalt  }
0x52: {  	_ =	shalt  }
0x53: {  	_ =	shalt  }
0x54: {  	_ =	shalt  }
0x55: {  	_ =	shalt  }
0x56: {  	_ =	shalt  }
0x57: {  	_ =	shalt  }
0x58: {  	_ =	shalt  }
0x59: {  	_ =	shalt  }
0x5a: {  	_ =	shalt  }
0x5b: {  	_ =	shalt  }
0x5c: {  	_ =	shalt  }
0x5d: {  	_ =	shalt  }
0x5e: {  	_ =	shalt  }
0x5f: {  	_ =	shalt  }
0x60: {  	_ =	shalt  }
0x61: {  	_ =	shalt  }
0x62: {  	_ =	shalt  }
0x63: {  	_ =	shalt  }
0x64: {  	_ =	shalt  }
0x65: {  	_ =	shalt  }
0x66: {  	_ =	shalt  }
0x67: {  	_ =	shalt  }
0x68: {  	_ =	shalt  }
0x69: {  	_ =	shalt  }
0x6a: {  	_ =	shalt  }
0x6b: {  	_ =	shalt  }
0x6c: {  	_ =	shalt  }
0x6d: {  	_ =	shalt  }
0x6e: {  	_ =	shalt  }
0x6f: {  	_ =	shalt  }
0x70: {  	_ =	shalt  }
0x71: {  	_ =	shalt  }
0x72: {  	_ =	shalt  }
0x73: {  	_ =	shalt  }
0x74: {  	_ =	shalt  }
0x75: {  	_ =	shalt  }
0x76: {  	_ =	shalt  }
0x77: {  	_ =	shalt  }
0x78: {  	_ =	shalt  }
0x79: {  	_ =	shalt  }
0x7a: {  	_ =	shalt  }
0x7b: {  	_ =	shalt  }
0x7c: {  	_ =	shalt  }
0x7d: {  	_ =	shalt  }
0x7e: {  	_ =	shalt  }
0x7f: {  	_ =	shalt  }
0x80: {  	_ =	shalt  }
0x81: {  	_ =	shalt  }
0x82: {  	_ =	shalt  }
0x83: {  	_ =	shalt  }
0x84: {  	_ =	shalt  }
0x85: {  	_ =	shalt  }
0x86: {  	_ =	shalt  }
0x87: {  	_ =	shalt  }
.Lfunc_end0:
.L_simem_size_0:
called_computation.1_lowered:
.L_overlay_start_0:
0x88: {  	s2 =	sld [smem:$0x3FD9]  }
0x89: {  	s3 =	sld [smem:$0x3FFE];
	_ =	sdelay $0x1  }
0x8a: {  	s1 =	srdreg.scid  }
0x8b: {  	s0 =	sand.u32 $0x1, s1  }
0x8c: {  	s17 =	sshll.u32 s0, $0xA;
	s2 =	sadd.s32 s3, s2  }
0x8d: {  	s2 =	sadd.s32 s2, s17  }
0x8e: {  	[smem:$0x3FB4] =	sst s2  }
0x8f: {  	_ = 	snop  }
0x90: {  	(tm) =	ssettm $0x1  }
0x91: {  	s18 =	sld [smem:$0x3FFB];
	_ =	sdelay $0x3  }
0x92: {  	_ =	strace s18  }
0x93: {  	s2 =	sld [smem:$0x3FFC];
	_ =	sdelay $0x3  }
0x94: {  	_ =	strace s2  }
0x95: {  	s2 =	sld [smem:$0x3FFD];
	_ =	sdelay $0x3  }
0x96: {  	_ =	strace s2  }
0x97: {  	_ =	strace $0x8FFFFFFF  }
0x98: {  	s19 =	sld [smem:$0x3FDB];
	_ =	sdelay $0x1  }
0x99: {  	s20 =	simm.s32 $_scs_section_size  }
0x9a: {  	s4 =	simm.s32 $_size__tile_overlayer_lowered;
	s5 =	simm.s32 $_tile_overlayer_lowered  }
0x9b: {  	s6 =	simm.s32 $0x1BFF;
	s21 =	sshll.u32 s5, $0x1;
	s3 =	sadd.s32 s20, s19  }
0x9c: {  	s22 =	simm.s32 $0x0;
	s4 =	sshll.u32 s4, $0x1;
	s5 =	sadd.s32 s21, s3  }
0x9d: {  	[timem:s22], [sflag:s6] =	dma.local [hbm:s5], s4  }
0x9e: {  	_ =	swait.ge [sflag:s6], s4  }
0x9f: {  	s4 =	ssub.s32 $0x0, s4;
	[sflag:s6] =	ssyncset.done $0x0  }
0xa0: {  	[sflag:s6] =	ssyncadd.s32 s4;
	_ =	sdelay $0x1  }
0xa1: {  	s23 =	simm.s32 $0x1B8B  }
0xa2: {  	_ =	swait.ge [sflag:s23], $0x1  }
0xa3: {  	[sflag:s23] =	ssyncset.done $0x0  }
0xa4: {  	[sflag:s23] =	ssyncadd.s32 $0xFFFFFFFF  }
0xa5: {  	s4 =	sld [smem:$0x0]  }
0xa6: {  	s5 =	sand.u32 $0xFFFFFFFE, s1  }
0xa7: {  	p0 =	sne.s32 s1, s5  }
0xa8: {  	s5 =	sshll.u32 @p0 s5, $0xE  }
0xa9: {  	s5 =	sadd.s32 @p0 $0x11B8D, s5;
	s6 =	sshll.u32 @p0 s4, $0x11  }
0xaa: {  	s5 =	sor.u32 @p0 s6, s5  }
0xab: {  	[sflag:s5] =	ssyncadd.remote.s32 @p0 $0x1;
	_ =	sdelay $0x1  }
0xac: {  	s5 =	simm.s32 @p0 $0x1B8D  }
0xad: {  	_ =	swait.eq @p0 [sflag:s5], $0x1  }
0xae: {  	[sflag:s5] =	ssyncadd.s32 @p0 $0xFFFFFFFF  }
0xaf: {  	s6 =	sshll.u32 @!p0 s1, $0xE  }
0xb0: {  	s6 =	sor.u32 @!p0 $0x4000, s6;
	s5 =	simm.s32 @!p0 $0x1B8D  }
0xb1: {  	s4 =	sshll.u32 @!p0 s4, $0x11;
	s6 =	sadd.s32 @!p0 $0x11B8D, s6;
	_ =	swait.eq @!p0 [sflag:s5], $0x1  }
0xb2: {  	s4 =	sor.u32 @!p0 s4, s6;
	[sflag:s5] =	ssyncadd.s32 @!p0 $0xFFFFFFFF  }
0xb3: {  	s25 =	simm.s32 $0x1B8E;
	s24 =	sld [smem:$0x3FFE];
	[sflag:s4] =	ssyncadd.remote.s32 @!p0 $0x1  }
0xb4: {  	s26 =	simm.s32 $execute0_lowered;
	[smem:$0x3FD2] =	sst s25  }
0xb5: {  	s5 =	sshll.u32 s26, $0x1;
	_ =	strace $0x8000004F;
	[dreg:$0x1] =	wrdreg $0xFFFFFFFF  }
0xb6: {  	s28 =	simm.s32 $_size_execute0_lowered;
	s3 =	sadd.s32 s3, s5;
	[dreg:$0x0] =	wrdreg $0x0  }
0xb7: {  	s5 =	sshll.u32 s28, $0x1;
	[dreg:$0x2] =	wrdreg s3  }
0xb8: {  	[dreg:$0x3] =	wrdreg s5  }
0xb9: {  	[dreg:$0x4] =	wrdreg $0xC0  }
0xba: {  	_ =	task [dreg:s22], $0x5FFFF  }
0xbb: {  	[dreg:$0x1] =	wrdreg $0xFFFFFFFF  }
0xbc: {  	[dreg:$0x0] =	wrdreg $0x60  }
0xbd: {  	[dreg:$0x2] =	wrdreg s24  }
0xbe: {  	[dreg:$0x3] =	wrdreg $0xB7E00  }
0xbf: {  	[dreg:$0x4] =	wrdreg $0x9  }
0xc0: {  	_ =	task.clear_ibuf [dreg:s22], $0x5FFFF;
	_ =	strace $0x9000004F  }
0xc1: {  	s29 =	simm.s32 $0x9;
	_ =	strace $0x80000051  }
0xc2: {  	_ =	swait.ge [sflag:s29], $0x1  }
0xc3: {  	[sflag:s29] =	ssyncadd.s32 $0xFFFFFFFF  }
0xc4: {  	_ =	strace $0x90000051  }
0xc5: {  	_ =	sfence  }
0xc6: {  	s30 =	sld [smem:$0x0];
	_ =	sdelay $0x2  }
0xc7: {  	s31 =	sshll.u32 s1, $0xD;
	s1 =	sshrl.u32 s1, $0x2  }
0xc8: {  	s4 =	sand.u32 $0x4000, s31;
	s1 =	sadd.s32 s1, s30  }
0xc9: {  	s0 =	sor.u32 s4, s0;
	s1 =	sshll.u32 s1, $0x11  }
0xca: {  	s0 =	sor.u32 s1, s0  }
0xcb: {  	s0 =	sadd.s32 $0x8F2B, s0  }
0xcc: {  	[sflag:s0] =	ssyncadd.remote.s32 $0x1  }
0xcd: {  	_ =	sfence.sel $0xFFFF  }
0xce: {  	[dreg:$0x0] =	wrdreg $0xFFFFFFFF;
	(pc) =	sbr.abs _section_cstart, $3  }
0xcf: {  	[dreg:$0x1] =	wrdreg $0xFFFFFFFF  }
0xd0: {  	_ =	task.clear_ibuf [dreg:s22], $0x2FFFF;
	_ =	strace $0x9FFFFFFF  }
0xd1: {  	(tm) =	ssettm $0x7FFFFFFF  }
tec
execute0_lowered:
.L_overlay_start_1:
0x0: {  	(tag) =	ssettag $0x1  }
0x1: {  	s0 =	rddreg [dreg:$0x0]  }
0x2: {  	s1 =	rddreg [dreg:$0x1]  }
0x3: {  	s2 =	simm.s32 $0x0;
	s4 =	srdreg.scid;
	s6 =	stileid.u32  }
0x4: {  	s19 =	simm.s32 $0x5;
	s28 =	simm.s32 $0x76E0;
	s29 =	simm.s32 $0x4E40  }
0x5: {  	s31 =	simm.s32 $0x97E0;
	[smem:$0x7FF] =	sst s2;
	s3 =	sadd.s32 $0x1CDA00, s0  }
0x6: {  	s5 =	sand.u32 $0x1, s4;
	s4 =	sadd.s32 $0x1C3A00, s0;
	s8 =	sadd.s32 $0x1D8000, s0  }
0x7: {  	s30 =	simm.s32 $0x4;
	s21 =	sadd.s32 $0x1D7A00, s0;
	s11 =	sadd.s32 $0x157A00, s0  }
0x8: {  	p0 =	sne.s32 s6, $0x0;
	_ =	strace $0x80000050;
	[dreg:$0x3] =	wrdreg s8  }
0x9: {  	s7 =	sshll.u32 s5, $0x4;
	s20 =	smul.u32 $0x13880, s5;
	[dreg:$0x4] =	wrdreg s21  }
0xa: {  	[dreg:$0x5] =	wrdreg s11;
	s5 =	ssub.s32 $0x2, s5;
	s18 =	sshrl.u32 @!p0 s1, $0x3  }
0xb: {  	s21 =	simm.s32 $0x7560;
	s9 =	sor.u32 s6, s7;
	s7 =	sadd.s32 $0x1B0000, s0  }
0xc: {  	s23 =	sshrl.u32 s5, $0x1;
	s6 =	simm.s32 $0x2;
	s10 =	smul.u32 $0x4E2, s9  }
0xd: {  	s22 =	smul.u32 $0x500, s9;
	s8 =	sadd.s32 s20, s0;
	s5 =	ssub.s32 s5, s23  }
0xe: {  	s9 =	smul.u32 $0x50, s9;
	s20 =	simm.s32 $0x2720;
	s23 =	simm.s32 $0x3  }
0xf: {  	s26 =	sadd.s32 $0x1D8600, s8;
	s17 =	smax.u32 s5, $0x1;
	s5 =	simm.s32 $0x7760  }
0x10: {  	s8 =	simm.s32 $0x0;
	s0 =	sadd.s32 s10, s0;
	s24 =	sor.u32 $0x10, s22  }
0x11: {  	s12 =	sadd.s32 s3, s22;
	s11 =	sadd.s32 s4, s22;
	[dreg:$0xb] =	wrdreg s26  }
0x12: {  	s13 =	sor.u32 $0x2, s9;
	s14 =	sor.u32 $0x3, s9;
	[dreg:$0x6] =	wrdreg s12  }
0x13: {  	s22 =	simm.s32 $0x75E0;
	[dreg:$0x7] =	wrdreg s11;
	s25 =	sadd.s32 s3, s24  }
0x14: {  	s26 =	simm.s32 $0x7660;
	s10 =	sadd.s32 s4, s24;
	[dreg:$0x8] =	wrdreg s25  }
0x15: {  	s0 =	sadd.s32 $0x1FF800, s0;
	s24 =	simm.s32 $0x80;
	[dreg:$0x9] =	wrdreg s10  }
0x16: {  	v0 =	vimm.f32 $0.0e+00;
	[dreg:$0xa] =	wrdreg s0;
	s25 =	simm.s32 $0x77E0;
	s0 =	simm.s32 $0x1  }
.LBB2_1:
0x17: {  	s9 =	simm.s32 @!p0 $0x1C05;
	s10 =	rddreg [dreg:$0x5]  }
0x18: {  	[spmem:s18], [sflag:s9] =	dma.local @!p0 [hbm:s10], $0x13880  }
0x19: {  	s9 =	simm.s32 @!p0 $0x5  }
0x1a: {  	_ =	swait.ge @!p0 [sflag:s9], $0x13880  }
0x1b: {  	[sflag:s9] =	ssyncset.done @!p0 $0x0  }
0x1c: {  	s15 =	rddreg [dreg:$0x3];
	[sflag:s9] =	ssyncadd.s32 @!p0 $0xFFFEC780  }
0x1d: {  	[tilespmem:s2], [sflag:$0x5] =	stream.linear.gather [hbm4b:s15+s2], $0x2710, $0x38;
	[tilespmem:$0x15460] =	vst v63  }
0x1e: {  	_ =	swait.ge [sflag:s19], $0x2710  }
0x1f: {  	[sflag:s19] =	ssyncset.done $0x0  }
0x20: {  	s16 =	rddreg [dreg:$0x4];
	[sflag:s19] =	ssyncadd.s32 $0xFFFFD8F0  }
0x21: {  	[tilespmem:s20], [sflag:$0x5] =	stream.linear.gather [hbm4b:s16+s2], $0x2710, $0x38;
	[tilespmem:$0x15460] =	vst v63  }
0x22: {  	_ =	swait.ge [sflag:s19], $0x2710  }
0x23: {  	[sflag:s19] =	ssyncset.done $0x0  }
0x24: {  	[sflag:s19] =	ssyncadd.s32 $0xFFFFD8F0  }
0x25: {  	[tilespmem:$0x2710] =	vst v0  }
0x26: {  	s10 =	simm.s32 $0x0;
	s9 =	simm.s32 $0x40;
	[tilespmem:$0x4E30] =	vst v0  }
.LBB2_2:
0x27: {  	p1 =	sne.s32 s9, $0x9C40;
	[tilespmem:s10+$0x4E40] =	vst v0;
	s10 =	smov.u32 s9;
	s9 =	sadd.s32 $0x40, s9  }
.Ltmp0:
0x28: {  	(pc) =	sbr.rel @p1 .LBB2_2-.Ltmp0, $2  }
0x29: {  	_ =	sdelay $0x2  }
0x2a: {  	s10 =	sshra.s32 s10, $0x2  }
0x2b: {  	[tilespmem:s10+$0x4E40] =	vst v0  }
0x2c: {  	[bflag:$0x0] =	sbarrier.arrive $0xFFFF  }
0x2d: {  	s9 =	simm.s32 $0x0;
	s11 =	rddreg [dreg:$0x6]  }
0x2e: {  	[tilespmem:s21], [sflag:$0x3] =	stream.linear.gather [hbm4b:s11+s9], $0x80, $0x38;
	[tilespmem:$0x15460] =	vst v63  }
0x2f: {  	s12 =	rddreg [dreg:$0x7]  }
0x30: {  	[tilespmem:s22], [sflag:$0x3] =	stream.linear.gather [hbm4b:s12+s9], $0x80, $0x38;
	[tilespmem:$0x15460] =	vst v63  }
0x31: {  	_ =	swait.ge [sflag:s23], $0x80  }
0x32: {  	[sflag:s23] =	ssyncset.done $0x0  }
0x33: {  	[sflag:s23] =	ssyncadd.s32 $0xFFFFFF80  }
0x34: {  	_ =	swait.ge [sflag:s23], $0x80  }
0x35: {  	[sflag:s23] =	ssyncset.done $0x0  }
0x36: {  	[sflag:s23] =	ssyncadd.s32 $0xFFFFFF80  }
0x37: {  	[tilespmem:s25], [sflag:$0x1] =	stream.indirect.gather [hbm4b:s7+s24], $0x40, s21, s24, $0xb8;
	[tilespmem:$0x15460] =	vst v63  }
0x38: {  	s15 =	rddreg [dreg:$0x8]  }
0x39: {  	[tilespmem:s26], [sflag:$0x4] =	stream.linear.gather [hbm4b:s15+s9], $0x80, $0x38;
	[tilespmem:$0x15460] =	vst v63  }
0x3a: {  	s10 =	simm.s32 $0x0;
	s16 =	rddreg [dreg:$0x9]  }
0x3b: {  	[tilespmem:s28], [sflag:$0x4] =	stream.linear.gather [hbm4b:s16+s9], $0x80, $0x38;
	[tilespmem:$0x15460] =	vst v63  }
.LBB2_4:
0x3c: {  	v1 =	vld [tilespmem:$0x7560]  }
0x3d: {  	v2 =	vld [tilespmem:$0x75E0];
	_ =	sdelay $0x6  }
0x3e: {  	v1 =	vld.idx.msk [tilespmem:v1+s9+$0x0], $0xffff  }
0x3f: {  	v2 =	vld.idx.msk [tilespmem:v2+s20+$0x0], $0xffff;
	_ =	sdelay $0x4  }
0x40: {  	v1 =	vadd.f32 v2, v1;
	_ =	sdelay $0x1  }
0x41: {  	v2 =	vmul.f32 $2.000000030e-01, v1  }
0x42: {  	vm0 =	vge.f32 v1, $0.0e+00  }
0x43: {  	v1 =	vsel vm0, v1, v2  }
0x44: {  	v1 =	vmul.f32 $1.442695020e+00, v1;
	_ =	sdelay $0x1  }
0x45: {  	(erf) = vpow2.f32 v1;
	_ =	sdelay $0x2  }
0x46: {  	v1 =	vld [tilespmem:$0x75E0];
	_ =	sdelay $0x5  }
0x47: {  	v2 =	vpop (erf)  }
0x48: {  	[tilespmem:$0x7760] =	vst v2  }
0x49: {  	[tilespmem:v1+s29+$0x0] =	vst.idx.add.f32.msk $0xffff, v2  }
0x4a: {  	v1 =	vld [tilespmem:$0x7570]  }
0x4b: {  	v2 =	vld [tilespmem:$0x75F0];
	_ =	sdelay $0x6  }
0x4c: {  	v1 =	vld.idx.msk [tilespmem:v1+s9+$0x0], $0xffff  }
0x4d: {  	v2 =	vld.idx.msk [tilespmem:v2+s20+$0x0], $0xffff;
	_ =	sdelay $0x4  }
0x4e: {  	v1 =	vadd.f32 v2, v1;
	_ =	sdelay $0x1  }
0x4f: {  	v2 =	vmul.f32 $2.000000030e-01, v1  }
0x50: {  	vm9 =	vge.f32 v1, $0.0e+00  }
0x51: {  	v1 =	vsel vm9, v1, v2  }
0x52: {  	v1 =	vmul.f32 $1.442695020e+00, v1;
	_ =	sdelay $0x1  }
0x53: {  	(erf) = vpow2.f32 v1;
	_ =	sdelay $0x2  }
0x54: {  	v1 =	vld [tilespmem:$0x75F0];
	_ =	sdelay $0x5  }
0x55: {  	v2 =	vpop (erf)  }
0x56: {  	[tilespmem:$0x7770] =	vst v2  }
0x57: {  	[tilespmem:v1+s29+$0x0] =	vst.idx.add.f32.msk $0xffff, v2  }
0x58: {  	v1 =	vld [tilespmem:$0x7580]  }
0x59: {  	v2 =	vld [tilespmem:$0x7600];
	_ =	sdelay $0x6  }
0x5a: {  	v1 =	vld.idx.msk [tilespmem:v1+s9+$0x0], $0xffff  }
0x5b: {  	v2 =	vld.idx.msk [tilespmem:v2+s20+$0x0], $0xffff;
	_ =	sdelay $0x4  }
0x5c: {  	v1 =	vadd.f32 v2, v1;
	_ =	sdelay $0x1  }
0x5d: {  	v2 =	vmul.f32 $2.000000030e-01, v1  }
0x5e: {  	vm10 =	vge.f32 v1, $0.0e+00  }
0x5f: {  	v1 =	vsel vm10, v1, v2  }
0x60: {  	v1 =	vmul.f32 $1.442695020e+00, v1;
	_ =	sdelay $0x1  }
0x61: {  	(erf) = vpow2.f32 v1;
	_ =	sdelay $0x2  }
0x62: {  	v1 =	vld [tilespmem:$0x7600];
	_ =	sdelay $0x5  }
0x63: {  	v2 =	vpop (erf)  }
0x64: {  	[tilespmem:$0x7780] =	vst v2  }
0x65: {  	[tilespmem:v1+s29+$0x0] =	vst.idx.add.f32.msk $0xffff, v2  }
0x66: {  	v1 =	vld [tilespmem:$0x7590]  }
0x67: {  	v2 =	vld [tilespmem:$0x7610];
	_ =	sdelay $0x6  }
0x68: {  	v1 =	vld.idx.msk [tilespmem:v1+s9+$0x0], $0xffff  }
0x69: {  	v2 =	vld.idx.msk [tilespmem:v2+s20+$0x0], $0xffff;
	_ =	sdelay $0x4  }
0x6a: {  	v1 =	vadd.f32 v2, v1;
	_ =	sdelay $0x1  }
0x6b: {  	v2 =	vmul.f32 $2.000000030e-01, v1  }
0x6c: {  	vm11 =	vge.f32 v1, $0.0e+00  }
0x6d: {  	v1 =	vsel vm11, v1, v2  }
0x6e: {  	v1 =	vmul.f32 $1.442695020e+00, v1;
	_ =	sdelay $0x1  }
0x6f: {  	(erf) = vpow2.f32 v1;
	_ =	sdelay $0x2  }
0x70: {  	v1 =	vld [tilespmem:$0x7610];
	_ =	sdelay $0x5  }
0x71: {  	v2 =	vpop (erf)  }
0x72: {  	[tilespmem:$0x7790] =	vst v2  }
0x73: {  	[tilespmem:v1+s29+$0x0] =	vst.idx.add.f32.msk $0xffff, v2  }
0x74: {  	v1 =	vld [tilespmem:$0x75A0]  }
0x75: {  	v2 =	vld [tilespmem:$0x7620];
	_ =	sdelay $0x6  }
0x76: {  	v1 =	vld.idx.msk [tilespmem:v1+s9+$0x0], $0xffff  }
0x77: {  	v2 =	vld.idx.msk [tilespmem:v2+s20+$0x0], $0xffff;
	_ =	sdelay $0x4  }
0x78: {  	v1 =	vadd.f32 v2, v1;
	_ =	sdelay $0x1  }
0x79: {  	v2 =	vmul.f32 $2.000000030e-01, v1  }
0x7a: {  	vm12 =	vge.f32 v1, $0.0e+00  }
0x7b: {  	v1 =	vsel vm12, v1, v2  }
0x7c: {  	v1 =	vmul.f32 $1.442695020e+00, v1;
	_ =	sdelay $0x1  }
0x7d: {  	(erf) = vpow2.f32 v1;
	_ =	sdelay $0x2  }
0x7e: {  	v1 =	vld [tilespmem:$0x7620];
	_ =	sdelay $0x5  }
0x7f: {  	v2 =	vpop (erf)  }
0x80: {  	[tilespmem:$0x77A0] =	vst v2  }
0x81: {  	[tilespmem:v1+s29+$0x0] =	vst.idx.add.f32.msk $0xffff, v2  }
0x82: {  	v1 =	vld [tilespmem:$0x75B0]  }
0x83: {  	v2 =	vld [tilespmem:$0x7630];
	_ =	sdelay $0x6  }
0x84: {  	v1 =	vld.idx.msk [tilespmem:v1+s9+$0x0], $0xffff  }
0x85: {  	v2 =	vld.idx.msk [tilespmem:v2+s20+$0x0], $0xffff;
	_ =	sdelay $0x4  }
0x86: {  	v1 =	vadd.f32 v2, v1;
	_ =	sdelay $0x1  }
0x87: {  	v2 =	vmul.f32 $2.000000030e-01, v1  }
0x88: {  	vm13 =	vge.f32 v1, $0.0e+00  }
0x89: {  	v1 =	vsel vm13, v1, v2  }
0x8a: {  	v1 =	vmul.f32 $1.442695020e+00, v1;
	_ =	sdelay $0x1  }
0x8b: {  	(erf) = vpow2.f32 v1;
	_ =	sdelay $0x2  }
0x8c: {  	v1 =	vld [tilespmem:$0x7630];
	_ =	sdelay $0x5  }
0x8d: {  	v2 =	vpop (erf)  }
0x8e: {  	[tilespmem:$0x77B0] =	vst v2  }
0x8f: {  	[tilespmem:v1+s29+$0x0] =	vst.idx.add.f32.msk $0xffff, v2  }
0x90: {  	v1 =	vld [tilespmem:$0x75C0]  }
0x91: {  	v2 =	vld [tilespmem:$0x7640];
	_ =	sdelay $0x6  }
0x92: {  	v1 =	vld.idx.msk [tilespmem:v1+s9+$0x0], $0xffff  }
0x93: {  	v2 =	vld.idx.msk [tilespmem:v2+s20+$0x0], $0xffff;
	_ =	sdelay $0x4  }
0x94: {  	v1 =	vadd.f32 v2, v1;
	_ =	sdelay $0x1  }
0x95: {  	v2 =	vmul.f32 $2.000000030e-01, v1  }
0x96: {  	vm14 =	vge.f32 v1, $0.0e+00  }
0x97: {  	v1 =	vsel vm14, v1, v2  }
0x98: {  	v1 =	vmul.f32 $1.442695020e+00, v1;
	_ =	sdelay $0x1  }
0x99: {  	(erf) = vpow2.f32 v1;
	_ =	sdelay $0x2  }
0x9a: {  	v1 =	vld [tilespmem:$0x7640];
	_ =	sdelay $0x5  }
0x9b: {  	v2 =	vpop (erf)  }
0x9c: {  	[tilespmem:$0x77C0] =	vst v2  }
0x9d: {  	[tilespmem:v1+s29+$0x0] =	vst.idx.add.f32.msk $0xffff, v2  }
0x9e: {  	v1 =	vld [tilespmem:$0x75D0]  }
0x9f: {  	v2 =	vld [tilespmem:$0x7650];
	_ =	sdelay $0x6  }
0xa0: {  	v1 =	vld.idx.msk [tilespmem:v1+s9+$0x0], $0xffff  }
0xa1: {  	v2 =	vld.idx.msk [tilespmem:v2+s20+$0x0], $0xffff;
	_ =	sdelay $0x4  }
0xa2: {  	v1 =	vadd.f32 v2, v1;
	_ =	sdelay $0x1  }
0xa3: {  	v2 =	vmul.f32 $2.000000030e-01, v1  }
0xa4: {  	vm15 =	vge.f32 v1, $0.0e+00  }
0xa5: {  	v1 =	vsel vm15, v1, v2  }
0xa6: {  	v1 =	vmul.f32 $1.442695020e+00, v1;
	_ =	sdelay $0x1  }
0xa7: {  	(erf) = vpow2.f32 v1;
	_ =	sdelay $0x2  }
0xa8: {  	v1 =	vld [tilespmem:$0x7650];
	_ =	sdelay $0x5  }
0xa9: {  	v2 =	vpop (erf)  }
0xaa: {  	[tilespmem:$0x77D0] =	vst v2  }
0xab: {  	[tilespmem:v1+s29+$0x0] =	vst.idx.add.f32.msk $0xffff, v2  }
0xac: {  	_ =	swait.ge [sflag:s30], $0x80  }
0xad: {  	[sflag:s30] =	ssyncset.done $0x0  }
0xae: {  	[sflag:s30] =	ssyncadd.s32 $0xFFFFFF80  }
0xaf: {  	_ =	swait.ge [sflag:s30], $0x80  }
0xb0: {  	[sflag:s30] =	ssyncset.done $0x0  }
0xb1: {  	[sflag:s30] =	ssyncadd.s32 $0xFFFFFF80  }
0xb2: {  	v1 =	vmov s9;
	[tilespmem:s31], [sflag:$0x2] =	stream.indirect.gather [hbm4b:s7+s24], $0x40, s26, s24, $0xb8;
	[tilespmem:$0x15460] =	vst v63  }
0xb3: {  	_ =	swait.ge [sflag:s0], $0x2000  }
0xb4: {  	[sflag:s0] =	ssyncset.done $0x0  }
0xb5: {  	s11 =	simm.s32 $0x7800;
	[sflag:s0] =	ssyncadd.s32 $0xFFFFE000  }
0xb6: {  	v2 =	vld [tilespmem:s11+$0xFFFFFFF0]  }
0xb7: {  	v1 =	vld.idx.msk [tilespmem:v1+s5+$0x0], $0xffff  }
0xb8: {  	v6 =	vld [tilespmem:s11+$0x10]  }
0xb9: {  	v3 =	vld [tilespmem:s11+$0xFFFFFFE0]  }
0xba: {  	v5 =	vld [tilespmem:s11+$0x0];
	_ =	sdelay $0x2  }
0xbb: {  	v7 =	vpack.i.f32.bf16 v1, v1  }
0xbc: {  	s12 =	simm.s32 $0x1;
	v4 =	vmul.bf16 v3, v7;
	v3 =	vmul.bf16 v2, v7  }
0xbd: {  	s15 =	simm.s32 $0x2;
	v1 =	vmov s12;
	s12 =	simm.s32 $0x7800;
	v5 =	vmul.bf16 v5, v7;
	v2 =	vmul.bf16 v6, v7  }
.LBB2_5:
0xbe: {  	p1 =	sne.s32 s15, $0x7F;
	[tilespmem:s11+$0xFFFFFFE0] =	vst v4  }
0xbf: {  	[tilespmem:s11+$0xFFFFFFF0] =	vst v3  }
0xc0: {  	s11 =	sadd.s32 $0x40, s11;
	[tilespmem:s12+$0x0] =	vst v5  }
0xc1: {  	v3 =	vld [tilespmem:s11+$0xFFFFFFF0];
	[tilespmem:s12+$0x10] =	vst v2;
	s12 =	smov.u32 s11  }
0xc2: {  	v1 =	vld.idx.msk [tilespmem:v1+s5+$0x0], $0xffff  }
0xc3: {  	v2 =	vld [tilespmem:s11+$0x10]  }
0xc4: {  	v4 =	vld [tilespmem:s11+$0xFFFFFFE0]  }
0xc5: {  	v5 =	vld [tilespmem:s11+$0x0]  }
.Ltmp1:
0xc6: {  	(pc) =	sbr.rel @p1 .LBB2_5-.Ltmp1, $4  }
0xc7: {  	_ = 	snop  }
0xc8: {  	v6 =	vpack.i.f32.bf16 v1, v1  }
0xc9: {  	v3 =	vmul.bf16 v3, v6;
	v4 =	vmul.bf16 v4, v6  }
0xca: {  	v1 =	vmov s15;
	s15 =	sadd.s32 $0x1, s15;
	v2 =	vmul.bf16 v2, v6;
	v5 =	vmul.bf16 v5, v6  }
0xcb: {  	[tilespmem:s11+$0xFFFFFFE0] =	vst v4  }
0xcc: {  	[tilespmem:s11+$0xFFFFFFF0] =	vst v3  }
0xcd: {  	s16 =	sadd.s32 $0x40, s11;
	[tilespmem:s12+$0x0] =	vst v5  }
0xce: {  	v3 =	vld [tilespmem:s16+$0xFFFFFFF0];
	[tilespmem:s12+$0x10] =	vst v2  }
0xcf: {  	v1 =	vld.idx.msk [tilespmem:v1+s5+$0x0], $0xffff  }
0xd0: {  	v2 =	vld [tilespmem:s16+$0xFFFFFFE0];
	_ =	sdelay $0x1  }
0xd1: {  	v4 =	vld [tilespmem:s16+$0x0]  }
0xd2: {  	v5 =	vld [tilespmem:s16+$0x10]  }
0xd3: {  	v1 =	vpack.i.f32.bf16 v1, v1  }
0xd4: {  	v2 =	vmul.bf16 v2, v1  }
0xd5: {  	v3 =	vmul.bf16 v3, v1  }
0xd6: {  	v4 =	vmul.bf16 v4, v1;
	[tilespmem:s16+$0xFFFFFFE0] =	vst v2  }
0xd7: {  	v1 =	vmul.bf16 v5, v1;
	[tilespmem:s16+$0xFFFFFFF0] =	vst v3  }
0xd8: {  	s11 =	sshll.u32 s10, $0x1;
	[tilespmem:s16+$0x0] =	vst v4  }
0xd9: {  	s15 =	smin.u32 s11, $0x4D;
	[tilespmem:s16+$0x10] =	vst v1  }
0xda: {  	[spmem:s1] =	stream.indirect.scatter.add.bf16 [tilespmem:s25], [sflag:$0x5], $0x40, s22, s24, $0xb8;
	[tilespmem:$0x15460] =	vst v63  }
0xdb: {  	s12 =	sadd.s32 s15, s13;
	_ =	swait.ge [sflag:s19], $0x2000  }
0xdc: {  	s15 =	sshll.u32 s12, $0x4;
	[sflag:s19] =	ssyncset.done $0x0  }
0xdd: {  	s12 =	simm.s32 $0x0;
	s16 =	sadd.s32 s3, s15;
	[sflag:s19] =	ssyncadd.s32 $0xFFFFE000  }
0xde: {  	[tilespmem:s21], [sflag:$0x3] =	stream.linear.gather [hbm4b:s16+s12], $0x80, $0x38;
	[tilespmem:$0x15460] =	vst v63  }
0xdf: {  	s15 =	sadd.s32 s4, s15  }
0xe0: {  	[tilespmem:s22], [sflag:$0x3] =	stream.linear.gather [hbm4b:s15+s12], $0x80, $0x38;
	[tilespmem:$0x15460] =	vst v63  }
0xe1: {  	v1 =	vld [tilespmem:$0x7660]  }
0xe2: {  	v2 =	vld [tilespmem:$0x76E0];
	_ =	sdelay $0x6  }
0xe3: {  	v1 =	vld.idx.msk [tilespmem:v1+s12+$0x0], $0xffff  }
0xe4: {  	v2 =	vld.idx.msk [tilespmem:v2+s20+$0x0], $0xffff;
	_ =	sdelay $0x4  }
0xe5: {  	v1 =	vadd.f32 v2, v1;
	_ =	sdelay $0x1  }
0xe6: {  	v2 =	vmul.f32 $2.000000030e-01, v1  }
0xe7: {  	vm0 =	vge.f32 v1, $0.0e+00  }
0xe8: {  	v1 =	vsel vm0, v1, v2  }
0xe9: {  	v1 =	vmul.f32 $1.442695020e+00, v1;
	_ =	sdelay $0x1  }
0xea: {  	(erf) = vpow2.f32 v1;
	_ =	sdelay $0x2  }
0xeb: {  	v1 =	vld [tilespmem:$0x76E0];
	_ =	sdelay $0x5  }
0xec: {  	v2 =	vpop (erf)  }
0xed: {  	[tilespmem:$0x7760] =	vst v2  }
0xee: {  	[tilespmem:v1+s29+$0x0] =	vst.idx.add.f32.msk $0xffff, v2  }
0xef: {  	v1 =	vld [tilespmem:$0x7670]  }
0xf0: {  	v2 =	vld [tilespmem:$0x76F0];
	_ =	sdelay $0x6  }
0xf1: {  	v1 =	vld.idx.msk [tilespmem:v1+s12+$0x0], $0xffff  }
0xf2: {  	v2 =	vld.idx.msk [tilespmem:v2+s20+$0x0], $0xffff;
	_ =	sdelay $0x4  }
0xf3: {  	v1 =	vadd.f32 v2, v1;
	_ =	sdelay $0x1  }
0xf4: {  	v2 =	vmul.f32 $2.000000030e-01, v1  }
0xf5: {  	vm9 =	vge.f32 v1, $0.0e+00  }
0xf6: {  	v1 =	vsel vm9, v1, v2  }
0xf7: {  	v1 =	vmul.f32 $1.442695020e+00, v1;
	_ =	sdelay $0x1  }
0xf8: {  	(erf) = vpow2.f32 v1;
	_ =	sdelay $0x2  }
0xf9: {  	v1 =	vld [tilespmem:$0x76F0];
	_ =	sdelay $0x5  }
0xfa: {  	v2 =	vpop (erf)  }
0xfb: {  	[tilespmem:$0x7770] =	vst v2  }
0xfc: {  	[tilespmem:v1+s29+$0x0] =	vst.idx.add.f32.msk $0xffff, v2  }
0xfd: {  	v1 =	vld [tilespmem:$0x7680]  }
0xfe: {  	v2 =	vld [tilespmem:$0x7700];
	_ =	sdelay $0x6  }
0xff: {  	v1 =	vld.idx.msk [tilespmem:v1+s12+$0x0], $0xffff  }
0x100: {  	v2 =	vld.idx.msk [tilespmem:v2+s20+$0x0], $0xffff;
	_ =	sdelay $0x4  }
0x101: {  	v1 =	vadd.f32 v2, v1;
	_ =	sdelay $0x1  }
0x102: {  	v2 =	vmul.f32 $2.000000030e-01, v1  }
0x103: {  	vm10 =	vge.f32 v1, $0.0e+00  }
0x104: {  	v1 =	vsel vm10, v1, v2  }
0x105: {  	v1 =	vmul.f32 $1.442695020e+00, v1;
	_ =	sdelay $0x1  }
0x106: {  	(erf) = vpow2.f32 v1;
	_ =	sdelay $0x2  }
0x107: {  	v1 =	vld [tilespmem:$0x7700];
	_ =	sdelay $0x5  }
0x108: {  	v2 =	vpop (erf)  }
0x109: {  	[tilespmem:$0x7780] =	vst v2  }
0x10a: {  	[tilespmem:v1+s29+$0x0] =	vst.idx.add.f32.msk $0xffff, v2  }
0x10b: {  	v1 =	vld [tilespmem:$0x7690]  }
0x10c: {  	v2 =	vld [tilespmem:$0x7710];
	_ =	sdelay $0x6  }
0x10d: {  	v1 =	vld.idx.msk [tilespmem:v1+s12+$0x0], $0xffff  }
0x10e: {  	v2 =	vld.idx.msk [tilespmem:v2+s20+$0x0], $0xffff;
	_ =	sdelay $0x4  }
0x10f: {  	v1 =	vadd.f32 v2, v1;
	_ =	sdelay $0x1  }
0x110: {  	v2 =	vmul.f32 $2.000000030e-01, v1  }
0x111: {  	vm11 =	vge.f32 v1, $0.0e+00  }
0x112: {  	v1 =	vsel vm11, v1, v2  }
0x113: {  	v1 =	vmul.f32 $1.442695020e+00, v1;
	_ =	sdelay $0x1  }
0x114: {  	(erf) = vpow2.f32 v1;
	_ =	sdelay $0x2  }
0x115: {  	v1 =	vld [tilespmem:$0x7710];
	_ =	sdelay $0x5  }
0x116: {  	v2 =	vpop (erf)  }
0x117: {  	[tilespmem:$0x7790] =	vst v2  }
0x118: {  	[tilespmem:v1+s29+$0x0] =	vst.idx.add.f32.msk $0xffff, v2  }
0x119: {  	v1 =	vld [tilespmem:$0x76A0]  }
0x11a: {  	v2 =	vld [tilespmem:$0x7720];
	_ =	sdelay $0x6  }
0x11b: {  	v1 =	vld.idx.msk [tilespmem:v1+s12+$0x0], $0xffff  }
0x11c: {  	v2 =	vld.idx.msk [tilespmem:v2+s20+$0x0], $0xffff;
	_ =	sdelay $0x4  }
0x11d: {  	v1 =	vadd.f32 v2, v1;
	_ =	sdelay $0x1  }
0x11e: {  	v2 =	vmul.f32 $2.000000030e-01, v1  }
0x11f: {  	vm12 =	vge.f32 v1, $0.0e+00  }
0x120: {  	v1 =	vsel vm12, v1, v2  }
0x121: {  	v1 =	vmul.f32 $1.442695020e+00, v1;
	_ =	sdelay $0x1  }
0x122: {  	(erf) = vpow2.f32 v1;
	_ =	sdelay $0x2  }
0x123: {  	v1 =	vld [tilespmem:$0x7720];
	_ =	sdelay $0x5  }
0x124: {  	v2 =	vpop (erf)  }
0x125: {  	[tilespmem:$0x77A0] =	vst v2  }
0x126: {  	[tilespmem:v1+s29+$0x0] =	vst.idx.add.f32.msk $0xffff, v2  }
0x127: {  	v1 =	vld [tilespmem:$0x76B0]  }
0x128: {  	v2 =	vld [tilespmem:$0x7730];
	_ =	sdelay $0x6  }
0x129: {  	v1 =	vld.idx.msk [tilespmem:v1+s12+$0x0], $0xffff  }
0x12a: {  	v2 =	vld.idx.msk [tilespmem:v2+s20+$0x0], $0xffff;
	_ =	sdelay $0x4  }
0x12b: {  	v1 =	vadd.f32 v2, v1;
	_ =	sdelay $0x1  }
0x12c: {  	v2 =	vmul.f32 $2.000000030e-01, v1  }
0x12d: {  	vm13 =	vge.f32 v1, $0.0e+00  }
0x12e: {  	v1 =	vsel vm13, v1, v2  }
0x12f: {  	v1 =	vmul.f32 $1.442695020e+00, v1;
	_ =	sdelay $0x1  }
0x130: {  	(erf) = vpow2.f32 v1;
	_ =	sdelay $0x2  }
0x131: {  	v1 =	vld [tilespmem:$0x7730];
	_ =	sdelay $0x5  }
0x132: {  	v2 =	vpop (erf)  }
0x133: {  	[tilespmem:$0x77B0] =	vst v2  }
0x134: {  	[tilespmem:v1+s29+$0x0] =	vst.idx.add.f32.msk $0xffff, v2  }
0x135: {  	v1 =	vld [tilespmem:$0x76C0]  }
0x136: {  	v2 =	vld [tilespmem:$0x7740];
	_ =	sdelay $0x6  }
0x137: {  	v1 =	vld.idx.msk [tilespmem:v1+s12+$0x0], $0xffff  }
0x138: {  	v2 =	vld.idx.msk [tilespmem:v2+s20+$0x0], $0xffff;
	_ =	sdelay $0x4  }
0x139: {  	v1 =	vadd.f32 v2, v1;
	_ =	sdelay $0x1  }
0x13a: {  	v2 =	vmul.f32 $2.000000030e-01, v1  }
0x13b: {  	vm14 =	vge.f32 v1, $0.0e+00  }
0x13c: {  	v1 =	vsel vm14, v1, v2  }
0x13d: {  	v1 =	vmul.f32 $1.442695020e+00, v1;
	_ =	sdelay $0x1  }
0x13e: {  	(erf) = vpow2.f32 v1;
	_ =	sdelay $0x2  }
0x13f: {  	v1 =	vld [tilespmem:$0x7740];
	_ =	sdelay $0x5  }
0x140: {  	v2 =	vpop (erf)  }
0x141: {  	[tilespmem:$0x77C0] =	vst v2  }
0x142: {  	[tilespmem:v1+s29+$0x0] =	vst.idx.add.f32.msk $0xffff, v2  }
0x143: {  	v1 =	vld [tilespmem:$0x76D0]  }
0x144: {  	v2 =	vld [tilespmem:$0x7750];
	_ =	sdelay $0x6  }
0x145: {  	v1 =	vld.idx.msk [tilespmem:v1+s12+$0x0], $0xffff  }
0x146: {  	v2 =	vld.idx.msk [tilespmem:v2+s20+$0x0], $0xffff;
	_ =	sdelay $0x4  }
0x147: {  	v1 =	vadd.f32 v2, v1;
	_ =	sdelay $0x1  }
0x148: {  	v2 =	vmul.f32 $2.000000030e-01, v1  }
0x149: {  	vm15 =	vge.f32 v1, $0.0e+00  }
0x14a: {  	v1 =	vsel vm15, v1, v2  }
0x14b: {  	v1 =	vmul.f32 $1.442695020e+00, v1;
	_ =	sdelay $0x1  }
0x14c: {  	(erf) = vpow2.f32 v1;
	_ =	sdelay $0x2  }
0x14d: {  	v1 =	vld [tilespmem:$0x7750];
	_ =	sdelay $0x5  }
0x14e: {  	v2 =	vpop (erf)  }
0x14f: {  	[tilespmem:$0x77D0] =	vst v2  }
0x150: {  	[tilespmem:v1+s29+$0x0] =	vst.idx.add.f32.msk $0xffff, v2  }
0x151: {  	_ =	swait.ge [sflag:s23], $0x80  }
0x152: {  	[sflag:s23] =	ssyncset.done $0x0  }
0x153: {  	[sflag:s23] =	ssyncadd.s32 $0xFFFFFF80  }
0x154: {  	_ =	swait.ge [sflag:s23], $0x80  }
0x155: {  	[sflag:s23] =	ssyncset.done $0x0  }
0x156: {  	[sflag:s23] =	ssyncadd.s32 $0xFFFFFF80  }
0x157: {  	v1 =	vmov s12;
	[tilespmem:s25], [sflag:$0x1] =	stream.indirect.gather [hbm4b:s7+s24], $0x40, s21, s24, $0xb8;
	[tilespmem:$0x15460] =	vst v63  }
0x158: {  	_ =	swait.ge [sflag:s6], $0x2000  }
0x159: {  	[sflag:s6] =	ssyncset.done $0x0  }
0x15a: {  	s12 =	simm.s32 $0x9800;
	[sflag:s6] =	ssyncadd.s32 $0xFFFFE000  }
0x15b: {  	v2 =	vld [tilespmem:s12+$0xFFFFFFF0]  }
0x15c: {  	v1 =	vld.idx.msk [tilespmem:v1+s5+$0x0], $0xffff  }
0x15d: {  	v6 =	vld [tilespmem:s12+$0x10]  }
0x15e: {  	v3 =	vld [tilespmem:s12+$0xFFFFFFE0]  }
0x15f: {  	v5 =	vld [tilespmem:s12+$0x0];
	_ =	sdelay $0x2  }
0x160: {  	v7 =	vpack.i.f32.bf16 v1, v1  }
0x161: {  	s16 =	simm.s32 $0x1;
	v4 =	vmul.bf16 v3, v7;
	v3 =	vmul.bf16 v2, v7  }
0x162: {  	s15 =	simm.s32 $0x9800;
	v1 =	vmov s16;
	s16 =	simm.s32 $0x2;
	v5 =	vmul.bf16 v5, v7;
	v2 =	vmul.bf16 v6, v7  }
.LBB2_7:
0x163: {  	p1 =	sne.s32 s16, $0x7F;
	[tilespmem:s12+$0xFFFFFFE0] =	vst v4  }
0x164: {  	[tilespmem:s12+$0xFFFFFFF0] =	vst v3  }
0x165: {  	s12 =	sadd.s32 $0x40, s12;
	[tilespmem:s15+$0x0] =	vst v5  }
0x166: {  	v3 =	vld [tilespmem:s12+$0xFFFFFFF0];
	[tilespmem:s15+$0x10] =	vst v2;
	s15 =	smov.u32 s12  }
0x167: {  	v1 =	vld.idx.msk [tilespmem:v1+s5+$0x0], $0xffff  }
0x168: {  	v2 =	vld [tilespmem:s12+$0x10]  }
0x169: {  	v4 =	vld [tilespmem:s12+$0xFFFFFFE0]  }
0x16a: {  	v5 =	vld [tilespmem:s12+$0x0]  }
.Ltmp2:
0x16b: {  	(pc) =	sbr.rel @p1 .LBB2_7-.Ltmp2, $4  }
0x16c: {  	_ = 	snop  }
0x16d: {  	v6 =	vpack.i.f32.bf16 v1, v1  }
0x16e: {  	v3 =	vmul.bf16 v3, v6;
	v4 =	vmul.bf16 v4, v6  }
0x16f: {  	v1 =	vmov s16;
	s16 =	sadd.s32 $0x1, s16;
	v2 =	vmul.bf16 v2, v6;
	v5 =	vmul.bf16 v5, v6  }
0x170: {  	[tilespmem:s12+$0xFFFFFFE0] =	vst v4  }
0x171: {  	[tilespmem:s12+$0xFFFFFFF0] =	vst v3  }
0x172: {  	s16 =	sadd.s32 $0x40, s12;
	[tilespmem:s15+$0x0] =	vst v5  }
0x173: {  	v3 =	vld [tilespmem:s16+$0xFFFFFFF0];
	[tilespmem:s15+$0x10] =	vst v2  }
0x174: {  	v1 =	vld.idx.msk [tilespmem:v1+s5+$0x0], $0xffff  }
0x175: {  	v2 =	vld [tilespmem:s16+$0xFFFFFFE0];
	_ =	sdelay $0x1  }
0x176: {  	v4 =	vld [tilespmem:s16+$0x0]  }
0x177: {  	v5 =	vld [tilespmem:s16+$0x10]  }
0x178: {  	v1 =	vpack.i.f32.bf16 v1, v1  }
0x179: {  	v2 =	vmul.bf16 v2, v1  }
0x17a: {  	v3 =	vmul.bf16 v3, v1  }
0x17b: {  	v4 =	vmul.bf16 v4, v1;
	[tilespmem:s16+$0xFFFFFFE0] =	vst v2  }
0x17c: {  	v1 =	vmul.bf16 v5, v1;
	[tilespmem:s16+$0xFFFFFFF0] =	vst v3  }
0x17d: {  	[tilespmem:s16+$0x0] =	vst v4  }
0x17e: {  	s11 =	smin.u32 s11, $0x4C;
	s10 =	sadd.s32 $0x1, s10;
	[tilespmem:s16+$0x10] =	vst v1  }
0x17f: {  	[spmem:s1] =	stream.indirect.scatter.add.bf16 [tilespmem:s31], [sflag:$0x5], $0x40, s28, s24, $0xb8;
	[tilespmem:$0x15460] =	vst v63  }
0x180: {  	s11 =	sadd.s32 s11, s14;
	p1 =	sne.s32 s10, $0x28;
	_ =	swait.ge [sflag:s19], $0x2000  }
.Ltmp3:
0x181: {  	s11 =	sshll.u32 s11, $0x4;
	[sflag:s19] =	ssyncset.done $0x0;
	(pc) =	sbr.rel @p1 .LBB2_4-.Ltmp3, $4  }
0x182: {  	s16 =	sadd.s32 s3, s11;
	[sflag:s19] =	ssyncadd.s32 $0xFFFFE000  }
0x183: {  	[tilespmem:s26], [sflag:$0x4] =	stream.linear.gather [hbm4b:s16+s2], $0x80, $0x38;
	[tilespmem:$0x15460] =	vst v63  }
0x184: {  	s11 =	sadd.s32 s4, s11  }
0x185: {  	[tilespmem:s28], [sflag:$0x4] =	stream.linear.gather [hbm4b:s11+s2], $0x80, $0x38;
	[tilespmem:$0x15460] =	vst v63  }
0x186: {  	_ =	swait.ge [sflag:s30], $0x80  }
0x187: {  	[sflag:s30] =	ssyncset.done $0x0  }
0x188: {  	[sflag:s30] =	ssyncadd.s32 $0xFFFFFF80  }
0x189: {  	_ =	swait.ge [sflag:s30], $0x80  }
0x18a: {  	[sflag:s30] =	ssyncset.done $0x0  }
0x18b: {  	[sflag:s30] =	ssyncadd.s32 $0xFFFFFF80  }
0x18c: {  	_ =	swait.ge [sflag:s0], $0x2000  }
0x18d: {  	[sflag:s0] =	ssyncset.done $0x0  }
0x18e: {  	s9 =	rddreg [dreg:$0xa];
	[sflag:s0] =	ssyncadd.s32 $0xFFFFE000  }
0x18f: {  	[hbm4b:s9+s2] =	stream.linear.scatter [tilespmem:s29], [sflag:$0x5], $0x2710, $0x38;
	[tilespmem:$0x15460] =	vst v63  }
0x190: {  	_ =	swait.ge [sflag:s19], $0x2710  }
0x191: {  	[sflag:s19] =	ssyncset.done $0x0  }
0x192: {  	[sflag:s19] =	ssyncadd.s32 $0xFFFFD8F0  }
0x193: {  	s8 =	sadd.s32 $0x1, s8;
	[bflag:$0x0] =	sbarrier.arrive $0xFFFF  }
0x194: {  	p1 =	sne.s32 s8, s17;
	s9 =	simm.s32 @!p0 $0x1C05;
	s10 =	rddreg [dreg:$0xb]  }
0x195: {  	[hbm:s10], [sflag:s9] =	dma.local @!p0 [spmem:s18], $0x13880  }
.Ltmp4:
0x196: {  	_ = 	snop;
	(pc) =	sbr.rel @p1 .LBB2_1-.Ltmp4, $4  }
0x197: {  	s9 =	simm.s32 @!p0 $0x5  }
0x198: {  	_ =	swait.ge @!p0 [sflag:s9], $0x13880  }
0x199: {  	[sflag:s9] =	ssyncset.done @!p0 $0x0  }
0x19a: {  	[sflag:s9] =	ssyncadd.s32 @!p0 $0xFFFEC780  }
0x19b: {  	_ =	sfence.sel $0x180000  }
0x19c: {  	[bflag:$0x0] =	sbarrier.arrive $0xFFFF  }
0x19d: {  	_ =	strace $0x90000050  }
0x19e: {  	[bflag:$0x2] =	sbarrier.arrive $0xFFFF  }
0x19f: {  	s0 =	rddreg [dreg:$0x2]  }
0x1a0: {  	s0 =	sadd.s32 @!p0 $0x100000, s0  }
0x1a1: {  	[sflag:s0] =	ssyncadd.tile.s32 @!p0 $0x1;
	_ =	shalt  }
.Lfunc_end2:
_tile_overlayer_lowered:
.L_overlay_start_2:
0x1a2: {  	(tag) =	ssettag $0x2  }
0x1a3: {  	s0 =	rddreg [dreg:$0x0];
	s2 =	stileid.u32  }
0x1a4: {  	s1 =	rddreg [dreg:$0x1];
	p0 =	sne.s32 s2, $0x0  }
0x1a5: {  	s3 =	rddreg [dreg:$0x2];
	[bflag:$0x3] =	sbarrier.arrive $0xFFFF;
	s2 =	simm.s32 @!p0 $0x1C05  }
0x1a6: {  	[timem:s3], [sflag:s2] =	dma.local @!p0 [hbm:s0], s1  }
0x1a7: {  	s0 =	simm.s32 @!p0 $0x5  }
0x1a8: {  	_ =	swait.ge @!p0 [sflag:s0], s1  }
0x1a9: {  	s1 =	ssub.s32 @!p0 $0x0, s1;
	[sflag:s0] =	ssyncset.done @!p0 $0x0  }
0x1aa: {  	[sflag:s0] =	ssyncadd.s32 @!p0 s1  }
0x1ab: {  	[bflag:$0x3] =	sbarrier.arrive $0xFFFF  }
0x1ac: {  	_ =	shalt  }

// kernel: kernel.16.cloned.1.call-start
scs
__scs_entry_jumppad:
0x0: {  	(pc) =	sbr.rel $0x88, $3  }
0x1: {  	(tag) =	ssettag $0x0;
	lr =	simm.s32 $0x1  }
0x2: {  	[smem:$0x3F8D] =	sst lr;
	_ =	strace $0xD0000000  }
0x3: {  	_ = 	snop  }
0x4: {  	_ = 	snop  }
0x5: {  	_ = 	snop  }
0x6: {  	_ = 	snop  }
0x7: {  	_ = 	snop  }
__scs_overlays_trampoline_lowered:
0x8: {  	[smem:$0x3F9C] =	sst s0  }
0x9: {  	[smem:$0x3F9D] =	sst s1  }
0xa: {  	[smem:$0x3F9E] =	sst s2  }
0xb: {  	[smem:$0x3F9F] =	sst s3  }
0xc: {  	[smem:$0x3FA0] =	sst s4  }
0xd: {  	[smem:$0x3FA1] =	sst s5  }
0xe: {  	[smem:$0x3FA2] =	sst s6  }
0xf: {  	[smem:$0x3FA3] =	sst s7  }
0x10: {  	[smem:$0x3FA4] =	sst s8  }
0x11: {  	[smem:$0x3FA5] =	sst s9;
	s0 =	simm.s32 @!p0 $0x0  }
0x12: {  	s1 =	sld [smem:$0x3F8B];
	s0 =	simm.s32 @p0 $0x1  }
0x13: {  	[smem:$0x3FA6] =	sst s0;
	s0 =	simm.s32 @!p1 $0x0  }
0x14: {  	s2 =	sld [smem:$0x3F8A];
	s0 =	simm.s32 @p1 $0x1  }
0x15: {  	[smem:$0x3FA7] =	sst s0;
	s0 =	simm.s32 @!p2 $0x0  }
0x16: {  	s3 =	sld [smem:$0x3FDB];
	s0 =	simm.s32 @p2 $0x1  }
0x17: {  	s4 =	simm.s32 $0x1BF5;
	[smem:$0x3FA9] =	sst s0  }
0x18: {  	s0 =	sld [smem:$0x3F8C];
	_ =	swait.ge [sflag:s4], $0x0  }
0x19: {  	s7 =	sld [smem:$0x3F8D]  }
0x1a: {  	s8 =	sadd.s32 $0xFFFFE003, lr  }
0x1b: {  	s9 =	sadd.s32 $0xFFFFFEF7, lr;
	s5 =	simm.s32 $0xFFFFFFFF;
	p2 =	slt.u32 s8, $0xFFFFF086  }
0x1c: {  	p1 =	slt.u32 s9, $0xF7A;
	s5 =	simm.s32 @!p2 $0x0  }
0x1d: {  	s5 =	simm.s32 @p1 $0x1;
	p0 =	seq.s32 s7, s2  }
0x1e: {  	s7 =	smul.u32 @!p0 $0xF7A, s2;
	p2 =	seq.s32 @!p0 s5, $0x0  }
0x1f: {  	s9 =	smul.u32 $0xF7A, s1;
	s8 =	simm.s32 @!p0 $0x1BF5;
	p2 =	por !p2, p0  }
0x20: {  	[sflag:s8] =	ssyncset.s32 @!p0 $0xFFFFF086;
	s6 =	sadd.s32 @!p0 s3, s7;
	s7 =	simm.s32 @!p0 $0x108  }
0x21: {  	s3 =	sadd.s32 s3, s9;
	s6 =	sadd.s32 @!p0 $0x88, s6;
	s7 =	simm.s32 @p2 $0x1082  }
0x22: {  	[simem:s7], [sflag:s8] =	dma.local @!p0 [hbm:s6], $0xF7A  }
0x23: {  	s9 =	sor.u32 $0xD0000000, s2;
	s6 =	simm.s32 $0x108;
	_ =	swait.ge @!p0 [sflag:s8], $0x0  }
0x24: {  	s3 =	sadd.s32 $0x88, s3;
	s6 =	simm.s32 @!p1 $0x1082;
	[sflag:s4] =	ssyncset.s32 $0xFFFFF086  }
0x25: {  	[simem:s6], [sflag:s4] =	dma.local [hbm:s3], $0xF7A  }
0x26: {  	[smem:$0x3F8D] =	sst s1;
	(tag) =	ssettag s2;
	_ =	strace s9  }
0x27: {  	s1 =	sld [smem:$0x3F9D]  }
0x28: {  	s2 =	sld [smem:$0x3F9E]  }
0x29: {  	s4 =	sld [smem:$0x3FA0]  }
0x2a: {  	p0 =	seq.s32 s5, $0x0;
	s5 =	sld [smem:$0x3FA1]  }
0x2b: {  	s6 =	sld [smem:$0x3FA2]  }
0x2c: {  	s7 =	sld [smem:$0x3FA3]  }
0x2d: {  	s3 =	simm.s32 $0x108;
	s8 =	sld [smem:$0x3FA4]  }
0x2e: {  	s3 =	simm.s32 @!p0 $0x1082;
	s9 =	sld [smem:$0x3FA5]  }
0x2f: {  	lr =	sadd.s32 s0, s3;
	s0 =	sld [smem:$0x3F9C]  }
0x30: {  	s3 =	sld [smem:$0x3F9F]  }
0x31: {  	[smem:$0x3FA8] =	sst s10  }
0x32: {  	s10 =	sld [smem:$0x3FA6];
	_ =	sdelay $0x3  }
0x33: {  	p0 =	seq.s32 s10, $0x1;
	s10 =	sld [smem:$0x3FA8];
	_ =	sdelay $0x3  }
0x34: {  	[smem:$0x3FA8] =	sst s10  }
0x35: {  	s10 =	sld [smem:$0x3FA7];
	_ =	sdelay $0x3  }
0x36: {  	p1 =	seq.s32 s10, $0x1;
	s10 =	sld [smem:$0x3FA8];
	_ =	sdelay $0x3  }
0x37: {  	[smem:$0x3FA8] =	sst s10  }
0x38: {  	s10 =	sld [smem:$0x3FA9]  }
0x39: {  	_ = 	snop;
	(pc) =	sbr.ind lr, $3  }
0x3a: {  	_ = 	snop  }
0x3b: {  	_ = 	snop  }
0x3c: {  	p2 =	seq.s32 s10, $0x1;
	s10 =	sld [smem:$0x3FA8]  }
0x3d: {  	_ =	shalt  }
0x3e: {  	_ =	shalt  }
0x3f: {  	_ =	shalt  }
0x40: {  	_ =	shalt  }
0x41: {  	_ =	shalt  }
0x42: {  	_ =	shalt  }
0x43: {  	_ =	shalt  }
0x44: {  	_ =	shalt  }
0x45: {  	_ =	shalt  }
0x46: {  	_ =	shalt  }
0x47: {  	_ =	shalt  }
0x48: {  	_ =	shalt  }
0x49: {  	_ =	shalt  }
0x4a: {  	_ =	shalt  }
0x4b: {  	_ =	shalt  }
0x4c: {  	_ =	shalt  }
0x4d: {  	_ =	shalt  }
0x4e: {  	_ =	shalt  }
0x4f: {  	_ =	shalt  }
0x50: {  	_ =	shalt  }
0x51: {  	_ =	shalt  }
0x52: {  	_ =	shalt  }
0x53: {  	_ =	shalt  }
0x54: {  	_ =	shalt  }
0x55: {  	_ =	shalt  }
0x56: {  	_ =	shalt  }
0x57: {  	_ =	shalt  }
0x58: {  	_ =	shalt  }
0x59: {  	_ =	shalt  }
0x5a: {  	_ =	shalt  }
0x5b: {  	_ =	shalt  }
0x5c: {  	_ =	shalt  }
0x5d: {  	_ =	shalt  }
0x5e: {  	_ =	shalt  }
0x5f: {  	_ =	shalt  }
0x60: {  	_ =	shalt  }
0x61: {  	_ =	shalt  }
0x62: {  	_ =	shalt  }
0x63: {  	_ =	shalt  }
0x64: {  	_ =	shalt  }
0x65: {  	_ =	shalt  }
0x66: {  	_ =	shalt  }
0x67: {  	_ =	shalt  }
0x68: {  	_ =	shalt  }
0x69: {  	_ =	shalt  }
0x6a: {  	_ =	shalt  }
0x6b: {  	_ =	shalt  }
0x6c: {  	_ =	shalt  }
0x6d: {  	_ =	shalt  }
0x6e: {  	_ =	shalt  }
0x6f: {  	_ =	shalt  }
0x70: {  	_ =	shalt  }
0x71: {  	_ =	shalt  }
0x72: {  	_ =	shalt  }
0x73: {  	_ =	shalt  }
0x74: {  	_ =	shalt  }
0x75: {  	_ =	shalt  }
0x76: {  	_ =	shalt  }
0x77: {  	_ =	shalt  }
0x78: {  	_ =	shalt  }
0x79: {  	_ =	shalt  }
0x7a: {  	_ =	shalt  }
0x7b: {  	_ =	shalt  }
0x7c: {  	_ =	shalt  }
0x7d: {  	_ =	shalt  }
0x7e: {  	_ =	shalt  }
0x7f: {  	_ =	shalt  }
0x80: {  	_ =	shalt  }
0x81: {  	_ =	shalt  }
0x82: {  	_ =	shalt  }
0x83: {  	_ =	shalt  }
0x84: {  	_ =	shalt  }
0x85: {  	_ =	shalt  }
0x86: {  	_ =	shalt  }
0x87: {  	_ =	shalt  }
.Lfunc_end0:
.L_simem_size_0:
called_computation.2_lowered:
.L_overlay_start_0:
0x88: {  	s2 =	sld [smem:$0x3FD9]  }
0x89: {  	s3 =	sld [smem:$0x3FFE];
	_ =	sdelay $0x1  }
0x8a: {  	s1 =	srdreg.scid  }
0x8b: {  	s0 =	sand.u32 $0x1, s1  }
0x8c: {  	s16 =	sshll.u32 s0, $0xA;
	s2 =	sadd.s32 s3, s2  }
0x8d: {  	s2 =	sadd.s32 s2, s16  }
0x8e: {  	[smem:$0x3FB4] =	sst s2  }
0x8f: {  	_ = 	snop  }
0x90: {  	(tm) =	ssettm $0x1  }
0x91: {  	s17 =	sld [smem:$0x3FFB];
	_ =	sdelay $0x3  }
0x92: {  	_ =	strace s17  }
0x93: {  	s2 =	sld [smem:$0x3FFC];
	_ =	sdelay $0x3  }
0x94: {  	_ =	strace s2  }
0x95: {  	s2 =	sld [smem:$0x3FFD];
	_ =	sdelay $0x3  }
0x96: {  	_ =	strace s2  }
0x97: {  	_ =	strace $0x8FFFFFFF  }
0x98: {  	s18 =	sld [smem:$0x3FDB];
	_ =	sdelay $0x1  }
0x99: {  	s19 =	simm.s32 $_scs_section_size  }
0x9a: {  	s4 =	simm.s32 $_size__tile_overlayer_lowered;
	s5 =	simm.s32 $_tile_overlayer_lowered  }
0x9b: {  	s22 =	simm.s32 $0x1BFF;
	s21 =	sshll.u32 s5, $0x1;
	s2 =	sadd.s32 s19, s18  }
0x9c: {  	s6 =	simm.s32 $0x0;
	s20 =	sshll.u32 s4, $0x1;
	s4 =	sadd.s32 s21, s2  }
0x9d: {  	[timem:s6], [sflag:s22] =	dma.local [hbm:s4], s20  }
0x9e: {  	_ =	swait.ge [sflag:s22], s20  }
0x9f: {  	s3 =	ssub.s32 $0x0, s20;
	[sflag:s22] =	ssyncset.done $0x0  }
0xa0: {  	[sflag:s22] =	ssyncadd.s32 s3;
	_ =	sdelay $0x1  }
0xa1: {  	s23 =	simm.s32 $0x1B8B  }
0xa2: {  	_ =	swait.ge [sflag:s23], $0x1  }
0xa3: {  	[sflag:s23] =	ssyncset.done $0x0  }
0xa4: {  	s25 =	simm.s32 $0x1B8E;
	s24 =	sld [smem:$0x3FFE];
	[sflag:s23] =	ssyncadd.s32 $0xFFFFFFFF  }
0xa5: {  	s26 =	simm.s32 $execute0_lowered;
	[smem:$0x3FD2] =	sst s25  }
0xa6: {  	s4 =	sshll.u32 s26, $0x1;
	_ =	strace $0x80000049;
	[dreg:$0x1] =	wrdreg $0xFFFFFFFF  }
0xa7: {  	s28 =	simm.s32 $_size_execute0_lowered;
	s2 =	sadd.s32 s2, s4;
	[dreg:$0x0] =	wrdreg $0x0  }
0xa8: {  	s4 =	sshll.u32 s28, $0x1;
	[dreg:$0x2] =	wrdreg s2  }
0xa9: {  	[dreg:$0x3] =	wrdreg s4  }
0xaa: {  	[dreg:$0x4] =	wrdreg $0xC0  }
0xab: {  	_ =	task [dreg:s6], $0x5FFFF  }
0xac: {  	[dreg:$0x1] =	wrdreg $0xFFFFFFFF  }
0xad: {  	[dreg:$0x0] =	wrdreg $0x60  }
0xae: {  	[dreg:$0x2] =	wrdreg s24  }
0xaf: {  	[dreg:$0x3] =	wrdreg $0xA9000  }
0xb0: {  	[dreg:$0x4] =	wrdreg $0x9  }
0xb1: {  	_ =	task.clear_ibuf [dreg:s6], $0x5FFFF;
	_ =	strace $0x90000049  }
0xb2: {  	s29 =	simm.s32 $0x9;
	_ =	strace $0x8000004B  }
0xb3: {  	_ =	swait.ge [sflag:s29], $0x1  }
0xb4: {  	[sflag:s29] =	ssyncadd.s32 $0xFFFFFFFF  }
0xb5: {  	_ =	strace $0x9000004B  }
0xb6: {  	_ =	sfence  }
0xb7: {  	s30 =	sld [smem:$0x0];
	_ =	sdelay $0x2  }
0xb8: {  	s31 =	sshll.u32 s1, $0xD;
	s1 =	sshrl.u32 s1, $0x2  }
0xb9: {  	s3 =	sand.u32 $0x4000, s31;
	s1 =	sadd.s32 s1, s30  }
0xba: {  	s0 =	sor.u32 s3, s0;
	s1 =	sshll.u32 s1, $0x11  }
0xbb: {  	s0 =	sor.u32 s1, s0  }
0xbc: {  	s0 =	sadd.s32 $0x8F2B, s0  }
0xbd: {  	[sflag:s0] =	ssyncadd.remote.s32 $0x1  }
0xbe: {  	_ =	sfence.sel $0xFFFF  }
0xbf: {  	[dreg:$0x0] =	wrdreg $0xFFFFFFFF;
	(pc) =	sbr.abs _section_cstart, $3  }
0xc0: {  	[dreg:$0x1] =	wrdreg $0xFFFFFFFF  }
0xc1: {  	_ =	task.clear_ibuf [dreg:s6], $0x2FFFF;
	_ =	strace $0x9FFFFFFF  }
0xc2: {  	(tm) =	ssettm $0x7FFFFFFF  }
0xc3: {  	_ =	shalt  }
tec
execute0_lowered:
.L_overlay_start_1:
0x0: {  	(tag) =	ssettag $0x1  }
0x1: {  	s6 =	rddreg [dreg:$0x0]  }
0x2: {  	s0 =	srdreg.scid;
	s1 =	rddreg [dreg:$0x1]  }
0x3: {  	s10 =	stileid.u32;
	s2 =	simm.s32 $0x0;
	s14 =	simm.s32 $0x1480  }
0x4: {  	s15 =	simm.s32 $0x80;
	s16 =	simm.s32 $0x2900;
	s17 =	simm.s32 $0x6900  }
0x5: {  	s18 =	simm.s32 $0x4900;
	s19 =	simm.s32 $0x8900;
	s20 =	simm.s32 $0x1  }
0x6: {  	s21 =	simm.s32 $0x3;
	s22 =	simm.s32 $0x2;
	s23 =	simm.s32 $0x4  }
0x7: {  	s24 =	simm.s32 $0x0;
	s7 =	sand.u32 $0x1, s0;
	[smem:$0x7FF] =	sst s2  }
0x8: {  	s0 =	rddreg [dreg:$0x2];
	s4 =	sadd.s32 $0x276800, s6;
	s5 =	sadd.s32 $0x157A00, s6  }
0x9: {  	p0 =	sne.s32 s10, $0x0;
	s3 =	sshll.u32 s7, $0x4;
	s11 =	smul.u32 $0x13880, s7  }
0xa: {  	_ =	strace $0x8000004A;
	s7 =	ssub.s32 $0x2, s7;
	s8 =	sor.u32 s10, s3  }
0xb: {  	s31 =	sshrl.u32 s7, $0x1;
	s3 =	smul.u32 $0x280, s8;
	s11 =	sadd.s32 s11, s6  }
0xc: {  	s12 =	smul.u32 $0xA000, s8;
	s13 =	ssub.s32 s7, s31;
	s10 =	sadd.s32 $0x175400, s11  }
0xd: {  	s11 =	smax.u32 s13, $0x1;
	s13 =	simm.s32 $0x5;
	s9 =	sadd.s32 s3, s6  }
0xe: {  	s3 =	sadd.s32 $0x144000, s6;
	s6 =	smul.u32 $0x28, s8;
	s7 =	sadd.s32 $0x170400, s9  }
0xf: {  	v0 =	vimm.s32 $0x0;
	v1 =	vimm.bf16 $0.0e+00;
	s8 =	sadd.s32 $0x16B400, s9;
	s9 =	sadd.s32 s4, s12;
	s12 =	sshrl.u32 @!p0 s1, $0x3  }
.LBB2_1:
0x10: {  	s25 =	simm.s32 @!p0 $0x1C05  }
0x11: {  	[spmem:s12], [sflag:s25] =	dma.local @!p0 [hbm:s5], $0x13880  }
0x12: {  	s25 =	simm.s32 @!p0 $0x5  }
0x13: {  	_ =	swait.ge @!p0 [sflag:s25], $0x13880  }
0x14: {  	[sflag:s25] =	ssyncset.done @!p0 $0x0  }
0x15: {  	[sflag:s25] =	ssyncadd.s32 @!p0 $0xFFFEC780  }
0x16: {  	[tilespmem:s2], [sflag:$0x5] =	stream.linear.gather [hbm4b:s7+s2], $0x1400, $0x38;
	[tilespmem:$0x14580] =	vst v63  }
0x17: {  	_ =	swait.ge [sflag:s13], $0x1400  }
0x18: {  	[sflag:s13] =	ssyncset.done $0x0  }
0x19: {  	[sflag:s13] =	ssyncadd.s32 $0xFFFFEC00  }
0x1a: {  	[tilespmem:s14], [sflag:$0x5] =	stream.linear.gather [hbm4b:s8+s2], $0x1400, $0x38;
	[tilespmem:$0x14580] =	vst v63  }
0x1b: {  	_ =	swait.ge [sflag:s13], $0x1400  }
0x1c: {  	[sflag:s13] =	ssyncset.done $0x0  }
0x1d: {  	[sflag:s13] =	ssyncadd.s32 $0xFFFFEC00  }
0x1e: {  	[tilespmem:$0x1400] =	vst v0  }
0x1f: {  	[tilespmem:$0x1410] =	vst v0  }
0x20: {  	[tilespmem:$0x1420] =	vst v0  }
0x21: {  	[tilespmem:$0x1430] =	vst v0  }
0x22: {  	[tilespmem:$0x1440] =	vst v0  }
0x23: {  	[tilespmem:$0x1450] =	vst v0  }
0x24: {  	[tilespmem:$0x1460] =	vst v0  }
0x25: {  	[tilespmem:$0x1470] =	vst v0  }
0x26: {  	[bflag:$0x0] =	sbarrier.arrive $0xFFFF  }
0x27: {  	[tilespmem:s16], [sflag:$0x1] =	stream.indirect.gather [hbm4b:s3+s15], $0x40, s2, s15, $0xb8;
	[tilespmem:$0x14580] =	vst v63  }
0x28: {  	s25 =	simm.s32 $0x0  }
0x29: {  	[tilespmem:s17], [sflag:$0x3] =	stream.linear.gather [hbm4b:s9+s2], $0x2000, $0x38;
	[tilespmem:$0x14580] =	vst v63  }
.LBB2_2:
0x2a: {  	s28 =	sshllo.u32 s25, $0x1  }
0x2b: {  	s26 =	sshll.u32 s28, $0x7;
	s28 =	sadd.s32 s6, s28  }
0x2c: {  	[tilespmem:s18], [sflag:$0x2] =	stream.indirect.gather [hbm4b:s3+s15], $0x40, s26, s15, $0xb8;
	[tilespmem:$0x14580] =	vst v63  }
0x2d: {  	s28 =	sshll.u32 s28, $0xA  }
0x2e: {  	s29 =	simm.s32 $0x0;
	s28 =	sadd.s32 s4, s28  }
0x2f: {  	[tilespmem:s19], [sflag:$0x4] =	stream.linear.gather [hbm4b:s28+s29], $0x2000, $0x38;
	[tilespmem:$0x14580] =	vst v63  }
0x30: {  	_ =	swait.ge [sflag:s20], $0x2000  }
0x31: {  	[sflag:s20] =	ssyncset.done $0x0  }
0x32: {  	[sflag:s20] =	ssyncadd.s32 $0xFFFFE000  }
0x33: {  	_ =	swait.ge [sflag:s21], $0x2000  }
0x34: {  	[sflag:s21] =	ssyncset.done $0x0  }
0x35: {  	s28 =	simm.s32 $0x0;
	[sflag:s21] =	ssyncadd.s32 $0xFFFFE000  }
0x36: {  	v4 =	vld [tilespmem:s28+$0x6900]  }
0x37: {  	v5 =	vld [tilespmem:s28+$0x6910]  }
0x38: {  	v3 =	vld [tilespmem:s28+$0x6920]  }
0x39: {  	v2 =	vld [tilespmem:s28+$0x6930]  }
0x3a: {  	v6 =	vld [tilespmem:s28+$0x2900]  }
0x3b: {  	v7 =	vld [tilespmem:s28+$0x2910]  }
0x3c: {  	s30 =	simm.s32 $0x100;
	s29 =	sshll.u32 s25, $0x1;
	v8 =	vld [tilespmem:s28+$0x2920]  }
.LBB2_3:
0x3d: {  	p1 =	sne.s32 s30, $0x7F00;
	v9 =	vld [tilespmem:s28+$0x2930]  }
0x3e: {  	s31 =	sshra.s32 s30, $0x2  }
0x3f: {  	v6 =	vadd.bf16 v4, v6;
	v4 =	vld [tilespmem:s31+$0x6900]  }
0x40: {  	v7 =	vadd.bf16 v5, v7;
	v5 =	vld [tilespmem:s31+$0x6910]  }
.Ltmp0:
0x41: {  	v6 =	vmax.bf16 v6, v1;
	v8 =	vadd.bf16 v3, v8;
	v3 =	vld [tilespmem:s31+$0x6920];
	(pc) =	sbr.rel @p1 .LBB2_3-.Ltmp0, $4  }
0x42: {  	[tilespmem:s28+$0x2900] =	vst v6;
	v7 =	vmax.bf16 v7, v1;
	v9 =	vadd.bf16 v2, v9;
	v2 =	vld [tilespmem:s31+$0x6930]  }
0x43: {  	v6 =	vld [tilespmem:s31+$0x2900];
	[tilespmem:s28+$0x2910] =	vst v7;
	v8 =	vmax.bf16 v8, v1  }
0x44: {  	v7 =	vld [tilespmem:s31+$0x2910];
	[tilespmem:s28+$0x2920] =	vst v8;
	v9 =	vmax.bf16 v9, v1  }
0x45: {  	s30 =	sadd.s32 $0x100, s30;
	v8 =	vld [tilespmem:s31+$0x2920];
	[tilespmem:s28+$0x2930] =	vst v9;
	s28 =	smov.u32 s31  }
0x46: {  	v9 =	vld [tilespmem:s28+$0x2930];
	_ =	sdelay $0x1  }
0x47: {  	v4 =	vadd.bf16 v4, v6  }
0x48: {  	v5 =	vadd.bf16 v5, v7  }
0x49: {  	v4 =	vmax.bf16 v4, v1;
	v3 =	vadd.bf16 v3, v8  }
0x4a: {  	[tilespmem:s28+$0x2900] =	vst v4;
	v4 =	vmax.bf16 v5, v1;
	v2 =	vadd.bf16 v2, v9  }
0x4b: {  	s30 =	sshll.u32 s25, $0x8;
	[tilespmem:s28+$0x2910] =	vst v4;
	v3 =	vmax.bf16 v3, v1  }
0x4c: {  	s30 =	sand.u32 $0x3FFFFF00, s30;
	[tilespmem:s28+$0x2920] =	vst v3;
	v2 =	vmax.bf16 v2, v1  }
0x4d: {  	[tilespmem:s28+$0x2930] =	vst v2;
	s28 =	sadd.s32 $0x1480, s30  }
0x4e: {  	[spmem:s1] =	stream.indirect.scatter.add.bf16 [tilespmem:s16], [sflag:$0x5], $0x40, s28, s15, $0xb8;
	[tilespmem:$0x14580] =	vst v63  }
0x4f: {  	s28 =	sadd.s32 $0x2, s29  }
0x50: {  	_ =	swait.ge [sflag:s13], $0x2000;
	s29 =	sshll.u32 s28, $0x7;
	s28 =	sadd.s32 s6, s28  }
0x51: {  	[sflag:s13] =	ssyncset.done $0x0;
	s28 =	smin.u32 s28, $0x4FF  }
0x52: {  	s29 =	sand.u32 $0x3FFFFF80, s29;
	[sflag:s13] =	ssyncadd.s32 $0xFFFFE000;
	s28 =	sshll.u32 s28, $0xA  }
0x53: {  	[tilespmem:s16], [sflag:$0x1] =	stream.indirect.gather [hbm4b:s3+s15], $0x40, s29, s15, $0xb8;
	[tilespmem:$0x14580] =	vst v63  }
0x54: {  	s28 =	sadd.s32 s4, s28;
	s29 =	simm.s32 $0x0  }
0x55: {  	[tilespmem:s17], [sflag:$0x3] =	stream.linear.gather [hbm4b:s28+s29], $0x2000, $0x38;
	[tilespmem:$0x14580] =	vst v63  }
0x56: {  	_ =	swait.ge [sflag:s22], $0x2000  }
0x57: {  	[sflag:s22] =	ssyncset.done $0x0  }
0x58: {  	[sflag:s22] =	ssyncadd.s32 $0xFFFFE000  }
0x59: {  	_ =	swait.ge [sflag:s23], $0x2000  }
0x5a: {  	[sflag:s23] =	ssyncset.done $0x0  }
0x5b: {  	s28 =	simm.s32 $0x0;
	[sflag:s23] =	ssyncadd.s32 $0xFFFFE000  }
0x5c: {  	v4 =	vld [tilespmem:s28+$0x8900]  }
0x5d: {  	v5 =	vld [tilespmem:s28+$0x8910]  }
0x5e: {  	v3 =	vld [tilespmem:s28+$0x8920]  }
0x5f: {  	v2 =	vld [tilespmem:s28+$0x8930]  }
0x60: {  	v6 =	vld [tilespmem:s28+$0x4900]  }
0x61: {  	v8 =	vld [tilespmem:s28+$0x4910]  }
0x62: {  	s29 =	simm.s32 $0x100;
	v7 =	vld [tilespmem:s28+$0x4920]  }
.LBB2_5:
0x63: {  	p1 =	sne.s32 s29, $0x7F00;
	v9 =	vld [tilespmem:s28+$0x4930]  }
0x64: {  	s30 =	sshra.s32 s29, $0x2  }
0x65: {  	v6 =	vadd.bf16 v4, v6;
	v4 =	vld [tilespmem:s30+$0x8900]  }
0x66: {  	v8 =	vadd.bf16 v5, v8;
	v5 =	vld [tilespmem:s30+$0x8910]  }
.Ltmp1:
0x67: {  	v6 =	vmax.bf16 v6, v1;
	v7 =	vadd.bf16 v3, v7;
	v3 =	vld [tilespmem:s30+$0x8920];
	(pc) =	sbr.rel @p1 .LBB2_5-.Ltmp1, $4  }
0x68: {  	[tilespmem:s28+$0x4900] =	vst v6;
	v8 =	vmax.bf16 v8, v1;
	v9 =	vadd.bf16 v2, v9;
	v2 =	vld [tilespmem:s30+$0x8930]  }
0x69: {  	v6 =	vld [tilespmem:s30+$0x4900];
	[tilespmem:s28+$0x4910] =	vst v8;
	v7 =	vmax.bf16 v7, v1  }
0x6a: {  	v8 =	vld [tilespmem:s30+$0x4910];
	[tilespmem:s28+$0x4920] =	vst v7;
	v9 =	vmax.bf16 v9, v1  }
0x6b: {  	s29 =	sadd.s32 $0x100, s29;
	v7 =	vld [tilespmem:s30+$0x4920];
	[tilespmem:s28+$0x4930] =	vst v9;
	s28 =	smov.u32 s30  }
0x6c: {  	v9 =	vld [tilespmem:s28+$0x4930];
	_ =	sdelay $0x1  }
0x6d: {  	v4 =	vadd.bf16 v4, v6  }
0x6e: {  	v5 =	vadd.bf16 v5, v8  }
0x6f: {  	v4 =	vmax.bf16 v4, v1;
	v3 =	vadd.bf16 v3, v7  }
0x70: {  	[tilespmem:s28+$0x4900] =	vst v4;
	v63 =	vmax.bf16 v5, v1;
	v2 =	vadd.bf16 v2, v9  }
0x71: {  	s25 =	sadd.s32 $0x1, s25;
	[tilespmem:s28+$0x4910] =	vst v63;
	v3 =	vmax.bf16 v3, v1  }
0x72: {  	p1 =	sne.s32 s25, $0x14;
	[tilespmem:s28+$0x4920] =	vst v3;
	v2 =	vmax.bf16 v2, v1  }
.Ltmp2:
0x73: {  	s26 =	sadd.s32 $0x1480, s26;
	[tilespmem:s28+$0x4930] =	vst v2;
	(pc) =	sbr.rel @p1 .LBB2_2-.Ltmp2, $4  }
0x74: {  	[spmem:s1] =	stream.indirect.scatter.add.bf16 [tilespmem:s18], [sflag:$0x5], $0x40, s26, s15, $0xb8;
	[tilespmem:$0x14580] =	vst v63  }
0x75: {  	_ =	swait.ge [sflag:s13], $0x2000  }
0x76: {  	[sflag:s13] =	ssyncset.done $0x0  }
0x77: {  	[sflag:s13] =	ssyncadd.s32 $0xFFFFE000  }
0x78: {  	_ =	swait.ge [sflag:s20], $0x2000  }
0x79: {  	[sflag:s20] =	ssyncset.done $0x0  }
0x7a: {  	[sflag:s20] =	ssyncadd.s32 $0xFFFFE000  }
0x7b: {  	_ =	swait.ge [sflag:s21], $0x2000  }
0x7c: {  	[sflag:s21] =	ssyncset.done $0x0  }
0x7d: {  	s24 =	sadd.s32 $0x1, s24;
	[sflag:s21] =	ssyncadd.s32 $0xFFFFE000  }
0x7e: {  	s25 =	simm.s32 @!p0 $0x1C05;
	p1 =	sne.s32 s24, s11;
	[bflag:$0x0] =	sbarrier.arrive $0xFFFF  }
0x7f: {  	[hbm:s10], [sflag:s25] =	dma.local @!p0 [spmem:s12], $0x13880  }
.Ltmp3:
0x80: {  	_ = 	snop;
	(pc) =	sbr.rel @p1 .LBB2_1-.Ltmp3, $4  }
0x81: {  	s25 =	simm.s32 @!p0 $0x5  }
0x82: {  	_ =	swait.ge @!p0 [sflag:s25], $0x13880  }
0x83: {  	[sflag:s25] =	ssyncset.done @!p0 $0x0  }
0x84: {  	[sflag:s25] =	ssyncadd.s32 @!p0 $0xFFFEC780  }
0x85: {  	_ =	sfence.sel $0x180000  }
0x86: {  	[bflag:$0x0] =	sbarrier.arrive $0xFFFF  }
0x87: {  	_ =	strace $0x9000004A  }
0x88: {  	s0 =	sadd.s32 @!p0 $0x100000, s0;
	[bflag:$0x2] =	sbarrier.arrive $0xFFFF  }
0x89: {  	[sflag:s0] =	ssyncadd.tile.s32 @!p0 $0x1;
	_ =	shalt  }
.Lfunc_end2:
_tile_overlayer_lowered:
.L_overlay_start_2:
0x8a: {  	(tag) =	ssettag $0x2  }
0x8b: {  	s0 =	rddreg [dreg:$0x0];
	s2 =	stileid.u32  }
0x8c: {  	s1 =	rddreg [dreg:$0x1];
	p0 =	sne.s32 s2, $0x0  }
0x8d: {  	s3 =	rddreg [dreg:$0x2];
	[bflag:$0x3] =	sbarrier.arrive $0xFFFF;
	s2 =	simm.s32 @!p0 $0x1C05  }
0x8e: {  	[timem:s3], [sflag:s2] =	dma.local @!p0 [hbm:s0], s1  }
0x8f: {  	s0 =	simm.s32 @!p0 $0x5  }
0x90: {  	_ =	swait.ge @!p0 [sflag:s0], s1  }
0x91: {  	s1 =	ssub.s32 @!p0 $0x0, s1;
	[sflag:s0] =	ssyncset.done @!p0 $0x0  }
0x92: {  	[sflag:s0] =	ssyncadd.s32 @!p0 s1  }
0x93: {  	[bflag:$0x3] =	sbarrier.arrive $0xFFFF  }
0x94: {  	_ =	shalt  }

// kernel: kernel.19.cloned.1.call-start
scs
__scs_entry_jumppad:
0x0: {  	(pc) =	sbr.rel $0x88, $3  }
0x1: {  	(tag) =	ssettag $0x0;
	lr =	simm.s32 $0x1  }
0x2: {  	[smem:$0x3F8D] =	sst lr;
	_ =	strace $0xD0000000  }
0x3: {  	_ = 	snop  }
0x4: {  	_ = 	snop  }
0x5: {  	_ = 	snop  }
0x6: {  	_ = 	snop  }
0x7: {  	_ = 	snop  }
__scs_overlays_trampoline_lowered:
0x8: {  	[smem:$0x3F9C] =	sst s0  }
0x9: {  	[smem:$0x3F9D] =	sst s1  }
0xa: {  	[smem:$0x3F9E] =	sst s2  }
0xb: {  	[smem:$0x3F9F] =	sst s3  }
0xc: {  	[smem:$0x3FA0] =	sst s4  }
0xd: {  	[smem:$0x3FA1] =	sst s5  }
0xe: {  	[smem:$0x3FA2] =	sst s6  }
0xf: {  	[smem:$0x3FA3] =	sst s7  }
0x10: {  	[smem:$0x3FA4] =	sst s8  }
0x11: {  	[smem:$0x3FA5] =	sst s9;
	s0 =	simm.s32 @!p0 $0x0  }
0x12: {  	s1 =	sld [smem:$0x3F8B];
	s0 =	simm.s32 @p0 $0x1  }
0x13: {  	[smem:$0x3FA6] =	sst s0;
	s0 =	simm.s32 @!p1 $0x0  }
0x14: {  	s2 =	sld [smem:$0x3F8A];
	s0 =	simm.s32 @p1 $0x1  }
0x15: {  	[smem:$0x3FA7] =	sst s0;
	s0 =	simm.s32 @!p2 $0x0  }
0x16: {  	s3 =	sld [smem:$0x3FDB];
	s0 =	simm.s32 @p2 $0x1  }
0x17: {  	s4 =	simm.s32 $0x1BF5;
	[smem:$0x3FA9] =	sst s0  }
0x18: {  	s0 =	sld [smem:$0x3F8C];
	_ =	swait.ge [sflag:s4], $0x0  }
0x19: {  	s7 =	sld [smem:$0x3F8D]  }
0x1a: {  	s8 =	sadd.s32 $0xFFFFE003, lr  }
0x1b: {  	s9 =	sadd.s32 $0xFFFFFEF7, lr;
	s5 =	simm.s32 $0xFFFFFFFF;
	p2 =	slt.u32 s8, $0xFFFFF086  }
0x1c: {  	p1 =	slt.u32 s9, $0xF7A;
	s5 =	simm.s32 @!p2 $0x0  }
0x1d: {  	s5 =	simm.s32 @p1 $0x1;
	p0 =	seq.s32 s7, s2  }
0x1e: {  	s7 =	smul.u32 @!p0 $0xF7A, s2;
	p2 =	seq.s32 @!p0 s5, $0x0  }
0x1f: {  	s9 =	smul.u32 $0xF7A, s1;
	s8 =	simm.s32 @!p0 $0x1BF5;
	p2 =	por !p2, p0  }
0x20: {  	[sflag:s8] =	ssyncset.s32 @!p0 $0xFFFFF086;
	s6 =	sadd.s32 @!p0 s3, s7;
	s7 =	simm.s32 @!p0 $0x108  }
0x21: {  	s3 =	sadd.s32 s3, s9;
	s6 =	sadd.s32 @!p0 $0x88, s6;
	s7 =	simm.s32 @p2 $0x1082  }
0x22: {  	[simem:s7], [sflag:s8] =	dma.local @!p0 [hbm:s6], $0xF7A  }
0x23: {  	s9 =	sor.u32 $0xD0000000, s2;
	s6 =	simm.s32 $0x108;
	_ =	swait.ge @!p0 [sflag:s8], $0x0  }
0x24: {  	s3 =	sadd.s32 $0x88, s3;
	s6 =	simm.s32 @!p1 $0x1082;
	[sflag:s4] =	ssyncset.s32 $0xFFFFF086  }
0x25: {  	[simem:s6], [sflag:s4] =	dma.local [hbm:s3], $0xF7A  }
0x26: {  	[smem:$0x3F8D] =	sst s1;
	(tag) =	ssettag s2;
	_ =	strace s9  }
0x27: {  	s1 =	sld [smem:$0x3F9D]  }
0x28: {  	s2 =	sld [smem:$0x3F9E]  }
0x29: {  	s4 =	sld [smem:$0x3FA0]  }
0x2a: {  	p0 =	seq.s32 s5, $0x0;
	s5 =	sld [smem:$0x3FA1]  }
0x2b: {  	s6 =	sld [smem:$0x3FA2]  }
0x2c: {  	s7 =	sld [smem:$0x3FA3]  }
0x2d: {  	s3 =	simm.s32 $0x108;
	s8 =	sld [smem:$0x3FA4]  }
0x2e: {  	s3 =	simm.s32 @!p0 $0x1082;
	s9 =	sld [smem:$0x3FA5]  }
0x2f: {  	lr =	sadd.s32 s0, s3;
	s0 =	sld [smem:$0x3F9C]  }
0x30: {  	s3 =	sld [smem:$0x3F9F]  }
0x31: {  	[smem:$0x3FA8] =	sst s10  }
0x32: {  	s10 =	sld [smem:$0x3FA6];
	_ =	sdelay $0x3  }
0x33: {  	p0 =	seq.s32 s10, $0x1;
	s10 =	sld [smem:$0x3FA8];
	_ =	sdelay $0x3  }
0x34: {  	[smem:$0x3FA8] =	sst s10  }
0x35: {  	s10 =	sld [smem:$0x3FA7];
	_ =	sdelay $0x3  }
0x36: {  	p1 =	seq.s32 s10, $0x1;
	s10 =	sld [smem:$0x3FA8];
	_ =	sdelay $0x3  }
0x37: {  	[smem:$0x3FA8] =	sst s10  }
0x38: {  	s10 =	sld [smem:$0x3FA9]  }
0x39: {  	_ = 	snop;
	(pc) =	sbr.ind lr, $3  }
0x3a: {  	_ = 	snop  }
0x3b: {  	_ = 	snop  }
0x3c: {  	p2 =	seq.s32 s10, $0x1;
	s10 =	sld [smem:$0x3FA8]  }
0x3d: {  	_ =	shalt  }
0x3e: {  	_ =	shalt  }
0x3f: {  	_ =	shalt  }
0x40: {  	_ =	shalt  }
0x41: {  	_ =	shalt  }
0x42: {  	_ =	shalt  }
0x43: {  	_ =	shalt  }
0x44: {  	_ =	shalt  }
0x45: {  	_ =	shalt  }
0x46: {  	_ =	shalt  }
0x47: {  	_ =	shalt  }
0x48: {  	_ =	shalt  }
0x49: {  	_ =	shalt  }
0x4a: {  	_ =	shalt  }
0x4b: {  	_ =	shalt  }
0x4c: {  	_ =	shalt  }
0x4d: {  	_ =	shalt  }
0x4e: {  	_ =	shalt  }
0x4f: {  	_ =	shalt  }
0x50: {  	_ =	shalt  }
0x51: {  	_ =	shalt  }
0x52: {  	_ =	shalt  }
0x53: {  	_ =	shalt  }
0x54: {  	_ =	shalt  }
0x55: {  	_ =	shalt  }
0x56: {  	_ =	shalt  }
0x57: {  	_ =	shalt  }
0x58: {  	_ =	shalt  }
0x59: {  	_ =	shalt  }
0x5a: {  	_ =	shalt  }
0x5b: {  	_ =	shalt  }
0x5c: {  	_ =	shalt  }
0x5d: {  	_ =	shalt  }
0x5e: {  	_ =	shalt  }
0x5f: {  	_ =	shalt  }
0x60: {  	_ =	shalt  }
0x61: {  	_ =	shalt  }
0x62: {  	_ =	shalt  }
0x63: {  	_ =	shalt  }
0x64: {  	_ =	shalt  }
0x65: {  	_ =	shalt  }
0x66: {  	_ =	shalt  }
0x67: {  	_ =	shalt  }
0x68: {  	_ =	shalt  }
0x69: {  	_ =	shalt  }
0x6a: {  	_ =	shalt  }
0x6b: {  	_ =	shalt  }
0x6c: {  	_ =	shalt  }
0x6d: {  	_ =	shalt  }
0x6e: {  	_ =	shalt  }
0x6f: {  	_ =	shalt  }
0x70: {  	_ =	shalt  }
0x71: {  	_ =	shalt  }
0x72: {  	_ =	shalt  }
0x73: {  	_ =	shalt  }
0x74: {  	_ =	shalt  }
0x75: {  	_ =	shalt  }
0x76: {  	_ =	shalt  }
0x77: {  	_ =	shalt  }
0x78: {  	_ =	shalt  }
0x79: {  	_ =	shalt  }
0x7a: {  	_ =	shalt  }
0x7b: {  	_ =	shalt  }
0x7c: {  	_ =	shalt  }
0x7d: {  	_ =	shalt  }
0x7e: {  	_ =	shalt  }
0x7f: {  	_ =	shalt  }
0x80: {  	_ =	shalt  }
0x81: {  	_ =	shalt  }
0x82: {  	_ =	shalt  }
0x83: {  	_ =	shalt  }
0x84: {  	_ =	shalt  }
0x85: {  	_ =	shalt  }
0x86: {  	_ =	shalt  }
0x87: {  	_ =	shalt  }
.Lfunc_end0:
.L_simem_size_0:
called_computation.3_lowered:
.L_overlay_start_0:
0x88: {  	s2 =	sld [smem:$0x3FD9]  }
0x89: {  	s3 =	sld [smem:$0x3FFE];
	_ =	sdelay $0x1  }
0x8a: {  	s1 =	srdreg.scid  }
0x8b: {  	s0 =	sand.u32 $0x1, s1  }
0x8c: {  	s16 =	sshll.u32 s0, $0xA;
	s2 =	sadd.s32 s3, s2  }
0x8d: {  	s2 =	sadd.s32 s2, s16  }
0x8e: {  	[smem:$0x3FB4] =	sst s2  }
0x8f: {  	_ = 	snop  }
0x90: {  	(tm) =	ssettm $0x1  }
0x91: {  	s17 =	sld [smem:$0x3FFB];
	_ =	sdelay $0x3  }
0x92: {  	_ =	strace s17  }
0x93: {  	s2 =	sld [smem:$0x3FFC];
	_ =	sdelay $0x3  }
0x94: {  	_ =	strace s2  }
0x95: {  	s2 =	sld [smem:$0x3FFD];
	_ =	sdelay $0x3  }
0x96: {  	_ =	strace s2  }
0x97: {  	_ =	strace $0x8FFFFFFF  }
0x98: {  	s18 =	sld [smem:$0x3FDB];
	_ =	sdelay $0x1  }
0x99: {  	s19 =	simm.s32 $_scs_section_size  }
0x9a: {  	s4 =	simm.s32 $_size__tile_overlayer_lowered;
	s5 =	simm.s32 $_tile_overlayer_lowered  }
0x9b: {  	s22 =	simm.s32 $0x1BFF;
	s21 =	sshll.u32 s5, $0x1;
	s2 =	sadd.s32 s19, s18  }
0x9c: {  	s6 =	simm.s32 $0x0;
	s20 =	sshll.u32 s4, $0x1;
	s4 =	sadd.s32 s21, s2  }
0x9d: {  	[timem:s6], [sflag:s22] =	dma.local [hbm:s4], s20  }
0x9e: {  	_ =	swait.ge [sflag:s22], s20  }
0x9f: {  	s3 =	ssub.s32 $0x0, s20;
	[sflag:s22] =	ssyncset.done $0x0  }
0xa0: {  	[sflag:s22] =	ssyncadd.s32 s3;
	_ =	sdelay $0x1  }
0xa1: {  	s23 =	simm.s32 $0x1B8B  }
0xa2: {  	_ =	swait.ge [sflag:s23], $0x1  }
0xa3: {  	[sflag:s23] =	ssyncset.done $0x0  }
0xa4: {  	s25 =	simm.s32 $0x1B8E;
	s24 =	sld [smem:$0x3FFE];
	[sflag:s23] =	ssyncadd.s32 $0xFFFFFFFF  }
0xa5: {  	s26 =	simm.s32 $execute0_lowered;
	[smem:$0x3FD2] =	sst s25  }
0xa6: {  	s4 =	sshll.u32 s26, $0x1;
	_ =	strace $0x8000004C;
	[dreg:$0x1] =	wrdreg $0xFFFFFFFF  }
0xa7: {  	s28 =	simm.s32 $_size_execute0_lowered;
	s2 =	sadd.s32 s2, s4;
	[dreg:$0x0] =	wrdreg $0x0  }
0xa8: {  	s4 =	sshll.u32 s28, $0x1;
	[dreg:$0x2] =	wrdreg s2  }
0xa9: {  	[dreg:$0x3] =	wrdreg s4  }
0xaa: {  	[dreg:$0x4] =	wrdreg $0xC0  }
0xab: {  	_ =	task [dreg:s6], $0x5FFFF  }
0xac: {  	[dreg:$0x1] =	wrdreg $0xFFFFFFFF  }
0xad: {  	[dreg:$0x0] =	wrdreg $0x60  }
0xae: {  	[dreg:$0x2] =	wrdreg s24  }
0xaf: {  	[dreg:$0x3] =	wrdreg $0xA9000  }
0xb0: {  	[dreg:$0x4] =	wrdreg $0xA  }
0xb1: {  	_ =	task.clear_ibuf [dreg:s6], $0x5FFFF;
	_ =	strace $0x9000004C  }
0xb2: {  	s29 =	simm.s32 $0xA;
	_ =	strace $0x8000004E  }
0xb3: {  	_ =	swait.ge [sflag:s29], $0x1  }
0xb4: {  	[sflag:s29] =	ssyncadd.s32 $0xFFFFFFFF  }
0xb5: {  	_ =	strace $0x9000004E  }
0xb6: {  	_ =	sfence  }
0xb7: {  	s30 =	sld [smem:$0x0];
	_ =	sdelay $0x2  }
0xb8: {  	s31 =	sshll.u32 s1, $0xD;
	s1 =	sshrl.u32 s1, $0x2  }
0xb9: {  	s3 =	sand.u32 $0x4000, s31;
	s1 =	sadd.s32 s1, s30  }
0xba: {  	s0 =	sor.u32 s3, s0;
	s1 =	sshll.u32 s1, $0x11  }
0xbb: {  	s0 =	sor.u32 s1, s0  }
0xbc: {  	s0 =	sadd.s32 $0x8F2B, s0  }
0xbd: {  	[sflag:s0] =	ssyncadd.remote.s32 $0x1  }
0xbe: {  	_ =	sfence.sel $0xFFFF  }
0xbf: {  	[dreg:$0x0] =	wrdreg $0xFFFFFFFF;
	(pc) =	sbr.abs _section_cstart, $3  }
0xc0: {  	[dreg:$0x1] =	wrdreg $0xFFFFFFFF  }
0xc1: {  	_ =	task.clear_ibuf [dreg:s6], $0x2FFFF;
	_ =	strace $0x9FFFFFFF  }
0xc2: {  	(tm) =	ssettm $0x7FFFFFFF  }
0xc3: {  	_ =	shalt  }
tec
execute0_lowered:
.L_overlay_start_1:
0x0: {  	(tag) =	ssettag $0x1  }
0x1: {  	s6 =	rddreg [dreg:$0x0]  }
0x2: {  	s0 =	srdreg.scid;
	s1 =	rddreg [dreg:$0x1]  }
0x3: {  	s10 =	stileid.u32;
	s2 =	simm.s32 $0x0;
	s14 =	simm.s32 $0x1480  }
0x4: {  	s15 =	simm.s32 $0x80;
	s16 =	simm.s32 $0x2900;
	s17 =	simm.s32 $0x6900  }
0x5: {  	s18 =	simm.s32 $0x4900;
	s19 =	simm.s32 $0x8900;
	s20 =	simm.s32 $0x1  }
0x6: {  	s21 =	simm.s32 $0x3;
	s22 =	simm.s32 $0x2;
	s23 =	simm.s32 $0x4  }
0x7: {  	s24 =	simm.s32 $0x0;
	s7 =	sand.u32 $0x1, s0;
	[smem:$0x7FF] =	sst s2  }
0x8: {  	s0 =	rddreg [dreg:$0x2];
	s4 =	sadd.s32 $0x276800, s6;
	s5 =	sadd.s32 $0x157A00, s6  }
0x9: {  	p0 =	sne.s32 s10, $0x0;
	s3 =	sshll.u32 s7, $0x4;
	s11 =	smul.u32 $0x13880, s7  }
0xa: {  	_ =	strace $0x8000004D;
	s7 =	ssub.s32 $0x2, s7;
	s8 =	sor.u32 s10, s3  }
0xb: {  	s31 =	sshrl.u32 s7, $0x1;
	s3 =	smul.u32 $0x280, s8;
	s11 =	sadd.s32 s11, s6  }
0xc: {  	s12 =	smul.u32 $0xA000, s8;
	s13 =	ssub.s32 s7, s31;
	s10 =	sadd.s32 $0x188E00, s11  }
0xd: {  	s11 =	smax.u32 s13, $0x1;
	s9 =	sadd.s32 s3, s6;
	s3 =	sadd.s32 $0x175400, s6  }
0xe: {  	s13 =	simm.s32 $0x5;
	s6 =	smul.u32 $0x28, s8;
	s7 =	sadd.s32 $0x170400, s9  }
0xf: {  	v0 =	vimm.s32 $0x0;
	v1 =	vimm.bf16 $0.0e+00;
	s8 =	sadd.s32 $0x16B400, s9;
	s9 =	sadd.s32 s4, s12;
	s12 =	sshrl.u32 @!p0 s1, $0x3  }
.LBB2_1:
0x10: {  	s25 =	simm.s32 @!p0 $0x1C05  }
0x11: {  	[spmem:s12], [sflag:s25] =	dma.local @!p0 [hbm:s5], $0x13880  }
0x12: {  	s25 =	simm.s32 @!p0 $0x5  }
0x13: {  	_ =	swait.ge @!p0 [sflag:s25], $0x13880  }
0x14: {  	[sflag:s25] =	ssyncset.done @!p0 $0x0  }
0x15: {  	[sflag:s25] =	ssyncadd.s32 @!p0 $0xFFFEC780  }
0x16: {  	[tilespmem:s2], [sflag:$0x5] =	stream.linear.gather [hbm4b:s7+s2], $0x1400, $0x38;
	[tilespmem:$0x14580] =	vst v63  }
0x17: {  	_ =	swait.ge [sflag:s13], $0x1400  }
0x18: {  	[sflag:s13] =	ssyncset.done $0x0  }
0x19: {  	[sflag:s13] =	ssyncadd.s32 $0xFFFFEC00  }
0x1a: {  	[tilespmem:s14], [sflag:$0x5] =	stream.linear.gather [hbm4b:s8+s2], $0x1400, $0x38;
	[tilespmem:$0x14580] =	vst v63  }
0x1b: {  	_ =	swait.ge [sflag:s13], $0x1400  }
0x1c: {  	[sflag:s13] =	ssyncset.done $0x0  }
0x1d: {  	[sflag:s13] =	ssyncadd.s32 $0xFFFFEC00  }
0x1e: {  	[tilespmem:$0x1400] =	vst v0  }
0x1f: {  	[tilespmem:$0x1410] =	vst v0  }
0x20: {  	[tilespmem:$0x1420] =	vst v0  }
0x21: {  	[tilespmem:$0x1430] =	vst v0  }
0x22: {  	[tilespmem:$0x1440] =	vst v0  }
0x23: {  	[tilespmem:$0x1450] =	vst v0  }
0x24: {  	[tilespmem:$0x1460] =	vst v0  }
0x25: {  	[tilespmem:$0x1470] =	vst v0  }
0x26: {  	[bflag:$0x0] =	sbarrier.arrive $0xFFFF  }
0x27: {  	[tilespmem:s16], [sflag:$0x1] =	stream.indirect.gather [hbm4b:s3+s15], $0x40, s2, s15, $0xb8;
	[tilespmem:$0x14580] =	vst v63  }
0x28: {  	s25 =	simm.s32 $0x0  }
0x29: {  	[tilespmem:s17], [sflag:$0x3] =	stream.linear.gather [hbm4b:s9+s2], $0x2000, $0x38;
	[tilespmem:$0x14580] =	vst v63  }
.LBB2_2:
0x2a: {  	s28 =	sshllo.u32 s25, $0x1  }
0x2b: {  	s26 =	sshll.u32 s28, $0x7;
	s28 =	sadd.s32 s6, s28  }
0x2c: {  	[tilespmem:s18], [sflag:$0x2] =	stream.indirect.gather [hbm4b:s3+s15], $0x40, s26, s15, $0xb8;
	[tilespmem:$0x14580] =	vst v63  }
0x2d: {  	s28 =	sshll.u32 s28, $0xA  }
0x2e: {  	s29 =	simm.s32 $0x0;
	s28 =	sadd.s32 s4, s28  }
0x2f: {  	[tilespmem:s19], [sflag:$0x4] =	stream.linear.gather [hbm4b:s28+s29], $0x2000, $0x38;
	[tilespmem:$0x14580] =	vst v63  }
0x30: {  	_ =	swait.ge [sflag:s20], $0x2000  }
0x31: {  	[sflag:s20] =	ssyncset.done $0x0  }
0x32: {  	[sflag:s20] =	ssyncadd.s32 $0xFFFFE000  }
0x33: {  	_ =	swait.ge [sflag:s21], $0x2000  }
0x34: {  	[sflag:s21] =	ssyncset.done $0x0  }
0x35: {  	s28 =	simm.s32 $0x0;
	[sflag:s21] =	ssyncadd.s32 $0xFFFFE000  }
0x36: {  	v4 =	vld [tilespmem:s28+$0x6900]  }
0x37: {  	v5 =	vld [tilespmem:s28+$0x6910]  }
0x38: {  	v3 =	vld [tilespmem:s28+$0x6920]  }
0x39: {  	v2 =	vld [tilespmem:s28+$0x6930]  }
0x3a: {  	v6 =	vld [tilespmem:s28+$0x2900]  }
0x3b: {  	v7 =	vld [tilespmem:s28+$0x2910]  }
0x3c: {  	s30 =	simm.s32 $0x100;
	s29 =	sshll.u32 s25, $0x1;
	v8 =	vld [tilespmem:s28+$0x2920]  }
.LBB2_3:
0x3d: {  	p1 =	sne.s32 s30, $0x7F00;
	v9 =	vld [tilespmem:s28+$0x2930]  }
0x3e: {  	s31 =	sshra.s32 s30, $0x2  }
0x3f: {  	v6 =	vadd.bf16 v4, v6;
	v4 =	vld [tilespmem:s31+$0x6900]  }
0x40: {  	v7 =	vadd.bf16 v5, v7;
	v5 =	vld [tilespmem:s31+$0x6910]  }
.Ltmp0:
0x41: {  	v6 =	vmax.bf16 v6, v1;
	v8 =	vadd.bf16 v3, v8;
	v3 =	vld [tilespmem:s31+$0x6920];
	(pc) =	sbr.rel @p1 .LBB2_3-.Ltmp0, $4  }
0x42: {  	[tilespmem:s28+$0x2900] =	vst v6;
	v7 =	vmax.bf16 v7, v1;
	v9 =	vadd.bf16 v2, v9;
	v2 =	vld [tilespmem:s31+$0x6930]  }
0x43: {  	v6 =	vld [tilespmem:s31+$0x2900];
	[tilespmem:s28+$0x2910] =	vst v7;
	v8 =	vmax.bf16 v8, v1  }
0x44: {  	v7 =	vld [tilespmem:s31+$0x2910];
	[tilespmem:s28+$0x2920] =	vst v8;
	v9 =	vmax.bf16 v9, v1  }
0x45: {  	s30 =	sadd.s32 $0x100, s30;
	v8 =	vld [tilespmem:s31+$0x2920];
	[tilespmem:s28+$0x2930] =	vst v9;
	s28 =	smov.u32 s31  }
0x46: {  	v9 =	vld [tilespmem:s28+$0x2930];
	_ =	sdelay $0x1  }
0x47: {  	v4 =	vadd.bf16 v4, v6  }
0x48: {  	v5 =	vadd.bf16 v5, v7  }
0x49: {  	v4 =	vmax.bf16 v4, v1;
	v3 =	vadd.bf16 v3, v8  }
0x4a: {  	[tilespmem:s28+$0x2900] =	vst v4;
	v4 =	vmax.bf16 v5, v1;
	v2 =	vadd.bf16 v2, v9  }
0x4b: {  	s30 =	sshll.u32 s25, $0x8;
	[tilespmem:s28+$0x2910] =	vst v4;
	v3 =	vmax.bf16 v3, v1  }
0x4c: {  	s30 =	sand.u32 $0x3FFFFF00, s30;
	[tilespmem:s28+$0x2920] =	vst v3;
	v2 =	vmax.bf16 v2, v1  }
0x4d: {  	[tilespmem:s28+$0x2930] =	vst v2;
	s28 =	sadd.s32 $0x1480, s30  }
0x4e: {  	[spmem:s1] =	stream.indirect.scatter.add.bf16 [tilespmem:s16], [sflag:$0x5], $0x40, s28, s15, $0xb8;
	[tilespmem:$0x14580] =	vst v63  }
0x4f: {  	s28 =	sadd.s32 $0x2, s29  }
0x50: {  	_ =	swait.ge [sflag:s13], $0x2000;
	s29 =	sshll.u32 s28, $0x7;
	s28 =	sadd.s32 s6, s28  }
0x51: {  	[sflag:s13] =	ssyncset.done $0x0;
	s28 =	smin.u32 s28, $0x4FF  }
0x52: {  	s29 =	sand.u32 $0x3FFFFF80, s29;
	[sflag:s13] =	ssyncadd.s32 $0xFFFFE000;
	s28 =	sshll.u32 s28, $0xA  }
0x53: {  	[tilespmem:s16], [sflag:$0x1] =	stream.indirect.gather [hbm4b:s3+s15], $0x40, s29, s15, $0xb8;
	[tilespmem:$0x14580] =	vst v63  }
0x54: {  	s28 =	sadd.s32 s4, s28;
	s29 =	simm.s32 $0x0  }
0x55: {  	[tilespmem:s17], [sflag:$0x3] =	stream.linear.gather [hbm4b:s28+s29], $0x2000, $0x38;
	[tilespmem:$0x14580] =	vst v63  }
0x56: {  	_ =	swait.ge [sflag:s22], $0x2000  }
0x57: {  	[sflag:s22] =	ssyncset.done $0x0  }
0x58: {  	[sflag:s22] =	ssyncadd.s32 $0xFFFFE000  }
0x59: {  	_ =	swait.ge [sflag:s23], $0x2000  }
0x5a: {  	[sflag:s23] =	ssyncset.done $0x0  }
0x5b: {  	s28 =	simm.s32 $0x0;
	[sflag:s23] =	ssyncadd.s32 $0xFFFFE000  }
0x5c: {  	v4 =	vld [tilespmem:s28+$0x8900]  }
0x5d: {  	v5 =	vld [tilespmem:s28+$0x8910]  }
0x5e: {  	v3 =	vld [tilespmem:s28+$0x8920]  }
0x5f: {  	v2 =	vld [tilespmem:s28+$0x8930]  }
0x60: {  	v6 =	vld [tilespmem:s28+$0x4900]  }
0x61: {  	v8 =	vld [tilespmem:s28+$0x4910]  }
0x62: {  	s29 =	simm.s32 $0x100;
	v7 =	vld [tilespmem:s28+$0x4920]  }
.LBB2_5:
0x63: {  	p1 =	sne.s32 s29, $0x7F00;
	v9 =	vld [tilespmem:s28+$0x4930]  }
0x64: {  	s30 =	sshra.s32 s29, $0x2  }
0x65: {  	v6 =	vadd.bf16 v4, v6;
	v4 =	vld [tilespmem:s30+$0x8900]  }
0x66: {  	v8 =	vadd.bf16 v5, v8;
	v5 =	vld [tilespmem:s30+$0x8910]  }
.Ltmp1:
0x67: {  	v6 =	vmax.bf16 v6, v1;
	v7 =	vadd.bf16 v3, v7;
	v3 =	vld [tilespmem:s30+$0x8920];
	(pc) =	sbr.rel @p1 .LBB2_5-.Ltmp1, $4  }
0x68: {  	[tilespmem:s28+$0x4900] =	vst v6;
	v8 =	vmax.bf16 v8, v1;
	v9 =	vadd.bf16 v2, v9;
	v2 =	vld [tilespmem:s30+$0x8930]  }
0x69: {  	v6 =	vld [tilespmem:s30+$0x4900];
	[tilespmem:s28+$0x4910] =	vst v8;
	v7 =	vmax.bf16 v7, v1  }
0x6a: {  	v8 =	vld [tilespmem:s30+$0x4910];
	[tilespmem:s28+$0x4920] =	vst v7;
	v9 =	vmax.bf16 v9, v1  }
0x6b: {  	s29 =	sadd.s32 $0x100, s29;
	v7 =	vld [tilespmem:s30+$0x4920];
	[tilespmem:s28+$0x4930] =	vst v9;
	s28 =	smov.u32 s30  }
0x6c: {  	v9 =	vld [tilespmem:s28+$0x4930];
	_ =	sdelay $0x1  }
0x6d: {  	v4 =	vadd.bf16 v4, v6  }
0x6e: {  	v5 =	vadd.bf16 v5, v8  }
0x6f: {  	v4 =	vmax.bf16 v4, v1;
	v3 =	vadd.bf16 v3, v7  }
0x70: {  	[tilespmem:s28+$0x4900] =	vst v4;
	v63 =	vmax.bf16 v5, v1;
	v2 =	vadd.bf16 v2, v9  }
0x71: {  	s25 =	sadd.s32 $0x1, s25;
	[tilespmem:s28+$0x4910] =	vst v63;
	v3 =	vmax.bf16 v3, v1  }
0x72: {  	p1 =	sne.s32 s25, $0x14;
	[tilespmem:s28+$0x4920] =	vst v3;
	v2 =	vmax.bf16 v2, v1  }
.Ltmp2:
0x73: {  	s26 =	sadd.s32 $0x1480, s26;
	[tilespmem:s28+$0x4930] =	vst v2;
	(pc) =	sbr.rel @p1 .LBB2_2-.Ltmp2, $4  }
0x74: {  	[spmem:s1] =	stream.indirect.scatter.add.bf16 [tilespmem:s18], [sflag:$0x5], $0x40, s26, s15, $0xb8;
	[tilespmem:$0x14580] =	vst v63  }
0x75: {  	_ =	swait.ge [sflag:s13], $0x2000  }
0x76: {  	[sflag:s13] =	ssyncset.done $0x0  }
0x77: {  	[sflag:s13] =	ssyncadd.s32 $0xFFFFE000  }
0x78: {  	_ =	swait.ge [sflag:s20], $0x2000  }
0x79: {  	[sflag:s20] =	ssyncset.done $0x0  }
0x7a: {  	[sflag:s20] =	ssyncadd.s32 $0xFFFFE000  }
0x7b: {  	_ =	swait.ge [sflag:s21], $0x2000  }
0x7c: {  	[sflag:s21] =	ssyncset.done $0x0  }
0x7d: {  	s24 =	sadd.s32 $0x1, s24;
	[sflag:s21] =	ssyncadd.s32 $0xFFFFE000  }
0x7e: {  	s25 =	simm.s32 @!p0 $0x1C05;
	p1 =	sne.s32 s24, s11;
	[bflag:$0x0] =	sbarrier.arrive $0xFFFF  }
0x7f: {  	[hbm:s10], [sflag:s25] =	dma.local @!p0 [spmem:s12], $0x13880  }
.Ltmp3:
0x80: {  	_ = 	snop;
	(pc) =	sbr.rel @p1 .LBB2_1-.Ltmp3, $4  }
0x81: {  	s25 =	simm.s32 @!p0 $0x5  }
0x82: {  	_ =	swait.ge @!p0 [sflag:s25], $0x13880  }
0x83: {  	[sflag:s25] =	ssyncset.done @!p0 $0x0  }
0x84: {  	[sflag:s25] =	ssyncadd.s32 @!p0 $0xFFFEC780  }
0x85: {  	_ =	sfence.sel $0x180000  }
0x86: {  	[bflag:$0x0] =	sbarrier.arrive $0xFFFF  }
0x87: {  	_ =	strace $0x9000004D  }
0x88: {  	s0 =	sadd.s32 @!p0 $0x100000, s0;
	[bflag:$0x2] =	sbarrier.arrive $0xFFFF  }
0x89: {  	[sflag:s0] =	ssyncadd.tile.s32 @!p0 $0x1;
	_ =	shalt  }
.Lfunc_end2:
_tile_overlayer_lowered:
.L_overlay_start_2:
0x8a: {  	(tag) =	ssettag $0x2  }
0x8b: {  	s0 =	rddreg [dreg:$0x0];
	s2 =	stileid.u32  }
0x8c: {  	s1 =	rddreg [dreg:$0x1];
	p0 =	sne.s32 s2, $0x0  }
0x8d: {  	s3 =	rddreg [dreg:$0x2];
	[bflag:$0x3] =	sbarrier.arrive $0xFFFF;
	s2 =	simm.s32 @!p0 $0x1C05  }
0x8e: {  	[timem:s3], [sflag:s2] =	dma.local @!p0 [hbm:s0], s1  }
0x8f: {  	s0 =	simm.s32 @!p0 $0x5  }
0x90: {  	_ =	swait.ge @!p0 [sflag:s0], s1  }
0x91: {  	s1 =	ssub.s32 @!p0 $0x0, s1;
	[sflag:s0] =	ssyncset.done @!p0 $0x0  }
0x92: {  	[sflag:s0] =	ssyncadd.s32 @!p0 s1  }
0x93: {  	[bflag:$0x3] =	sbarrier.arrive $0xFFFF  }
0x94: {  	_ =	shalt  }

// kernel: kernel.22.cloned.1.call-start
scs
__scs_entry_jumppad:
0x0: {  	(pc) =	sbr.rel $0x88, $3  }
0x1: {  	(tag) =	ssettag $0x0;
	lr =	simm.s32 $0x1  }
0x2: {  	[smem:$0x3F8D] =	sst lr;
	_ =	strace $0xD0000000  }
0x3: {  	_ = 	snop  }
0x4: {  	_ = 	snop  }
0x5: {  	_ = 	snop  }
0x6: {  	_ = 	snop  }
0x7: {  	_ = 	snop  }
__scs_overlays_trampoline_lowered:
0x8: {  	[smem:$0x3F9C] =	sst s0  }
0x9: {  	[smem:$0x3F9D] =	sst s1  }
0xa: {  	[smem:$0x3F9E] =	sst s2  }
0xb: {  	[smem:$0x3F9F] =	sst s3  }
0xc: {  	[smem:$0x3FA0] =	sst s4  }
0xd: {  	[smem:$0x3FA1] =	sst s5  }
0xe: {  	[smem:$0x3FA2] =	sst s6  }
0xf: {  	[smem:$0x3FA3] =	sst s7  }
0x10: {  	[smem:$0x3FA4] =	sst s8  }
0x11: {  	[smem:$0x3FA5] =	sst s9;
	s0 =	simm.s32 @!p0 $0x0  }
0x12: {  	s1 =	sld [smem:$0x3F8B];
	s0 =	simm.s32 @p0 $0x1  }
0x13: {  	[smem:$0x3FA6] =	sst s0;
	s0 =	simm.s32 @!p1 $0x0  }
0x14: {  	s2 =	sld [smem:$0x3F8A];
	s0 =	simm.s32 @p1 $0x1  }
0x15: {  	[smem:$0x3FA7] =	sst s0;
	s0 =	simm.s32 @!p2 $0x0  }
0x16: {  	s3 =	sld [smem:$0x3FDB];
	s0 =	simm.s32 @p2 $0x1  }
0x17: {  	s4 =	simm.s32 $0x1BF5;
	[smem:$0x3FA9] =	sst s0  }
0x18: {  	s0 =	sld [smem:$0x3F8C];
	_ =	swait.ge [sflag:s4], $0x0  }
0x19: {  	s7 =	sld [smem:$0x3F8D]  }
0x1a: {  	s8 =	sadd.s32 $0xFFFFE003, lr  }
0x1b: {  	s9 =	sadd.s32 $0xFFFFFEF7, lr;
	s5 =	simm.s32 $0xFFFFFFFF;
	p2 =	slt.u32 s8, $0xFFFFF086  }
0x1c: {  	p1 =	slt.u32 s9, $0xF7A;
	s5 =	simm.s32 @!p2 $0x0  }
0x1d: {  	s5 =	simm.s32 @p1 $0x1;
	p0 =	seq.s32 s7, s2  }
0x1e: {  	s7 =	smul.u32 @!p0 $0xF7A, s2;
	p2 =	seq.s32 @!p0 s5, $0x0  }
0x1f: {  	s9 =	smul.u32 $0xF7A, s1;
	s8 =	simm.s32 @!p0 $0x1BF5;
	p2 =	por !p2, p0  }
0x20: {  	[sflag:s8] =	ssyncset.s32 @!p0 $0xFFFFF086;
	s6 =	sadd.s32 @!p0 s3, s7;
	s7 =	simm.s32 @!p0 $0x108  }
0x21: {  	s3 =	sadd.s32 s3, s9;
	s6 =	sadd.s32 @!p0 $0x88, s6;
	s7 =	simm.s32 @p2 $0x1082  }
0x22: {  	[simem:s7], [sflag:s8] =	dma.local @!p0 [hbm:s6], $0xF7A  }
0x23: {  	s9 =	sor.u32 $0xD0000000, s2;
	s6 =	simm.s32 $0x108;
	_ =	swait.ge @!p0 [sflag:s8], $0x0  }
0x24: {  	s3 =	sadd.s32 $0x88, s3;
	s6 =	simm.s32 @!p1 $0x1082;
	[sflag:s4] =	ssyncset.s32 $0xFFFFF086  }
0x25: {  	[simem:s6], [sflag:s4] =	dma.local [hbm:s3], $0xF7A  }
0x26: {  	[smem:$0x3F8D] =	sst s1;
	(tag) =	ssettag s2;
	_ =	strace s9  }
0x27: {  	s1 =	sld [smem:$0x3F9D]  }
0x28: {  	s2 =	sld [smem:$0x3F9E]  }
0x29: {  	s4 =	sld [smem:$0x3FA0]  }
0x2a: {  	p0 =	seq.s32 s5, $0x0;
	s5 =	sld [smem:$0x3FA1]  }
0x2b: {  	s6 =	sld [smem:$0x3FA2]  }
0x2c: {  	s7 =	sld [smem:$0x3FA3]  }
0x2d: {  	s3 =	simm.s32 $0x108;
	s8 =	sld [smem:$0x3FA4]  }
0x2e: {  	s3 =	simm.s32 @!p0 $0x1082;
	s9 =	sld [smem:$0x3FA5]  }
0x2f: {  	lr =	sadd.s32 s0, s3;
	s0 =	sld [smem:$0x3F9C]  }
0x30: {  	s3 =	sld [smem:$0x3F9F]  }
0x31: {  	[smem:$0x3FA8] =	sst s10  }
0x32: {  	s10 =	sld [smem:$0x3FA6];
	_ =	sdelay $0x3  }
0x33: {  	p0 =	seq.s32 s10, $0x1;
	s10 =	sld [smem:$0x3FA8];
	_ =	sdelay $0x3  }
0x34: {  	[smem:$0x3FA8] =	sst s10  }
0x35: {  	s10 =	sld [smem:$0x3FA7];
	_ =	sdelay $0x3  }
0x36: {  	p1 =	seq.s32 s10, $0x1;
	s10 =	sld [smem:$0x3FA8];
	_ =	sdelay $0x3  }
0x37: {  	[smem:$0x3FA8] =	sst s10  }
0x38: {  	s10 =	sld [smem:$0x3FA9]  }
0x39: {  	_ = 	snop;
	(pc) =	sbr.ind lr, $3  }
0x3a: {  	_ = 	snop  }
0x3b: {  	_ = 	snop  }
0x3c: {  	p2 =	seq.s32 s10, $0x1;
	s10 =	sld [smem:$0x3FA8]  }
0x3d: {  	_ =	shalt  }
0x3e: {  	_ =	shalt  }
0x3f: {  	_ =	shalt  }
0x40: {  	_ =	shalt  }
0x41: {  	_ =	shalt  }
0x42: {  	_ =	shalt  }
0x43: {  	_ =	shalt  }
0x44: {  	_ =	shalt  }
0x45: {  	_ =	shalt  }
0x46: {  	_ =	shalt  }
0x47: {  	_ =	shalt  }
0x48: {  	_ =	shalt  }
0x49: {  	_ =	shalt  }
0x4a: {  	_ =	shalt  }
0x4b: {  	_ =	shalt  }
0x4c: {  	_ =	shalt  }
0x4d: {  	_ =	shalt  }
0x4e: {  	_ =	shalt  }
0x4f: {  	_ =	shalt  }
0x50: {  	_ =	shalt  }
0x51: {  	_ =	shalt  }
0x52: {  	_ =	shalt  }
0x53: {  	_ =	shalt  }
0x54: {  	_ =	shalt  }
0x55: {  	_ =	shalt  }
0x56: {  	_ =	shalt  }
0x57: {  	_ =	shalt  }
0x58: {  	_ =	shalt  }
0x59: {  	_ =	shalt  }
0x5a: {  	_ =	shalt  }
0x5b: {  	_ =	shalt  }
0x5c: {  	_ =	shalt  }
0x5d: {  	_ =	shalt  }
0x5e: {  	_ =	shalt  }
0x5f: {  	_ =	shalt  }
0x60: {  	_ =	shalt  }
0x61: {  	_ =	shalt  }
0x62: {  	_ =	shalt  }
0x63: {  	_ =	shalt  }
0x64: {  	_ =	shalt  }
0x65: {  	_ =	shalt  }
0x66: {  	_ =	shalt  }
0x67: {  	_ =	shalt  }
0x68: {  	_ =	shalt  }
0x69: {  	_ =	shalt  }
0x6a: {  	_ =	shalt  }
0x6b: {  	_ =	shalt  }
0x6c: {  	_ =	shalt  }
0x6d: {  	_ =	shalt  }
0x6e: {  	_ =	shalt  }
0x6f: {  	_ =	shalt  }
0x70: {  	_ =	shalt  }
0x71: {  	_ =	shalt  }
0x72: {  	_ =	shalt  }
0x73: {  	_ =	shalt  }
0x74: {  	_ =	shalt  }
0x75: {  	_ =	shalt  }
0x76: {  	_ =	shalt  }
0x77: {  	_ =	shalt  }
0x78: {  	_ =	shalt  }
0x79: {  	_ =	shalt  }
0x7a: {  	_ =	shalt  }
0x7b: {  	_ =	shalt  }
0x7c: {  	_ =	shalt  }
0x7d: {  	_ =	shalt  }
0x7e: {  	_ =	shalt  }
0x7f: {  	_ =	shalt  }
0x80: {  	_ =	shalt  }
0x81: {  	_ =	shalt  }
0x82: {  	_ =	shalt  }
0x83: {  	_ =	shalt  }
0x84: {  	_ =	shalt  }
0x85: {  	_ =	shalt  }
0x86: {  	_ =	shalt  }
0x87: {  	_ =	shalt  }
.Lfunc_end0:
.L_simem_size_0:
called_computation.4_lowered:
.L_overlay_start_0:
0x88: {  	s2 =	sld [smem:$0x3FD9]  }
0x89: {  	s3 =	sld [smem:$0x3FFE];
	_ =	sdelay $0x1  }
0x8a: {  	s1 =	srdreg.scid  }
0x8b: {  	s0 =	sand.u32 $0x1, s1  }
0x8c: {  	s17 =	sshll.u32 s0, $0xA;
	s2 =	sadd.s32 s3, s2  }
0x8d: {  	s2 =	sadd.s32 s2, s17  }
0x8e: {  	[smem:$0x3FB4] =	sst s2  }
0x8f: {  	_ = 	snop  }
0x90: {  	(tm) =	ssettm $0x1  }
0x91: {  	s18 =	sld [smem:$0x3FFB];
	_ =	sdelay $0x3  }
0x92: {  	_ =	strace s18  }
0x93: {  	s2 =	sld [smem:$0x3FFC];
	_ =	sdelay $0x3  }
0x94: {  	_ =	strace s2  }
0x95: {  	s2 =	sld [smem:$0x3FFD];
	_ =	sdelay $0x3  }
0x96: {  	_ =	strace s2  }
0x97: {  	_ =	strace $0x8FFFFFFF  }
0x98: {  	s19 =	sld [smem:$0x3FDB];
	_ =	sdelay $0x1  }
0x99: {  	s20 =	simm.s32 $_scs_section_size  }
0x9a: {  	s4 =	simm.s32 $_size__tile_overlayer_lowered;
	s5 =	simm.s32 $_tile_overlayer_lowered  }
0x9b: {  	s6 =	simm.s32 $0x1BFF;
	s21 =	sshll.u32 s5, $0x1;
	s3 =	sadd.s32 s20, s19  }
0x9c: {  	s22 =	simm.s32 $0x0;
	s4 =	sshll.u32 s4, $0x1;
	s5 =	sadd.s32 s21, s3  }
0x9d: {  	[timem:s22], [sflag:s6] =	dma.local [hbm:s5], s4  }
0x9e: {  	_ =	swait.ge [sflag:s6], s4  }
0x9f: {  	s4 =	ssub.s32 $0x0, s4;
	[sflag:s6] =	ssyncset.done $0x0  }
0xa0: {  	[sflag:s6] =	ssyncadd.s32 s4;
	_ =	sdelay $0x1  }
0xa1: {  	s23 =	simm.s32 $0x1B8B  }
0xa2: {  	_ =	swait.ge [sflag:s23], $0x1  }
0xa3: {  	[sflag:s23] =	ssyncset.done $0x0  }
0xa4: {  	[sflag:s23] =	ssyncadd.s32 $0xFFFFFFFF  }
0xa5: {  	s4 =	sld [smem:$0x0]  }
0xa6: {  	s5 =	sand.u32 $0xFFFFFFFE, s1  }
0xa7: {  	p0 =	sne.s32 s1, s5  }
0xa8: {  	s5 =	sshll.u32 @p0 s5, $0xE  }
0xa9: {  	s5 =	sadd.s32 @p0 $0x11B8D, s5;
	s6 =	sshll.u32 @p0 s4, $0x11  }
0xaa: {  	s5 =	sor.u32 @p0 s6, s5  }
0xab: {  	[sflag:s5] =	ssyncadd.remote.s32 @p0 $0x1;
	_ =	sdelay $0x1  }
0xac: {  	s5 =	simm.s32 @p0 $0x1B8D  }
0xad: {  	_ =	swait.eq @p0 [sflag:s5], $0x1  }
0xae: {  	[sflag:s5] =	ssyncadd.s32 @p0 $0xFFFFFFFF  }
0xaf: {  	s6 =	sshll.u32 @!p0 s1, $0xE  }
0xb0: {  	s6 =	sor.u32 @!p0 $0x4000, s6;
	s5 =	simm.s32 @!p0 $0x1B8D  }
0xb1: {  	s4 =	sshll.u32 @!p0 s4, $0x11;
	s6 =	sadd.s32 @!p0 $0x11B8D, s6;
	_ =	swait.eq @!p0 [sflag:s5], $0x1  }
0xb2: {  	s4 =	sor.u32 @!p0 s4, s6;
	[sflag:s5] =	ssyncadd.s32 @!p0 $0xFFFFFFFF  }
0xb3: {  	s25 =	simm.s32 $0x1B8E;
	s24 =	sld [smem:$0x3FFE];
	[sflag:s4] =	ssyncadd.remote.s32 @!p0 $0x1  }
0xb4: {  	s26 =	simm.s32 $execute0_lowered;
	[smem:$0x3FD2] =	sst s25  }
0xb5: {  	s5 =	sshll.u32 s26, $0x1;
	_ =	strace $0x80000052;
	[dreg:$0x1] =	wrdreg $0xFFFFFFFF  }
0xb6: {  	s28 =	simm.s32 $_size_execute0_lowered;
	s3 =	sadd.s32 s3, s5;
	[dreg:$0x0] =	wrdreg $0x0  }
0xb7: {  	s5 =	sshll.u32 s28, $0x1;
	[dreg:$0x2] =	wrdreg s3  }
0xb8: {  	[dreg:$0x3] =	wrdreg s5  }
0xb9: {  	[dreg:$0x4] =	wrdreg $0xC0  }
0xba: {  	_ =	task [dreg:s22], $0x5FFFF  }
0xbb: {  	[dreg:$0x1] =	wrdreg $0xFFFFFFFF  }
0xbc: {  	[dreg:$0x0] =	wrdreg $0x60  }
0xbd: {  	[dreg:$0x2] =	wrdreg s24  }
0xbe: {  	[dreg:$0x3] =	wrdreg $0xA9000  }
0xbf: {  	[dreg:$0x4] =	wrdreg $0xA  }
0xc0: {  	_ =	task.clear_ibuf [dreg:s22], $0x5FFFF;
	_ =	strace $0x90000052  }
0xc1: {  	s29 =	simm.s32 $0xA;
	_ =	strace $0x80000054  }
0xc2: {  	_ =	swait.ge [sflag:s29], $0x1  }
0xc3: {  	[sflag:s29] =	ssyncadd.s32 $0xFFFFFFFF  }
0xc4: {  	_ =	strace $0x90000054  }
0xc5: {  	_ =	sfence  }
0xc6: {  	s30 =	sld [smem:$0x0];
	_ =	sdelay $0x2  }
0xc7: {  	s31 =	sshll.u32 s1, $0xD;
	s1 =	sshrl.u32 s1, $0x2  }
0xc8: {  	s4 =	sand.u32 $0x4000, s31;
	s1 =	sadd.s32 s1, s30  }
0xc9: {  	s0 =	sor.u32 s4, s0;
	s1 =	sshll.u32 s1, $0x11  }
0xca: {  	s0 =	sor.u32 s1, s0  }
0xcb: {  	s0 =	sadd.s32 $0x8F2B, s0  }
0xcc: {  	[sflag:s0] =	ssyncadd.remote.s32 $0x1  }
0xcd: {  	_ =	sfence.sel $0xFFFF  }
0xce: {  	[dreg:$0x0] =	wrdreg $0xFFFFFFFF;
	(pc) =	sbr.abs _section_cstart, $3  }
0xcf: {  	[dreg:$0x1] =	wrdreg $0xFFFFFFFF  }
0xd0: {  	_ =	task.clear_ibuf [dreg:s22], $0x2FFFF;
	_ =	strace $0x9FFFFFFF  }
0xd1: {  	(tm) =	ssettm $0x7FFFFFFF  }
tec
execute0_lowered:
.L_overlay_start_1:
0x0: {  	(tag) =	ssettag $0x1  }
0x1: {  	s6 =	rddreg [dreg:$0x0]  }
0x2: {  	s0 =	srdreg.scid;
	s1 =	rddreg [dreg:$0x1]  }
0x3: {  	s10 =	stileid.u32;
	s2 =	simm.s32 $0x0;
	s14 =	simm.s32 $0x1480  }
0x4: {  	s15 =	simm.s32 $0x80;
	s16 =	simm.s32 $0x2900;
	s17 =	simm.s32 $0x6900  }
0x5: {  	s18 =	simm.s32 $0x4900;
	s19 =	simm.s32 $0x8900;
	s20 =	simm.s32 $0x1  }
0x6: {  	s21 =	simm.s32 $0x3;
	s22 =	simm.s32 $0x2;
	s23 =	simm.s32 $0x4  }
0x7: {  	s24 =	simm.s32 $0x0;
	s7 =	sand.u32 $0x1, s0;
	[smem:$0x7FF] =	sst s2  }
0x8: {  	s0 =	rddreg [dreg:$0x2];
	s4 =	sadd.s32 $0x276800, s6;
	s5 =	sadd.s32 $0x157A00, s6  }
0x9: {  	p0 =	sne.s32 s10, $0x0;
	s3 =	sshll.u32 s7, $0x4;
	s11 =	smul.u32 $0x13880, s7  }
0xa: {  	_ =	strace $0x80000053;
	s7 =	ssub.s32 $0x2, s7;
	s8 =	sor.u32 s10, s3  }
0xb: {  	s31 =	sshrl.u32 s7, $0x1;
	s3 =	smul.u32 $0x280, s8;
	s11 =	sadd.s32 s11, s6  }
0xc: {  	s12 =	smul.u32 $0xA000, s8;
	s13 =	ssub.s32 s7, s31;
	s10 =	sadd.s32 $0x188E00, s11  }
0xd: {  	s11 =	smax.u32 s13, $0x1;
	s9 =	sadd.s32 s3, s6;
	s3 =	sadd.s32 $0x175400, s6  }
0xe: {  	s13 =	simm.s32 $0x5;
	s6 =	smul.u32 $0x28, s8;
	s7 =	sadd.s32 $0x170400, s9  }
0xf: {  	v0 =	vimm.s32 $0x0;
	v1 =	vimm.bf16 $0.0e+00;
	s8 =	sadd.s32 $0x16B400, s9;
	s9 =	sadd.s32 s4, s12;
	s12 =	sshrl.u32 @!p0 s1, $0x3  }
.LBB2_1:
0x10: {  	s25 =	simm.s32 @!p0 $0x1C05  }
0x11: {  	[spmem:s12], [sflag:s25] =	dma.local @!p0 [hbm:s5], $0x13880  }
0x12: {  	s25 =	simm.s32 @!p0 $0x5  }
0x13: {  	_ =	swait.ge @!p0 [sflag:s25], $0x13880  }
0x14: {  	[sflag:s25] =	ssyncset.done @!p0 $0x0  }
0x15: {  	[sflag:s25] =	ssyncadd.s32 @!p0 $0xFFFEC780  }
0x16: {  	[tilespmem:s2], [sflag:$0x5] =	stream.linear.gather [hbm4b:s7+s2], $0x1400, $0x38;
	[tilespmem:$0x14580] =	vst v63  }
0x17: {  	_ =	swait.ge [sflag:s13], $0x1400  }
0x18: {  	[sflag:s13] =	ssyncset.done $0x0  }
0x19: {  	[sflag:s13] =	ssyncadd.s32 $0xFFFFEC00  }
0x1a: {  	[tilespmem:s14], [sflag:$0x5] =	stream.linear.gather [hbm4b:s8+s2], $0x1400, $0x38;
	[tilespmem:$0x14580] =	vst v63  }
0x1b: {  	_ =	swait.ge [sflag:s13], $0x1400  }
0x1c: {  	[sflag:s13] =	ssyncset.done $0x0  }
0x1d: {  	[sflag:s13] =	ssyncadd.s32 $0xFFFFEC00  }
0x1e: {  	[tilespmem:$0x1400] =	vst v0  }
0x1f: {  	[tilespmem:$0x1410] =	vst v0  }
0x20: {  	[tilespmem:$0x1420] =	vst v0  }
0x21: {  	[tilespmem:$0x1430] =	vst v0  }
0x22: {  	[tilespmem:$0x1440] =	vst v0  }
0x23: {  	[tilespmem:$0x1450] =	vst v0  }
0x24: {  	[tilespmem:$0x1460] =	vst v0  }
0x25: {  	[tilespmem:$0x1470] =	vst v0  }
0x26: {  	[bflag:$0x0] =	sbarrier.arrive $0xFFFF  }
0x27: {  	[tilespmem:s16], [sflag:$0x1] =	stream.indirect.gather [hbm4b:s3+s15], $0x40, s2, s15, $0xb8;
	[tilespmem:$0x14580] =	vst v63  }
0x28: {  	s25 =	simm.s32 $0x0  }
0x29: {  	[tilespmem:s17], [sflag:$0x3] =	stream.linear.gather [hbm4b:s9+s2], $0x2000, $0x38;
	[tilespmem:$0x14580] =	vst v63  }
.LBB2_2:
0x2a: {  	s28 =	sshllo.u32 s25, $0x1  }
0x2b: {  	s26 =	sshll.u32 s28, $0x7;
	s28 =	sadd.s32 s6, s28  }
0x2c: {  	[tilespmem:s18], [sflag:$0x2] =	stream.indirect.gather [hbm4b:s3+s15], $0x40, s26, s15, $0xb8;
	[tilespmem:$0x14580] =	vst v63  }
0x2d: {  	s28 =	sshll.u32 s28, $0xA  }
0x2e: {  	s29 =	simm.s32 $0x0;
	s28 =	sadd.s32 s4, s28  }
0x2f: {  	[tilespmem:s19], [sflag:$0x4] =	stream.linear.gather [hbm4b:s28+s29], $0x2000, $0x38;
	[tilespmem:$0x14580] =	vst v63  }
0x30: {  	_ =	swait.ge [sflag:s20], $0x2000  }
0x31: {  	[sflag:s20] =	ssyncset.done $0x0  }
0x32: {  	[sflag:s20] =	ssyncadd.s32 $0xFFFFE000  }
0x33: {  	_ =	swait.ge [sflag:s21], $0x2000  }
0x34: {  	[sflag:s21] =	ssyncset.done $0x0  }
0x35: {  	s28 =	simm.s32 $0x0;
	[sflag:s21] =	ssyncadd.s32 $0xFFFFE000  }
0x36: {  	v4 =	vld [tilespmem:s28+$0x6900]  }
0x37: {  	v5 =	vld [tilespmem:s28+$0x6910]  }
0x38: {  	v3 =	vld [tilespmem:s28+$0x6920]  }
0x39: {  	v2 =	vld [tilespmem:s28+$0x6930]  }
0x3a: {  	v6 =	vld [tilespmem:s28+$0x2900]  }
0x3b: {  	v7 =	vld [tilespmem:s28+$0x2910]  }
0x3c: {  	s30 =	simm.s32 $0x100;
	s29 =	sshll.u32 s25, $0x1;
	v8 =	vld [tilespmem:s28+$0x2920]  }
.LBB2_3:
0x3d: {  	p1 =	sne.s32 s30, $0x7F00;
	v9 =	vld [tilespmem:s28+$0x2930]  }
0x3e: {  	s31 =	sshra.s32 s30, $0x2  }
0x3f: {  	v6 =	vadd.bf16 v4, v6;
	v4 =	vld [tilespmem:s31+$0x6900]  }
0x40: {  	v7 =	vadd.bf16 v5, v7;
	v5 =	vld [tilespmem:s31+$0x6910]  }
.Ltmp0:
0x41: {  	v6 =	vmax.bf16 v6, v1;
	v8 =	vadd.bf16 v3, v8;
	v3 =	vld [tilespmem:s31+$0x6920];
	(pc) =	sbr.rel @p1 .LBB2_3-.Ltmp0, $4  }
0x42: {  	[tilespmem:s28+$0x2900] =	vst v6;
	v7 =	vmax.bf16 v7, v1;
	v9 =	vadd.bf16 v2, v9;
	v2 =	vld [tilespmem:s31+$0x6930]  }
0x43: {  	v6 =	vld [tilespmem:s31+$0x2900];
	[tilespmem:s28+$0x2910] =	vst v7;
	v8 =	vmax.bf16 v8, v1  }
0x44: {  	v7 =	vld [tilespmem:s31+$0x2910];
	[tilespmem:s28+$0x2920] =	vst v8;
	v9 =	vmax.bf16 v9, v1  }
0x45: {  	s30 =	sadd.s32 $0x100, s30;
	v8 =	vld [tilespmem:s31+$0x2920];
	[tilespmem:s28+$0x2930] =	vst v9;
	s28 =	smov.u32 s31  }
0x46: {  	v9 =	vld [tilespmem:s28+$0x2930];
	_ =	sdelay $0x1  }
0x47: {  	v4 =	vadd.bf16 v4, v6  }
0x48: {  	v5 =	vadd.bf16 v5, v7  }
0x49: {  	v4 =	vmax.bf16 v4, v1;
	v3 =	vadd.bf16 v3, v8  }
0x4a: {  	[tilespmem:s28+$0x2900] =	vst v4;
	v4 =	vmax.bf16 v5, v1;
	v2 =	vadd.bf16 v2, v9  }
0x4b: {  	s30 =	sshll.u32 s25, $0x8;
	[tilespmem:s28+$0x2910] =	vst v4;
	v3 =	vmax.bf16 v3, v1  }
0x4c: {  	s30 =	sand.u32 $0x3FFFFF00, s30;
	[tilespmem:s28+$0x2920] =	vst v3;
	v2 =	vmax.bf16 v2, v1  }
0x4d: {  	[tilespmem:s28+$0x2930] =	vst v2;
	s28 =	sadd.s32 $0x1480, s30  }
0x4e: {  	[spmem:s1] =	stream.indirect.scatter.add.bf16 [tilespmem:s16], [sflag:$0x5], $0x40, s28, s15, $0xb8;
	[tilespmem:$0x14580] =	vst v63  }
0x4f: {  	s28 =	sadd.s32 $0x2, s29  }
0x50: {  	_ =	swait.ge [sflag:s13], $0x2000;
	s29 =	sshll.u32 s28, $0x7;
	s28 =	sadd.s32 s6, s28  }
0x51: {  	[sflag:s13] =	ssyncset.done $0x0;
	s28 =	smin.u32 s28, $0x4FF  }
0x52: {  	s29 =	sand.u32 $0x3FFFFF80, s29;
	[sflag:s13] =	ssyncadd.s32 $0xFFFFE000;
	s28 =	sshll.u32 s28, $0xA  }
0x53: {  	[tilespmem:s16], [sflag:$0x1] =	stream.indirect.gather [hbm4b:s3+s15], $0x40, s29, s15, $0xb8;
	[tilespmem:$0x14580] =	vst v63  }
0x54: {  	s28 =	sadd.s32 s4, s28;
	s29 =	simm.s32 $0x0  }
0x55: {  	[tilespmem:s17], [sflag:$0x3] =	stream.linear.gather [hbm4b:s28+s29], $0x2000, $0x38;
	[tilespmem:$0x14580] =	vst v63  }
0x56: {  	_ =	swait.ge [sflag:s22], $0x2000  }
0x57: {  	[sflag:s22] =	ssyncset.done $0x0  }
0x58: {  	[sflag:s22] =	ssyncadd.s32 $0xFFFFE000  }
0x59: {  	_ =	swait.ge [sflag:s23], $0x2000  }
0x5a: {  	[sflag:s23] =	ssyncset.done $0x0  }
0x5b: {  	s28 =	simm.s32 $0x0;
	[sflag:s23] =	ssyncadd.s32 $0xFFFFE000  }
0x5c: {  	v4 =	vld [tilespmem:s28+$0x8900]  }
0x5d: {  	v5 =	vld [tilespmem:s28+$0x8910]  }
0x5e: {  	v3 =	vld [tilespmem:s28+$0x8920]  }
0x5f: {  	v2 =	vld [tilespmem:s28+$0x8930]  }
0x60: {  	v6 =	vld [tilespmem:s28+$0x4900]  }
0x61: {  	v8 =	vld [tilespmem:s28+$0x4910]  }
0x62: {  	s29 =	simm.s32 $0x100;
	v7 =	vld [tilespmem:s28+$0x4920]  }
.LBB2_5:
0x63: {  	p1 =	sne.s32 s29, $0x7F00;
	v9 =	vld [tilespmem:s28+$0x4930]  }
0x64: {  	s30 =	sshra.s32 s29, $0x2  }
0x65: {  	v6 =	vadd.bf16 v4, v6;
	v4 =	vld [tilespmem:s30+$0x8900]  }
0x66: {  	v8 =	vadd.bf16 v5, v8;
	v5 =	vld [tilespmem:s30+$0x8910]  }
.Ltmp1:
0x67: {  	v6 =	vmax.bf16 v6, v1;
	v7 =	vadd.bf16 v3, v7;
	v3 =	vld [tilespmem:s30+$0x8920];
	(pc) =	sbr.rel @p1 .LBB2_5-.Ltmp1, $4  }
0x68: {  	[tilespmem:s28+$0x4900] =	vst v6;
	v8 =	vmax.bf16 v8, v1;
	v9 =	vadd.bf16 v2, v9;
	v2 =	vld [tilespmem:s30+$0x8930]  }
0x69: {  	v6 =	vld [tilespmem:s30+$0x4900];
	[tilespmem:s28+$0x4910] =	vst v8;
	v7 =	vmax.bf16 v7, v1  }
0x6a: {  	v8 =	vld [tilespmem:s30+$0x4910];
	[tilespmem:s28+$0x4920] =	vst v7;
	v9 =	vmax.bf16 v9, v1  }
0x6b: {  	s29 =	sadd.s32 $0x100, s29;
	v7 =	vld [tilespmem:s30+$0x4920];
	[tilespmem:s28+$0x4930] =	vst v9;
	s28 =	smov.u32 s30  }
0x6c: {  	v9 =	vld [tilespmem:s28+$0x4930];
	_ =	sdelay $0x1  }
0x6d: {  	v4 =	vadd.bf16 v4, v6  }
0x6e: {  	v5 =	vadd.bf16 v5, v8  }
0x6f: {  	v4 =	vmax.bf16 v4, v1;
	v3 =	vadd.bf16 v3, v7  }
0x70: {  	[tilespmem:s28+$0x4900] =	vst v4;
	v63 =	vmax.bf16 v5, v1;
	v2 =	vadd.bf16 v2, v9  }
0x71: {  	s25 =	sadd.s32 $0x1, s25;
	[tilespmem:s28+$0x4910] =	vst v63;
	v3 =	vmax.bf16 v3, v1  }
0x72: {  	p1 =	sne.s32 s25, $0x14;
	[tilespmem:s28+$0x4920] =	vst v3;
	v2 =	vmax.bf16 v2, v1  }
.Ltmp2:
0x73: {  	s26 =	sadd.s32 $0x1480, s26;
	[tilespmem:s28+$0x4930] =	vst v2;
	(pc) =	sbr.rel @p1 .LBB2_2-.Ltmp2, $4  }
0x74: {  	[spmem:s1] =	stream.indirect.scatter.add.bf16 [tilespmem:s18], [sflag:$0x5], $0x40, s26, s15, $0xb8;
	[tilespmem:$0x14580] =	vst v63  }
0x75: {  	_ =	swait.ge [sflag:s13], $0x2000  }
0x76: {  	[sflag:s13] =	ssyncset.done $0x0  }
0x77: {  	[sflag:s13] =	ssyncadd.s32 $0xFFFFE000  }
0x78: {  	_ =	swait.ge [sflag:s20], $0x2000  }
0x79: {  	[sflag:s20] =	ssyncset.done $0x0  }
0x7a: {  	[sflag:s20] =	ssyncadd.s32 $0xFFFFE000  }
0x7b: {  	_ =	swait.ge [sflag:s21], $0x2000  }
0x7c: {  	[sflag:s21] =	ssyncset.done $0x0  }
0x7d: {  	s24 =	sadd.s32 $0x1, s24;
	[sflag:s21] =	ssyncadd.s32 $0xFFFFE000  }
0x7e: {  	s25 =	simm.s32 @!p0 $0x1C05;
	p1 =	sne.s32 s24, s11;
	[bflag:$0x0] =	sbarrier.arrive $0xFFFF  }
0x7f: {  	[hbm:s10], [sflag:s25] =	dma.local @!p0 [spmem:s12], $0x13880  }
.Ltmp3:
0x80: {  	_ = 	snop;
	(pc) =	sbr.rel @p1 .LBB2_1-.Ltmp3, $4  }
0x81: {  	s25 =	simm.s32 @!p0 $0x5  }
0x82: {  	_ =	swait.ge @!p0 [sflag:s25], $0x13880  }
0x83: {  	[sflag:s25] =	ssyncset.done @!p0 $0x0  }
0x84: {  	[sflag:s25] =	ssyncadd.s32 @!p0 $0xFFFEC780  }
0x85: {  	_ =	sfence.sel $0x180000  }
0x86: {  	[bflag:$0x0] =	sbarrier.arrive $0xFFFF  }
0x87: {  	_ =	strace $0x90000053  }
0x88: {  	s0 =	sadd.s32 @!p0 $0x100000, s0;
	[bflag:$0x2] =	sbarrier.arrive $0xFFFF  }
0x89: {  	[sflag:s0] =	ssyncadd.tile.s32 @!p0 $0x1;
	_ =	shalt  }
.Lfunc_end2:
_tile_overlayer_lowered:
.L_overlay_start_2:
0x8a: {  	(tag) =	ssettag $0x2  }
0x8b: {  	s0 =	rddreg [dreg:$0x0];
	s2 =	stileid.u32  }
0x8c: {  	s1 =	rddreg [dreg:$0x1];
	p0 =	sne.s32 s2, $0x0  }
0x8d: {  	s3 =	rddreg [dreg:$0x2];
	[bflag:$0x3] =	sbarrier.arrive $0xFFFF;
	s2 =	simm.s32 @!p0 $0x1C05  }
0x8e: {  	[timem:s3], [sflag:s2] =	dma.local @!p0 [hbm:s0], s1  }
0x8f: {  	s0 =	simm.s32 @!p0 $0x5  }
0x90: {  	_ =	swait.ge @!p0 [sflag:s0], s1  }
0x91: {  	s1 =	ssub.s32 @!p0 $0x0, s1;
	[sflag:s0] =	ssyncset.done @!p0 $0x0  }
0x92: {  	[sflag:s0] =	ssyncadd.s32 @!p0 s1  }
0x93: {  	[bflag:$0x3] =	sbarrier.arrive $0xFFFF  }
0x94: {  	_ =	shalt  }

// kernel: sparse-core-data-format-call.cloned.1.call-start
scs
called_computation_lowered:
.L_overlay_start_0:
0x0: {  	s1 =	sld [smem:$0x3FD9]  }
0x1: {  	s2 =	sld [smem:$0x3FFE];
	_ =	sdelay $0x1  }
0x2: {  	s3 =	srdreg.scid  }
0x3: {  	s0 =	sand.u32 $0x1, s3  }
0x4: {  	s17 =	sshll.u32 s0, $0xA;
	s1 =	sadd.s32 s2, s1  }
0x5: {  	s1 =	sadd.s32 s1, s17  }
0x6: {  	[smem:$0x3FB4] =	sst s1  }
0x7: {  	_ = 	snop  }
0x8: {  	(tm) =	ssettm $0x1  }
0x9: {  	s18 =	sld [smem:$0x3FFB];
	_ =	sdelay $0x3  }
0xa: {  	_ =	strace s18  }
0xb: {  	s1 =	sld [smem:$0x3FFC];
	_ =	sdelay $0x3  }
0xc: {  	_ =	strace s1  }
0xd: {  	s1 =	sld [smem:$0x3FFD];
	_ =	sdelay $0x3  }
0xe: {  	_ =	strace s1  }
0xf: {  	_ =	strace $0x8FFFFFFF  }
0x10: {  	s19 =	sld [smem:$0x3FDB];
	_ =	sdelay $0x1  }
0x11: {  	s20 =	simm.s32 $_scs_section_size  }
0x12: {  	s4 =	simm.s32 $_size__tile_overlayer_lowered;
	s5 =	simm.s32 $_tile_overlayer_lowered  }
0x13: {  	s23 =	simm.s32 $0x1BFF;
	s22 =	sshll.u32 s5, $0x1;
	s1 =	sadd.s32 s20, s19  }
0x14: {  	s6 =	simm.s32 $0x0;
	s21 =	sshll.u32 s4, $0x1;
	s4 =	sadd.s32 s22, s1  }
0x15: {  	[timem:s6], [sflag:s23] =	dma.local [hbm:s4], s21  }
0x16: {  	_ =	swait.ge [sflag:s23], s21  }
0x17: {  	s2 =	ssub.s32 $0x0, s21;
	[sflag:s23] =	ssyncset.done $0x0  }
0x18: {  	[sflag:s23] =	ssyncadd.s32 s2;
	_ =	sdelay $0x1  }
0x19: {  	s24 =	simm.s32 $0x1B8B  }
0x1a: {  	_ =	swait.ge [sflag:s24], $0x1  }
0x1b: {  	[sflag:s24] =	ssyncset.done $0x0  }
0x1c: {  	s26 =	simm.s32 $0x1B8E;
	s25 =	sld [smem:$0x3FFE];
	[sflag:s24] =	ssyncadd.s32 $0xFFFFFFFF  }
0x1d: {  	s27 =	simm.s32 $execute0_lowered;
	[smem:$0x3FD2] =	sst s26  }
0x1e: {  	s4 =	sshll.u32 s27, $0x1;
	_ =	strace $0x80000046;
	[dreg:$0x1] =	wrdreg $0xFFFFFFFF  }
0x1f: {  	s28 =	simm.s32 $_size_execute0_lowered;
	s1 =	sadd.s32 s1, s4;
	[dreg:$0x0] =	wrdreg $0x0  }
0x20: {  	s4 =	sshll.u32 s28, $0x1;
	[dreg:$0x2] =	wrdreg s1  }
0x21: {  	[dreg:$0x3] =	wrdreg s4  }
0x22: {  	[dreg:$0x4] =	wrdreg $0xC0  }
0x23: {  	_ =	task [dreg:s6], $0x5FFFF  }
0x24: {  	[dreg:$0x1] =	wrdreg $0xFFFFFFFF  }
0x25: {  	[dreg:$0x0] =	wrdreg $0x60  }
0x26: {  	[dreg:$0x2] =	wrdreg s25  }
0x27: {  	[dreg:$0x3] =	wrdreg $0x9  }
0x28: {  	_ =	task.clear_ibuf [dreg:s6], $0x4FFFF;
	_ =	strace $0x90000046  }
0x29: {  	s29 =	simm.s32 $0x9;
	_ =	strace $0x80000048  }
0x2a: {  	_ =	swait.ge [sflag:s29], $0x1  }
0x2b: {  	[sflag:s29] =	ssyncadd.s32 $0xFFFFFFFF  }
0x2c: {  	_ =	strace $0x90000048  }
0x2d: {  	_ =	sfence  }
0x2e: {  	s30 =	sld [smem:$0x0];
	_ =	sdelay $0x2  }
0x2f: {  	s31 =	sshll.u32 s3, $0xD;
	s3 =	sshrl.u32 s3, $0x2  }
0x30: {  	s2 =	sand.u32 $0x4000, s31;
	s1 =	sadd.s32 s3, s30  }
0x31: {  	s0 =	sor.u32 s2, s0;
	s1 =	sshll.u32 s1, $0x11  }
0x32: {  	s0 =	sor.u32 s1, s0  }
0x33: {  	s0 =	sadd.s32 $0x8F2B, s0  }
0x34: {  	[sflag:s0] =	ssyncadd.remote.s32 $0x1  }
0x35: {  	_ =	sfence.sel $0xFFFF  }
0x36: {  	[dreg:$0x0] =	wrdreg $0xFFFFFFFF;
	(pc) =	sbr.abs _section_cstart, $3  }
0x37: {  	[dreg:$0x1] =	wrdreg $0xFFFFFFFF  }
0x38: {  	_ =	task.clear_ibuf [dreg:s6], $0x2FFFF;
	_ =	strace $0x9FFFFFFF  }
0x39: {  	(tm) =	ssettm $0x7FFFFFFF  }
tec
execute0_lowered:
.L_overlay_start_1:
0x0: {  	(tag) =	ssettag $0x1  }
0x1: {  	s0 =	srdreg.scid  }
0x2: {  	s1 =	sshll.u32 s0, $0x4  }
0x3: {  	s4 =	rddreg [dreg:$0x0];
	s0 =	stileid.u32;
	s1 =	sand.u32 $0x10, s1  }
0x4: {  	s7 =	simm.s32 $0x1;
	s8 =	simm.s32 $0x2;
	s1 =	sor.u32 s0, s1  }
0x5: {  	s9 =	simm.s32 $0x0;
	s12 =	simm.s32 $0x0;
	s2 =	sshll.u32 s1, $0x4  }
0x6: {  	s11 =	simm.s32 $0x0;
	s3 =	sadd.s32 $0x4000, s4;
	s6 =	ssub.s32 $0x2800, s2  }
.Ltmp0:
0x7: {  	s4 =	sadd.s32 $0x276800, s4;
	s5 =	sand.u32 $0x1F0, s6;
	(pc) =	sbr.rel .LBB1_1-.Ltmp0, $4  }
0x8: {  	s1 =	rddreg [dreg:$0x1];
	_ =	strace $0x80000047;
	p0 =	sne.s32 s5, $0x0  }
0x9: {  	s6 =	sshrl.u32 s6, $0x9;
	s5 =	simm.s32 $0x1;
	s7 =	simm.s32 @!p0 $0x0  }
0xa: {  	s10 =	smov.u32 s2;
	[sflag:s5] =	ssyncpa.u1 $0x0;
	s6 =	sadd.s32 s7, s6  }
0xb: {  	[sflag:s8] =	ssyncpa.u1 $0x0;
	s8 =	simm.s32 $0x0;
	s7 =	sadd.s32 $0x1, s6  }
.LBB1_7:
0xc: {  	s14 =	sadd.s32 $0x200, s10  }
0xd: {  	p1 =	sgt.s32 s14, $0x27FF  }
0xe: {  	s14 =	smov.u32 @p1 s2;
	p1 =	sne.s32 s11, s7  }
.Ltmp1:
0xf: {  	p0 =	slt.u32 s11, $0x2;
	(pc) =	sbr.rel @!p1 .LBB1_8-.Ltmp1, $4  }
0x10: {  	s13 =	simm.s32 @!p0 $0x2  }
0x11: {  	s15 =	sadd.s32 $0x1, s11;
	_ =	swait.ge @!p0 [sflag:s13], $0x4000  }
0x12: {  	s12 =	smov.u32 s10;
	s9 =	sadd.s32 $0x8000, s9;
	[sflag:s13] =	ssyncset.done @!p0 $0x0  }
0x13: {  	s11 =	smov.u32 s15;
	s10 =	smov.u32 s14;
	[sflag:s13] =	ssyncadd.s32 @!p0 $0xFFFFC000  }
.LBB1_1:
0x14: {  	p0 =	sge.u32 s11, s6  }
0x15: {  	s13 =	sxor.u32 @!p0 $0xFFFFFFFF, s11  }
0x16: {  	s31 =	sadd.s32 $0xFFFFFFFF, s11;
	s14 =	sshll.u32 @!p0 s10, $0x7;
	s13 =	sshll.u32 @!p0 s13, $0xE  }
0x17: {  	s15 =	simm.s32 @!p0 $0x0;
	s14 =	sadd.s32 @!p0 s3, s14;
	s13 =	sand.u32 @!p0 $0x4000, s13  }
0x18: {  	[tilespmem:s13], [sflag:$0x1] =	stream.linear.gather @!p0 [hbm4b:s14+s15], $0x4000, $0x38;
	[tilespmem:$0x10000] =	vst v63  }
0x19: {  	p0 =	sge.u32 s31, s6  }
.Ltmp2:
0x1a: {  	_ = 	snop;
	(pc) =	sbr.rel @p0 .LBB1_7-.Ltmp2, $1  }
0x1b: {  	_ =	sdelay $0x3  }
0x1c: {  	s13 =	sshrl.u32 s9, $0x1;
	_ =	swait.ge [sflag:s5], $0x4000  }
0x1d: {  	s15 =	sshll.u32 s11, $0xE;
	s16 =	simm.s32 $0x0;
	s14 =	sand.u32 $0x4000, s13  }
0x1e: {  	[sflag:s5] =	ssyncset.done $0x0;
	s15 =	sand.u32 $0x4000, s15;
	s13 =	sor.u32 $0x200, s14  }
0x1f: {  	s14 =	sor.u32 $0x8080, s14;
	[sflag:s5] =	ssyncadd.s32 $0xFFFFC000;
	s15 =	sor.u32 $0x8000, s15  }
.LBB1_3:
0x20: {  	v0 =	vld [tilespmem:s13+$0xFFFFFE70]  }
0x21: {  	v1 =	vld [tilespmem:s13+$0x70]  }
0x22: {  	v2 =	vld [tilespmem:s13+$0x0]  }
0x23: {  	v3 =	vld [tilespmem:s13+$0xFFFFFE10]  }
0x24: {  	v4 =	vld [tilespmem:s13+$0x10]  }
0x25: {  	v5 =	vld [tilespmem:s13+$0xFFFFFE20]  }
0x26: {  	v7 =	vld [tilespmem:s13+$0x20]  }
0x27: {  	v11 =	vld [tilespmem:s13+$0x30];
	v6 =	vunpack.i.l.s16.s32 v0;
	v8 =	vunpack.i.u.s16.s32 v0;
	v9 =	vunpack.i.u.s16.s32 v1  }
0x28: {  	v10 =	vunpack.i.l.s16.s32 v1;
	v0 =	vunpack.i.u.s16.s32 v2;
	v1 =	vunpack.i.l.s16.s32 v2;
	v2 =	vld [tilespmem:s13+$0xFFFFFE30]  }
0x29: {  	v8 =	vpack.i.b32.b16 v9, v8;
	v9 =	vunpack.i.u.s16.s32 v3;
	v3 =	vunpack.i.l.s16.s32 v3  }
0x2a: {  	v12 =	vld [tilespmem:s13+$0xFFFFFE40];
	v6 =	vpack.i.b32.b16 v10, v6;
	[tilespmem:s14+$0x70] =	vst v8;
	v8 =	vunpack.i.u.s16.s32 v4;
	v4 =	vunpack.i.l.s16.s32 v4  }
0x2b: {  	v13 =	vld [tilespmem:s13+$0x40];
	v10 =	vunpack.i.u.s16.s32 v5;
	v5 =	vunpack.i.l.s16.s32 v5;
	[tilespmem:s14+$0xFFFFFFF0] =	vst v6;
	v3 =	vpack.i.b32.b16 v4, v3  }
0x2c: {  	v6 =	vunpack.i.l.s16.s32 v7;
	v4 =	vld [tilespmem:s13+$0xFFFFFE50];
	[tilespmem:s14+$0xFFFFFF90] =	vst v3;
	v3 =	vpack.i.b32.b16 v8, v9;
	v8 =	vunpack.i.u.s16.s32 v7  }
0x2d: {  	v7 =	vunpack.i.l.s16.s32 v11;
	[tilespmem:s14+$0x10] =	vst v3;
	v3 =	vpack.i.b32.b16 v6, v5;
	v9 =	vunpack.i.u.s16.s32 v2;
	v6 =	vld [tilespmem:s13+$0x50]  }
0x2e: {  	v5 =	vunpack.i.l.s16.s32 v2;
	v2 =	vld [tilespmem:s13+$0xFFFFFE60];
	[tilespmem:s14+$0xFFFFFFA0] =	vst v3;
	v3 =	vpack.i.b32.b16 v8, v10;
	v10 =	vunpack.i.u.s16.s32 v11  }
0x2f: {  	s19 =	simm.s32 $0x0;
	v11 =	vpack.i.b32.b16 v7, v5;
	v7 =	vunpack.i.u.s16.s32 v12;
	v8 =	vunpack.i.l.s16.s32 v12;
	[tilespmem:s14+$0x20] =	vst v3;
	v3 =	vld [tilespmem:s13+$0x60]  }
0x30: {  	s20 =	sadd.s32 $0x80, s13;
	s18 =	smov.u32 s14;
	s17 =	smov.u32 s14;
	v5 =	vld [tilespmem:s13+$0xFFFFFE00];
	[tilespmem:s14+$0xFFFFFFB0] =	vst v11;
	v10 =	vpack.i.b32.b16 v10, v9;
	v9 =	vunpack.i.u.s16.s32 v13;
	v11 =	vunpack.i.l.s16.s32 v13  }
.LBB1_4:
0x31: {  	v12 =	vld [tilespmem:s20+$0xFFFFFE70];
	[tilespmem:s18+$0x30] =	vst v10;
	v8 =	vpack.i.b32.b16 v11, v8;
	v10 =	vunpack.i.u.s16.s32 v4;
	v4 =	vunpack.i.l.s16.s32 v4  }
0x32: {  	s19 =	sadd.s32 $0x2, s19;
	v7 =	vpack.i.b32.b16 v9, v7;
	v11 =	vld [tilespmem:s20+$0x70];
	[tilespmem:s18+$0xFFFFFFC0] =	vst v8;
	v8 =	vunpack.i.u.s16.s32 v6;
	v6 =	vunpack.i.l.s16.s32 v6  }
0x33: {  	p0 =	slt.u32 s19, $0x6;
	v9 =	vld [tilespmem:s20+$0x0];
	[tilespmem:s18+$0x40] =	vst v7;
	v4 =	vpack.i.b32.b16 v6, v4;
	v6 =	vunpack.i.u.s16.s32 v2;
	v2 =	vunpack.i.l.s16.s32 v2  }
0x34: {  	v7 =	vld [tilespmem:s20+$0xFFFFFE10];
	[tilespmem:s18+$0xFFFFFFD0] =	vst v4;
	v4 =	vpack.i.b32.b16 v8, v10;
	v8 =	vunpack.i.u.s16.s32 v3;
	v3 =	vunpack.i.l.s16.s32 v3  }
0x35: {  	v10 =	vld [tilespmem:s20+$0x10];
	v13 =	vunpack.i.u.s16.s32 v5;
	v5 =	vunpack.i.l.s16.s32 v5;
	[tilespmem:s18+$0x50] =	vst v4;
	v2 =	vpack.i.b32.b16 v3, v2  }
0x36: {  	v3 =	vld [tilespmem:s20+$0xFFFFFE20];
	v4 =	vunpack.i.l.s16.s32 v12;
	v1 =	vpack.i.b32.b16 v1, v5;
	v5 =	vpack.i.b32.b16 v0, v13;
	[tilespmem:s18+$0xFFFFFFE0] =	vst v2  }
0x37: {  	v12 =	vunpack.i.u.s16.s32 v12;
	v2 =	vld [tilespmem:s20+$0x20];
	v13 =	vunpack.i.u.s16.s32 v11;
	v11 =	vunpack.i.l.s16.s32 v11;
	[tilespmem:s18+$0xFFFFFF80] =	vst v1  }
0x38: {  	s18 =	sadd.s32 $0x100, s18;
	v0 =	vunpack.i.u.s16.s32 v9;
	v1 =	vunpack.i.l.s16.s32 v9;
	v9 =	vld [tilespmem:s20+$0xFFFFFE30];
	v12 =	vpack.i.b32.b16 v13, v12;
	[tilespmem:s17+$0x0] =	vst v5  }
0x39: {  	v6 =	vpack.i.b32.b16 v8, v6;
	v5 =	vunpack.i.u.s16.s32 v7;
	v7 =	vunpack.i.l.s16.s32 v7;
	v13 =	vld [tilespmem:s20+$0x30];
	[tilespmem:s18+$0x70] =	vst v12  }
0x3a: {  	v4 =	vpack.i.b32.b16 v11, v4;
	v8 =	vunpack.i.u.s16.s32 v10;
	v10 =	vunpack.i.l.s16.s32 v10;
	v12 =	vld [tilespmem:s20+$0xFFFFFE40];
	[tilespmem:s17+$0x60] =	vst v6;
	s17 =	smov.u32 s18  }
0x3b: {  	v6 =	vpack.i.b32.b16 v10, v7;
	v7 =	vunpack.i.u.s16.s32 v3;
	v3 =	vunpack.i.l.s16.s32 v3;
	v11 =	vld [tilespmem:s20+$0x40];
	[tilespmem:s18+$0xFFFFFFF0] =	vst v4  }
.Ltmp3:
0x3c: {  	v5 =	vpack.i.b32.b16 v8, v5;
	[tilespmem:s18+$0xFFFFFF90] =	vst v6;
	v8 =	vunpack.i.u.s16.s32 v2;
	v2 =	vunpack.i.l.s16.s32 v2;
	v4 =	vld [tilespmem:s20+$0xFFFFFE50];
	(pc) =	sbr.rel @p0 .LBB1_4-.Ltmp3, $4  }
0x3d: {  	[tilespmem:s18+$0x10] =	vst v5;
	v2 =	vpack.i.b32.b16 v2, v3;
	v10 =	vunpack.i.u.s16.s32 v9;
	v3 =	vunpack.i.l.s16.s32 v9;
	v6 =	vld [tilespmem:s20+$0x50]  }
0x3e: {  	v5 =	vpack.i.b32.b16 v8, v7;
	[tilespmem:s18+$0xFFFFFFA0] =	vst v2;
	v9 =	vunpack.i.u.s16.s32 v13;
	v7 =	vunpack.i.l.s16.s32 v13;
	v2 =	vld [tilespmem:s20+$0xFFFFFE60]  }
0x3f: {  	[tilespmem:s18+$0x20] =	vst v5;
	v13 =	vpack.i.b32.b16 v7, v3;
	v7 =	vunpack.i.u.s16.s32 v12;
	v8 =	vunpack.i.l.s16.s32 v12;
	v3 =	vld [tilespmem:s20+$0x60]  }
0x40: {  	v10 =	vpack.i.b32.b16 v9, v10;
	v5 =	vld [tilespmem:s20+$0xFFFFFE00];
	[tilespmem:s18+$0xFFFFFFB0] =	vst v13;
	v9 =	vunpack.i.u.s16.s32 v11;
	v11 =	vunpack.i.l.s16.s32 v11;
	s20 =	sadd.s32 $0x80, s20  }
0x41: {  	[tilespmem:s18+$0x30] =	vst v10;
	v8 =	vpack.i.b32.b16 v11, v8  }
0x42: {  	v51 =	vunpack.i.l.s16.s32 v4;
	v7 =	vpack.i.b32.b16 v9, v7;
	[tilespmem:s18+$0xFFFFFFC0] =	vst v8;
	v52 =	vunpack.i.l.s16.s32 v6  }
0x43: {  	v53 =	vunpack.i.u.s16.s32 v4;
	s16 =	sadd.s32 $0x1, s16;
	v54 =	vunpack.i.u.s16.s32 v6;
	[tilespmem:s18+$0x40] =	vst v7;
	v55 =	vpack.i.b32.b16 v52, v51  }
0x44: {  	p0 =	sne.s32 s16, $0x10;
	v56 =	vunpack.i.l.s16.s32 v2;
	v4 =	vpack.i.b32.b16 v54, v53;
	[tilespmem:s18+$0xFFFFFFD0] =	vst v55;
	v57 =	vunpack.i.l.s16.s32 v3  }
.Ltmp4:
0x45: {  	[tilespmem:s18+$0x50] =	vst v4;
	v58 =	vunpack.i.l.s16.s32 v5;
	v59 =	vpack.i.b32.b16 v57, v56;
	(pc) =	sbr.rel @p0 .LBB1_3-.Ltmp4, $4  }
0x46: {  	v61 =	vunpack.i.u.s16.s32 v2;
	v62 =	vunpack.i.u.s16.s32 v3;
	v1 =	vpack.i.b32.b16 v1, v58;
	[tilespmem:s18+$0xFFFFFFE0] =	vst v59  }
0x47: {  	v60 =	vunpack.i.u.s16.s32 v5;
	v63 =	vpack.i.b32.b16 v62, v61;
	[tilespmem:s18+$0xFFFFFF80] =	vst v1  }
0x48: {  	v0 =	vpack.i.b32.b16 v0, v60;
	[tilespmem:s17+$0x60] =	vst v63  }
0x49: {  	s13 =	sadd.s32 $0x400, s13;
	s14 =	sadd.s32 $0x400, s14;
	[tilespmem:s17+$0x0] =	vst v0  }
.Ltmp5:
0x4a: {  	(pc) =	sbr.rel .LBB1_7-.Ltmp5, $4  }
0x4b: {  	_ = 	snop  }
0x4c: {  	s12 =	sshll.u32 s12, $0x7  }
0x4d: {  	s12 =	sadd.s32 s4, s12  }
0x4e: {  	[hbm4b:s12+s8] =	stream.linear.scatter [tilespmem:s15], [sflag:$0x2], $0x4000, $0x38;
	[tilespmem:$0x10000] =	vst v63  }
.LBB1_8:
0x4f: {  	_ =	sfence.sel $0x180000  }
0x50: {  	s2 =	simm.s32 $0x1;
	[bflag:$0x0] =	sbarrier.arrive $0xFFFF  }
0x51: {  	s31 =	simm.s32 $0x2;
	[sflag:s2] =	ssyncpa.u1 $0x1  }
0x52: {  	[sflag:s31] =	ssyncpa.u1 $0x1  }
0x53: {  	p0 =	sne.s32 s0, $0x0;
	_ =	strace $0x90000047  }
0x54: {  	s0 =	sadd.s32 @!p0 $0x100000, s1;
	[bflag:$0x2] =	sbarrier.arrive $0xFFFF  }
0x55: {  	[sflag:s0] =	ssyncadd.tile.s32 @!p0 $0x1;
	_ =	shalt  }
.Lfunc_end1:
_tile_overlayer_lowered:
.L_overlay_start_2:
0x56: {  	(tag) =	ssettag $0x2  }
0x57: {  	s0 =	rddreg [dreg:$0x0];
	s2 =	stileid.u32  }
0x58: {  	s1 =	rddreg [dreg:$0x1];
	p0 =	sne.s32 s2, $0x0  }
0x59: {  	s3 =	rddreg [dreg:$0x2];
	[bflag:$0x3] =	sbarrier.arrive $0xFFFF;
	s2 =	simm.s32 @!p0 $0x1C01  }
0x5a: {  	[timem:s3], [sflag:s2] =	dma.local @!p0 [hbm:s0], s1  }
0x5b: {  	s0 =	simm.s32 @!p0 $0x1  }
0x5c: {  	_ =	swait.ge @!p0 [sflag:s0], s1  }
0x5d: {  	s1 =	ssub.s32 @!p0 $0x0, s1;
	[sflag:s0] =	ssyncset.done @!p0 $0x0  }
0x5e: {  	[sflag:s0] =	ssyncadd.s32 @!p0 s1  }
0x5f: {  	[bflag:$0x3] =	sbarrier.arrive $0xFFFF  }
0x60: {  	_ =	shalt  }

</sc_bundles>
